<compile_context>
chip_gen: v7x
topology: tpu7x:2x2x1
jax: 0.10.2.dev20260603
libtpu: 0.0.44.dev20260713+nightly
codegen_flags: <defaults>
</compile_context>

<pallas_src>
import functools

import jax
import jax.numpy as jnp
from jax import lax
from jax.experimental import pallas as pl
from jax.experimental.pallas import tpu as pltpu
from jax.experimental.pallas import tpu_sc as plsc

_N = 10000
_E = 320000
_D = 128
_DH = 64

_NC = 2
_NS = 16
_EPS = _E // _NS
_CHUNK = 128
_NBUF = 5
_LOOK = 4
_NCHUNK = -(-(-(-_EPS // _CHUNK)) // _NBUF) * _NBUF
_EPS_PAD = _NCHUNK * _CHUNK
_NPAD = 10240
_DUMMY = _N

_ZROWS = _NPAD // _NS // _CHUNK



@functools.cache
def _sc_deg_call():
    mesh = plsc.VectorSubcoreMesh(core_axis_name="c", subcore_axis_name="s",
                                  num_cores=_NC, num_subcores=_NS)
    return pl.kernel(
        _sc_deg_body,
        out_type=jax.ShapeDtypeStruct((_NC, _NPAD, 16), jnp.float32),
        mesh=mesh,
        compiler_params=pltpu.CompilerParams(use_tc_tiling_on_sc=False),
        scratch_types=[
            pltpu.VMEM((_NCHUNK, _CHUNK), jnp.int32),
            pltpu.VMEM((_CHUNK, 16), jnp.float32),
            pltpu.VMEM((_CHUNK, 16), jnp.float32),
            pltpu.VMEM_SHARED((_NPAD, 16), jnp.float32),
            pltpu.SemaphoreType.DMA,
        ],
    )


def _sc_deg_body(dstp_hbm, ones_hbm, zeros_hbm, out_hbm, dst_v, ones_v,
                 stage_v, acc, sem):
    c = lax.axis_index("c")
    s = lax.axis_index("s")
    pltpu.sync_copy(dstp_hbm.at[s], dst_v)
    pltpu.sync_copy(ones_hbm, ones_v)
    pltpu.sync_copy(zeros_hbm, stage_v)
    for k in range(_ZROWS):
        pltpu.sync_copy(stage_v, acc.at[pl.ds(s * (_NPAD // _NS) + k * _CHUNK,
                                              _CHUNK)])
    plsc.subcore_barrier()

    def body(j, carry):
        pltpu.sync_copy(ones_v, acc.at[dst_v.at[j]], add=True)
        return carry

    half = _NCHUNK // 2
    lax.fori_loop(c * half, (c + 1) * half, body, 0)
    plsc.subcore_barrier()
    for k in range(_ZROWS):
        r0 = s * (_NPAD // _NS) + k * _CHUNK
        pltpu.sync_copy(acc.at[pl.ds(r0, _CHUNK)], stage_v)
        pltpu.sync_copy(stage_v, out_hbm.at[c, pl.ds(r0, _CHUNK)])


@functools.cache
def _sc_agg_call():
    mesh = plsc.VectorSubcoreMesh(core_axis_name="c", subcore_axis_name="s",
                                  num_cores=_NC, num_subcores=_NS)
    return pl.kernel(
        _sc_agg_body,
        out_type=jax.ShapeDtypeStruct((_NC, _NPAD, _DH), jnp.float32),
        mesh=mesh,
        compiler_params=pltpu.CompilerParams(use_tc_tiling_on_sc=False),
        scratch_types=[
            pltpu.VMEM((_NCHUNK, _CHUNK), jnp.int32),
            pltpu.VMEM((_NCHUNK, _CHUNK), jnp.int32),
            [pltpu.VMEM((_CHUNK, _DH), jnp.float32)] * _NBUF,
            pltpu.VMEM((_CHUNK, _DH), jnp.float32),
            pltpu.VMEM_SHARED((_NPAD, _DH), jnp.float32),
            [pltpu.SemaphoreType.DMA] * _NBUF,
        ],
    )


def _sc_agg_body(hs_hbm, srcp_hbm, dstp_hbm, zeros_hbm, out_hbm, src_v, dst_v,
                 bufs, stage_v, acc, gsems):
    c = lax.axis_index("c")
    s = lax.axis_index("s")
    pltpu.sync_copy(srcp_hbm.at[c, s], src_v)
    pltpu.sync_copy(dstp_hbm.at[s], dst_v)
    pltpu.sync_copy(zeros_hbm, stage_v)
    for k in range(_ZROWS):
        pltpu.sync_copy(stage_v, acc.at[pl.ds(s * (_NPAD // _NS) + k * _CHUNK,
                                              _CHUNK)])
    plsc.subcore_barrier()

    def gather(j, b):
        pltpu.async_copy(hs_hbm.at[src_v.at[j]], bufs[b], gsems[b])

    def gather_wait(j, b):
        pltpu.make_async_copy(hs_hbm.at[src_v.at[j]], bufs[b],
                              gsems[b]).wait()

    for b in range(_NBUF):
        gather(b, b)

    def body(g, carry):
        base = g * _NBUF
        nbase = base + _NBUF
        for b in range(_NBUF):
            gather_wait(base + b, b)
            pltpu.sync_copy(bufs[b], acc.at[dst_v.at[base + b]], add=True)

            @pl.when(nbase < _NCHUNK)
            def _refill():
                gather(jnp.minimum(nbase + b, _NCHUNK - 1), b)
        return carry

    lax.fori_loop(0, _NCHUNK // _NBUF, body, 0)
    plsc.subcore_barrier()
    for k in range(_ZROWS):
        r0 = s * (_NPAD // _NS) + k * _CHUNK
        pltpu.sync_copy(acc.at[pl.ds(r0, _CHUNK)], stage_v)
        pltpu.sync_copy(stage_v, out_hbm.at[c, pl.ds(r0, _CHUNK)])



_BN = 2000


def _dinv_block(degp):
    deg = degp[0, :, 0] + degp[1, :, 0] + 2.0
    return lax.rsqrt(deg)[:, None]


def _split_store(o_ref, h):
    o_ref[0] = h[:, :_DH]
    o_ref[1] = h[:, _DH:]


def _t_first_body(x_ref, w_ref, degp_ref, o_ref):
    h = jnp.dot(x_ref[...], w_ref[...], preferred_element_type=jnp.float32)
    _split_store(o_ref, h * _dinv_block(degp_ref[...]))


def _t_first(x, W, degp):
    return pl.pallas_call(
        _t_first_body,
        grid=(_N // _BN,),
        in_specs=[
            pl.BlockSpec((_BN, _D), lambda i: (i, 0)),
            pl.BlockSpec((_D, _D), lambda i: (0, 0)),
            pl.BlockSpec((_NC, _BN, 16), lambda i: (0, i, 0)),
        ],
        out_specs=pl.BlockSpec((_NC, _BN, _DH), lambda i: (0, i, 0)),
        out_shape=jax.ShapeDtypeStruct((_NC, _N, _DH), jnp.float32),
    )(x, W, degp)


def _combine(p_ref, hs_ref, degp_ref, b_ref):
    dinv = _dinv_block(degp_ref[...])
    agg = jnp.concatenate([p_ref[0], p_ref[1]], axis=1)
    hs = jnp.concatenate([hs_ref[0], hs_ref[1]], axis=1)
    return jnp.maximum((agg + 2.0 * hs) * dinv + b_ref[...], 0.0)


def _t_mid_body(p_ref, hs_ref, degp_ref, b_ref, w_ref, o_ref):
    a = _combine(p_ref, hs_ref, degp_ref, b_ref)
    h = jnp.dot(a, w_ref[...], preferred_element_type=jnp.float32)
    _split_store(o_ref, h * _dinv_block(degp_ref[...]))


def _t_mid(p, hs, degp, b, Wn):
    return pl.pallas_call(
        _t_mid_body,
        grid=(_N // _BN,),
        in_specs=[
            pl.BlockSpec((_NC, _BN, _DH), lambda i: (0, i, 0)),
            pl.BlockSpec((_NC, _BN, _DH), lambda i: (0, i, 0)),
            pl.BlockSpec((_NC, _BN, 16), lambda i: (0, i, 0)),
            pl.BlockSpec((_D,), lambda i: (0,)),
            pl.BlockSpec((_D, _D), lambda i: (0, 0)),
        ],
        out_specs=pl.BlockSpec((_NC, _BN, _DH), lambda i: (0, i, 0)),
        out_shape=jax.ShapeDtypeStruct((_NC, _N, _DH), jnp.float32),
    )(p, hs, degp, b, Wn)


def _t_final_body(p_ref, hs_ref, degp_ref, b_ref, wf1_ref, bf1_ref, wf2_ref,
                  bf2_ref, o_ref, sum_acc, max_acc):
    i = pl.program_id(0)

    @pl.when(i == 0)
    def _init():
        sum_acc[...] = jnp.zeros_like(sum_acc)
        max_acc[...] = jnp.zeros_like(max_acc)

    a = _combine(p_ref, hs_ref, degp_ref, b_ref)
    sum_acc[0:1, :] += jnp.sum(a, axis=0, keepdims=True)
    max_acc[0:1, :] = jnp.maximum(max_acc[0:1, :],
                                  jnp.max(a, axis=0, keepdims=True))

    @pl.when(i == pl.num_programs(0) - 1)
    def _fin():
        mean = sum_acc[0:1, :] * (1.0 / _N)
        mx = max_acc[0:1, :]
        h1 = (jnp.dot(mean, wf1_ref[0:_D, :], preferred_element_type=jnp.float32)
              + jnp.dot(mx, wf1_ref[_D:, :], preferred_element_type=jnp.float32)
              + bf1_ref[...])
        h1 = jnp.maximum(h1, 0.0)
        o_ref[...] = jnp.tanh(
            jnp.dot(h1, wf2_ref[...], preferred_element_type=jnp.float32)
            + bf2_ref[...])


def _t_final(p, hs, degp, b, Wf1, bf1, Wf2, bf2):
    OUT = Wf2.shape[1]
    return pl.pallas_call(
        _t_final_body,
        grid=(_N // _BN,),
        in_specs=[
            pl.BlockSpec((_NC, _BN, _DH), lambda i: (0, i, 0)),
            pl.BlockSpec((_NC, _BN, _DH), lambda i: (0, i, 0)),
            pl.BlockSpec((_NC, _BN, 16), lambda i: (0, i, 0)),
            pl.BlockSpec((_D,), lambda i: (0,)),
            pl.BlockSpec((2 * _D, 2 * _D), lambda i: (0, 0)),
            pl.BlockSpec((2 * _D,), lambda i: (0,)),
            pl.BlockSpec((2 * _D, OUT), lambda i: (0, 0)),
            pl.BlockSpec((OUT,), lambda i: (0,)),
        ],
        out_specs=pl.BlockSpec((1, OUT), lambda i: (0, 0)),
        out_shape=jax.ShapeDtypeStruct((1, OUT), jnp.float32),
        scratch_shapes=[
            pltpu.VMEM((8, _D), jnp.float32),
            pltpu.VMEM((8, _D), jnp.float32),
        ],
    )(p, hs, degp, b, Wf1, bf1, Wf2, bf2)



def _pad_edges(idx, fill):
    tiled = idx.reshape(_NS, _EPS)
    pad = jnp.full((_NS, _EPS_PAD - _EPS), fill, jnp.int32)
    return jnp.concatenate([tiled, pad], axis=1).reshape(_NS, _NCHUNK, _CHUNK)


def kernel(x, edge_index, W1, b1, W2, b2, W3, b3, Wf1, bf1, Wf2, bf2):
    src0 = _pad_edges(edge_index[0], 0)
    srcp = jnp.stack([src0, src0 + _N])
    dstp = _pad_edges(edge_index[1], _DUMMY)
    zeros_h = jnp.zeros((_CHUNK, _DH), jnp.float32)
    zeros16 = jnp.zeros((_CHUNK, 16), jnp.float32)
    ones16 = jnp.ones((_CHUNK, 16), jnp.float32)

    sc_deg = _sc_deg_call()
    sc_agg = _sc_agg_call()

    def flat(hs):
        return hs.reshape(_NC * _N, _DH)

    degp = sc_deg(dstp, ones16, zeros16)
    hs1 = _t_first(x, W1, degp)
    p1 = sc_agg(flat(hs1), srcp, dstp, zeros_h)
    hs2 = _t_mid(p1, hs1, degp, b1, W2)
    p2 = sc_agg(flat(hs2), srcp, dstp, zeros_h)
    hs3 = _t_mid(p2, hs2, degp, b2, W3)
    p3 = sc_agg(flat(hs3), srcp, dstp, zeros_h)
    return _t_final(p3, hs3, degp, b3, Wf1, bf1, Wf2, bf2)

# --- scband reference (transcript-rebuilt; emitter-appended) ---
"""Pipeline reference for scband-gcnmodel-33200097198939 (READ-ONLY COPY).

The authoritative reference and input builder live on the scoring server;
editing this copy changes nothing except your own understanding.
"""

import jax, jax.numpy as jnp
import numpy as np

N = 10000
E = 320000
D = 128
H = 128
OUT = 1024


def _glorot(key, fan_in, fan_out, gain=1.0):
    limit = gain * jnp.sqrt(6.0 / (fan_in + fan_out))
    return jax.random.uniform(key, (fan_in, fan_out), dtype=jnp.float32, minval=-limit, maxval=limit)


def setup_inputs(seed: int = 0):
    key = jax.random.key(seed)
    ks = jax.random.split(key, 8)
    x = jax.random.normal(ks[0], (N, D), dtype=jnp.float32)
    edge_index = jax.random.randint(ks[1], (2, E), 0, N, dtype=jnp.int32)
    W1 = _glorot(ks[2], D, H)
    b1 = jnp.zeros((H,), dtype=jnp.float32)
    W2 = _glorot(ks[3], H, H)
    b2 = jnp.zeros((H,), dtype=jnp.float32)
    W3 = _glorot(ks[4], H, H)
    b3 = jnp.zeros((H,), dtype=jnp.float32)
    Wf1 = _glorot(ks[5], 2 * H, 2 * H, gain=0.5)
    bf1 = jnp.zeros((2 * H,), dtype=jnp.float32)
    Wf2 = _glorot(ks[6], 2 * H, OUT, gain=0.5)
    bf2 = jnp.zeros((OUT,), dtype=jnp.float32)
    return {"x": x, "edge_index": edge_index, "W1": W1, "b1": b1, "W2": W2, "b2": b2, "W3": W3, "b3": b3, "Wf1": Wf1, "bf1": bf1, "Wf2": Wf2, "bf2": bf2}


def _gcn_conv(x, edge_index, W, b):
    # PyG GCNConv with improved=True (self-loop weight 2.0) and add_self_loops=True
    n = x.shape[0]
    src = edge_index[0]
    dst = edge_index[1]
    h = x @ W
    loop = jnp.arange(n, dtype=src.dtype)
    s = jnp.concatenate([src, loop])
    d = jnp.concatenate([dst, loop])
    ew = jnp.concatenate([jnp.ones((src.shape[0],), dtype=jnp.float32), 2.0 * jnp.ones((n,), dtype=jnp.float32)])
    deg = jax.ops.segment_sum(ew, d, num_segments=n)
    dinv = jnp.where(deg > 0, jax.lax.rsqrt(jnp.maximum(deg, 1e-12)), 0.0)
    norm = dinv[s] * ew * dinv[d]
    msg = h[s] * norm[:, None]
    out = jax.ops.segment_sum(msg, d, num_segments=n)
    return out + b


def reference(x, edge_index, W1, b1, W2, b2, W3, b3, Wf1, bf1, Wf2, bf2):
    # eval mode: dropout is identity
    x1 = jax.nn.relu(_gcn_conv(x, edge_index, W1, b1))
    x2 = jax.nn.relu(_gcn_conv(x1, edge_index, W2, b2))
    x3 = jax.nn.relu(_gcn_conv(x2, edge_index, W3, b3))
    # batch=None -> single graph: global mean/max pool over all nodes
    mean_pool = jnp.mean(x3, axis=0, keepdims=True)
    max_pool = jnp.max(x3, axis=0, keepdims=True)
    g = jnp.concatenate([mean_pool, max_pool], axis=1)
    hfc = jax.nn.relu(g @ Wf1 + bf1)
    out = jnp.tanh(hfc @ Wf2 + bf2)
    return out

if __name__ == "__main__":
    import jax
    _d = setup_inputs()
    print(jax.jit(kernel)(*tuple(_d.values())))

</pallas_src>

<mosaic_0001>
#map = affine_map<(d0, d1) -> (0, 0)>
#map1 = affine_map<(d0, d1) -> (0, 0, 0, 0)>
#map2 = affine_map<(d0, d1) -> (0, 0, 0)>
module attributes {stable_mosaic.version = 14 : i64} {
  func.func @_sc_agg_body(%arg0: i32, %arg1: i32, %arg2: memref<20000x64xf32, #tpu.memory_space<hbm>>, %arg3: memref<2x16x160x128xi32, #tpu.memory_space<hbm>>, %arg4: memref<16x160x128xi32, #tpu.memory_space<hbm>>, %arg5: memref<128x64xf32, #tpu.memory_space<hbm>>, %arg6: memref<2x10240x64xf32, #tpu.memory_space<hbm>>, %arg7: memref<160x128xi32, #tpu.memory_space<vmem>>, %arg8: memref<160x128xi32, #tpu.memory_space<vmem>>, %arg9: memref<128x64xf32, #tpu.memory_space<vmem>>, %arg10: memref<128x64xf32, #tpu.memory_space<vmem>>, %arg11: memref<128x64xf32, #tpu.memory_space<vmem>>, %arg12: memref<128x64xf32, #tpu.memory_space<vmem>>, %arg13: memref<128x64xf32, #tpu.memory_space<vmem>>, %arg14: memref<128x64xf32, #tpu.memory_space<vmem>>, %arg15: memref<10240x64xf32, #tpu.memory_space<vmem_shared>>, %arg16: memref<!tpu.dma_semaphore, #tpu.memory_space<semaphore_mem>>, %arg17: memref<!tpu.dma_semaphore, #tpu.memory_space<semaphore_mem>>, %arg18: memref<!tpu.dma_semaphore, #tpu.memory_space<semaphore_mem>>, %arg19: memref<!tpu.dma_semaphore, #tpu.memory_space<semaphore_mem>>, %arg20: memref<!tpu.dma_semaphore, #tpu.memory_space<semaphore_mem>>) attributes {dimension_semantics = [#tpu.dimension_semantics<core_parallel>, #tpu.dimension_semantics<subcore_parallel>], iteration_bounds = array<i64: 2, 16>, scalar_prefetch = 0 : i64, scratch_operands = 14 : i64, tpu.core_type = #tpu.core_type<sc_vector_subcore>, window_params = [{transform_indices = #map}, {transform_indices = #map1}, {transform_indices = #map2}, {transform_indices = #map}, {transform_indices = #map2}]} {
    "tpu.region"() ({
      %run_scoped3A = tpu.sem_alloc : memref<!tpu.dma_semaphore, #tpu.memory_space<semaphore_mem>>
      %dma_start3A_78 = arith.constant 0 : i32
      %dma_start3A_79 = arith.constant 0 : i32
      %dma_start3A_80 = tpu.memref_slice %arg3[%arg0, %arg1, %dma_start3A_78, %dma_start3A_79] : memref<2x16x160x128xi32, #tpu.memory_space<hbm>> -> memref<1x1x160x128xi32, #tpu.memory_space<hbm>>
      %dma_start3A_81 = tpu.memref_squeeze %dma_start3A_80 : memref<1x1x160x128xi32, #tpu.memory_space<hbm>> -> memref<160x128xi32, #tpu.memory_space<hbm>>
      %dma_start3A_82 = arith.constant 0 : i32
      %dma_start3A_83 = arith.constant 0 : i32
      %dma_start3A_84 = tpu.memref_slice %arg3[%arg0, %arg1, %dma_start3A_82, %dma_start3A_83] : memref<2x16x160x128xi32, #tpu.memory_space<hbm>> -> memref<1x1x160x128xi32, #tpu.memory_space<hbm>>
      %dma_start3A_85 = tpu.memref_squeeze %dma_start3A_84 : memref<1x1x160x128xi32, #tpu.memory_space<hbm>> -> memref<160x128xi32, #tpu.memory_space<hbm>>
      tpu.enqueue_dma source(%dma_start3A_85 : memref<160x128xi32, #tpu.memory_space<hbm>>) target(%arg7 : memref<160x128xi32, #tpu.memory_space<vmem>>) target_semaphore(%run_scoped3A : memref<!tpu.dma_semaphore, #tpu.memory_space<semaphore_mem>>)
      %dma_wait3A = arith.constant 0 : i32
      %dma_wait3A_86 = arith.constant 0 : i32
      %dma_wait3A_87 = tpu.memref_slice %arg3[%arg0, %arg1, %dma_wait3A, %dma_wait3A_86] : memref<2x16x160x128xi32, #tpu.memory_space<hbm>> -> memref<1x1x160x128xi32, #tpu.memory_space<hbm>>
      %dma_wait3A_88 = tpu.memref_squeeze %dma_wait3A_87 : memref<1x1x160x128xi32, #tpu.memory_space<hbm>> -> memref<160x128xi32, #tpu.memory_space<hbm>>
      %dma_wait3A_89 = arith.constant 0 : i32
      %dma_wait3A_90 = arith.constant 0 : i32
      %dma_wait3A_91 = tpu.memref_slice %arg3[%arg0, %arg1, %dma_wait3A_89, %dma_wait3A_90] : memref<2x16x160x128xi32, #tpu.memory_space<hbm>> -> memref<1x1x160x128xi32, #tpu.memory_space<hbm>>
      %dma_wait3A_92 = tpu.memref_squeeze %dma_wait3A_91 : memref<1x1x160x128xi32, #tpu.memory_space<hbm>> -> memref<160x128xi32, #tpu.memory_space<hbm>>
      tpu.wait_dma2 semaphore(%run_scoped3A : memref<!tpu.dma_semaphore, #tpu.memory_space<semaphore_mem>>) src(%dma_wait3A_92 : memref<160x128xi32, #tpu.memory_space<hbm>>) dst(%arg7 : memref<160x128xi32, #tpu.memory_space<vmem>>)
      tpu.yield
    }) : () -> ()
    "tpu.region"() ({
      %run_scoped3A = tpu.sem_alloc : memref<!tpu.dma_semaphore, #tpu.memory_space<semaphore_mem>>
      %dma_start3A_78 = arith.constant 0 : i32
      %dma_start3A_79 = arith.constant 0 : i32
      %dma_start3A_80 = tpu.memref_slice %arg4[%arg1, %dma_start3A_78, %dma_start3A_79] : memref<16x160x128xi32, #tpu.memory_space<hbm>> -> memref<1x160x128xi32, #tpu.memory_space<hbm>>
      %dma_start3A_81 = tpu.memref_squeeze %dma_start3A_80 : memref<1x160x128xi32, #tpu.memory_space<hbm>> -> memref<160x128xi32, #tpu.memory_space<hbm>>
      %dma_start3A_82 = arith.constant 0 : i32
      %dma_start3A_83 = arith.constant 0 : i32
      %dma_start3A_84 = tpu.memref_slice %arg4[%arg1, %dma_start3A_82, %dma_start3A_83] : memref<16x160x128xi32, #tpu.memory_space<hbm>> -> memref<1x160x128xi32, #tpu.memory_space<hbm>>
      %dma_start3A_85 = tpu.memref_squeeze %dma_start3A_84 : memref<1x160x128xi32, #tpu.memory_space<hbm>> -> memref<160x128xi32, #tpu.memory_space<hbm>>
      tpu.enqueue_dma source(%dma_start3A_85 : memref<160x128xi32, #tpu.memory_space<hbm>>) target(%arg8 : memref<160x128xi32, #tpu.memory_space<vmem>>) target_semaphore(%run_scoped3A : memref<!tpu.dma_semaphore, #tpu.memory_space<semaphore_mem>>)
      %dma_wait3A = arith.constant 0 : i32
      %dma_wait3A_86 = arith.constant 0 : i32
      %dma_wait3A_87 = tpu.memref_slice %arg4[%arg1, %dma_wait3A, %dma_wait3A_86] : memref<16x160x128xi32, #tpu.memory_space<hbm>> -> memref<1x160x128xi32, #tpu.memory_space<hbm>>
      %dma_wait3A_88 = tpu.memref_squeeze %dma_wait3A_87 : memref<1x160x128xi32, #tpu.memory_space<hbm>> -> memref<160x128xi32, #tpu.memory_space<hbm>>
      %dma_wait3A_89 = arith.constant 0 : i32
      %dma_wait3A_90 = arith.constant 0 : i32
      %dma_wait3A_91 = tpu.memref_slice %arg4[%arg1, %dma_wait3A_89, %dma_wait3A_90] : memref<16x160x128xi32, #tpu.memory_space<hbm>> -> memref<1x160x128xi32, #tpu.memory_space<hbm>>
      %dma_wait3A_92 = tpu.memref_squeeze %dma_wait3A_91 : memref<1x160x128xi32, #tpu.memory_space<hbm>> -> memref<160x128xi32, #tpu.memory_space<hbm>>
      tpu.wait_dma2 semaphore(%run_scoped3A : memref<!tpu.dma_semaphore, #tpu.memory_space<semaphore_mem>>) src(%dma_wait3A_92 : memref<160x128xi32, #tpu.memory_space<hbm>>) dst(%arg8 : memref<160x128xi32, #tpu.memory_space<vmem>>)
      tpu.yield
    }) : () -> ()
    "tpu.region"() ({
      %run_scoped3A = tpu.sem_alloc : memref<!tpu.dma_semaphore, #tpu.memory_space<semaphore_mem>>
      tpu.enqueue_dma source(%arg5 : memref<128x64xf32, #tpu.memory_space<hbm>>) target(%arg14 : memref<128x64xf32, #tpu.memory_space<vmem>>) target_semaphore(%run_scoped3A : memref<!tpu.dma_semaphore, #tpu.memory_space<semaphore_mem>>)
      tpu.wait_dma2 semaphore(%run_scoped3A : memref<!tpu.dma_semaphore, #tpu.memory_space<semaphore_mem>>) src(%arg5 : memref<128x64xf32, #tpu.memory_space<hbm>>) dst(%arg14 : memref<128x64xf32, #tpu.memory_space<vmem>>)
      tpu.yield
    }) : () -> ()
    %mul3A = arith.constant 640 : i32
    %mul3A_0 = arith.muli %arg1, %mul3A : i32
    %add3A = arith.constant 0 : i32
    %add3A_1 = arith.addi %mul3A_0, %add3A : i32
    "tpu.region"() ({
      %run_scoped3A = tpu.sem_alloc : memref<!tpu.dma_semaphore, #tpu.memory_space<semaphore_mem>>
      %dma_start3A_78 = arith.constant 0 : i32
      %dma_start3A_79 = tpu.memref_slice %arg15[%add3A_1, %dma_start3A_78] : memref<10240x64xf32, #tpu.memory_space<vmem_shared>> -> memref<128x64xf32, #tpu.memory_space<vmem_shared>>
      %dma_start3A_80 = arith.constant 0 : i32
      %dma_start3A_81 = tpu.memref_slice %arg15[%add3A_1, %dma_start3A_80] : memref<10240x64xf32, #tpu.memory_space<vmem_shared>> -> memref<128x64xf32, #tpu.memory_space<vmem_shared>>
      tpu.enqueue_dma source(%arg14 : memref<128x64xf32, #tpu.memory_space<vmem>>) target(%dma_start3A_81 : memref<128x64xf32, #tpu.memory_space<vmem_shared>>) target_semaphore(%run_scoped3A : memref<!tpu.dma_semaphore, #tpu.memory_space<semaphore_mem>>)
      %dma_wait3A = arith.constant 0 : i32
      %dma_wait3A_82 = tpu.memref_slice %arg15[%add3A_1, %dma_wait3A] : memref<10240x64xf32, #tpu.memory_space<vmem_shared>> -> memref<128x64xf32, #tpu.memory_space<vmem_shared>>
      %dma_wait3A_83 = arith.constant 0 : i32
      %dma_wait3A_84 = tpu.memref_slice %arg15[%add3A_1, %dma_wait3A_83] : memref<10240x64xf32, #tpu.memory_space<vmem_shared>> -> memref<128x64xf32, #tpu.memory_space<vmem_shared>>
      tpu.wait_dma2 semaphore(%run_scoped3A : memref<!tpu.dma_semaphore, #tpu.memory_space<semaphore_mem>>) src(%arg14 : memref<128x64xf32, #tpu.memory_space<vmem>>) dst(%dma_wait3A_84 : memref<128x64xf32, #tpu.memory_space<vmem_shared>>)
      tpu.yield
    }) : () -> ()
    %mul3A_2 = arith.constant 640 : i32
    %mul3A_3 = arith.muli %arg1, %mul3A_2 : i32
    %add3A_4 = arith.constant 128 : i32
    %add3A_5 = arith.addi %mul3A_3, %add3A_4 : i32
    "tpu.region"() ({
      %run_scoped3A = tpu.sem_alloc : memref<!tpu.dma_semaphore, #tpu.memory_space<semaphore_mem>>
      %dma_start3A_78 = arith.constant 0 : i32
      %dma_start3A_79 = tpu.memref_slice %arg15[%add3A_5, %dma_start3A_78] : memref<10240x64xf32, #tpu.memory_space<vmem_shared>> -> memref<128x64xf32, #tpu.memory_space<vmem_shared>>
      %dma_start3A_80 = arith.constant 0 : i32
      %dma_start3A_81 = tpu.memref_slice %arg15[%add3A_5, %dma_start3A_80] : memref<10240x64xf32, #tpu.memory_space<vmem_shared>> -> memref<128x64xf32, #tpu.memory_space<vmem_shared>>
      tpu.enqueue_dma source(%arg14 : memref<128x64xf32, #tpu.memory_space<vmem>>) target(%dma_start3A_81 : memref<128x64xf32, #tpu.memory_space<vmem_shared>>) target_semaphore(%run_scoped3A : memref<!tpu.dma_semaphore, #tpu.memory_space<semaphore_mem>>)
      %dma_wait3A = arith.constant 0 : i32
      %dma_wait3A_82 = tpu.memref_slice %arg15[%add3A_5, %dma_wait3A] : memref<10240x64xf32, #tpu.memory_space<vmem_shared>> -> memref<128x64xf32, #tpu.memory_space<vmem_shared>>
      %dma_wait3A_83 = arith.constant 0 : i32
      %dma_wait3A_84 = tpu.memref_slice %arg15[%add3A_5, %dma_wait3A_83] : memref<10240x64xf32, #tpu.memory_space<vmem_shared>> -> memref<128x64xf32, #tpu.memory_space<vmem_shared>>
      tpu.wait_dma2 semaphore(%run_scoped3A : memref<!tpu.dma_semaphore, #tpu.memory_space<semaphore_mem>>) src(%arg14 : memref<128x64xf32, #tpu.memory_space<vmem>>) dst(%dma_wait3A_84 : memref<128x64xf32, #tpu.memory_space<vmem_shared>>)
      tpu.yield
    }) : () -> ()
    %mul3A_6 = arith.constant 640 : i32
    %mul3A_7 = arith.muli %arg1, %mul3A_6 : i32
    %add3A_8 = arith.constant 256 : i32
    %add3A_9 = arith.addi %mul3A_7, %add3A_8 : i32
    "tpu.region"() ({
      %run_scoped3A = tpu.sem_alloc : memref<!tpu.dma_semaphore, #tpu.memory_space<semaphore_mem>>
      %dma_start3A_78 = arith.constant 0 : i32
      %dma_start3A_79 = tpu.memref_slice %arg15[%add3A_9, %dma_start3A_78] : memref<10240x64xf32, #tpu.memory_space<vmem_shared>> -> memref<128x64xf32, #tpu.memory_space<vmem_shared>>
      %dma_start3A_80 = arith.constant 0 : i32
      %dma_start3A_81 = tpu.memref_slice %arg15[%add3A_9, %dma_start3A_80] : memref<10240x64xf32, #tpu.memory_space<vmem_shared>> -> memref<128x64xf32, #tpu.memory_space<vmem_shared>>
      tpu.enqueue_dma source(%arg14 : memref<128x64xf32, #tpu.memory_space<vmem>>) target(%dma_start3A_81 : memref<128x64xf32, #tpu.memory_space<vmem_shared>>) target_semaphore(%run_scoped3A : memref<!tpu.dma_semaphore, #tpu.memory_space<semaphore_mem>>)
      %dma_wait3A = arith.constant 0 : i32
      %dma_wait3A_82 = tpu.memref_slice %arg15[%add3A_9, %dma_wait3A] : memref<10240x64xf32, #tpu.memory_space<vmem_shared>> -> memref<128x64xf32, #tpu.memory_space<vmem_shared>>
      %dma_wait3A_83 = arith.constant 0 : i32
      %dma_wait3A_84 = tpu.memref_slice %arg15[%add3A_9, %dma_wait3A_83] : memref<10240x64xf32, #tpu.memory_space<vmem_shared>> -> memref<128x64xf32, #tpu.memory_space<vmem_shared>>
      tpu.wait_dma2 semaphore(%run_scoped3A : memref<!tpu.dma_semaphore, #tpu.memory_space<semaphore_mem>>) src(%arg14 : memref<128x64xf32, #tpu.memory_space<vmem>>) dst(%dma_wait3A_84 : memref<128x64xf32, #tpu.memory_space<vmem_shared>>)
      tpu.yield
    }) : () -> ()
    %mul3A_10 = arith.constant 640 : i32
    %mul3A_11 = arith.muli %arg1, %mul3A_10 : i32
    %add3A_12 = arith.constant 384 : i32
    %add3A_13 = arith.addi %mul3A_11, %add3A_12 : i32
    "tpu.region"() ({
      %run_scoped3A = tpu.sem_alloc : memref<!tpu.dma_semaphore, #tpu.memory_space<semaphore_mem>>
      %dma_start3A_78 = arith.constant 0 : i32
      %dma_start3A_79 = tpu.memref_slice %arg15[%add3A_13, %dma_start3A_78] : memref<10240x64xf32, #tpu.memory_space<vmem_shared>> -> memref<128x64xf32, #tpu.memory_space<vmem_shared>>
      %dma_start3A_80 = arith.constant 0 : i32
      %dma_start3A_81 = tpu.memref_slice %arg15[%add3A_13, %dma_start3A_80] : memref<10240x64xf32, #tpu.memory_space<vmem_shared>> -> memref<128x64xf32, #tpu.memory_space<vmem_shared>>
      tpu.enqueue_dma source(%arg14 : memref<128x64xf32, #tpu.memory_space<vmem>>) target(%dma_start3A_81 : memref<128x64xf32, #tpu.memory_space<vmem_shared>>) target_semaphore(%run_scoped3A : memref<!tpu.dma_semaphore, #tpu.memory_space<semaphore_mem>>)
      %dma_wait3A = arith.constant 0 : i32
      %dma_wait3A_82 = tpu.memref_slice %arg15[%add3A_13, %dma_wait3A] : memref<10240x64xf32, #tpu.memory_space<vmem_shared>> -> memref<128x64xf32, #tpu.memory_space<vmem_shared>>
      %dma_wait3A_83 = arith.constant 0 : i32
      %dma_wait3A_84 = tpu.memref_slice %arg15[%add3A_13, %dma_wait3A_83] : memref<10240x64xf32, #tpu.memory_space<vmem_shared>> -> memref<128x64xf32, #tpu.memory_space<vmem_shared>>
      tpu.wait_dma2 semaphore(%run_scoped3A : memref<!tpu.dma_semaphore, #tpu.memory_space<semaphore_mem>>) src(%arg14 : memref<128x64xf32, #tpu.memory_space<vmem>>) dst(%dma_wait3A_84 : memref<128x64xf32, #tpu.memory_space<vmem_shared>>)
      tpu.yield
    }) : () -> ()
    %mul3A_14 = arith.constant 640 : i32
    %mul3A_15 = arith.muli %arg1, %mul3A_14 : i32
    %add3A_16 = arith.constant 512 : i32
    %add3A_17 = arith.addi %mul3A_15, %add3A_16 : i32
    "tpu.region"() ({
      %run_scoped3A = tpu.sem_alloc : memref<!tpu.dma_semaphore, #tpu.memory_space<semaphore_mem>>
      %dma_start3A_78 = arith.constant 0 : i32
      %dma_start3A_79 = tpu.memref_slice %arg15[%add3A_17, %dma_start3A_78] : memref<10240x64xf32, #tpu.memory_space<vmem_shared>> -> memref<128x64xf32, #tpu.memory_space<vmem_shared>>
      %dma_start3A_80 = arith.constant 0 : i32
      %dma_start3A_81 = tpu.memref_slice %arg15[%add3A_17, %dma_start3A_80] : memref<10240x64xf32, #tpu.memory_space<vmem_shared>> -> memref<128x64xf32, #tpu.memory_space<vmem_shared>>
      tpu.enqueue_dma source(%arg14 : memref<128x64xf32, #tpu.memory_space<vmem>>) target(%dma_start3A_81 : memref<128x64xf32, #tpu.memory_space<vmem_shared>>) target_semaphore(%run_scoped3A : memref<!tpu.dma_semaphore, #tpu.memory_space<semaphore_mem>>)
      %dma_wait3A = arith.constant 0 : i32
      %dma_wait3A_82 = tpu.memref_slice %arg15[%add3A_17, %dma_wait3A] : memref<10240x64xf32, #tpu.memory_space<vmem_shared>> -> memref<128x64xf32, #tpu.memory_space<vmem_shared>>
      %dma_wait3A_83 = arith.constant 0 : i32
      %dma_wait3A_84 = tpu.memref_slice %arg15[%add3A_17, %dma_wait3A_83] : memref<10240x64xf32, #tpu.memory_space<vmem_shared>> -> memref<128x64xf32, #tpu.memory_space<vmem_shared>>
      tpu.wait_dma2 semaphore(%run_scoped3A : memref<!tpu.dma_semaphore, #tpu.memory_space<semaphore_mem>>) src(%arg14 : memref<128x64xf32, #tpu.memory_space<vmem>>) dst(%dma_wait3A_84 : memref<128x64xf32, #tpu.memory_space<vmem_shared>>)
      tpu.yield
    }) : () -> ()
    %barrier3A = arith.constant 0 : index
    tpu.barrier barrier_id(%barrier3A)
    %dma_start3A = arith.constant 0 : i32
    %dma_start3A_18 = arith.constant 0 : i32
    %dma_start3A_19 = tpu.memref_slice %arg7[%dma_start3A, %dma_start3A_18] : memref<160x128xi32, #tpu.memory_space<vmem>> -> memref<1x128xi32, #tpu.memory_space<vmem>>
    %dma_start3A_20 = tpu.memref_squeeze %dma_start3A_19 : memref<1x128xi32, #tpu.memory_space<vmem>> -> memref<128xi32, #tpu.memory_space<vmem>>
    %dma_start3A_21 = arith.constant 0 : i32
    %dma_start3A_22 = arith.constant 0 : i32
    %dma_start3A_23 = tpu.memref_slice %arg2[%dma_start3A_21, %dma_start3A_22] : memref<20000x64xf32, #tpu.memory_space<hbm>> -> memref<20000x64xf32, #tpu.memory_space<hbm>>
    tpu.enqueue_indirect_dma source(%dma_start3A_23 : memref<20000x64xf32, #tpu.memory_space<hbm>>) target(%arg9 : memref<128x64xf32, #tpu.memory_space<vmem>>) offsets(%dma_start3A_20 : memref<128xi32, #tpu.memory_space<vmem>>) semaphore(%arg16 : memref<!tpu.dma_semaphore, #tpu.memory_space<semaphore_mem>>)
    %dma_start3A_24 = arith.constant 1 : i32
    %dma_start3A_25 = arith.constant 0 : i32
    %dma_start3A_26 = tpu.memref_slice %arg7[%dma_start3A_24, %dma_start3A_25] : memref<160x128xi32, #tpu.memory_space<vmem>> -> memref<1x128xi32, #tpu.memory_space<vmem>>
    %dma_start3A_27 = tpu.memref_squeeze %dma_start3A_26 : memref<1x128xi32, #tpu.memory_space<vmem>> -> memref<128xi32, #tpu.memory_space<vmem>>
    %dma_start3A_28 = arith.constant 0 : i32
    %dma_start3A_29 = arith.constant 0 : i32
    %dma_start3A_30 = tpu.memref_slice %arg2[%dma_start3A_28, %dma_start3A_29] : memref<20000x64xf32, #tpu.memory_space<hbm>> -> memref<20000x64xf32, #tpu.memory_space<hbm>>
    tpu.enqueue_indirect_dma source(%dma_start3A_30 : memref<20000x64xf32, #tpu.memory_space<hbm>>) target(%arg10 : memref<128x64xf32, #tpu.memory_space<vmem>>) offsets(%dma_start3A_27 : memref<128xi32, #tpu.memory_space<vmem>>) semaphore(%arg17 : memref<!tpu.dma_semaphore, #tpu.memory_space<semaphore_mem>>)
    %dma_start3A_31 = arith.constant 2 : i32
    %dma_start3A_32 = arith.constant 0 : i32
    %dma_start3A_33 = tpu.memref_slice %arg7[%dma_start3A_31, %dma_start3A_32] : memref<160x128xi32, #tpu.memory_space<vmem>> -> memref<1x128xi32, #tpu.memory_space<vmem>>
    %dma_start3A_34 = tpu.memref_squeeze %dma_start3A_33 : memref<1x128xi32, #tpu.memory_space<vmem>> -> memref<128xi32, #tpu.memory_space<vmem>>
    %dma_start3A_35 = arith.constant 0 : i32
    %dma_start3A_36 = arith.constant 0 : i32
    %dma_start3A_37 = tpu.memref_slice %arg2[%dma_start3A_35, %dma_start3A_36] : memref<20000x64xf32, #tpu.memory_space<hbm>> -> memref<20000x64xf32, #tpu.memory_space<hbm>>
    tpu.enqueue_indirect_dma source(%dma_start3A_37 : memref<20000x64xf32, #tpu.memory_space<hbm>>) target(%arg11 : memref<128x64xf32, #tpu.memory_space<vmem>>) offsets(%dma_start3A_34 : memref<128xi32, #tpu.memory_space<vmem>>) semaphore(%arg18 : memref<!tpu.dma_semaphore, #tpu.memory_space<semaphore_mem>>)
    %dma_start3A_38 = arith.constant 3 : i32
    %dma_start3A_39 = arith.constant 0 : i32
    %dma_start3A_40 = tpu.memref_slice %arg7[%dma_start3A_38, %dma_start3A_39] : memref<160x128xi32, #tpu.memory_space<vmem>> -> memref<1x128xi32, #tpu.memory_space<vmem>>
    %dma_start3A_41 = tpu.memref_squeeze %dma_start3A_40 : memref<1x128xi32, #tpu.memory_space<vmem>> -> memref<128xi32, #tpu.memory_space<vmem>>
    %dma_start3A_42 = arith.constant 0 : i32
    %dma_start3A_43 = arith.constant 0 : i32
    %dma_start3A_44 = tpu.memref_slice %arg2[%dma_start3A_42, %dma_start3A_43] : memref<20000x64xf32, #tpu.memory_space<hbm>> -> memref<20000x64xf32, #tpu.memory_space<hbm>>
    tpu.enqueue_indirect_dma source(%dma_start3A_44 : memref<20000x64xf32, #tpu.memory_space<hbm>>) target(%arg12 : memref<128x64xf32, #tpu.memory_space<vmem>>) offsets(%dma_start3A_41 : memref<128xi32, #tpu.memory_space<vmem>>) semaphore(%arg19 : memref<!tpu.dma_semaphore, #tpu.memory_space<semaphore_mem>>)
    %dma_start3A_45 = arith.constant 4 : i32
    %dma_start3A_46 = arith.constant 0 : i32
    %dma_start3A_47 = tpu.memref_slice %arg7[%dma_start3A_45, %dma_start3A_46] : memref<160x128xi32, #tpu.memory_space<vmem>> -> memref<1x128xi32, #tpu.memory_space<vmem>>
    %dma_start3A_48 = tpu.memref_squeeze %dma_start3A_47 : memref<1x128xi32, #tpu.memory_space<vmem>> -> memref<128xi32, #tpu.memory_space<vmem>>
    %dma_start3A_49 = arith.constant 0 : i32
    %dma_start3A_50 = arith.constant 0 : i32
    %dma_start3A_51 = tpu.memref_slice %arg2[%dma_start3A_49, %dma_start3A_50] : memref<20000x64xf32, #tpu.memory_space<hbm>> -> memref<20000x64xf32, #tpu.memory_space<hbm>>
    tpu.enqueue_indirect_dma source(%dma_start3A_51 : memref<20000x64xf32, #tpu.memory_space<hbm>>) target(%arg13 : memref<128x64xf32, #tpu.memory_space<vmem>>) offsets(%dma_start3A_48 : memref<128xi32, #tpu.memory_space<vmem>>) semaphore(%arg20 : memref<!tpu.dma_semaphore, #tpu.memory_space<semaphore_mem>>)
    %scan3A = arith.constant 0 : i32
    %scan3A_52 = arith.constant 0 : i32
    %scan3A_53 = arith.constant 32 : i32
    %scan3A_54 = arith.addi %scan3A_52, %scan3A_53 : i32
    %scan3A_55 = arith.constant 1 : i32
    scf.for %scan3A_78 = %scan3A_52 to %scan3A_54 step %scan3A_55  : i32 {
      %mul3A_79 = arith.constant 5 : i32
      %mul3A_80 = arith.muli %scan3A_78, %mul3A_79 : i32
      %add3A_81 = arith.constant 5 : i32
      %add3A_82 = arith.addi %mul3A_80, %add3A_81 : i32
      %add3A_83 = arith.constant 0 : i32
      %add3A_84 = arith.addi %mul3A_80, %add3A_83 : i32
      %dma_wait3A = arith.constant 0 : i32
      %dma_wait3A_85 = tpu.memref_slice %arg7[%add3A_84, %dma_wait3A] : memref<160x128xi32, #tpu.memory_space<vmem>> -> memref<1x128xi32, #tpu.memory_space<vmem>>
      %dma_wait3A_86 = tpu.memref_squeeze %dma_wait3A_85 : memref<1x128xi32, #tpu.memory_space<vmem>> -> memref<128xi32, #tpu.memory_space<vmem>>
      %dma_wait3A_87 = arith.constant 0 : i32
      %dma_wait3A_88 = arith.constant 0 : i32
      %dma_wait3A_89 = tpu.memref_slice %arg2[%dma_wait3A_87, %dma_wait3A_88] : memref<20000x64xf32, #tpu.memory_space<hbm>> -> memref<20000x64xf32, #tpu.memory_space<hbm>>
      tpu.wait_indirect_dma semaphore(%arg16 : memref<!tpu.dma_semaphore, #tpu.memory_space<semaphore_mem>>) src(%dma_wait3A_89 : memref<20000x64xf32, #tpu.memory_space<hbm>>) dst(%arg9 : memref<128x64xf32, #tpu.memory_space<vmem>>)
      %add3A_90 = arith.constant 0 : i32
      %add3A_91 = arith.addi %mul3A_80, %add3A_90 : i32
      "tpu.region"() ({
        %run_scoped3A = tpu.sem_alloc : memref<!tpu.dma_semaphore, #tpu.memory_space<semaphore_mem>>
        %dma_start3A_154 = arith.constant 0 : i32
        %dma_start3A_155 = tpu.memref_slice %arg8[%add3A_91, %dma_start3A_154] : memref<160x128xi32, #tpu.memory_space<vmem>> -> memref<1x128xi32, #tpu.memory_space<vmem>>
        %dma_start3A_156 = tpu.memref_squeeze %dma_start3A_155 : memref<1x128xi32, #tpu.memory_space<vmem>> -> memref<128xi32, #tpu.memory_space<vmem>>
        %dma_start3A_157 = arith.constant 0 : i32
        %dma_start3A_158 = arith.constant 0 : i32
        %dma_start3A_159 = tpu.memref_slice %arg15[%dma_start3A_157, %dma_start3A_158] : memref<10240x64xf32, #tpu.memory_space<vmem_shared>> -> memref<10240x64xf32, #tpu.memory_space<vmem_shared>>
        tpu.enqueue_indirect_dma source(%arg9 : memref<128x64xf32, #tpu.memory_space<vmem>>) target(%dma_start3A_159 : memref<10240x64xf32, #tpu.memory_space<vmem_shared>>) offsets(%dma_start3A_156 : memref<128xi32, #tpu.memory_space<vmem>>) semaphore(%run_scoped3A : memref<!tpu.dma_semaphore, #tpu.memory_space<semaphore_mem>>) {add = true}
        %dma_wait3A_160 = arith.constant 0 : i32
        %dma_wait3A_161 = tpu.memref_slice %arg8[%add3A_91, %dma_wait3A_160] : memref<160x128xi32, #tpu.memory_space<vmem>> -> memref<1x128xi32, #tpu.memory_space<vmem>>
        %dma_wait3A_162 = tpu.memref_squeeze %dma_wait3A_161 : memref<1x128xi32, #tpu.memory_space<vmem>> -> memref<128xi32, #tpu.memory_space<vmem>>
        %dma_wait3A_163 = arith.constant 0 : i32
        %dma_wait3A_164 = arith.constant 0 : i32
        %dma_wait3A_165 = tpu.memref_slice %arg15[%dma_wait3A_163, %dma_wait3A_164] : memref<10240x64xf32, #tpu.memory_space<vmem_shared>> -> memref<10240x64xf32, #tpu.memory_space<vmem_shared>>
        tpu.wait_indirect_dma semaphore(%run_scoped3A : memref<!tpu.dma_semaphore, #tpu.memory_space<semaphore_mem>>) src(%arg9 : memref<128x64xf32, #tpu.memory_space<vmem>>) dst(%dma_wait3A_165 : memref<10240x64xf32, #tpu.memory_space<vmem_shared>>)
        tpu.yield
      }) : () -> ()
      %lt3A = arith.constant 160 : i32
      %lt3A_92 = arith.cmpi slt, %add3A_82, %lt3A : i32
      %convert_element_type3A = arith.extui %lt3A_92 : i1 to i32
      %cond3A = arith.constant 0 : i32
      %cond3A_93 = arith.cmpi ne, %convert_element_type3A, %cond3A : i32
      scf.if %cond3A_93 {
        %add3A_154 = arith.constant 0 : i32
        %add3A_155 = arith.addi %add3A_82, %add3A_154 : i32
        %min3A = arith.constant 159 : i32
        %min3A_156 = arith.minsi %add3A_155, %min3A : i32
        %dma_start3A_157 = arith.constant 0 : i32
        %dma_start3A_158 = tpu.memref_slice %arg7[%min3A_156, %dma_start3A_157] : memref<160x128xi32, #tpu.memory_space<vmem>> -> memref<1x128xi32, #tpu.memory_space<vmem>>
        %dma_start3A_159 = tpu.memref_squeeze %dma_start3A_158 : memref<1x128xi32, #tpu.memory_space<vmem>> -> memref<128xi32, #tpu.memory_space<vmem>>
        %dma_start3A_160 = arith.constant 0 : i32
        %dma_start3A_161 = arith.constant 0 : i32
        %dma_start3A_162 = tpu.memref_slice %arg2[%dma_start3A_160, %dma_start3A_161] : memref<20000x64xf32, #tpu.memory_space<hbm>> -> memref<20000x64xf32, #tpu.memory_space<hbm>>
        tpu.enqueue_indirect_dma source(%dma_start3A_162 : memref<20000x64xf32, #tpu.memory_space<hbm>>) target(%arg9 : memref<128x64xf32, #tpu.memory_space<vmem>>) offsets(%dma_start3A_159 : memref<128xi32, #tpu.memory_space<vmem>>) semaphore(%arg16 : memref<!tpu.dma_semaphore, #tpu.memory_space<semaphore_mem>>)
      } else {
      }
      %add3A_94 = arith.constant 1 : i32
      %add3A_95 = arith.addi %mul3A_80, %add3A_94 : i32
      %dma_wait3A_96 = arith.constant 0 : i32
      %dma_wait3A_97 = tpu.memref_slice %arg7[%add3A_95, %dma_wait3A_96] : memref<160x128xi32, #tpu.memory_space<vmem>> -> memref<1x128xi32, #tpu.memory_space<vmem>>
      %dma_wait3A_98 = tpu.memref_squeeze %dma_wait3A_97 : memref<1x128xi32, #tpu.memory_space<vmem>> -> memref<128xi32, #tpu.memory_space<vmem>>
      %dma_wait3A_99 = arith.constant 0 : i32
      %dma_wait3A_100 = arith.constant 0 : i32
      %dma_wait3A_101 = tpu.memref_slice %arg2[%dma_wait3A_99, %dma_wait3A_100] : memref<20000x64xf32, #tpu.memory_space<hbm>> -> memref<20000x64xf32, #tpu.memory_space<hbm>>
      tpu.wait_indirect_dma semaphore(%arg17 : memref<!tpu.dma_semaphore, #tpu.memory_space<semaphore_mem>>) src(%dma_wait3A_101 : memref<20000x64xf32, #tpu.memory_space<hbm>>) dst(%arg10 : memref<128x64xf32, #tpu.memory_space<vmem>>)
      %add3A_102 = arith.constant 1 : i32
      %add3A_103 = arith.addi %mul3A_80, %add3A_102 : i32
      "tpu.region"() ({
        %run_scoped3A = tpu.sem_alloc : memref<!tpu.dma_semaphore, #tpu.memory_space<semaphore_mem>>
        %dma_start3A_154 = arith.constant 0 : i32
        %dma_start3A_155 = tpu.memref_slice %arg8[%add3A_103, %dma_start3A_154] : memref<160x128xi32, #tpu.memory_space<vmem>> -> memref<1x128xi32, #tpu.memory_space<vmem>>
        %dma_start3A_156 = tpu.memref_squeeze %dma_start3A_155 : memref<1x128xi32, #tpu.memory_space<vmem>> -> memref<128xi32, #tpu.memory_space<vmem>>
        %dma_start3A_157 = arith.constant 0 : i32
        %dma_start3A_158 = arith.constant 0 : i32
        %dma_start3A_159 = tpu.memref_slice %arg15[%dma_start3A_157, %dma_start3A_158] : memref<10240x64xf32, #tpu.memory_space<vmem_shared>> -> memref<10240x64xf32, #tpu.memory_space<vmem_shared>>
        tpu.enqueue_indirect_dma source(%arg10 : memref<128x64xf32, #tpu.memory_space<vmem>>) target(%dma_start3A_159 : memref<10240x64xf32, #tpu.memory_space<vmem_shared>>) offsets(%dma_start3A_156 : memref<128xi32, #tpu.memory_space<vmem>>) semaphore(%run_scoped3A : memref<!tpu.dma_semaphore, #tpu.memory_space<semaphore_mem>>) {add = true}
        %dma_wait3A_160 = arith.constant 0 : i32
        %dma_wait3A_161 = tpu.memref_slice %arg8[%add3A_103, %dma_wait3A_160] : memref<160x128xi32, #tpu.memory_space<vmem>> -> memref<1x128xi32, #tpu.memory_space<vmem>>
        %dma_wait3A_162 = tpu.memref_squeeze %dma_wait3A_161 : memref<1x128xi32, #tpu.memory_space<vmem>> -> memref<128xi32, #tpu.memory_space<vmem>>
        %dma_wait3A_163 = arith.constant 0 : i32
        %dma_wait3A_164 = arith.constant 0 : i32
        %dma_wait3A_165 = tpu.memref_slice %arg15[%dma_wait3A_163, %dma_wait3A_164] : memref<10240x64xf32, #tpu.memory_space<vmem_shared>> -> memref<10240x64xf32, #tpu.memory_space<vmem_shared>>
        tpu.wait_indirect_dma semaphore(%run_scoped3A : memref<!tpu.dma_semaphore, #tpu.memory_space<semaphore_mem>>) src(%arg10 : memref<128x64xf32, #tpu.memory_space<vmem>>) dst(%dma_wait3A_165 : memref<10240x64xf32, #tpu.memory_space<vmem_shared>>)
        tpu.yield
      }) : () -> ()
      %lt3A_104 = arith.constant 160 : i32
      %lt3A_105 = arith.cmpi slt, %add3A_82, %lt3A_104 : i32
      %convert_element_type3A_106 = arith.extui %lt3A_105 : i1 to i32
      %cond3A_107 = arith.constant 0 : i32
      %cond3A_108 = arith.cmpi ne, %convert_element_type3A_106, %cond3A_107 : i32
      scf.if %cond3A_108 {
        %add3A_154 = arith.constant 1 : i32
        %add3A_155 = arith.addi %add3A_82, %add3A_154 : i32
        %min3A = arith.constant 159 : i32
        %min3A_156 = arith.minsi %add3A_155, %min3A : i32
        %dma_start3A_157 = arith.constant 0 : i32
        %dma_start3A_158 = tpu.memref_slice %arg7[%min3A_156, %dma_start3A_157] : memref<160x128xi32, #tpu.memory_space<vmem>> -> memref<1x128xi32, #tpu.memory_space<vmem>>
        %dma_start3A_159 = tpu.memref_squeeze %dma_start3A_158 : memref<1x128xi32, #tpu.memory_space<vmem>> -> memref<128xi32, #tpu.memory_space<vmem>>
        %dma_start3A_160 = arith.constant 0 : i32
        %dma_start3A_161 = arith.constant 0 : i32
        %dma_start3A_162 = tpu.memref_slice %arg2[%dma_start3A_160, %dma_start3A_161] : memref<20000x64xf32, #tpu.memory_space<hbm>> -> memref<20000x64xf32, #tpu.memory_space<hbm>>
        tpu.enqueue_indirect_dma source(%dma_start3A_162 : memref<20000x64xf32, #tpu.memory_space<hbm>>) target(%arg10 : memref<128x64xf32, #tpu.memory_space<vmem>>) offsets(%dma_start3A_159 : memref<128xi32, #tpu.memory_space<vmem>>) semaphore(%arg17 : memref<!tpu.dma_semaphore, #tpu.memory_space<semaphore_mem>>)
      } else {
      }
      %add3A_109 = arith.constant 2 : i32
      %add3A_110 = arith.addi %mul3A_80, %add3A_109 : i32
      %dma_wait3A_111 = arith.constant 0 : i32
      %dma_wait3A_112 = tpu.memref_slice %arg7[%add3A_110, %dma_wait3A_111] : memref<160x128xi32, #tpu.memory_space<vmem>> -> memref<1x128xi32, #tpu.memory_space<vmem>>
      %dma_wait3A_113 = tpu.memref_squeeze %dma_wait3A_112 : memref<1x128xi32, #tpu.memory_space<vmem>> -> memref<128xi32, #tpu.memory_space<vmem>>
      %dma_wait3A_114 = arith.constant 0 : i32
      %dma_wait3A_115 = arith.constant 0 : i32
      %dma_wait3A_116 = tpu.memref_slice %arg2[%dma_wait3A_114, %dma_wait3A_115] : memref<20000x64xf32, #tpu.memory_space<hbm>> -> memref<20000x64xf32, #tpu.memory_space<hbm>>
      tpu.wait_indirect_dma semaphore(%arg18 : memref<!tpu.dma_semaphore, #tpu.memory_space<semaphore_mem>>) src(%dma_wait3A_116 : memref<20000x64xf32, #tpu.memory_space<hbm>>) dst(%arg11 : memref<128x64xf32, #tpu.memory_space<vmem>>)
      %add3A_117 = arith.constant 2 : i32
      %add3A_118 = arith.addi %mul3A_80, %add3A_117 : i32
      "tpu.region"() ({
        %run_scoped3A = tpu.sem_alloc : memref<!tpu.dma_semaphore, #tpu.memory_space<semaphore_mem>>
        %dma_start3A_154 = arith.constant 0 : i32
        %dma_start3A_155 = tpu.memref_slice %arg8[%add3A_118, %dma_start3A_154] : memref<160x128xi32, #tpu.memory_space<vmem>> -> memref<1x128xi32, #tpu.memory_space<vmem>>
        %dma_start3A_156 = tpu.memref_squeeze %dma_start3A_155 : memref<1x128xi32, #tpu.memory_space<vmem>> -> memref<128xi32, #tpu.memory_space<vmem>>
        %dma_start3A_157 = arith.constant 0 : i32
        %dma_start3A_158 = arith.constant 0 : i32
        %dma_start3A_159 = tpu.memref_slice %arg15[%dma_start3A_157, %dma_start3A_158] : memref<10240x64xf32, #tpu.memory_space<vmem_shared>> -> memref<10240x64xf32, #tpu.memory_space<vmem_shared>>
        tpu.enqueue_indirect_dma source(%arg11 : memref<128x64xf32, #tpu.memory_space<vmem>>) target(%dma_start3A_159 : memref<10240x64xf32, #tpu.memory_space<vmem_shared>>) offsets(%dma_start3A_156 : memref<128xi32, #tpu.memory_space<vmem>>) semaphore(%run_scoped3A : memref<!tpu.dma_semaphore, #tpu.memory_space<semaphore_mem>>) {add = true}
        %dma_wait3A_160 = arith.constant 0 : i32
        %dma_wait3A_161 = tpu.memref_slice %arg8[%add3A_118, %dma_wait3A_160] : memref<160x128xi32, #tpu.memory_space<vmem>> -> memref<1x128xi32, #tpu.memory_space<vmem>>
        %dma_wait3A_162 = tpu.memref_squeeze %dma_wait3A_161 : memref<1x128xi32, #tpu.memory_space<vmem>> -> memref<128xi32, #tpu.memory_space<vmem>>
        %dma_wait3A_163 = arith.constant 0 : i32
        %dma_wait3A_164 = arith.constant 0 : i32
        %dma_wait3A_165 = tpu.memref_slice %arg15[%dma_wait3A_163, %dma_wait3A_164] : memref<10240x64xf32, #tpu.memory_space<vmem_shared>> -> memref<10240x64xf32, #tpu.memory_space<vmem_shared>>
        tpu.wait_indirect_dma semaphore(%run_scoped3A : memref<!tpu.dma_semaphore, #tpu.memory_space<semaphore_mem>>) src(%arg11 : memref<128x64xf32, #tpu.memory_space<vmem>>) dst(%dma_wait3A_165 : memref<10240x64xf32, #tpu.memory_space<vmem_shared>>)
        tpu.yield
      }) : () -> ()
      %lt3A_119 = arith.constant 160 : i32
      %lt3A_120 = arith.cmpi slt, %add3A_82, %lt3A_119 : i32
      %convert_element_type3A_121 = arith.extui %lt3A_120 : i1 to i32
      %cond3A_122 = arith.constant 0 : i32
      %cond3A_123 = arith.cmpi ne, %convert_element_type3A_121, %cond3A_122 : i32
      scf.if %cond3A_123 {
        %add3A_154 = arith.constant 2 : i32
        %add3A_155 = arith.addi %add3A_82, %add3A_154 : i32
        %min3A = arith.constant 159 : i32
        %min3A_156 = arith.minsi %add3A_155, %min3A : i32
        %dma_start3A_157 = arith.constant 0 : i32
        %dma_start3A_158 = tpu.memref_slice %arg7[%min3A_156, %dma_start3A_157] : memref<160x128xi32, #tpu.memory_space<vmem>> -> memref<1x128xi32, #tpu.memory_space<vmem>>
        %dma_start3A_159 = tpu.memref_squeeze %dma_start3A_158 : memref<1x128xi32, #tpu.memory_space<vmem>> -> memref<128xi32, #tpu.memory_space<vmem>>
        %dma_start3A_160 = arith.constant 0 : i32
        %dma_start3A_161 = arith.constant 0 : i32
        %dma_start3A_162 = tpu.memref_slice %arg2[%dma_start3A_160, %dma_start3A_161] : memref<20000x64xf32, #tpu.memory_space<hbm>> -> memref<20000x64xf32, #tpu.memory_space<hbm>>
        tpu.enqueue_indirect_dma source(%dma_start3A_162 : memref<20000x64xf32, #tpu.memory_space<hbm>>) target(%arg11 : memref<128x64xf32, #tpu.memory_space<vmem>>) offsets(%dma_start3A_159 : memref<128xi32, #tpu.memory_space<vmem>>) semaphore(%arg18 : memref<!tpu.dma_semaphore, #tpu.memory_space<semaphore_mem>>)
      } else {
      }
      %add3A_124 = arith.constant 3 : i32
      %add3A_125 = arith.addi %mul3A_80, %add3A_124 : i32
      %dma_wait3A_126 = arith.constant 0 : i32
      %dma_wait3A_127 = tpu.memref_slice %arg7[%add3A_125, %dma_wait3A_126] : memref<160x128xi32, #tpu.memory_space<vmem>> -> memref<1x128xi32, #tpu.memory_space<vmem>>
      %dma_wait3A_128 = tpu.memref_squeeze %dma_wait3A_127 : memref<1x128xi32, #tpu.memory_space<vmem>> -> memref<128xi32, #tpu.memory_space<vmem>>
      %dma_wait3A_129 = arith.constant 0 : i32
      %dma_wait3A_130 = arith.constant 0 : i32
      %dma_wait3A_131 = tpu.memref_slice %arg2[%dma_wait3A_129, %dma_wait3A_130] : memref<20000x64xf32, #tpu.memory_space<hbm>> -> memref<20000x64xf32, #tpu.memory_space<hbm>>
      tpu.wait_indirect_dma semaphore(%arg19 : memref<!tpu.dma_semaphore, #tpu.memory_space<semaphore_mem>>) src(%dma_wait3A_131 : memref<20000x64xf32, #tpu.memory_space<hbm>>) dst(%arg12 : memref<128x64xf32, #tpu.memory_space<vmem>>)
      %add3A_132 = arith.constant 3 : i32
      %add3A_133 = arith.addi %mul3A_80, %add3A_132 : i32
      "tpu.region"() ({
        %run_scoped3A = tpu.sem_alloc : memref<!tpu.dma_semaphore, #tpu.memory_space<semaphore_mem>>
        %dma_start3A_154 = arith.constant 0 : i32
        %dma_start3A_155 = tpu.memref_slice %arg8[%add3A_133, %dma_start3A_154] : memref<160x128xi32, #tpu.memory_space<vmem>> -> memref<1x128xi32, #tpu.memory_space<vmem>>
        %dma_start3A_156 = tpu.memref_squeeze %dma_start3A_155 : memref<1x128xi32, #tpu.memory_space<vmem>> -> memref<128xi32, #tpu.memory_space<vmem>>
        %dma_start3A_157 = arith.constant 0 : i32
        %dma_start3A_158 = arith.constant 0 : i32
        %dma_start3A_159 = tpu.memref_slice %arg15[%dma_start3A_157, %dma_start3A_158] : memref<10240x64xf32, #tpu.memory_space<vmem_shared>> -> memref<10240x64xf32, #tpu.memory_space<vmem_shared>>
        tpu.enqueue_indirect_dma source(%arg12 : memref<128x64xf32, #tpu.memory_space<vmem>>) target(%dma_start3A_159 : memref<10240x64xf32, #tpu.memory_space<vmem_shared>>) offsets(%dma_start3A_156 : memref<128xi32, #tpu.memory_space<vmem>>) semaphore(%run_scoped3A : memref<!tpu.dma_semaphore, #tpu.memory_space<semaphore_mem>>) {add = true}
        %dma_wait3A_160 = arith.constant 0 : i32
        %dma_wait3A_161 = tpu.memref_slice %arg8[%add3A_133, %dma_wait3A_160] : memref<160x128xi32, #tpu.memory_space<vmem>> -> memref<1x128xi32, #tpu.memory_space<vmem>>
        %dma_wait3A_162 = tpu.memref_squeeze %dma_wait3A_161 : memref<1x128xi32, #tpu.memory_space<vmem>> -> memref<128xi32, #tpu.memory_space<vmem>>
        %dma_wait3A_163 = arith.constant 0 : i32
        %dma_wait3A_164 = arith.constant 0 : i32
        %dma_wait3A_165 = tpu.memref_slice %arg15[%dma_wait3A_163, %dma_wait3A_164] : memref<10240x64xf32, #tpu.memory_space<vmem_shared>> -> memref<10240x64xf32, #tpu.memory_space<vmem_shared>>
        tpu.wait_indirect_dma semaphore(%run_scoped3A : memref<!tpu.dma_semaphore, #tpu.memory_space<semaphore_mem>>) src(%arg12 : memref<128x64xf32, #tpu.memory_space<vmem>>) dst(%dma_wait3A_165 : memref<10240x64xf32, #tpu.memory_space<vmem_shared>>)
        tpu.yield
      }) : () -> ()
      %lt3A_134 = arith.constant 160 : i32
      %lt3A_135 = arith.cmpi slt, %add3A_82, %lt3A_134 : i32
      %convert_element_type3A_136 = arith.extui %lt3A_135 : i1 to i32
      %cond3A_137 = arith.constant 0 : i32
      %cond3A_138 = arith.cmpi ne, %convert_element_type3A_136, %cond3A_137 : i32
      scf.if %cond3A_138 {
        %add3A_154 = arith.constant 3 : i32
        %add3A_155 = arith.addi %add3A_82, %add3A_154 : i32
        %min3A = arith.constant 159 : i32
        %min3A_156 = arith.minsi %add3A_155, %min3A : i32
        %dma_start3A_157 = arith.constant 0 : i32
        %dma_start3A_158 = tpu.memref_slice %arg7[%min3A_156, %dma_start3A_157] : memref<160x128xi32, #tpu.memory_space<vmem>> -> memref<1x128xi32, #tpu.memory_space<vmem>>
        %dma_start3A_159 = tpu.memref_squeeze %dma_start3A_158 : memref<1x128xi32, #tpu.memory_space<vmem>> -> memref<128xi32, #tpu.memory_space<vmem>>
        %dma_start3A_160 = arith.constant 0 : i32
        %dma_start3A_161 = arith.constant 0 : i32
        %dma_start3A_162 = tpu.memref_slice %arg2[%dma_start3A_160, %dma_start3A_161] : memref<20000x64xf32, #tpu.memory_space<hbm>> -> memref<20000x64xf32, #tpu.memory_space<hbm>>
        tpu.enqueue_indirect_dma source(%dma_start3A_162 : memref<20000x64xf32, #tpu.memory_space<hbm>>) target(%arg12 : memref<128x64xf32, #tpu.memory_space<vmem>>) offsets(%dma_start3A_159 : memref<128xi32, #tpu.memory_space<vmem>>) semaphore(%arg19 : memref<!tpu.dma_semaphore, #tpu.memory_space<semaphore_mem>>)
      } else {
      }
      %add3A_139 = arith.constant 4 : i32
      %add3A_140 = arith.addi %mul3A_80, %add3A_139 : i32
      %dma_wait3A_141 = arith.constant 0 : i32
      %dma_wait3A_142 = tpu.memref_slice %arg7[%add3A_140, %dma_wait3A_141] : memref<160x128xi32, #tpu.memory_space<vmem>> -> memref<1x128xi32, #tpu.memory_space<vmem>>
      %dma_wait3A_143 = tpu.memref_squeeze %dma_wait3A_142 : memref<1x128xi32, #tpu.memory_space<vmem>> -> memref<128xi32, #tpu.memory_space<vmem>>
      %dma_wait3A_144 = arith.constant 0 : i32
      %dma_wait3A_145 = arith.constant 0 : i32
      %dma_wait3A_146 = tpu.memref_slice %arg2[%dma_wait3A_144, %dma_wait3A_145] : memref<20000x64xf32, #tpu.memory_space<hbm>> -> memref<20000x64xf32, #tpu.memory_space<hbm>>
      tpu.wait_indirect_dma semaphore(%arg20 : memref<!tpu.dma_semaphore, #tpu.memory_space<semaphore_mem>>) src(%dma_wait3A_146 : memref<20000x64xf32, #tpu.memory_space<hbm>>) dst(%arg13 : memref<128x64xf32, #tpu.memory_space<vmem>>)
      %add3A_147 = arith.constant 4 : i32
      %add3A_148 = arith.addi %mul3A_80, %add3A_147 : i32
      "tpu.region"() ({
        %run_scoped3A = tpu.sem_alloc : memref<!tpu.dma_semaphore, #tpu.memory_space<semaphore_mem>>
        %dma_start3A_154 = arith.constant 0 : i32
        %dma_start3A_155 = tpu.memref_slice %arg8[%add3A_148, %dma_start3A_154] : memref<160x128xi32, #tpu.memory_space<vmem>> -> memref<1x128xi32, #tpu.memory_space<vmem>>
        %dma_start3A_156 = tpu.memref_squeeze %dma_start3A_155 : memref<1x128xi32, #tpu.memory_space<vmem>> -> memref<128xi32, #tpu.memory_space<vmem>>
        %dma_start3A_157 = arith.constant 0 : i32
        %dma_start3A_158 = arith.constant 0 : i32
        %dma_start3A_159 = tpu.memref_slice %arg15[%dma_start3A_157, %dma_start3A_158] : memref<10240x64xf32, #tpu.memory_space<vmem_shared>> -> memref<10240x64xf32, #tpu.memory_space<vmem_shared>>
        tpu.enqueue_indirect_dma source(%arg13 : memref<128x64xf32, #tpu.memory_space<vmem>>) target(%dma_start3A_159 : memref<10240x64xf32, #tpu.memory_space<vmem_shared>>) offsets(%dma_start3A_156 : memref<128xi32, #tpu.memory_space<vmem>>) semaphore(%run_scoped3A : memref<!tpu.dma_semaphore, #tpu.memory_space<semaphore_mem>>) {add = true}
        %dma_wait3A_160 = arith.constant 0 : i32
        %dma_wait3A_161 = tpu.memref_slice %arg8[%add3A_148, %dma_wait3A_160] : memref<160x128xi32, #tpu.memory_space<vmem>> -> memref<1x128xi32, #tpu.memory_space<vmem>>
        %dma_wait3A_162 = tpu.memref_squeeze %dma_wait3A_161 : memref<1x128xi32, #tpu.memory_space<vmem>> -> memref<128xi32, #tpu.memory_space<vmem>>
        %dma_wait3A_163 = arith.constant 0 : i32
        %dma_wait3A_164 = arith.constant 0 : i32
        %dma_wait3A_165 = tpu.memref_slice %arg15[%dma_wait3A_163, %dma_wait3A_164] : memref<10240x64xf32, #tpu.memory_space<vmem_shared>> -> memref<10240x64xf32, #tpu.memory_space<vmem_shared>>
        tpu.wait_indirect_dma semaphore(%run_scoped3A : memref<!tpu.dma_semaphore, #tpu.memory_space<semaphore_mem>>) src(%arg13 : memref<128x64xf32, #tpu.memory_space<vmem>>) dst(%dma_wait3A_165 : memref<10240x64xf32, #tpu.memory_space<vmem_shared>>)
        tpu.yield
      }) : () -> ()
      %lt3A_149 = arith.constant 160 : i32
      %lt3A_150 = arith.cmpi slt, %add3A_82, %lt3A_149 : i32
      %convert_element_type3A_151 = arith.extui %lt3A_150 : i1 to i32
      %cond3A_152 = arith.constant 0 : i32
      %cond3A_153 = arith.cmpi ne, %convert_element_type3A_151, %cond3A_152 : i32
      scf.if %cond3A_153 {
        %add3A_154 = arith.constant 4 : i32
        %add3A_155 = arith.addi %add3A_82, %add3A_154 : i32
        %min3A = arith.constant 159 : i32
        %min3A_156 = arith.minsi %add3A_155, %min3A : i32
        %dma_start3A_157 = arith.constant 0 : i32
        %dma_start3A_158 = tpu.memref_slice %arg7[%min3A_156, %dma_start3A_157] : memref<160x128xi32, #tpu.memory_space<vmem>> -> memref<1x128xi32, #tpu.memory_space<vmem>>
        %dma_start3A_159 = tpu.memref_squeeze %dma_start3A_158 : memref<1x128xi32, #tpu.memory_space<vmem>> -> memref<128xi32, #tpu.memory_space<vmem>>
        %dma_start3A_160 = arith.constant 0 : i32
        %dma_start3A_161 = arith.constant 0 : i32
        %dma_start3A_162 = tpu.memref_slice %arg2[%dma_start3A_160, %dma_start3A_161] : memref<20000x64xf32, #tpu.memory_space<hbm>> -> memref<20000x64xf32, #tpu.memory_space<hbm>>
        tpu.enqueue_indirect_dma source(%dma_start3A_162 : memref<20000x64xf32, #tpu.memory_space<hbm>>) target(%arg13 : memref<128x64xf32, #tpu.memory_space<vmem>>) offsets(%dma_start3A_159 : memref<128xi32, #tpu.memory_space<vmem>>) semaphore(%arg20 : memref<!tpu.dma_semaphore, #tpu.memory_space<semaphore_mem>>)
      } else {
      }
    }
    %scan3A_56 = arith.constant 32 : i32
    %barrier3A_57 = arith.constant 0 : index
    tpu.barrier barrier_id(%barrier3A_57)
    %mul3A_58 = arith.constant 640 : i32
    %mul3A_59 = arith.muli %arg1, %mul3A_58 : i32
    %add3A_60 = arith.constant 0 : i32
    %add3A_61 = arith.addi %mul3A_59, %add3A_60 : i32
    "tpu.region"() ({
      %run_scoped3A = tpu.sem_alloc : memref<!tpu.dma_semaphore, #tpu.memory_space<semaphore_mem>>
      %dma_start3A_78 = arith.constant 0 : i32
      %dma_start3A_79 = tpu.memref_slice %arg15[%add3A_61, %dma_start3A_78] : memref<10240x64xf32, #tpu.memory_space<vmem_shared>> -> memref<128x64xf32, #tpu.memory_space<vmem_shared>>
      %dma_start3A_80 = arith.constant 0 : i32
      %dma_start3A_81 = tpu.memref_slice %arg15[%add3A_61, %dma_start3A_80] : memref<10240x64xf32, #tpu.memory_space<vmem_shared>> -> memref<128x64xf32, #tpu.memory_space<vmem_shared>>
      tpu.enqueue_dma source(%dma_start3A_81 : memref<128x64xf32, #tpu.memory_space<vmem_shared>>) target(%arg14 : memref<128x64xf32, #tpu.memory_space<vmem>>) target_semaphore(%run_scoped3A : memref<!tpu.dma_semaphore, #tpu.memory_space<semaphore_mem>>)
      %dma_wait3A = arith.constant 0 : i32
      %dma_wait3A_82 = tpu.memref_slice %arg15[%add3A_61, %dma_wait3A] : memref<10240x64xf32, #tpu.memory_space<vmem_shared>> -> memref<128x64xf32, #tpu.memory_space<vmem_shared>>
      %dma_wait3A_83 = arith.constant 0 : i32
      %dma_wait3A_84 = tpu.memref_slice %arg15[%add3A_61, %dma_wait3A_83] : memref<10240x64xf32, #tpu.memory_space<vmem_shared>> -> memref<128x64xf32, #tpu.memory_space<vmem_shared>>
      tpu.wait_dma2 semaphore(%run_scoped3A : memref<!tpu.dma_semaphore, #tpu.memory_space<semaphore_mem>>) src(%dma_wait3A_84 : memref<128x64xf32, #tpu.memory_space<vmem_shared>>) dst(%arg14 : memref<128x64xf32, #tpu.memory_space<vmem>>)
      tpu.yield
    }) : () -> ()
    "tpu.region"() ({
      %run_scoped3A = tpu.sem_alloc : memref<!tpu.dma_semaphore, #tpu.memory_space<semaphore_mem>>
      %dma_start3A_78 = arith.constant 0 : i32
      %dma_start3A_79 = tpu.memref_slice %arg6[%arg0, %add3A_61, %dma_start3A_78] : memref<2x10240x64xf32, #tpu.memory_space<hbm>> -> memref<1x128x64xf32, #tpu.memory_space<hbm>>
      %dma_start3A_80 = tpu.memref_squeeze %dma_start3A_79 : memref<1x128x64xf32, #tpu.memory_space<hbm>> -> memref<128x64xf32, #tpu.memory_space<hbm>>
      %dma_start3A_81 = arith.constant 0 : i32
      %dma_start3A_82 = tpu.memref_slice %arg6[%arg0, %add3A_61, %dma_start3A_81] : memref<2x10240x64xf32, #tpu.memory_space<hbm>> -> memref<1x128x64xf32, #tpu.memory_space<hbm>>
      %dma_start3A_83 = tpu.memref_squeeze %dma_start3A_82 : memref<1x128x64xf32, #tpu.memory_space<hbm>> -> memref<128x64xf32, #tpu.memory_space<hbm>>
      tpu.enqueue_dma source(%arg14 : memref<128x64xf32, #tpu.memory_space<vmem>>) target(%dma_start3A_83 : memref<128x64xf32, #tpu.memory_space<hbm>>) target_semaphore(%run_scoped3A : memref<!tpu.dma_semaphore, #tpu.memory_space<semaphore_mem>>)
      %dma_wait3A = arith.constant 0 : i32
      %dma_wait3A_84 = tpu.memref_slice %arg6[%arg0, %add3A_61, %dma_wait3A] : memref<2x10240x64xf32, #tpu.memory_space<hbm>> -> memref<1x128x64xf32, #tpu.memory_space<hbm>>
      %dma_wait3A_85 = tpu.memref_squeeze %dma_wait3A_84 : memref<1x128x64xf32, #tpu.memory_space<hbm>> -> memref<128x64xf32, #tpu.memory_space<hbm>>
      %dma_wait3A_86 = arith.constant 0 : i32
      %dma_wait3A_87 = tpu.memref_slice %arg6[%arg0, %add3A_61, %dma_wait3A_86] : memref<2x10240x64xf32, #tpu.memory_space<hbm>> -> memref<1x128x64xf32, #tpu.memory_space<hbm>>
      %dma_wait3A_88 = tpu.memref_squeeze %dma_wait3A_87 : memref<1x128x64xf32, #tpu.memory_space<hbm>> -> memref<128x64xf32, #tpu.memory_space<hbm>>
      tpu.wait_dma2 semaphore(%run_scoped3A : memref<!tpu.dma_semaphore, #tpu.memory_space<semaphore_mem>>) src(%arg14 : memref<128x64xf32, #tpu.memory_space<vmem>>) dst(%dma_wait3A_88 : memref<128x64xf32, #tpu.memory_space<hbm>>)
      tpu.yield
    }) : () -> ()
    %mul3A_62 = arith.constant 640 : i32
    %mul3A_63 = arith.muli %arg1, %mul3A_62 : i32
    %add3A_64 = arith.constant 128 : i32
    %add3A_65 = arith.addi %mul3A_63, %add3A_64 : i32
    "tpu.region"() ({
      %run_scoped3A = tpu.sem_alloc : memref<!tpu.dma_semaphore, #tpu.memory_space<semaphore_mem>>
      %dma_start3A_78 = arith.constant 0 : i32
      %dma_start3A_79 = tpu.memref_slice %arg15[%add3A_65, %dma_start3A_78] : memref<10240x64xf32, #tpu.memory_space<vmem_shared>> -> memref<128x64xf32, #tpu.memory_space<vmem_shared>>
      %dma_start3A_80 = arith.constant 0 : i32
      %dma_start3A_81 = tpu.memref_slice %arg15[%add3A_65, %dma_start3A_80] : memref<10240x64xf32, #tpu.memory_space<vmem_shared>> -> memref<128x64xf32, #tpu.memory_space<vmem_shared>>
      tpu.enqueue_dma source(%dma_start3A_81 : memref<128x64xf32, #tpu.memory_space<vmem_shared>>) target(%arg14 : memref<128x64xf32, #tpu.memory_space<vmem>>) target_semaphore(%run_scoped3A : memref<!tpu.dma_semaphore, #tpu.memory_space<semaphore_mem>>)
      %dma_wait3A = arith.constant 0 : i32
      %dma_wait3A_82 = tpu.memref_slice %arg15[%add3A_65, %dma_wait3A] : memref<10240x64xf32, #tpu.memory_space<vmem_shared>> -> memref<128x64xf32, #tpu.memory_space<vmem_shared>>
      %dma_wait3A_83 = arith.constant 0 : i32
      %dma_wait3A_84 = tpu.memref_slice %arg15[%add3A_65, %dma_wait3A_83] : memref<10240x64xf32, #tpu.memory_space<vmem_shared>> -> memref<128x64xf32, #tpu.memory_space<vmem_shared>>
      tpu.wait_dma2 semaphore(%run_scoped3A : memref<!tpu.dma_semaphore, #tpu.memory_space<semaphore_mem>>) src(%dma_wait3A_84 : memref<128x64xf32, #tpu.memory_space<vmem_shared>>) dst(%arg14 : memref<128x64xf32, #tpu.memory_space<vmem>>)
      tpu.yield
    }) : () -> ()
    "tpu.region"() ({
      %run_scoped3A = tpu.sem_alloc : memref<!tpu.dma_semaphore, #tpu.memory_space<semaphore_mem>>
      %dma_start3A_78 = arith.constant 0 : i32
      %dma_start3A_79 = tpu.memref_slice %arg6[%arg0, %add3A_65, %dma_start3A_78] : memref<2x10240x64xf32, #tpu.memory_space<hbm>> -> memref<1x128x64xf32, #tpu.memory_space<hbm>>
      %dma_start3A_80 = tpu.memref_squeeze %dma_start3A_79 : memref<1x128x64xf32, #tpu.memory_space<hbm>> -> memref<128x64xf32, #tpu.memory_space<hbm>>
      %dma_start3A_81 = arith.constant 0 : i32
      %dma_start3A_82 = tpu.memref_slice %arg6[%arg0, %add3A_65, %dma_start3A_81] : memref<2x10240x64xf32, #tpu.memory_space<hbm>> -> memref<1x128x64xf32, #tpu.memory_space<hbm>>
      %dma_start3A_83 = tpu.memref_squeeze %dma_start3A_82 : memref<1x128x64xf32, #tpu.memory_space<hbm>> -> memref<128x64xf32, #tpu.memory_space<hbm>>
      tpu.enqueue_dma source(%arg14 : memref<128x64xf32, #tpu.memory_space<vmem>>) target(%dma_start3A_83 : memref<128x64xf32, #tpu.memory_space<hbm>>) target_semaphore(%run_scoped3A : memref<!tpu.dma_semaphore, #tpu.memory_space<semaphore_mem>>)
      %dma_wait3A = arith.constant 0 : i32
      %dma_wait3A_84 = tpu.memref_slice %arg6[%arg0, %add3A_65, %dma_wait3A] : memref<2x10240x64xf32, #tpu.memory_space<hbm>> -> memref<1x128x64xf32, #tpu.memory_space<hbm>>
      %dma_wait3A_85 = tpu.memref_squeeze %dma_wait3A_84 : memref<1x128x64xf32, #tpu.memory_space<hbm>> -> memref<128x64xf32, #tpu.memory_space<hbm>>
      %dma_wait3A_86 = arith.constant 0 : i32
      %dma_wait3A_87 = tpu.memref_slice %arg6[%arg0, %add3A_65, %dma_wait3A_86] : memref<2x10240x64xf32, #tpu.memory_space<hbm>> -> memref<1x128x64xf32, #tpu.memory_space<hbm>>
      %dma_wait3A_88 = tpu.memref_squeeze %dma_wait3A_87 : memref<1x128x64xf32, #tpu.memory_space<hbm>> -> memref<128x64xf32, #tpu.memory_space<hbm>>
      tpu.wait_dma2 semaphore(%run_scoped3A : memref<!tpu.dma_semaphore, #tpu.memory_space<semaphore_mem>>) src(%arg14 : memref<128x64xf32, #tpu.memory_space<vmem>>) dst(%dma_wait3A_88 : memref<128x64xf32, #tpu.memory_space<hbm>>)
      tpu.yield
    }) : () -> ()
    %mul3A_66 = arith.constant 640 : i32
    %mul3A_67 = arith.muli %arg1, %mul3A_66 : i32
    %add3A_68 = arith.constant 256 : i32
    %add3A_69 = arith.addi %mul3A_67, %add3A_68 : i32
    "tpu.region"() ({
      %run_scoped3A = tpu.sem_alloc : memref<!tpu.dma_semaphore, #tpu.memory_space<semaphore_mem>>
      %dma_start3A_78 = arith.constant 0 : i32
      %dma_start3A_79 = tpu.memref_slice %arg15[%add3A_69, %dma_start3A_78] : memref<10240x64xf32, #tpu.memory_space<vmem_shared>> -> memref<128x64xf32, #tpu.memory_space<vmem_shared>>
      %dma_start3A_80 = arith.constant 0 : i32
      %dma_start3A_81 = tpu.memref_slice %arg15[%add3A_69, %dma_start3A_80] : memref<10240x64xf32, #tpu.memory_space<vmem_shared>> -> memref<128x64xf32, #tpu.memory_space<vmem_shared>>
      tpu.enqueue_dma source(%dma_start3A_81 : memref<128x64xf32, #tpu.memory_space<vmem_shared>>) target(%arg14 : memref<128x64xf32, #tpu.memory_space<vmem>>) target_semaphore(%run_scoped3A : memref<!tpu.dma_semaphore, #tpu.memory_space<semaphore_mem>>)
      %dma_wait3A = arith.constant 0 : i32
      %dma_wait3A_82 = tpu.memref_slice %arg15[%add3A_69, %dma_wait3A] : memref<10240x64xf32, #tpu.memory_space<vmem_shared>> -> memref<128x64xf32, #tpu.memory_space<vmem_shared>>
      %dma_wait3A_83 = arith.constant 0 : i32
      %dma_wait3A_84 = tpu.memref_slice %arg15[%add3A_69, %dma_wait3A_83] : memref<10240x64xf32, #tpu.memory_space<vmem_shared>> -> memref<128x64xf32, #tpu.memory_space<vmem_shared>>
      tpu.wait_dma2 semaphore(%run_scoped3A : memref<!tpu.dma_semaphore, #tpu.memory_space<semaphore_mem>>) src(%dma_wait3A_84 : memref<128x64xf32, #tpu.memory_space<vmem_shared>>) dst(%arg14 : memref<128x64xf32, #tpu.memory_space<vmem>>)
      tpu.yield
    }) : () -> ()
    "tpu.region"() ({
      %run_scoped3A = tpu.sem_alloc : memref<!tpu.dma_semaphore, #tpu.memory_space<semaphore_mem>>
      %dma_start3A_78 = arith.constant 0 : i32
      %dma_start3A_79 = tpu.memref_slice %arg6[%arg0, %add3A_69, %dma_start3A_78] : memref<2x10240x64xf32, #tpu.memory_space<hbm>> -> memref<1x128x64xf32, #tpu.memory_space<hbm>>
      %dma_start3A_80 = tpu.memref_squeeze %dma_start3A_79 : memref<1x128x64xf32, #tpu.memory_space<hbm>> -> memref<128x64xf32, #tpu.memory_space<hbm>>
      %dma_start3A_81 = arith.constant 0 : i32
      %dma_start3A_82 = tpu.memref_slice %arg6[%arg0, %add3A_69, %dma_start3A_81] : memref<2x10240x64xf32, #tpu.memory_space<hbm>> -> memref<1x128x64xf32, #tpu.memory_space<hbm>>
      %dma_start3A_83 = tpu.memref_squeeze %dma_start3A_82 : memref<1x128x64xf32, #tpu.memory_space<hbm>> -> memref<128x64xf32, #tpu.memory_space<hbm>>
      tpu.enqueue_dma source(%arg14 : memref<128x64xf32, #tpu.memory_space<vmem>>) target(%dma_start3A_83 : memref<128x64xf32, #tpu.memory_space<hbm>>) target_semaphore(%run_scoped3A : memref<!tpu.dma_semaphore, #tpu.memory_space<semaphore_mem>>)
      %dma_wait3A = arith.constant 0 : i32
      %dma_wait3A_84 = tpu.memref_slice %arg6[%arg0, %add3A_69, %dma_wait3A] : memref<2x10240x64xf32, #tpu.memory_space<hbm>> -> memref<1x128x64xf32, #tpu.memory_space<hbm>>
      %dma_wait3A_85 = tpu.memref_squeeze %dma_wait3A_84 : memref<1x128x64xf32, #tpu.memory_space<hbm>> -> memref<128x64xf32, #tpu.memory_space<hbm>>
      %dma_wait3A_86 = arith.constant 0 : i32
      %dma_wait3A_87 = tpu.memref_slice %arg6[%arg0, %add3A_69, %dma_wait3A_86] : memref<2x10240x64xf32, #tpu.memory_space<hbm>> -> memref<1x128x64xf32, #tpu.memory_space<hbm>>
      %dma_wait3A_88 = tpu.memref_squeeze %dma_wait3A_87 : memref<1x128x64xf32, #tpu.memory_space<hbm>> -> memref<128x64xf32, #tpu.memory_space<hbm>>
      tpu.wait_dma2 semaphore(%run_scoped3A : memref<!tpu.dma_semaphore, #tpu.memory_space<semaphore_mem>>) src(%arg14 : memref<128x64xf32, #tpu.memory_space<vmem>>) dst(%dma_wait3A_88 : memref<128x64xf32, #tpu.memory_space<hbm>>)
      tpu.yield
    }) : () -> ()
    %mul3A_70 = arith.constant 640 : i32
    %mul3A_71 = arith.muli %arg1, %mul3A_70 : i32
    %add3A_72 = arith.constant 384 : i32
    %add3A_73 = arith.addi %mul3A_71, %add3A_72 : i32
    "tpu.region"() ({
      %run_scoped3A = tpu.sem_alloc : memref<!tpu.dma_semaphore, #tpu.memory_space<semaphore_mem>>
      %dma_start3A_78 = arith.constant 0 : i32
      %dma_start3A_79 = tpu.memref_slice %arg15[%add3A_73, %dma_start3A_78] : memref<10240x64xf32, #tpu.memory_space<vmem_shared>> -> memref<128x64xf32, #tpu.memory_space<vmem_shared>>
      %dma_start3A_80 = arith.constant 0 : i32
      %dma_start3A_81 = tpu.memref_slice %arg15[%add3A_73, %dma_start3A_80] : memref<10240x64xf32, #tpu.memory_space<vmem_shared>> -> memref<128x64xf32, #tpu.memory_space<vmem_shared>>
      tpu.enqueue_dma source(%dma_start3A_81 : memref<128x64xf32, #tpu.memory_space<vmem_shared>>) target(%arg14 : memref<128x64xf32, #tpu.memory_space<vmem>>) target_semaphore(%run_scoped3A : memref<!tpu.dma_semaphore, #tpu.memory_space<semaphore_mem>>)
      %dma_wait3A = arith.constant 0 : i32
      %dma_wait3A_82 = tpu.memref_slice %arg15[%add3A_73, %dma_wait3A] : memref<10240x64xf32, #tpu.memory_space<vmem_shared>> -> memref<128x64xf32, #tpu.memory_space<vmem_shared>>
      %dma_wait3A_83 = arith.constant 0 : i32
      %dma_wait3A_84 = tpu.memref_slice %arg15[%add3A_73, %dma_wait3A_83] : memref<10240x64xf32, #tpu.memory_space<vmem_shared>> -> memref<128x64xf32, #tpu.memory_space<vmem_shared>>
      tpu.wait_dma2 semaphore(%run_scoped3A : memref<!tpu.dma_semaphore, #tpu.memory_space<semaphore_mem>>) src(%dma_wait3A_84 : memref<128x64xf32, #tpu.memory_space<vmem_shared>>) dst(%arg14 : memref<128x64xf32, #tpu.memory_space<vmem>>)
      tpu.yield
    }) : () -> ()
    "tpu.region"() ({
      %run_scoped3A = tpu.sem_alloc : memref<!tpu.dma_semaphore, #tpu.memory_space<semaphore_mem>>
      %dma_start3A_78 = arith.constant 0 : i32
      %dma_start3A_79 = tpu.memref_slice %arg6[%arg0, %add3A_73, %dma_start3A_78] : memref<2x10240x64xf32, #tpu.memory_space<hbm>> -> memref<1x128x64xf32, #tpu.memory_space<hbm>>
      %dma_start3A_80 = tpu.memref_squeeze %dma_start3A_79 : memref<1x128x64xf32, #tpu.memory_space<hbm>> -> memref<128x64xf32, #tpu.memory_space<hbm>>
      %dma_start3A_81 = arith.constant 0 : i32
      %dma_start3A_82 = tpu.memref_slice %arg6[%arg0, %add3A_73, %dma_start3A_81] : memref<2x10240x64xf32, #tpu.memory_space<hbm>> -> memref<1x128x64xf32, #tpu.memory_space<hbm>>
      %dma_start3A_83 = tpu.memref_squeeze %dma_start3A_82 : memref<1x128x64xf32, #tpu.memory_space<hbm>> -> memref<128x64xf32, #tpu.memory_space<hbm>>
      tpu.enqueue_dma source(%arg14 : memref<128x64xf32, #tpu.memory_space<vmem>>) target(%dma_start3A_83 : memref<128x64xf32, #tpu.memory_space<hbm>>) target_semaphore(%run_scoped3A : memref<!tpu.dma_semaphore, #tpu.memory_space<semaphore_mem>>)
      %dma_wait3A = arith.constant 0 : i32
      %dma_wait3A_84 = tpu.memref_slice %arg6[%arg0, %add3A_73, %dma_wait3A] : memref<2x10240x64xf32, #tpu.memory_space<hbm>> -> memref<1x128x64xf32, #tpu.memory_space<hbm>>
      %dma_wait3A_85 = tpu.memref_squeeze %dma_wait3A_84 : memref<1x128x64xf32, #tpu.memory_space<hbm>> -> memref<128x64xf32, #tpu.memory_space<hbm>>
      %dma_wait3A_86 = arith.constant 0 : i32
      %dma_wait3A_87 = tpu.memref_slice %arg6[%arg0, %add3A_73, %dma_wait3A_86] : memref<2x10240x64xf32, #tpu.memory_space<hbm>> -> memref<1x128x64xf32, #tpu.memory_space<hbm>>
      %dma_wait3A_88 = tpu.memref_squeeze %dma_wait3A_87 : memref<1x128x64xf32, #tpu.memory_space<hbm>> -> memref<128x64xf32, #tpu.memory_space<hbm>>
      tpu.wait_dma2 semaphore(%run_scoped3A : memref<!tpu.dma_semaphore, #tpu.memory_space<semaphore_mem>>) src(%arg14 : memref<128x64xf32, #tpu.memory_space<vmem>>) dst(%dma_wait3A_88 : memref<128x64xf32, #tpu.memory_space<hbm>>)
      tpu.yield
    }) : () -> ()
    %mul3A_74 = arith.constant 640 : i32
    %mul3A_75 = arith.muli %arg1, %mul3A_74 : i32
    %add3A_76 = arith.constant 512 : i32
    %add3A_77 = arith.addi %mul3A_75, %add3A_76 : i32
    "tpu.region"() ({
      %run_scoped3A = tpu.sem_alloc : memref<!tpu.dma_semaphore, #tpu.memory_space<semaphore_mem>>
      %dma_start3A_78 = arith.constant 0 : i32
      %dma_start3A_79 = tpu.memref_slice %arg15[%add3A_77, %dma_start3A_78] : memref<10240x64xf32, #tpu.memory_space<vmem_shared>> -> memref<128x64xf32, #tpu.memory_space<vmem_shared>>
      %dma_start3A_80 = arith.constant 0 : i32
      %dma_start3A_81 = tpu.memref_slice %arg15[%add3A_77, %dma_start3A_80] : memref<10240x64xf32, #tpu.memory_space<vmem_shared>> -> memref<128x64xf32, #tpu.memory_space<vmem_shared>>
      tpu.enqueue_dma source(%dma_start3A_81 : memref<128x64xf32, #tpu.memory_space<vmem_shared>>) target(%arg14 : memref<128x64xf32, #tpu.memory_space<vmem>>) target_semaphore(%run_scoped3A : memref<!tpu.dma_semaphore, #tpu.memory_space<semaphore_mem>>)
      %dma_wait3A = arith.constant 0 : i32
      %dma_wait3A_82 = tpu.memref_slice %arg15[%add3A_77, %dma_wait3A] : memref<10240x64xf32, #tpu.memory_space<vmem_shared>> -> memref<128x64xf32, #tpu.memory_space<vmem_shared>>
      %dma_wait3A_83 = arith.constant 0 : i32
      %dma_wait3A_84 = tpu.memref_slice %arg15[%add3A_77, %dma_wait3A_83] : memref<10240x64xf32, #tpu.memory_space<vmem_shared>> -> memref<128x64xf32, #tpu.memory_space<vmem_shared>>
      tpu.wait_dma2 semaphore(%run_scoped3A : memref<!tpu.dma_semaphore, #tpu.memory_space<semaphore_mem>>) src(%dma_wait3A_84 : memref<128x64xf32, #tpu.memory_space<vmem_shared>>) dst(%arg14 : memref<128x64xf32, #tpu.memory_space<vmem>>)
      tpu.yield
    }) : () -> ()
    "tpu.region"() ({
      %run_scoped3A = tpu.sem_alloc : memref<!tpu.dma_semaphore, #tpu.memory_space<semaphore_mem>>
      %dma_start3A_78 = arith.constant 0 : i32
      %dma_start3A_79 = tpu.memref_slice %arg6[%arg0, %add3A_77, %dma_start3A_78] : memref<2x10240x64xf32, #tpu.memory_space<hbm>> -> memref<1x128x64xf32, #tpu.memory_space<hbm>>
      %dma_start3A_80 = tpu.memref_squeeze %dma_start3A_79 : memref<1x128x64xf32, #tpu.memory_space<hbm>> -> memref<128x64xf32, #tpu.memory_space<hbm>>
      %dma_start3A_81 = arith.constant 0 : i32
      %dma_start3A_82 = tpu.memref_slice %arg6[%arg0, %add3A_77, %dma_start3A_81] : memref<2x10240x64xf32, #tpu.memory_space<hbm>> -> memref<1x128x64xf32, #tpu.memory_space<hbm>>
      %dma_start3A_83 = tpu.memref_squeeze %dma_start3A_82 : memref<1x128x64xf32, #tpu.memory_space<hbm>> -> memref<128x64xf32, #tpu.memory_space<hbm>>
      tpu.enqueue_dma source(%arg14 : memref<128x64xf32, #tpu.memory_space<vmem>>) target(%dma_start3A_83 : memref<128x64xf32, #tpu.memory_space<hbm>>) target_semaphore(%run_scoped3A : memref<!tpu.dma_semaphore, #tpu.memory_space<semaphore_mem>>)
      %dma_wait3A = arith.constant 0 : i32
      %dma_wait3A_84 = tpu.memref_slice %arg6[%arg0, %add3A_77, %dma_wait3A] : memref<2x10240x64xf32, #tpu.memory_space<hbm>> -> memref<1x128x64xf32, #tpu.memory_space<hbm>>
      %dma_wait3A_85 = tpu.memref_squeeze %dma_wait3A_84 : memref<1x128x64xf32, #tpu.memory_space<hbm>> -> memref<128x64xf32, #tpu.memory_space<hbm>>
      %dma_wait3A_86 = arith.constant 0 : i32
      %dma_wait3A_87 = tpu.memref_slice %arg6[%arg0, %add3A_77, %dma_wait3A_86] : memref<2x10240x64xf32, #tpu.memory_space<hbm>> -> memref<1x128x64xf32, #tpu.memory_space<hbm>>
      %dma_wait3A_88 = tpu.memref_squeeze %dma_wait3A_87 : memref<1x128x64xf32, #tpu.memory_space<hbm>> -> memref<128x64xf32, #tpu.memory_space<hbm>>
      tpu.wait_dma2 semaphore(%run_scoped3A : memref<!tpu.dma_semaphore, #tpu.memory_space<semaphore_mem>>) src(%arg14 : memref<128x64xf32, #tpu.memory_space<vmem>>) dst(%dma_wait3A_88 : memref<128x64xf32, #tpu.memory_space<hbm>>)
      tpu.yield
    }) : () -> ()
    return
  }
}

#map = affine_map<(d0, d1) -> (0, 0, 0)>
#map1 = affine_map<(d0, d1) -> (0, 0)>
module attributes {stable_mosaic.version = 14 : i64} {
  func.func @_sc_deg_body(%arg0: i32, %arg1: i32, %arg2: memref<16x160x128xi32, #tpu.memory_space<hbm>>, %arg3: memref<128x16xf32, #tpu.memory_space<hbm>>, %arg4: memref<128x16xf32, #tpu.memory_space<hbm>>, %arg5: memref<2x10240x16xf32, #tpu.memory_space<hbm>>, %arg6: memref<160x128xi32, #tpu.memory_space<vmem>>, %arg7: memref<128x16xf32, #tpu.memory_space<vmem>>, %arg8: memref<128x16xf32, #tpu.memory_space<vmem>>, %arg9: memref<10240x16xf32, #tpu.memory_space<vmem_shared>>, %arg10: memref<!tpu.dma_semaphore, #tpu.memory_space<semaphore_mem>>) attributes {dimension_semantics = [#tpu.dimension_semantics<core_parallel>, #tpu.dimension_semantics<subcore_parallel>], iteration_bounds = array<i64: 2, 16>, scalar_prefetch = 0 : i64, scratch_operands = 5 : i64, tpu.core_type = #tpu.core_type<sc_vector_subcore>, window_params = [{transform_indices = #map}, {transform_indices = #map1}, {transform_indices = #map1}, {transform_indices = #map}]} {
    "tpu.region"() ({
      %run_scoped3A = tpu.sem_alloc : memref<!tpu.dma_semaphore, #tpu.memory_space<semaphore_mem>>
      %dma_start3A = arith.constant 0 : i32
      %dma_start3A_53 = arith.constant 0 : i32
      %dma_start3A_54 = tpu.memref_slice %arg2[%arg1, %dma_start3A, %dma_start3A_53] : memref<16x160x128xi32, #tpu.memory_space<hbm>> -> memref<1x160x128xi32, #tpu.memory_space<hbm>>
      %dma_start3A_55 = tpu.memref_squeeze %dma_start3A_54 : memref<1x160x128xi32, #tpu.memory_space<hbm>> -> memref<160x128xi32, #tpu.memory_space<hbm>>
      %dma_start3A_56 = arith.constant 0 : i32
      %dma_start3A_57 = arith.constant 0 : i32
      %dma_start3A_58 = tpu.memref_slice %arg2[%arg1, %dma_start3A_56, %dma_start3A_57] : memref<16x160x128xi32, #tpu.memory_space<hbm>> -> memref<1x160x128xi32, #tpu.memory_space<hbm>>
      %dma_start3A_59 = tpu.memref_squeeze %dma_start3A_58 : memref<1x160x128xi32, #tpu.memory_space<hbm>> -> memref<160x128xi32, #tpu.memory_space<hbm>>
      tpu.enqueue_dma source(%dma_start3A_59 : memref<160x128xi32, #tpu.memory_space<hbm>>) target(%arg6 : memref<160x128xi32, #tpu.memory_space<vmem>>) target_semaphore(%run_scoped3A : memref<!tpu.dma_semaphore, #tpu.memory_space<semaphore_mem>>)
      %dma_wait3A = arith.constant 0 : i32
      %dma_wait3A_60 = arith.constant 0 : i32
      %dma_wait3A_61 = tpu.memref_slice %arg2[%arg1, %dma_wait3A, %dma_wait3A_60] : memref<16x160x128xi32, #tpu.memory_space<hbm>> -> memref<1x160x128xi32, #tpu.memory_space<hbm>>
      %dma_wait3A_62 = tpu.memref_squeeze %dma_wait3A_61 : memref<1x160x128xi32, #tpu.memory_space<hbm>> -> memref<160x128xi32, #tpu.memory_space<hbm>>
      %dma_wait3A_63 = arith.constant 0 : i32
      %dma_wait3A_64 = arith.constant 0 : i32
      %dma_wait3A_65 = tpu.memref_slice %arg2[%arg1, %dma_wait3A_63, %dma_wait3A_64] : memref<16x160x128xi32, #tpu.memory_space<hbm>> -> memref<1x160x128xi32, #tpu.memory_space<hbm>>
      %dma_wait3A_66 = tpu.memref_squeeze %dma_wait3A_65 : memref<1x160x128xi32, #tpu.memory_space<hbm>> -> memref<160x128xi32, #tpu.memory_space<hbm>>
      tpu.wait_dma2 semaphore(%run_scoped3A : memref<!tpu.dma_semaphore, #tpu.memory_space<semaphore_mem>>) src(%dma_wait3A_66 : memref<160x128xi32, #tpu.memory_space<hbm>>) dst(%arg6 : memref<160x128xi32, #tpu.memory_space<vmem>>)
      tpu.yield
    }) : () -> ()
    "tpu.region"() ({
      %run_scoped3A = tpu.sem_alloc : memref<!tpu.dma_semaphore, #tpu.memory_space<semaphore_mem>>
      tpu.enqueue_dma source(%arg3 : memref<128x16xf32, #tpu.memory_space<hbm>>) target(%arg7 : memref<128x16xf32, #tpu.memory_space<vmem>>) target_semaphore(%run_scoped3A : memref<!tpu.dma_semaphore, #tpu.memory_space<semaphore_mem>>)
      tpu.wait_dma2 semaphore(%run_scoped3A : memref<!tpu.dma_semaphore, #tpu.memory_space<semaphore_mem>>) src(%arg3 : memref<128x16xf32, #tpu.memory_space<hbm>>) dst(%arg7 : memref<128x16xf32, #tpu.memory_space<vmem>>)
      tpu.yield
    }) : () -> ()
    "tpu.region"() ({
      %run_scoped3A = tpu.sem_alloc : memref<!tpu.dma_semaphore, #tpu.memory_space<semaphore_mem>>
      tpu.enqueue_dma source(%arg4 : memref<128x16xf32, #tpu.memory_space<hbm>>) target(%arg8 : memref<128x16xf32, #tpu.memory_space<vmem>>) target_semaphore(%run_scoped3A : memref<!tpu.dma_semaphore, #tpu.memory_space<semaphore_mem>>)
      tpu.wait_dma2 semaphore(%run_scoped3A : memref<!tpu.dma_semaphore, #tpu.memory_space<semaphore_mem>>) src(%arg4 : memref<128x16xf32, #tpu.memory_space<hbm>>) dst(%arg8 : memref<128x16xf32, #tpu.memory_space<vmem>>)
      tpu.yield
    }) : () -> ()
    %mul3A = arith.constant 640 : i32
    %mul3A_0 = arith.muli %arg1, %mul3A : i32
    %add3A = arith.constant 0 : i32
    %add3A_1 = arith.addi %mul3A_0, %add3A : i32
    "tpu.region"() ({
      %run_scoped3A = tpu.sem_alloc : memref<!tpu.dma_semaphore, #tpu.memory_space<semaphore_mem>>
      %dma_start3A = arith.constant 0 : i32
      %dma_start3A_53 = tpu.memref_slice %arg9[%add3A_1, %dma_start3A] : memref<10240x16xf32, #tpu.memory_space<vmem_shared>> -> memref<128x16xf32, #tpu.memory_space<vmem_shared>>
      %dma_start3A_54 = arith.constant 0 : i32
      %dma_start3A_55 = tpu.memref_slice %arg9[%add3A_1, %dma_start3A_54] : memref<10240x16xf32, #tpu.memory_space<vmem_shared>> -> memref<128x16xf32, #tpu.memory_space<vmem_shared>>
      tpu.enqueue_dma source(%arg8 : memref<128x16xf32, #tpu.memory_space<vmem>>) target(%dma_start3A_55 : memref<128x16xf32, #tpu.memory_space<vmem_shared>>) target_semaphore(%run_scoped3A : memref<!tpu.dma_semaphore, #tpu.memory_space<semaphore_mem>>)
      %dma_wait3A = arith.constant 0 : i32
      %dma_wait3A_56 = tpu.memref_slice %arg9[%add3A_1, %dma_wait3A] : memref<10240x16xf32, #tpu.memory_space<vmem_shared>> -> memref<128x16xf32, #tpu.memory_space<vmem_shared>>
      %dma_wait3A_57 = arith.constant 0 : i32
      %dma_wait3A_58 = tpu.memref_slice %arg9[%add3A_1, %dma_wait3A_57] : memref<10240x16xf32, #tpu.memory_space<vmem_shared>> -> memref<128x16xf32, #tpu.memory_space<vmem_shared>>
      tpu.wait_dma2 semaphore(%run_scoped3A : memref<!tpu.dma_semaphore, #tpu.memory_space<semaphore_mem>>) src(%arg8 : memref<128x16xf32, #tpu.memory_space<vmem>>) dst(%dma_wait3A_58 : memref<128x16xf32, #tpu.memory_space<vmem_shared>>)
      tpu.yield
    }) : () -> ()
    %mul3A_2 = arith.constant 640 : i32
    %mul3A_3 = arith.muli %arg1, %mul3A_2 : i32
    %add3A_4 = arith.constant 128 : i32
    %add3A_5 = arith.addi %mul3A_3, %add3A_4 : i32
    "tpu.region"() ({
      %run_scoped3A = tpu.sem_alloc : memref<!tpu.dma_semaphore, #tpu.memory_space<semaphore_mem>>
      %dma_start3A = arith.constant 0 : i32
      %dma_start3A_53 = tpu.memref_slice %arg9[%add3A_5, %dma_start3A] : memref<10240x16xf32, #tpu.memory_space<vmem_shared>> -> memref<128x16xf32, #tpu.memory_space<vmem_shared>>
      %dma_start3A_54 = arith.constant 0 : i32
      %dma_start3A_55 = tpu.memref_slice %arg9[%add3A_5, %dma_start3A_54] : memref<10240x16xf32, #tpu.memory_space<vmem_shared>> -> memref<128x16xf32, #tpu.memory_space<vmem_shared>>
      tpu.enqueue_dma source(%arg8 : memref<128x16xf32, #tpu.memory_space<vmem>>) target(%dma_start3A_55 : memref<128x16xf32, #tpu.memory_space<vmem_shared>>) target_semaphore(%run_scoped3A : memref<!tpu.dma_semaphore, #tpu.memory_space<semaphore_mem>>)
      %dma_wait3A = arith.constant 0 : i32
      %dma_wait3A_56 = tpu.memref_slice %arg9[%add3A_5, %dma_wait3A] : memref<10240x16xf32, #tpu.memory_space<vmem_shared>> -> memref<128x16xf32, #tpu.memory_space<vmem_shared>>
      %dma_wait3A_57 = arith.constant 0 : i32
      %dma_wait3A_58 = tpu.memref_slice %arg9[%add3A_5, %dma_wait3A_57] : memref<10240x16xf32, #tpu.memory_space<vmem_shared>> -> memref<128x16xf32, #tpu.memory_space<vmem_shared>>
      tpu.wait_dma2 semaphore(%run_scoped3A : memref<!tpu.dma_semaphore, #tpu.memory_space<semaphore_mem>>) src(%arg8 : memref<128x16xf32, #tpu.memory_space<vmem>>) dst(%dma_wait3A_58 : memref<128x16xf32, #tpu.memory_space<vmem_shared>>)
      tpu.yield
    }) : () -> ()
    %mul3A_6 = arith.constant 640 : i32
    %mul3A_7 = arith.muli %arg1, %mul3A_6 : i32
    %add3A_8 = arith.constant 256 : i32
    %add3A_9 = arith.addi %mul3A_7, %add3A_8 : i32
    "tpu.region"() ({
      %run_scoped3A = tpu.sem_alloc : memref<!tpu.dma_semaphore, #tpu.memory_space<semaphore_mem>>
      %dma_start3A = arith.constant 0 : i32
      %dma_start3A_53 = tpu.memref_slice %arg9[%add3A_9, %dma_start3A] : memref<10240x16xf32, #tpu.memory_space<vmem_shared>> -> memref<128x16xf32, #tpu.memory_space<vmem_shared>>
      %dma_start3A_54 = arith.constant 0 : i32
      %dma_start3A_55 = tpu.memref_slice %arg9[%add3A_9, %dma_start3A_54] : memref<10240x16xf32, #tpu.memory_space<vmem_shared>> -> memref<128x16xf32, #tpu.memory_space<vmem_shared>>
      tpu.enqueue_dma source(%arg8 : memref<128x16xf32, #tpu.memory_space<vmem>>) target(%dma_start3A_55 : memref<128x16xf32, #tpu.memory_space<vmem_shared>>) target_semaphore(%run_scoped3A : memref<!tpu.dma_semaphore, #tpu.memory_space<semaphore_mem>>)
      %dma_wait3A = arith.constant 0 : i32
      %dma_wait3A_56 = tpu.memref_slice %arg9[%add3A_9, %dma_wait3A] : memref<10240x16xf32, #tpu.memory_space<vmem_shared>> -> memref<128x16xf32, #tpu.memory_space<vmem_shared>>
      %dma_wait3A_57 = arith.constant 0 : i32
      %dma_wait3A_58 = tpu.memref_slice %arg9[%add3A_9, %dma_wait3A_57] : memref<10240x16xf32, #tpu.memory_space<vmem_shared>> -> memref<128x16xf32, #tpu.memory_space<vmem_shared>>
      tpu.wait_dma2 semaphore(%run_scoped3A : memref<!tpu.dma_semaphore, #tpu.memory_space<semaphore_mem>>) src(%arg8 : memref<128x16xf32, #tpu.memory_space<vmem>>) dst(%dma_wait3A_58 : memref<128x16xf32, #tpu.memory_space<vmem_shared>>)
      tpu.yield
    }) : () -> ()
    %mul3A_10 = arith.constant 640 : i32
    %mul3A_11 = arith.muli %arg1, %mul3A_10 : i32
    %add3A_12 = arith.constant 384 : i32
    %add3A_13 = arith.addi %mul3A_11, %add3A_12 : i32
    "tpu.region"() ({
      %run_scoped3A = tpu.sem_alloc : memref<!tpu.dma_semaphore, #tpu.memory_space<semaphore_mem>>
      %dma_start3A = arith.constant 0 : i32
      %dma_start3A_53 = tpu.memref_slice %arg9[%add3A_13, %dma_start3A] : memref<10240x16xf32, #tpu.memory_space<vmem_shared>> -> memref<128x16xf32, #tpu.memory_space<vmem_shared>>
      %dma_start3A_54 = arith.constant 0 : i32
      %dma_start3A_55 = tpu.memref_slice %arg9[%add3A_13, %dma_start3A_54] : memref<10240x16xf32, #tpu.memory_space<vmem_shared>> -> memref<128x16xf32, #tpu.memory_space<vmem_shared>>
      tpu.enqueue_dma source(%arg8 : memref<128x16xf32, #tpu.memory_space<vmem>>) target(%dma_start3A_55 : memref<128x16xf32, #tpu.memory_space<vmem_shared>>) target_semaphore(%run_scoped3A : memref<!tpu.dma_semaphore, #tpu.memory_space<semaphore_mem>>)
      %dma_wait3A = arith.constant 0 : i32
      %dma_wait3A_56 = tpu.memref_slice %arg9[%add3A_13, %dma_wait3A] : memref<10240x16xf32, #tpu.memory_space<vmem_shared>> -> memref<128x16xf32, #tpu.memory_space<vmem_shared>>
      %dma_wait3A_57 = arith.constant 0 : i32
      %dma_wait3A_58 = tpu.memref_slice %arg9[%add3A_13, %dma_wait3A_57] : memref<10240x16xf32, #tpu.memory_space<vmem_shared>> -> memref<128x16xf32, #tpu.memory_space<vmem_shared>>
      tpu.wait_dma2 semaphore(%run_scoped3A : memref<!tpu.dma_semaphore, #tpu.memory_space<semaphore_mem>>) src(%arg8 : memref<128x16xf32, #tpu.memory_space<vmem>>) dst(%dma_wait3A_58 : memref<128x16xf32, #tpu.memory_space<vmem_shared>>)
      tpu.yield
    }) : () -> ()
    %mul3A_14 = arith.constant 640 : i32
    %mul3A_15 = arith.muli %arg1, %mul3A_14 : i32
    %add3A_16 = arith.constant 512 : i32
    %add3A_17 = arith.addi %mul3A_15, %add3A_16 : i32
    "tpu.region"() ({
      %run_scoped3A = tpu.sem_alloc : memref<!tpu.dma_semaphore, #tpu.memory_space<semaphore_mem>>
      %dma_start3A = arith.constant 0 : i32
      %dma_start3A_53 = tpu.memref_slice %arg9[%add3A_17, %dma_start3A] : memref<10240x16xf32, #tpu.memory_space<vmem_shared>> -> memref<128x16xf32, #tpu.memory_space<vmem_shared>>
      %dma_start3A_54 = arith.constant 0 : i32
      %dma_start3A_55 = tpu.memref_slice %arg9[%add3A_17, %dma_start3A_54] : memref<10240x16xf32, #tpu.memory_space<vmem_shared>> -> memref<128x16xf32, #tpu.memory_space<vmem_shared>>
      tpu.enqueue_dma source(%arg8 : memref<128x16xf32, #tpu.memory_space<vmem>>) target(%dma_start3A_55 : memref<128x16xf32, #tpu.memory_space<vmem_shared>>) target_semaphore(%run_scoped3A : memref<!tpu.dma_semaphore, #tpu.memory_space<semaphore_mem>>)
      %dma_wait3A = arith.constant 0 : i32
      %dma_wait3A_56 = tpu.memref_slice %arg9[%add3A_17, %dma_wait3A] : memref<10240x16xf32, #tpu.memory_space<vmem_shared>> -> memref<128x16xf32, #tpu.memory_space<vmem_shared>>
      %dma_wait3A_57 = arith.constant 0 : i32
      %dma_wait3A_58 = tpu.memref_slice %arg9[%add3A_17, %dma_wait3A_57] : memref<10240x16xf32, #tpu.memory_space<vmem_shared>> -> memref<128x16xf32, #tpu.memory_space<vmem_shared>>
      tpu.wait_dma2 semaphore(%run_scoped3A : memref<!tpu.dma_semaphore, #tpu.memory_space<semaphore_mem>>) src(%arg8 : memref<128x16xf32, #tpu.memory_space<vmem>>) dst(%dma_wait3A_58 : memref<128x16xf32, #tpu.memory_space<vmem_shared>>)
      tpu.yield
    }) : () -> ()
    %barrier3A = arith.constant 0 : index
    tpu.barrier barrier_id(%barrier3A)
    %mul3A_18 = arith.constant 80 : i32
    %mul3A_19 = arith.muli %arg0, %mul3A_18 : i32
    %add3A_20 = arith.constant 1 : i32
    %add3A_21 = arith.addi %arg0, %add3A_20 : i32
    %mul3A_22 = arith.constant 80 : i32
    %mul3A_23 = arith.muli %add3A_21, %mul3A_22 : i32
    %while3A = arith.constant 0 : i32
    %while3A_24 = arith.subi %mul3A_23, %mul3A_19 : i32
    %while3A_25 = arith.addi %mul3A_19, %while3A_24 : i32
    %while3A_26 = arith.constant 1 : i32
    %while3A_27 = arith.divsi %while3A_24, %while3A_26 : i32
    %while3A_28 = arith.muli %while3A_27, %while3A_26 : i32
    %while3A_29 = arith.addi %mul3A_19, %while3A_28 : i32
    %while3A_30 = arith.constant 1 : i32
    scf.for %while3A_53 = %mul3A_19 to %while3A_29 step %while3A_30  : i32 {
      "tpu.region"() ({
        %run_scoped3A = tpu.sem_alloc : memref<!tpu.dma_semaphore, #tpu.memory_space<semaphore_mem>>
        %dma_start3A = arith.constant 0 : i32
        %dma_start3A_54 = tpu.memref_slice %arg6[%while3A_53, %dma_start3A] : memref<160x128xi32, #tpu.memory_space<vmem>> -> memref<1x128xi32, #tpu.memory_space<vmem>>
        %dma_start3A_55 = tpu.memref_squeeze %dma_start3A_54 : memref<1x128xi32, #tpu.memory_space<vmem>> -> memref<128xi32, #tpu.memory_space<vmem>>
        %dma_start3A_56 = arith.constant 0 : i32
        %dma_start3A_57 = arith.constant 0 : i32
        %dma_start3A_58 = tpu.memref_slice %arg9[%dma_start3A_56, %dma_start3A_57] : memref<10240x16xf32, #tpu.memory_space<vmem_shared>> -> memref<10240x16xf32, #tpu.memory_space<vmem_shared>>
        tpu.enqueue_indirect_dma source(%arg7 : memref<128x16xf32, #tpu.memory_space<vmem>>) target(%dma_start3A_58 : memref<10240x16xf32, #tpu.memory_space<vmem_shared>>) offsets(%dma_start3A_55 : memref<128xi32, #tpu.memory_space<vmem>>) semaphore(%run_scoped3A : memref<!tpu.dma_semaphore, #tpu.memory_space<semaphore_mem>>) {add = true}
        %dma_wait3A = arith.constant 0 : i32
        %dma_wait3A_59 = tpu.memref_slice %arg6[%while3A_53, %dma_wait3A] : memref<160x128xi32, #tpu.memory_space<vmem>> -> memref<1x128xi32, #tpu.memory_space<vmem>>
        %dma_wait3A_60 = tpu.memref_squeeze %dma_wait3A_59 : memref<1x128xi32, #tpu.memory_space<vmem>> -> memref<128xi32, #tpu.memory_space<vmem>>
        %dma_wait3A_61 = arith.constant 0 : i32
        %dma_wait3A_62 = arith.constant 0 : i32
        %dma_wait3A_63 = tpu.memref_slice %arg9[%dma_wait3A_61, %dma_wait3A_62] : memref<10240x16xf32, #tpu.memory_space<vmem_shared>> -> memref<10240x16xf32, #tpu.memory_space<vmem_shared>>
        tpu.wait_indirect_dma semaphore(%run_scoped3A : memref<!tpu.dma_semaphore, #tpu.memory_space<semaphore_mem>>) src(%arg7 : memref<128x16xf32, #tpu.memory_space<vmem>>) dst(%dma_wait3A_63 : memref<10240x16xf32, #tpu.memory_space<vmem_shared>>)
        tpu.yield
      }) : () -> ()
    }
    %while3A_31 = arith.constant 1 : i32
    scf.for %while3A_53 = %while3A_29 to %while3A_25 step %while3A_31  : i32 {
      "tpu.region"() ({
        %run_scoped3A = tpu.sem_alloc : memref<!tpu.dma_semaphore, #tpu.memory_space<semaphore_mem>>
        %dma_start3A = arith.constant 0 : i32
        %dma_start3A_54 = tpu.memref_slice %arg6[%while3A_53, %dma_start3A] : memref<160x128xi32, #tpu.memory_space<vmem>> -> memref<1x128xi32, #tpu.memory_space<vmem>>
        %dma_start3A_55 = tpu.memref_squeeze %dma_start3A_54 : memref<1x128xi32, #tpu.memory_space<vmem>> -> memref<128xi32, #tpu.memory_space<vmem>>
        %dma_start3A_56 = arith.constant 0 : i32
        %dma_start3A_57 = arith.constant 0 : i32
        %dma_start3A_58 = tpu.memref_slice %arg9[%dma_start3A_56, %dma_start3A_57] : memref<10240x16xf32, #tpu.memory_space<vmem_shared>> -> memref<10240x16xf32, #tpu.memory_space<vmem_shared>>
        tpu.enqueue_indirect_dma source(%arg7 : memref<128x16xf32, #tpu.memory_space<vmem>>) target(%dma_start3A_58 : memref<10240x16xf32, #tpu.memory_space<vmem_shared>>) offsets(%dma_start3A_55 : memref<128xi32, #tpu.memory_space<vmem>>) semaphore(%run_scoped3A : memref<!tpu.dma_semaphore, #tpu.memory_space<semaphore_mem>>) {add = true}
        %dma_wait3A = arith.constant 0 : i32
        %dma_wait3A_59 = tpu.memref_slice %arg6[%while3A_53, %dma_wait3A] : memref<160x128xi32, #tpu.memory_space<vmem>> -> memref<1x128xi32, #tpu.memory_space<vmem>>
        %dma_wait3A_60 = tpu.memref_squeeze %dma_wait3A_59 : memref<1x128xi32, #tpu.memory_space<vmem>> -> memref<128xi32, #tpu.memory_space<vmem>>
        %dma_wait3A_61 = arith.constant 0 : i32
        %dma_wait3A_62 = arith.constant 0 : i32
        %dma_wait3A_63 = tpu.memref_slice %arg9[%dma_wait3A_61, %dma_wait3A_62] : memref<10240x16xf32, #tpu.memory_space<vmem_shared>> -> memref<10240x16xf32, #tpu.memory_space<vmem_shared>>
        tpu.wait_indirect_dma semaphore(%run_scoped3A : memref<!tpu.dma_semaphore, #tpu.memory_space<semaphore_mem>>) src(%arg7 : memref<128x16xf32, #tpu.memory_space<vmem>>) dst(%dma_wait3A_63 : memref<10240x16xf32, #tpu.memory_space<vmem_shared>>)
        tpu.yield
      }) : () -> ()
    }
    %barrier3A_32 = arith.constant 0 : index
    tpu.barrier barrier_id(%barrier3A_32)
    %mul3A_33 = arith.constant 640 : i32
    %mul3A_34 = arith.muli %arg1, %mul3A_33 : i32
    %add3A_35 = arith.constant 0 : i32
    %add3A_36 = arith.addi %mul3A_34, %add3A_35 : i32
    "tpu.region"() ({
      %run_scoped3A = tpu.sem_alloc : memref<!tpu.dma_semaphore, #tpu.memory_space<semaphore_mem>>
      %dma_start3A = arith.constant 0 : i32
      %dma_start3A_53 = tpu.memref_slice %arg9[%add3A_36, %dma_start3A] : memref<10240x16xf32, #tpu.memory_space<vmem_shared>> -> memref<128x16xf32, #tpu.memory_space<vmem_shared>>
      %dma_start3A_54 = arith.constant 0 : i32
      %dma_start3A_55 = tpu.memref_slice %arg9[%add3A_36, %dma_start3A_54] : memref<10240x16xf32, #tpu.memory_space<vmem_shared>> -> memref<128x16xf32, #tpu.memory_space<vmem_shared>>
      tpu.enqueue_dma source(%dma_start3A_55 : memref<128x16xf32, #tpu.memory_space<vmem_shared>>) target(%arg8 : memref<128x16xf32, #tpu.memory_space<vmem>>) target_semaphore(%run_scoped3A : memref<!tpu.dma_semaphore, #tpu.memory_space<semaphore_mem>>)
      %dma_wait3A = arith.constant 0 : i32
      %dma_wait3A_56 = tpu.memref_slice %arg9[%add3A_36, %dma_wait3A] : memref<10240x16xf32, #tpu.memory_space<vmem_shared>> -> memref<128x16xf32, #tpu.memory_space<vmem_shared>>
      %dma_wait3A_57 = arith.constant 0 : i32
      %dma_wait3A_58 = tpu.memref_slice %arg9[%add3A_36, %dma_wait3A_57] : memref<10240x16xf32, #tpu.memory_space<vmem_shared>> -> memref<128x16xf32, #tpu.memory_space<vmem_shared>>
      tpu.wait_dma2 semaphore(%run_scoped3A : memref<!tpu.dma_semaphore, #tpu.memory_space<semaphore_mem>>) src(%dma_wait3A_58 : memref<128x16xf32, #tpu.memory_space<vmem_shared>>) dst(%arg8 : memref<128x16xf32, #tpu.memory_space<vmem>>)
      tpu.yield
    }) : () -> ()
    "tpu.region"() ({
      %run_scoped3A = tpu.sem_alloc : memref<!tpu.dma_semaphore, #tpu.memory_space<semaphore_mem>>
      %dma_start3A = arith.constant 0 : i32
      %dma_start3A_53 = tpu.memref_slice %arg5[%arg0, %add3A_36, %dma_start3A] : memref<2x10240x16xf32, #tpu.memory_space<hbm>> -> memref<1x128x16xf32, #tpu.memory_space<hbm>>
      %dma_start3A_54 = tpu.memref_squeeze %dma_start3A_53 : memref<1x128x16xf32, #tpu.memory_space<hbm>> -> memref<128x16xf32, #tpu.memory_space<hbm>>
      %dma_start3A_55 = arith.constant 0 : i32
      %dma_start3A_56 = tpu.memref_slice %arg5[%arg0, %add3A_36, %dma_start3A_55] : memref<2x10240x16xf32, #tpu.memory_space<hbm>> -> memref<1x128x16xf32, #tpu.memory_space<hbm>>
      %dma_start3A_57 = tpu.memref_squeeze %dma_start3A_56 : memref<1x128x16xf32, #tpu.memory_space<hbm>> -> memref<128x16xf32, #tpu.memory_space<hbm>>
      tpu.enqueue_dma source(%arg8 : memref<128x16xf32, #tpu.memory_space<vmem>>) target(%dma_start3A_57 : memref<128x16xf32, #tpu.memory_space<hbm>>) target_semaphore(%run_scoped3A : memref<!tpu.dma_semaphore, #tpu.memory_space<semaphore_mem>>)
      %dma_wait3A = arith.constant 0 : i32
      %dma_wait3A_58 = tpu.memref_slice %arg5[%arg0, %add3A_36, %dma_wait3A] : memref<2x10240x16xf32, #tpu.memory_space<hbm>> -> memref<1x128x16xf32, #tpu.memory_space<hbm>>
      %dma_wait3A_59 = tpu.memref_squeeze %dma_wait3A_58 : memref<1x128x16xf32, #tpu.memory_space<hbm>> -> memref<128x16xf32, #tpu.memory_space<hbm>>
      %dma_wait3A_60 = arith.constant 0 : i32
      %dma_wait3A_61 = tpu.memref_slice %arg5[%arg0, %add3A_36, %dma_wait3A_60] : memref<2x10240x16xf32, #tpu.memory_space<hbm>> -> memref<1x128x16xf32, #tpu.memory_space<hbm>>
      %dma_wait3A_62 = tpu.memref_squeeze %dma_wait3A_61 : memref<1x128x16xf32, #tpu.memory_space<hbm>> -> memref<128x16xf32, #tpu.memory_space<hbm>>
      tpu.wait_dma2 semaphore(%run_scoped3A : memref<!tpu.dma_semaphore, #tpu.memory_space<semaphore_mem>>) src(%arg8 : memref<128x16xf32, #tpu.memory_space<vmem>>) dst(%dma_wait3A_62 : memref<128x16xf32, #tpu.memory_space<hbm>>)
      tpu.yield
    }) : () -> ()
    %mul3A_37 = arith.constant 640 : i32
    %mul3A_38 = arith.muli %arg1, %mul3A_37 : i32
    %add3A_39 = arith.constant 128 : i32
    %add3A_40 = arith.addi %mul3A_38, %add3A_39 : i32
    "tpu.region"() ({
      %run_scoped3A = tpu.sem_alloc : memref<!tpu.dma_semaphore, #tpu.memory_space<semaphore_mem>>
      %dma_start3A = arith.constant 0 : i32
      %dma_start3A_53 = tpu.memref_slice %arg9[%add3A_40, %dma_start3A] : memref<10240x16xf32, #tpu.memory_space<vmem_shared>> -> memref<128x16xf32, #tpu.memory_space<vmem_shared>>
      %dma_start3A_54 = arith.constant 0 : i32
      %dma_start3A_55 = tpu.memref_slice %arg9[%add3A_40, %dma_start3A_54] : memref<10240x16xf32, #tpu.memory_space<vmem_shared>> -> memref<128x16xf32, #tpu.memory_space<vmem_shared>>
      tpu.enqueue_dma source(%dma_start3A_55 : memref<128x16xf32, #tpu.memory_space<vmem_shared>>) target(%arg8 : memref<128x16xf32, #tpu.memory_space<vmem>>) target_semaphore(%run_scoped3A : memref<!tpu.dma_semaphore, #tpu.memory_space<semaphore_mem>>)
      %dma_wait3A = arith.constant 0 : i32
      %dma_wait3A_56 = tpu.memref_slice %arg9[%add3A_40, %dma_wait3A] : memref<10240x16xf32, #tpu.memory_space<vmem_shared>> -> memref<128x16xf32, #tpu.memory_space<vmem_shared>>
      %dma_wait3A_57 = arith.constant 0 : i32
      %dma_wait3A_58 = tpu.memref_slice %arg9[%add3A_40, %dma_wait3A_57] : memref<10240x16xf32, #tpu.memory_space<vmem_shared>> -> memref<128x16xf32, #tpu.memory_space<vmem_shared>>
      tpu.wait_dma2 semaphore(%run_scoped3A : memref<!tpu.dma_semaphore, #tpu.memory_space<semaphore_mem>>) src(%dma_wait3A_58 : memref<128x16xf32, #tpu.memory_space<vmem_shared>>) dst(%arg8 : memref<128x16xf32, #tpu.memory_space<vmem>>)
      tpu.yield
    }) : () -> ()
    "tpu.region"() ({
      %run_scoped3A = tpu.sem_alloc : memref<!tpu.dma_semaphore, #tpu.memory_space<semaphore_mem>>
      %dma_start3A = arith.constant 0 : i32
      %dma_start3A_53 = tpu.memref_slice %arg5[%arg0, %add3A_40, %dma_start3A] : memref<2x10240x16xf32, #tpu.memory_space<hbm>> -> memref<1x128x16xf32, #tpu.memory_space<hbm>>
      %dma_start3A_54 = tpu.memref_squeeze %dma_start3A_53 : memref<1x128x16xf32, #tpu.memory_space<hbm>> -> memref<128x16xf32, #tpu.memory_space<hbm>>
      %dma_start3A_55 = arith.constant 0 : i32
      %dma_start3A_56 = tpu.memref_slice %arg5[%arg0, %add3A_40, %dma_start3A_55] : memref<2x10240x16xf32, #tpu.memory_space<hbm>> -> memref<1x128x16xf32, #tpu.memory_space<hbm>>
      %dma_start3A_57 = tpu.memref_squeeze %dma_start3A_56 : memref<1x128x16xf32, #tpu.memory_space<hbm>> -> memref<128x16xf32, #tpu.memory_space<hbm>>
      tpu.enqueue_dma source(%arg8 : memref<128x16xf32, #tpu.memory_space<vmem>>) target(%dma_start3A_57 : memref<128x16xf32, #tpu.memory_space<hbm>>) target_semaphore(%run_scoped3A : memref<!tpu.dma_semaphore, #tpu.memory_space<semaphore_mem>>)
      %dma_wait3A = arith.constant 0 : i32
      %dma_wait3A_58 = tpu.memref_slice %arg5[%arg0, %add3A_40, %dma_wait3A] : memref<2x10240x16xf32, #tpu.memory_space<hbm>> -> memref<1x128x16xf32, #tpu.memory_space<hbm>>
      %dma_wait3A_59 = tpu.memref_squeeze %dma_wait3A_58 : memref<1x128x16xf32, #tpu.memory_space<hbm>> -> memref<128x16xf32, #tpu.memory_space<hbm>>
      %dma_wait3A_60 = arith.constant 0 : i32
      %dma_wait3A_61 = tpu.memref_slice %arg5[%arg0, %add3A_40, %dma_wait3A_60] : memref<2x10240x16xf32, #tpu.memory_space<hbm>> -> memref<1x128x16xf32, #tpu.memory_space<hbm>>
      %dma_wait3A_62 = tpu.memref_squeeze %dma_wait3A_61 : memref<1x128x16xf32, #tpu.memory_space<hbm>> -> memref<128x16xf32, #tpu.memory_space<hbm>>
      tpu.wait_dma2 semaphore(%run_scoped3A : memref<!tpu.dma_semaphore, #tpu.memory_space<semaphore_mem>>) src(%arg8 : memref<128x16xf32, #tpu.memory_space<vmem>>) dst(%dma_wait3A_62 : memref<128x16xf32, #tpu.memory_space<hbm>>)
      tpu.yield
    }) : () -> ()
    %mul3A_41 = arith.constant 640 : i32
    %mul3A_42 = arith.muli %arg1, %mul3A_41 : i32
    %add3A_43 = arith.constant 256 : i32
    %add3A_44 = arith.addi %mul3A_42, %add3A_43 : i32
    "tpu.region"() ({
      %run_scoped3A = tpu.sem_alloc : memref<!tpu.dma_semaphore, #tpu.memory_space<semaphore_mem>>
      %dma_start3A = arith.constant 0 : i32
      %dma_start3A_53 = tpu.memref_slice %arg9[%add3A_44, %dma_start3A] : memref<10240x16xf32, #tpu.memory_space<vmem_shared>> -> memref<128x16xf32, #tpu.memory_space<vmem_shared>>
      %dma_start3A_54 = arith.constant 0 : i32
      %dma_start3A_55 = tpu.memref_slice %arg9[%add3A_44, %dma_start3A_54] : memref<10240x16xf32, #tpu.memory_space<vmem_shared>> -> memref<128x16xf32, #tpu.memory_space<vmem_shared>>
      tpu.enqueue_dma source(%dma_start3A_55 : memref<128x16xf32, #tpu.memory_space<vmem_shared>>) target(%arg8 : memref<128x16xf32, #tpu.memory_space<vmem>>) target_semaphore(%run_scoped3A : memref<!tpu.dma_semaphore, #tpu.memory_space<semaphore_mem>>)
      %dma_wait3A = arith.constant 0 : i32
      %dma_wait3A_56 = tpu.memref_slice %arg9[%add3A_44, %dma_wait3A] : memref<10240x16xf32, #tpu.memory_space<vmem_shared>> -> memref<128x16xf32, #tpu.memory_space<vmem_shared>>
      %dma_wait3A_57 = arith.constant 0 : i32
      %dma_wait3A_58 = tpu.memref_slice %arg9[%add3A_44, %dma_wait3A_57] : memref<10240x16xf32, #tpu.memory_space<vmem_shared>> -> memref<128x16xf32, #tpu.memory_space<vmem_shared>>
      tpu.wait_dma2 semaphore(%run_scoped3A : memref<!tpu.dma_semaphore, #tpu.memory_space<semaphore_mem>>) src(%dma_wait3A_58 : memref<128x16xf32, #tpu.memory_space<vmem_shared>>) dst(%arg8 : memref<128x16xf32, #tpu.memory_space<vmem>>)
      tpu.yield
    }) : () -> ()
    "tpu.region"() ({
      %run_scoped3A = tpu.sem_alloc : memref<!tpu.dma_semaphore, #tpu.memory_space<semaphore_mem>>
      %dma_start3A = arith.constant 0 : i32
      %dma_start3A_53 = tpu.memref_slice %arg5[%arg0, %add3A_44, %dma_start3A] : memref<2x10240x16xf32, #tpu.memory_space<hbm>> -> memref<1x128x16xf32, #tpu.memory_space<hbm>>
      %dma_start3A_54 = tpu.memref_squeeze %dma_start3A_53 : memref<1x128x16xf32, #tpu.memory_space<hbm>> -> memref<128x16xf32, #tpu.memory_space<hbm>>
      %dma_start3A_55 = arith.constant 0 : i32
      %dma_start3A_56 = tpu.memref_slice %arg5[%arg0, %add3A_44, %dma_start3A_55] : memref<2x10240x16xf32, #tpu.memory_space<hbm>> -> memref<1x128x16xf32, #tpu.memory_space<hbm>>
      %dma_start3A_57 = tpu.memref_squeeze %dma_start3A_56 : memref<1x128x16xf32, #tpu.memory_space<hbm>> -> memref<128x16xf32, #tpu.memory_space<hbm>>
      tpu.enqueue_dma source(%arg8 : memref<128x16xf32, #tpu.memory_space<vmem>>) target(%dma_start3A_57 : memref<128x16xf32, #tpu.memory_space<hbm>>) target_semaphore(%run_scoped3A : memref<!tpu.dma_semaphore, #tpu.memory_space<semaphore_mem>>)
      %dma_wait3A = arith.constant 0 : i32
      %dma_wait3A_58 = tpu.memref_slice %arg5[%arg0, %add3A_44, %dma_wait3A] : memref<2x10240x16xf32, #tpu.memory_space<hbm>> -> memref<1x128x16xf32, #tpu.memory_space<hbm>>
      %dma_wait3A_59 = tpu.memref_squeeze %dma_wait3A_58 : memref<1x128x16xf32, #tpu.memory_space<hbm>> -> memref<128x16xf32, #tpu.memory_space<hbm>>
      %dma_wait3A_60 = arith.constant 0 : i32
      %dma_wait3A_61 = tpu.memref_slice %arg5[%arg0, %add3A_44, %dma_wait3A_60] : memref<2x10240x16xf32, #tpu.memory_space<hbm>> -> memref<1x128x16xf32, #tpu.memory_space<hbm>>
      %dma_wait3A_62 = tpu.memref_squeeze %dma_wait3A_61 : memref<1x128x16xf32, #tpu.memory_space<hbm>> -> memref<128x16xf32, #tpu.memory_space<hbm>>
      tpu.wait_dma2 semaphore(%run_scoped3A : memref<!tpu.dma_semaphore, #tpu.memory_space<semaphore_mem>>) src(%arg8 : memref<128x16xf32, #tpu.memory_space<vmem>>) dst(%dma_wait3A_62 : memref<128x16xf32, #tpu.memory_space<hbm>>)
      tpu.yield
    }) : () -> ()
    %mul3A_45 = arith.constant 640 : i32
    %mul3A_46 = arith.muli %arg1, %mul3A_45 : i32
    %add3A_47 = arith.constant 384 : i32
    %add3A_48 = arith.addi %mul3A_46, %add3A_47 : i32
    "tpu.region"() ({
      %run_scoped3A = tpu.sem_alloc : memref<!tpu.dma_semaphore, #tpu.memory_space<semaphore_mem>>
      %dma_start3A = arith.constant 0 : i32
      %dma_start3A_53 = tpu.memref_slice %arg9[%add3A_48, %dma_start3A] : memref<10240x16xf32, #tpu.memory_space<vmem_shared>> -> memref<128x16xf32, #tpu.memory_space<vmem_shared>>
      %dma_start3A_54 = arith.constant 0 : i32
      %dma_start3A_55 = tpu.memref_slice %arg9[%add3A_48, %dma_start3A_54] : memref<10240x16xf32, #tpu.memory_space<vmem_shared>> -> memref<128x16xf32, #tpu.memory_space<vmem_shared>>
      tpu.enqueue_dma source(%dma_start3A_55 : memref<128x16xf32, #tpu.memory_space<vmem_shared>>) target(%arg8 : memref<128x16xf32, #tpu.memory_space<vmem>>) target_semaphore(%run_scoped3A : memref<!tpu.dma_semaphore, #tpu.memory_space<semaphore_mem>>)
      %dma_wait3A = arith.constant 0 : i32
      %dma_wait3A_56 = tpu.memref_slice %arg9[%add3A_48, %dma_wait3A] : memref<10240x16xf32, #tpu.memory_space<vmem_shared>> -> memref<128x16xf32, #tpu.memory_space<vmem_shared>>
      %dma_wait3A_57 = arith.constant 0 : i32
      %dma_wait3A_58 = tpu.memref_slice %arg9[%add3A_48, %dma_wait3A_57] : memref<10240x16xf32, #tpu.memory_space<vmem_shared>> -> memref<128x16xf32, #tpu.memory_space<vmem_shared>>
      tpu.wait_dma2 semaphore(%run_scoped3A : memref<!tpu.dma_semaphore, #tpu.memory_space<semaphore_mem>>) src(%dma_wait3A_58 : memref<128x16xf32, #tpu.memory_space<vmem_shared>>) dst(%arg8 : memref<128x16xf32, #tpu.memory_space<vmem>>)
      tpu.yield
    }) : () -> ()
    "tpu.region"() ({
      %run_scoped3A = tpu.sem_alloc : memref<!tpu.dma_semaphore, #tpu.memory_space<semaphore_mem>>
      %dma_start3A = arith.constant 0 : i32
      %dma_start3A_53 = tpu.memref_slice %arg5[%arg0, %add3A_48, %dma_start3A] : memref<2x10240x16xf32, #tpu.memory_space<hbm>> -> memref<1x128x16xf32, #tpu.memory_space<hbm>>
      %dma_start3A_54 = tpu.memref_squeeze %dma_start3A_53 : memref<1x128x16xf32, #tpu.memory_space<hbm>> -> memref<128x16xf32, #tpu.memory_space<hbm>>
      %dma_start3A_55 = arith.constant 0 : i32
      %dma_start3A_56 = tpu.memref_slice %arg5[%arg0, %add3A_48, %dma_start3A_55] : memref<2x10240x16xf32, #tpu.memory_space<hbm>> -> memref<1x128x16xf32, #tpu.memory_space<hbm>>
      %dma_start3A_57 = tpu.memref_squeeze %dma_start3A_56 : memref<1x128x16xf32, #tpu.memory_space<hbm>> -> memref<128x16xf32, #tpu.memory_space<hbm>>
      tpu.enqueue_dma source(%arg8 : memref<128x16xf32, #tpu.memory_space<vmem>>) target(%dma_start3A_57 : memref<128x16xf32, #tpu.memory_space<hbm>>) target_semaphore(%run_scoped3A : memref<!tpu.dma_semaphore, #tpu.memory_space<semaphore_mem>>)
      %dma_wait3A = arith.constant 0 : i32
      %dma_wait3A_58 = tpu.memref_slice %arg5[%arg0, %add3A_48, %dma_wait3A] : memref<2x10240x16xf32, #tpu.memory_space<hbm>> -> memref<1x128x16xf32, #tpu.memory_space<hbm>>
      %dma_wait3A_59 = tpu.memref_squeeze %dma_wait3A_58 : memref<1x128x16xf32, #tpu.memory_space<hbm>> -> memref<128x16xf32, #tpu.memory_space<hbm>>
      %dma_wait3A_60 = arith.constant 0 : i32
      %dma_wait3A_61 = tpu.memref_slice %arg5[%arg0, %add3A_48, %dma_wait3A_60] : memref<2x10240x16xf32, #tpu.memory_space<hbm>> -> memref<1x128x16xf32, #tpu.memory_space<hbm>>
      %dma_wait3A_62 = tpu.memref_squeeze %dma_wait3A_61 : memref<1x128x16xf32, #tpu.memory_space<hbm>> -> memref<128x16xf32, #tpu.memory_space<hbm>>
      tpu.wait_dma2 semaphore(%run_scoped3A : memref<!tpu.dma_semaphore, #tpu.memory_space<semaphore_mem>>) src(%arg8 : memref<128x16xf32, #tpu.memory_space<vmem>>) dst(%dma_wait3A_62 : memref<128x16xf32, #tpu.memory_space<hbm>>)
      tpu.yield
    }) : () -> ()
    %mul3A_49 = arith.constant 640 : i32
    %mul3A_50 = arith.muli %arg1, %mul3A_49 : i32
    %add3A_51 = arith.constant 512 : i32
    %add3A_52 = arith.addi %mul3A_50, %add3A_51 : i32
    "tpu.region"() ({
      %run_scoped3A = tpu.sem_alloc : memref<!tpu.dma_semaphore, #tpu.memory_space<semaphore_mem>>
      %dma_start3A = arith.constant 0 : i32
      %dma_start3A_53 = tpu.memref_slice %arg9[%add3A_52, %dma_start3A] : memref<10240x16xf32, #tpu.memory_space<vmem_shared>> -> memref<128x16xf32, #tpu.memory_space<vmem_shared>>
      %dma_start3A_54 = arith.constant 0 : i32
      %dma_start3A_55 = tpu.memref_slice %arg9[%add3A_52, %dma_start3A_54] : memref<10240x16xf32, #tpu.memory_space<vmem_shared>> -> memref<128x16xf32, #tpu.memory_space<vmem_shared>>
      tpu.enqueue_dma source(%dma_start3A_55 : memref<128x16xf32, #tpu.memory_space<vmem_shared>>) target(%arg8 : memref<128x16xf32, #tpu.memory_space<vmem>>) target_semaphore(%run_scoped3A : memref<!tpu.dma_semaphore, #tpu.memory_space<semaphore_mem>>)
      %dma_wait3A = arith.constant 0 : i32
      %dma_wait3A_56 = tpu.memref_slice %arg9[%add3A_52, %dma_wait3A] : memref<10240x16xf32, #tpu.memory_space<vmem_shared>> -> memref<128x16xf32, #tpu.memory_space<vmem_shared>>
      %dma_wait3A_57 = arith.constant 0 : i32
      %dma_wait3A_58 = tpu.memref_slice %arg9[%add3A_52, %dma_wait3A_57] : memref<10240x16xf32, #tpu.memory_space<vmem_shared>> -> memref<128x16xf32, #tpu.memory_space<vmem_shared>>
      tpu.wait_dma2 semaphore(%run_scoped3A : memref<!tpu.dma_semaphore, #tpu.memory_space<semaphore_mem>>) src(%dma_wait3A_58 : memref<128x16xf32, #tpu.memory_space<vmem_shared>>) dst(%arg8 : memref<128x16xf32, #tpu.memory_space<vmem>>)
      tpu.yield
    }) : () -> ()
    "tpu.region"() ({
      %run_scoped3A = tpu.sem_alloc : memref<!tpu.dma_semaphore, #tpu.memory_space<semaphore_mem>>
      %dma_start3A = arith.constant 0 : i32
      %dma_start3A_53 = tpu.memref_slice %arg5[%arg0, %add3A_52, %dma_start3A] : memref<2x10240x16xf32, #tpu.memory_space<hbm>> -> memref<1x128x16xf32, #tpu.memory_space<hbm>>
      %dma_start3A_54 = tpu.memref_squeeze %dma_start3A_53 : memref<1x128x16xf32, #tpu.memory_space<hbm>> -> memref<128x16xf32, #tpu.memory_space<hbm>>
      %dma_start3A_55 = arith.constant 0 : i32
      %dma_start3A_56 = tpu.memref_slice %arg5[%arg0, %add3A_52, %dma_start3A_55] : memref<2x10240x16xf32, #tpu.memory_space<hbm>> -> memref<1x128x16xf32, #tpu.memory_space<hbm>>
      %dma_start3A_57 = tpu.memref_squeeze %dma_start3A_56 : memref<1x128x16xf32, #tpu.memory_space<hbm>> -> memref<128x16xf32, #tpu.memory_space<hbm>>
      tpu.enqueue_dma source(%arg8 : memref<128x16xf32, #tpu.memory_space<vmem>>) target(%dma_start3A_57 : memref<128x16xf32, #tpu.memory_space<hbm>>) target_semaphore(%run_scoped3A : memref<!tpu.dma_semaphore, #tpu.memory_space<semaphore_mem>>)
      %dma_wait3A = arith.constant 0 : i32
      %dma_wait3A_58 = tpu.memref_slice %arg5[%arg0, %add3A_52, %dma_wait3A] : memref<2x10240x16xf32, #tpu.memory_space<hbm>> -> memref<1x128x16xf32, #tpu.memory_space<hbm>>
      %dma_wait3A_59 = tpu.memref_squeeze %dma_wait3A_58 : memref<1x128x16xf32, #tpu.memory_space<hbm>> -> memref<128x16xf32, #tpu.memory_space<hbm>>
      %dma_wait3A_60 = arith.constant 0 : i32
      %dma_wait3A_61 = tpu.memref_slice %arg5[%arg0, %add3A_52, %dma_wait3A_60] : memref<2x10240x16xf32, #tpu.memory_space<hbm>> -> memref<1x128x16xf32, #tpu.memory_space<hbm>>
      %dma_wait3A_62 = tpu.memref_squeeze %dma_wait3A_61 : memref<1x128x16xf32, #tpu.memory_space<hbm>> -> memref<128x16xf32, #tpu.memory_space<hbm>>
      tpu.wait_dma2 semaphore(%run_scoped3A : memref<!tpu.dma_semaphore, #tpu.memory_space<semaphore_mem>>) src(%arg8 : memref<128x16xf32, #tpu.memory_space<vmem>>) dst(%dma_wait3A_62 : memref<128x16xf32, #tpu.memory_space<hbm>>)
      tpu.yield
    }) : () -> ()
    return
  }
}

#map = affine_map<(d0, d1) -> (0, 0)>
#map1 = affine_map<(d0, d1) -> (0, 0, 0, 0)>
#map2 = affine_map<(d0, d1) -> (0, 0, 0)>
module attributes {stable_mosaic.version = 14 : i64} {
  func.func @_sc_agg_body(%arg0: i32, %arg1: i32, %arg2: memref<20000x64xf32, #tpu.memory_space<hbm>>, %arg3: memref<2x16x160x128xi32, #tpu.memory_space<hbm>>, %arg4: memref<16x160x128xi32, #tpu.memory_space<hbm>>, %arg5: memref<128x64xf32, #tpu.memory_space<hbm>>, %arg6: memref<2x10240x64xf32, #tpu.memory_space<hbm>>, %arg7: memref<160x128xi32, #tpu.memory_space<vmem>>, %arg8: memref<160x128xi32, #tpu.memory_space<vmem>>, %arg9: memref<128x64xf32, #tpu.memory_space<vmem>>, %arg10: memref<128x64xf32, #tpu.memory_space<vmem>>, %arg11: memref<128x64xf32, #tpu.memory_space<vmem>>, %arg12: memref<128x64xf32, #tpu.memory_space<vmem>>, %arg13: memref<128x64xf32, #tpu.memory_space<vmem>>, %arg14: memref<128x64xf32, #tpu.memory_space<vmem>>, %arg15: memref<10240x64xf32, #tpu.memory_space<vmem_shared>>, %arg16: memref<!tpu.dma_semaphore, #tpu.memory_space<semaphore_mem>>, %arg17: memref<!tpu.dma_semaphore, #tpu.memory_space<semaphore_mem>>, %arg18: memref<!tpu.dma_semaphore, #tpu.memory_space<semaphore_mem>>, %arg19: memref<!tpu.dma_semaphore, #tpu.memory_space<semaphore_mem>>, %arg20: memref<!tpu.dma_semaphore, #tpu.memory_space<semaphore_mem>>) attributes {dimension_semantics = [#tpu.dimension_semantics<core_parallel>, #tpu.dimension_semantics<subcore_parallel>], iteration_bounds = array<i64: 2, 16>, scalar_prefetch = 0 : i64, scratch_operands = 14 : i64, tpu.core_type = #tpu.core_type<sc_vector_subcore>, window_params = [{transform_indices = #map}, {transform_indices = #map1}, {transform_indices = #map2}, {transform_indices = #map}, {transform_indices = #map2}]} {
    "tpu.region"() ({
      %run_scoped3A = tpu.sem_alloc : memref<!tpu.dma_semaphore, #tpu.memory_space<semaphore_mem>>
      %dma_start3A_78 = arith.constant 0 : i32
      %dma_start3A_79 = arith.constant 0 : i32
      %dma_start3A_80 = tpu.memref_slice %arg3[%arg0, %arg1, %dma_start3A_78, %dma_start3A_79] : memref<2x16x160x128xi32, #tpu.memory_space<hbm>> -> memref<1x1x160x128xi32, #tpu.memory_space<hbm>>
      %dma_start3A_81 = tpu.memref_squeeze %dma_start3A_80 : memref<1x1x160x128xi32, #tpu.memory_space<hbm>> -> memref<160x128xi32, #tpu.memory_space<hbm>>
      %dma_start3A_82 = arith.constant 0 : i32
      %dma_start3A_83 = arith.constant 0 : i32
      %dma_start3A_84 = tpu.memref_slice %arg3[%arg0, %arg1, %dma_start3A_82, %dma_start3A_83] : memref<2x16x160x128xi32, #tpu.memory_space<hbm>> -> memref<1x1x160x128xi32, #tpu.memory_space<hbm>>
      %dma_start3A_85 = tpu.memref_squeeze %dma_start3A_84 : memref<1x1x160x128xi32, #tpu.memory_space<hbm>> -> memref<160x128xi32, #tpu.memory_space<hbm>>
      tpu.enqueue_dma source(%dma_start3A_85 : memref<160x128xi32, #tpu.memory_space<hbm>>) target(%arg7 : memref<160x128xi32, #tpu.memory_space<vmem>>) target_semaphore(%run_scoped3A : memref<!tpu.dma_semaphore, #tpu.memory_space<semaphore_mem>>)
      %dma_wait3A = arith.constant 0 : i32
      %dma_wait3A_86 = arith.constant 0 : i32
      %dma_wait3A_87 = tpu.memref_slice %arg3[%arg0, %arg1, %dma_wait3A, %dma_wait3A_86] : memref<2x16x160x128xi32, #tpu.memory_space<hbm>> -> memref<1x1x160x128xi32, #tpu.memory_space<hbm>>
      %dma_wait3A_88 = tpu.memref_squeeze %dma_wait3A_87 : memref<1x1x160x128xi32, #tpu.memory_space<hbm>> -> memref<160x128xi32, #tpu.memory_space<hbm>>
      %dma_wait3A_89 = arith.constant 0 : i32
      %dma_wait3A_90 = arith.constant 0 : i32
      %dma_wait3A_91 = tpu.memref_slice %arg3[%arg0, %arg1, %dma_wait3A_89, %dma_wait3A_90] : memref<2x16x160x128xi32, #tpu.memory_space<hbm>> -> memref<1x1x160x128xi32, #tpu.memory_space<hbm>>
      %dma_wait3A_92 = tpu.memref_squeeze %dma_wait3A_91 : memref<1x1x160x128xi32, #tpu.memory_space<hbm>> -> memref<160x128xi32, #tpu.memory_space<hbm>>
      tpu.wait_dma2 semaphore(%run_scoped3A : memref<!tpu.dma_semaphore, #tpu.memory_space<semaphore_mem>>) src(%dma_wait3A_92 : memref<160x128xi32, #tpu.memory_space<hbm>>) dst(%arg7 : memref<160x128xi32, #tpu.memory_space<vmem>>)
      tpu.yield
    }) : () -> ()
    "tpu.region"() ({
      %run_scoped3A = tpu.sem_alloc : memref<!tpu.dma_semaphore, #tpu.memory_space<semaphore_mem>>
      %dma_start3A_78 = arith.constant 0 : i32
      %dma_start3A_79 = arith.constant 0 : i32
      %dma_start3A_80 = tpu.memref_slice %arg4[%arg1, %dma_start3A_78, %dma_start3A_79] : memref<16x160x128xi32, #tpu.memory_space<hbm>> -> memref<1x160x128xi32, #tpu.memory_space<hbm>>
      %dma_start3A_81 = tpu.memref_squeeze %dma_start3A_80 : memref<1x160x128xi32, #tpu.memory_space<hbm>> -> memref<160x128xi32, #tpu.memory_space<hbm>>
      %dma_start3A_82 = arith.constant 0 : i32
      %dma_start3A_83 = arith.constant 0 : i32
      %dma_start3A_84 = tpu.memref_slice %arg4[%arg1, %dma_start3A_82, %dma_start3A_83] : memref<16x160x128xi32, #tpu.memory_space<hbm>> -> memref<1x160x128xi32, #tpu.memory_space<hbm>>
      %dma_start3A_85 = tpu.memref_squeeze %dma_start3A_84 : memref<1x160x128xi32, #tpu.memory_space<hbm>> -> memref<160x128xi32, #tpu.memory_space<hbm>>
      tpu.enqueue_dma source(%dma_start3A_85 : memref<160x128xi32, #tpu.memory_space<hbm>>) target(%arg8 : memref<160x128xi32, #tpu.memory_space<vmem>>) target_semaphore(%run_scoped3A : memref<!tpu.dma_semaphore, #tpu.memory_space<semaphore_mem>>)
      %dma_wait3A = arith.constant 0 : i32
      %dma_wait3A_86 = arith.constant 0 : i32
      %dma_wait3A_87 = tpu.memref_slice %arg4[%arg1, %dma_wait3A, %dma_wait3A_86] : memref<16x160x128xi32, #tpu.memory_space<hbm>> -> memref<1x160x128xi32, #tpu.memory_space<hbm>>
      %dma_wait3A_88 = tpu.memref_squeeze %dma_wait3A_87 : memref<1x160x128xi32, #tpu.memory_space<hbm>> -> memref<160x128xi32, #tpu.memory_space<hbm>>
      %dma_wait3A_89 = arith.constant 0 : i32
      %dma_wait3A_90 = arith.constant 0 : i32
      %dma_wait3A_91 = tpu.memref_slice %arg4[%arg1, %dma_wait3A_89, %dma_wait3A_90] : memref<16x160x128xi32, #tpu.memory_space<hbm>> -> memref<1x160x128xi32, #tpu.memory_space<hbm>>
      %dma_wait3A_92 = tpu.memref_squeeze %dma_wait3A_91 : memref<1x160x128xi32, #tpu.memory_space<hbm>> -> memref<160x128xi32, #tpu.memory_space<hbm>>
      tpu.wait_dma2 semaphore(%run_scoped3A : memref<!tpu.dma_semaphore, #tpu.memory_space<semaphore_mem>>) src(%dma_wait3A_92 : memref<160x128xi32, #tpu.memory_space<hbm>>) dst(%arg8 : memref<160x128xi32, #tpu.memory_space<vmem>>)
      tpu.yield
    }) : () -> ()
    "tpu.region"() ({
      %run_scoped3A = tpu.sem_alloc : memref<!tpu.dma_semaphore, #tpu.memory_space<semaphore_mem>>
      tpu.enqueue_dma source(%arg5 : memref<128x64xf32, #tpu.memory_space<hbm>>) target(%arg14 : memref<128x64xf32, #tpu.memory_space<vmem>>) target_semaphore(%run_scoped3A : memref<!tpu.dma_semaphore, #tpu.memory_space<semaphore_mem>>)
      tpu.wait_dma2 semaphore(%run_scoped3A : memref<!tpu.dma_semaphore, #tpu.memory_space<semaphore_mem>>) src(%arg5 : memref<128x64xf32, #tpu.memory_space<hbm>>) dst(%arg14 : memref<128x64xf32, #tpu.memory_space<vmem>>)
      tpu.yield
    }) : () -> ()
    %mul3A = arith.constant 640 : i32
    %mul3A_0 = arith.muli %arg1, %mul3A : i32
    %add3A = arith.constant 0 : i32
    %add3A_1 = arith.addi %mul3A_0, %add3A : i32
    "tpu.region"() ({
      %run_scoped3A = tpu.sem_alloc : memref<!tpu.dma_semaphore, #tpu.memory_space<semaphore_mem>>
      %dma_start3A_78 = arith.constant 0 : i32
      %dma_start3A_79 = tpu.memref_slice %arg15[%add3A_1, %dma_start3A_78] : memref<10240x64xf32, #tpu.memory_space<vmem_shared>> -> memref<128x64xf32, #tpu.memory_space<vmem_shared>>
      %dma_start3A_80 = arith.constant 0 : i32
      %dma_start3A_81 = tpu.memref_slice %arg15[%add3A_1, %dma_start3A_80] : memref<10240x64xf32, #tpu.memory_space<vmem_shared>> -> memref<128x64xf32, #tpu.memory_space<vmem_shared>>
      tpu.enqueue_dma source(%arg14 : memref<128x64xf32, #tpu.memory_space<vmem>>) target(%dma_start3A_81 : memref<128x64xf32, #tpu.memory_space<vmem_shared>>) target_semaphore(%run_scoped3A : memref<!tpu.dma_semaphore, #tpu.memory_space<semaphore_mem>>)
      %dma_wait3A = arith.constant 0 : i32
      %dma_wait3A_82 = tpu.memref_slice %arg15[%add3A_1, %dma_wait3A] : memref<10240x64xf32, #tpu.memory_space<vmem_shared>> -> memref<128x64xf32, #tpu.memory_space<vmem_shared>>
      %dma_wait3A_83 = arith.constant 0 : i32
      %dma_wait3A_84 = tpu.memref_slice %arg15[%add3A_1, %dma_wait3A_83] : memref<10240x64xf32, #tpu.memory_space<vmem_shared>> -> memref<128x64xf32, #tpu.memory_space<vmem_shared>>
      tpu.wait_dma2 semaphore(%run_scoped3A : memref<!tpu.dma_semaphore, #tpu.memory_space<semaphore_mem>>) src(%arg14 : memref<128x64xf32, #tpu.memory_space<vmem>>) dst(%dma_wait3A_84 : memref<128x64xf32, #tpu.memory_space<vmem_shared>>)
      tpu.yield
    }) : () -> ()
    %mul3A_2 = arith.constant 640 : i32
    %mul3A_3 = arith.muli %arg1, %mul3A_2 : i32
    %add3A_4 = arith.constant 128 : i32
    %add3A_5 = arith.addi %mul3A_3, %add3A_4 : i32
    "tpu.region"() ({
      %run_scoped3A = tpu.sem_alloc : memref<!tpu.dma_semaphore, #tpu.memory_space<semaphore_mem>>
      %dma_start3A_78 = arith.constant 0 : i32
      %dma_start3A_79 = tpu.memref_slice %arg15[%add3A_5, %dma_start3A_78] : memref<10240x64xf32, #tpu.memory_space<vmem_shared>> -> memref<128x64xf32, #tpu.memory_space<vmem_shared>>
      %dma_start3A_80 = arith.constant 0 : i32
      %dma_start3A_81 = tpu.memref_slice %arg15[%add3A_5, %dma_start3A_80] : memref<10240x64xf32, #tpu.memory_space<vmem_shared>> -> memref<128x64xf32, #tpu.memory_space<vmem_shared>>
      tpu.enqueue_dma source(%arg14 : memref<128x64xf32, #tpu.memory_space<vmem>>) target(%dma_start3A_81 : memref<128x64xf32, #tpu.memory_space<vmem_shared>>) target_semaphore(%run_scoped3A : memref<!tpu.dma_semaphore, #tpu.memory_space<semaphore_mem>>)
      %dma_wait3A = arith.constant 0 : i32
      %dma_wait3A_82 = tpu.memref_slice %arg15[%add3A_5, %dma_wait3A] : memref<10240x64xf32, #tpu.memory_space<vmem_shared>> -> memref<128x64xf32, #tpu.memory_space<vmem_shared>>
      %dma_wait3A_83 = arith.constant 0 : i32
      %dma_wait3A_84 = tpu.memref_slice %arg15[%add3A_5, %dma_wait3A_83] : memref<10240x64xf32, #tpu.memory_space<vmem_shared>> -> memref<128x64xf32, #tpu.memory_space<vmem_shared>>
      tpu.wait_dma2 semaphore(%run_scoped3A : memref<!tpu.dma_semaphore, #tpu.memory_space<semaphore_mem>>) src(%arg14 : memref<128x64xf32, #tpu.memory_space<vmem>>) dst(%dma_wait3A_84 : memref<128x64xf32, #tpu.memory_space<vmem_shared>>)
      tpu.yield
    }) : () -> ()
    %mul3A_6 = arith.constant 640 : i32
    %mul3A_7 = arith.muli %arg1, %mul3A_6 : i32
    %add3A_8 = arith.constant 256 : i32
    %add3A_9 = arith.addi %mul3A_7, %add3A_8 : i32
    "tpu.region"() ({
      %run_scoped3A = tpu.sem_alloc : memref<!tpu.dma_semaphore, #tpu.memory_space<semaphore_mem>>
      %dma_start3A_78 = arith.constant 0 : i32
      %dma_start3A_79 = tpu.memref_slice %arg15[%add3A_9, %dma_start3A_78] : memref<10240x64xf32, #tpu.memory_space<vmem_shared>> -> memref<128x64xf32, #tpu.memory_space<vmem_shared>>
      %dma_start3A_80 = arith.constant 0 : i32
      %dma_start3A_81 = tpu.memref_slice %arg15[%add3A_9, %dma_start3A_80] : memref<10240x64xf32, #tpu.memory_space<vmem_shared>> -> memref<128x64xf32, #tpu.memory_space<vmem_shared>>
      tpu.enqueue_dma source(%arg14 : memref<128x64xf32, #tpu.memory_space<vmem>>) target(%dma_start3A_81 : memref<128x64xf32, #tpu.memory_space<vmem_shared>>) target_semaphore(%run_scoped3A : memref<!tpu.dma_semaphore, #tpu.memory_space<semaphore_mem>>)
      %dma_wait3A = arith.constant 0 : i32
      %dma_wait3A_82 = tpu.memref_slice %arg15[%add3A_9, %dma_wait3A] : memref<10240x64xf32, #tpu.memory_space<vmem_shared>> -> memref<128x64xf32, #tpu.memory_space<vmem_shared>>
      %dma_wait3A_83 = arith.constant 0 : i32
      %dma_wait3A_84 = tpu.memref_slice %arg15[%add3A_9, %dma_wait3A_83] : memref<10240x64xf32, #tpu.memory_space<vmem_shared>> -> memref<128x64xf32, #tpu.memory_space<vmem_shared>>
      tpu.wait_dma2 semaphore(%run_scoped3A : memref<!tpu.dma_semaphore, #tpu.memory_space<semaphore_mem>>) src(%arg14 : memref<128x64xf32, #tpu.memory_space<vmem>>) dst(%dma_wait3A_84 : memref<128x64xf32, #tpu.memory_space<vmem_shared>>)
      tpu.yield
    }) : () -> ()
    %mul3A_10 = arith.constant 640 : i32
    %mul3A_11 = arith.muli %arg1, %mul3A_10 : i32
    %add3A_12 = arith.constant 384 : i32
    %add3A_13 = arith.addi %mul3A_11, %add3A_12 : i32
    "tpu.region"() ({
      %run_scoped3A = tpu.sem_alloc : memref<!tpu.dma_semaphore, #tpu.memory_space<semaphore_mem>>
      %dma_start3A_78 = arith.constant 0 : i32
      %dma_start3A_79 = tpu.memref_slice %arg15[%add3A_13, %dma_start3A_78] : memref<10240x64xf32, #tpu.memory_space<vmem_shared>> -> memref<128x64xf32, #tpu.memory_space<vmem_shared>>
      %dma_start3A_80 = arith.constant 0 : i32
      %dma_start3A_81 = tpu.memref_slice %arg15[%add3A_13, %dma_start3A_80] : memref<10240x64xf32, #tpu.memory_space<vmem_shared>> -> memref<128x64xf32, #tpu.memory_space<vmem_shared>>
      tpu.enqueue_dma source(%arg14 : memref<128x64xf32, #tpu.memory_space<vmem>>) target(%dma_start3A_81 : memref<128x64xf32, #tpu.memory_space<vmem_shared>>) target_semaphore(%run_scoped3A : memref<!tpu.dma_semaphore, #tpu.memory_space<semaphore_mem>>)
      %dma_wait3A = arith.constant 0 : i32
      %dma_wait3A_82 = tpu.memref_slice %arg15[%add3A_13, %dma_wait3A] : memref<10240x64xf32, #tpu.memory_space<vmem_shared>> -> memref<128x64xf32, #tpu.memory_space<vmem_shared>>
      %dma_wait3A_83 = arith.constant 0 : i32
      %dma_wait3A_84 = tpu.memref_slice %arg15[%add3A_13, %dma_wait3A_83] : memref<10240x64xf32, #tpu.memory_space<vmem_shared>> -> memref<128x64xf32, #tpu.memory_space<vmem_shared>>
      tpu.wait_dma2 semaphore(%run_scoped3A : memref<!tpu.dma_semaphore, #tpu.memory_space<semaphore_mem>>) src(%arg14 : memref<128x64xf32, #tpu.memory_space<vmem>>) dst(%dma_wait3A_84 : memref<128x64xf32, #tpu.memory_space<vmem_shared>>)
      tpu.yield
    }) : () -> ()
    %mul3A_14 = arith.constant 640 : i32
    %mul3A_15 = arith.muli %arg1, %mul3A_14 : i32
    %add3A_16 = arith.constant 512 : i32
    %add3A_17 = arith.addi %mul3A_15, %add3A_16 : i32
    "tpu.region"() ({
      %run_scoped3A = tpu.sem_alloc : memref<!tpu.dma_semaphore, #tpu.memory_space<semaphore_mem>>
      %dma_start3A_78 = arith.constant 0 : i32
      %dma_start3A_79 = tpu.memref_slice %arg15[%add3A_17, %dma_start3A_78] : memref<10240x64xf32, #tpu.memory_space<vmem_shared>> -> memref<128x64xf32, #tpu.memory_space<vmem_shared>>
      %dma_start3A_80 = arith.constant 0 : i32
      %dma_start3A_81 = tpu.memref_slice %arg15[%add3A_17, %dma_start3A_80] : memref<10240x64xf32, #tpu.memory_space<vmem_shared>> -> memref<128x64xf32, #tpu.memory_space<vmem_shared>>
      tpu.enqueue_dma source(%arg14 : memref<128x64xf32, #tpu.memory_space<vmem>>) target(%dma_start3A_81 : memref<128x64xf32, #tpu.memory_space<vmem_shared>>) target_semaphore(%run_scoped3A : memref<!tpu.dma_semaphore, #tpu.memory_space<semaphore_mem>>)
      %dma_wait3A = arith.constant 0 : i32
      %dma_wait3A_82 = tpu.memref_slice %arg15[%add3A_17, %dma_wait3A] : memref<10240x64xf32, #tpu.memory_space<vmem_shared>> -> memref<128x64xf32, #tpu.memory_space<vmem_shared>>
      %dma_wait3A_83 = arith.constant 0 : i32
      %dma_wait3A_84 = tpu.memref_slice %arg15[%add3A_17, %dma_wait3A_83] : memref<10240x64xf32, #tpu.memory_space<vmem_shared>> -> memref<128x64xf32, #tpu.memory_space<vmem_shared>>
      tpu.wait_dma2 semaphore(%run_scoped3A : memref<!tpu.dma_semaphore, #tpu.memory_space<semaphore_mem>>) src(%arg14 : memref<128x64xf32, #tpu.memory_space<vmem>>) dst(%dma_wait3A_84 : memref<128x64xf32, #tpu.memory_space<vmem_shared>>)
      tpu.yield
    }) : () -> ()
    %barrier3A = arith.constant 0 : index
    tpu.barrier barrier_id(%barrier3A)
    %dma_start3A = arith.constant 0 : i32
    %dma_start3A_18 = arith.constant 0 : i32
    %dma_start3A_19 = tpu.memref_slice %arg7[%dma_start3A, %dma_start3A_18] : memref<160x128xi32, #tpu.memory_space<vmem>> -> memref<1x128xi32, #tpu.memory_space<vmem>>
    %dma_start3A_20 = tpu.memref_squeeze %dma_start3A_19 : memref<1x128xi32, #tpu.memory_space<vmem>> -> memref<128xi32, #tpu.memory_space<vmem>>
    %dma_start3A_21 = arith.constant 0 : i32
    %dma_start3A_22 = arith.constant 0 : i32
    %dma_start3A_23 = tpu.memref_slice %arg2[%dma_start3A_21, %dma_start3A_22] : memref<20000x64xf32, #tpu.memory_space<hbm>> -> memref<20000x64xf32, #tpu.memory_space<hbm>>
    tpu.enqueue_indirect_dma source(%dma_start3A_23 : memref<20000x64xf32, #tpu.memory_space<hbm>>) target(%arg9 : memref<128x64xf32, #tpu.memory_space<vmem>>) offsets(%dma_start3A_20 : memref<128xi32, #tpu.memory_space<vmem>>) semaphore(%arg16 : memref<!tpu.dma_semaphore, #tpu.memory_space<semaphore_mem>>)
    %dma_start3A_24 = arith.constant 1 : i32
    %dma_start3A_25 = arith.constant 0 : i32
    %dma_start3A_26 = tpu.memref_slice %arg7[%dma_start3A_24, %dma_start3A_25] : memref<160x128xi32, #tpu.memory_space<vmem>> -> memref<1x128xi32, #tpu.memory_space<vmem>>
    %dma_start3A_27 = tpu.memref_squeeze %dma_start3A_26 : memref<1x128xi32, #tpu.memory_space<vmem>> -> memref<128xi32, #tpu.memory_space<vmem>>
    %dma_start3A_28 = arith.constant 0 : i32
    %dma_start3A_29 = arith.constant 0 : i32
    %dma_start3A_30 = tpu.memref_slice %arg2[%dma_start3A_28, %dma_start3A_29] : memref<20000x64xf32, #tpu.memory_space<hbm>> -> memref<20000x64xf32, #tpu.memory_space<hbm>>
    tpu.enqueue_indirect_dma source(%dma_start3A_30 : memref<20000x64xf32, #tpu.memory_space<hbm>>) target(%arg10 : memref<128x64xf32, #tpu.memory_space<vmem>>) offsets(%dma_start3A_27 : memref<128xi32, #tpu.memory_space<vmem>>) semaphore(%arg17 : memref<!tpu.dma_semaphore, #tpu.memory_space<semaphore_mem>>)
    %dma_start3A_31 = arith.constant 2 : i32
    %dma_start3A_32 = arith.constant 0 : i32
    %dma_start3A_33 = tpu.memref_slice %arg7[%dma_start3A_31, %dma_start3A_32] : memref<160x128xi32, #tpu.memory_space<vmem>> -> memref<1x128xi32, #tpu.memory_space<vmem>>
    %dma_start3A_34 = tpu.memref_squeeze %dma_start3A_33 : memref<1x128xi32, #tpu.memory_space<vmem>> -> memref<128xi32, #tpu.memory_space<vmem>>
    %dma_start3A_35 = arith.constant 0 : i32
    %dma_start3A_36 = arith.constant 0 : i32
    %dma_start3A_37 = tpu.memref_slice %arg2[%dma_start3A_35, %dma_start3A_36] : memref<20000x64xf32, #tpu.memory_space<hbm>> -> memref<20000x64xf32, #tpu.memory_space<hbm>>
    tpu.enqueue_indirect_dma source(%dma_start3A_37 : memref<20000x64xf32, #tpu.memory_space<hbm>>) target(%arg11 : memref<128x64xf32, #tpu.memory_space<vmem>>) offsets(%dma_start3A_34 : memref<128xi32, #tpu.memory_space<vmem>>) semaphore(%arg18 : memref<!tpu.dma_semaphore, #tpu.memory_space<semaphore_mem>>)
    %dma_start3A_38 = arith.constant 3 : i32
    %dma_start3A_39 = arith.constant 0 : i32
    %dma_start3A_40 = tpu.memref_slice %arg7[%dma_start3A_38, %dma_start3A_39] : memref<160x128xi32, #tpu.memory_space<vmem>> -> memref<1x128xi32, #tpu.memory_space<vmem>>
    %dma_start3A_41 = tpu.memref_squeeze %dma_start3A_40 : memref<1x128xi32, #tpu.memory_space<vmem>> -> memref<128xi32, #tpu.memory_space<vmem>>
    %dma_start3A_42 = arith.constant 0 : i32
    %dma_start3A_43 = arith.constant 0 : i32
    %dma_start3A_44 = tpu.memref_slice %arg2[%dma_start3A_42, %dma_start3A_43] : memref<20000x64xf32, #tpu.memory_space<hbm>> -> memref<20000x64xf32, #tpu.memory_space<hbm>>
    tpu.enqueue_indirect_dma source(%dma_start3A_44 : memref<20000x64xf32, #tpu.memory_space<hbm>>) target(%arg12 : memref<128x64xf32, #tpu.memory_space<vmem>>) offsets(%dma_start3A_41 : memref<128xi32, #tpu.memory_space<vmem>>) semaphore(%arg19 : memref<!tpu.dma_semaphore, #tpu.memory_space<semaphore_mem>>)
    %dma_start3A_45 = arith.constant 4 : i32
    %dma_start3A_46 = arith.constant 0 : i32
    %dma_start3A_47 = tpu.memref_slice %arg7[%dma_start3A_45, %dma_start3A_46] : memref<160x128xi32, #tpu.memory_space<vmem>> -> memref<1x128xi32, #tpu.memory_space<vmem>>
    %dma_start3A_48 = tpu.memref_squeeze %dma_start3A_47 : memref<1x128xi32, #tpu.memory_space<vmem>> -> memref<128xi32, #tpu.memory_space<vmem>>
    %dma_start3A_49 = arith.constant 0 : i32
    %dma_start3A_50 = arith.constant 0 : i32
    %dma_start3A_51 = tpu.memref_slice %arg2[%dma_start3A_49, %dma_start3A_50] : memref<20000x64xf32, #tpu.memory_space<hbm>> -> memref<20000x64xf32, #tpu.memory_space<hbm>>
    tpu.enqueue_indirect_dma source(%dma_start3A_51 : memref<20000x64xf32, #tpu.memory_space<hbm>>) target(%arg13 : memref<128x64xf32, #tpu.memory_space<vmem>>) offsets(%dma_start3A_48 : memref<128xi32, #tpu.memory_space<vmem>>) semaphore(%arg20 : memref<!tpu.dma_semaphore, #tpu.memory_space<semaphore_mem>>)
    %scan3A = arith.constant 0 : i32
    %scan3A_52 = arith.constant 0 : i32
    %scan3A_53 = arith.constant 32 : i32
    %scan3A_54 = arith.addi %scan3A_52, %scan3A_53 : i32
    %scan3A_55 = arith.constant 1 : i32
    scf.for %scan3A_78 = %scan3A_52 to %scan3A_54 step %scan3A_55  : i32 {
      %mul3A_79 = arith.constant 5 : i32
      %mul3A_80 = arith.muli %scan3A_78, %mul3A_79 : i32
      %add3A_81 = arith.constant 5 : i32
      %add3A_82 = arith.addi %mul3A_80, %add3A_81 : i32
      %add3A_83 = arith.constant 0 : i32
      %add3A_84 = arith.addi %mul3A_80, %add3A_83 : i32
      %dma_wait3A = arith.constant 0 : i32
      %dma_wait3A_85 = tpu.memref_slice %arg7[%add3A_84, %dma_wait3A] : memref<160x128xi32, #tpu.memory_space<vmem>> -> memref<1x128xi32, #tpu.memory_space<vmem>>
      %dma_wait3A_86 = tpu.memref_squeeze %dma_wait3A_85 : memref<1x128xi32, #tpu.memory_space<vmem>> -> memref<128xi32, #tpu.memory_space<vmem>>
      %dma_wait3A_87 = arith.constant 0 : i32
      %dma_wait3A_88 = arith.constant 0 : i32
      %dma_wait3A_89 = tpu.memref_slice %arg2[%dma_wait3A_87, %dma_wait3A_88] : memref<20000x64xf32, #tpu.memory_space<hbm>> -> memref<20000x64xf32, #tpu.memory_space<hbm>>
      tpu.wait_indirect_dma semaphore(%arg16 : memref<!tpu.dma_semaphore, #tpu.memory_space<semaphore_mem>>) src(%dma_wait3A_89 : memref<20000x64xf32, #tpu.memory_space<hbm>>) dst(%arg9 : memref<128x64xf32, #tpu.memory_space<vmem>>)
      %add3A_90 = arith.constant 0 : i32
      %add3A_91 = arith.addi %mul3A_80, %add3A_90 : i32
      "tpu.region"() ({
        %run_scoped3A = tpu.sem_alloc : memref<!tpu.dma_semaphore, #tpu.memory_space<semaphore_mem>>
        %dma_start3A_154 = arith.constant 0 : i32
        %dma_start3A_155 = tpu.memref_slice %arg8[%add3A_91, %dma_start3A_154] : memref<160x128xi32, #tpu.memory_space<vmem>> -> memref<1x128xi32, #tpu.memory_space<vmem>>
        %dma_start3A_156 = tpu.memref_squeeze %dma_start3A_155 : memref<1x128xi32, #tpu.memory_space<vmem>> -> memref<128xi32, #tpu.memory_space<vmem>>
        %dma_start3A_157 = arith.constant 0 : i32
        %dma_start3A_158 = arith.constant 0 : i32
        %dma_start3A_159 = tpu.memref_slice %arg15[%dma_start3A_157, %dma_start3A_158] : memref<10240x64xf32, #tpu.memory_space<vmem_shared>> -> memref<10240x64xf32, #tpu.memory_space<vmem_shared>>
        tpu.enqueue_indirect_dma source(%arg9 : memref<128x64xf32, #tpu.memory_space<vmem>>) target(%dma_start3A_159 : memref<10240x64xf32, #tpu.memory_space<vmem_shared>>) offsets(%dma_start3A_156 : memref<128xi32, #tpu.memory_space<vmem>>) semaphore(%run_scoped3A : memref<!tpu.dma_semaphore, #tpu.memory_space<semaphore_mem>>) {add = true}
        %dma_wait3A_160 = arith.constant 0 : i32
        %dma_wait3A_161 = tpu.memref_slice %arg8[%add3A_91, %dma_wait3A_160] : memref<160x128xi32, #tpu.memory_space<vmem>> -> memref<1x128xi32, #tpu.memory_space<vmem>>
        %dma_wait3A_162 = tpu.memref_squeeze %dma_wait3A_161 : memref<1x128xi32, #tpu.memory_space<vmem>> -> memref<128xi32, #tpu.memory_space<vmem>>
        %dma_wait3A_163 = arith.constant 0 : i32
        %dma_wait3A_164 = arith.constant 0 : i32
        %dma_wait3A_165 = tpu.memref_slice %arg15[%dma_wait3A_163, %dma_wait3A_164] : memref<10240x64xf32, #tpu.memory_space<vmem_shared>> -> memref<10240x64xf32, #tpu.memory_space<vmem_shared>>
        tpu.wait_indirect_dma semaphore(%run_scoped3A : memref<!tpu.dma_semaphore, #tpu.memory_space<semaphore_mem>>) src(%arg9 : memref<128x64xf32, #tpu.memory_space<vmem>>) dst(%dma_wait3A_165 : memref<10240x64xf32, #tpu.memory_space<vmem_shared>>)
        tpu.yield
      }) : () -> ()
      %lt3A = arith.constant 160 : i32
      %lt3A_92 = arith.cmpi slt, %add3A_82, %lt3A : i32
      %convert_element_type3A = arith.extui %lt3A_92 : i1 to i32
      %cond3A = arith.constant 0 : i32
      %cond3A_93 = arith.cmpi ne, %convert_element_type3A, %cond3A : i32
      scf.if %cond3A_93 {
        %add3A_154 = arith.constant 0 : i32
        %add3A_155 = arith.addi %add3A_82, %add3A_154 : i32
        %min3A = arith.constant 159 : i32
        %min3A_156 = arith.minsi %add3A_155, %min3A : i32
        %dma_start3A_157 = arith.constant 0 : i32
        %dma_start3A_158 = tpu.memref_slice %arg7[%min3A_156, %dma_start3A_157] : memref<160x128xi32, #tpu.memory_space<vmem>> -> memref<1x128xi32, #tpu.memory_space<vmem>>
        %dma_start3A_159 = tpu.memref_squeeze %dma_start3A_158 : memref<1x128xi32, #tpu.memory_space<vmem>> -> memref<128xi32, #tpu.memory_space<vmem>>
        %dma_start3A_160 = arith.constant 0 : i32
        %dma_start3A_161 = arith.constant 0 : i32
        %dma_start3A_162 = tpu.memref_slice %arg2[%dma_start3A_160, %dma_start3A_161] : memref<20000x64xf32, #tpu.memory_space<hbm>> -> memref<20000x64xf32, #tpu.memory_space<hbm>>
        tpu.enqueue_indirect_dma source(%dma_start3A_162 : memref<20000x64xf32, #tpu.memory_space<hbm>>) target(%arg9 : memref<128x64xf32, #tpu.memory_space<vmem>>) offsets(%dma_start3A_159 : memref<128xi32, #tpu.memory_space<vmem>>) semaphore(%arg16 : memref<!tpu.dma_semaphore, #tpu.memory_space<semaphore_mem>>)
      } else {
      }
      %add3A_94 = arith.constant 1 : i32
      %add3A_95 = arith.addi %mul3A_80, %add3A_94 : i32
      %dma_wait3A_96 = arith.constant 0 : i32
      %dma_wait3A_97 = tpu.memref_slice %arg7[%add3A_95, %dma_wait3A_96] : memref<160x128xi32, #tpu.memory_space<vmem>> -> memref<1x128xi32, #tpu.memory_space<vmem>>
      %dma_wait3A_98 = tpu.memref_squeeze %dma_wait3A_97 : memref<1x128xi32, #tpu.memory_space<vmem>> -> memref<128xi32, #tpu.memory_space<vmem>>
      %dma_wait3A_99 = arith.constant 0 : i32
      %dma_wait3A_100 = arith.constant 0 : i32
      %dma_wait3A_101 = tpu.memref_slice %arg2[%dma_wait3A_99, %dma_wait3A_100] : memref<20000x64xf32, #tpu.memory_space<hbm>> -> memref<20000x64xf32, #tpu.memory_space<hbm>>
      tpu.wait_indirect_dma semaphore(%arg17 : memref<!tpu.dma_semaphore, #tpu.memory_space<semaphore_mem>>) src(%dma_wait3A_101 : memref<20000x64xf32, #tpu.memory_space<hbm>>) dst(%arg10 : memref<128x64xf32, #tpu.memory_space<vmem>>)
      %add3A_102 = arith.constant 1 : i32
      %add3A_103 = arith.addi %mul3A_80, %add3A_102 : i32
      "tpu.region"() ({
        %run_scoped3A = tpu.sem_alloc : memref<!tpu.dma_semaphore, #tpu.memory_space<semaphore_mem>>
        %dma_start3A_154 = arith.constant 0 : i32
        %dma_start3A_155 = tpu.memref_slice %arg8[%add3A_103, %dma_start3A_154] : memref<160x128xi32, #tpu.memory_space<vmem>> -> memref<1x128xi32, #tpu.memory_space<vmem>>
        %dma_start3A_156 = tpu.memref_squeeze %dma_start3A_155 : memref<1x128xi32, #tpu.memory_space<vmem>> -> memref<128xi32, #tpu.memory_space<vmem>>
        %dma_start3A_157 = arith.constant 0 : i32
        %dma_start3A_158 = arith.constant 0 : i32
        %dma_start3A_159 = tpu.memref_slice %arg15[%dma_start3A_157, %dma_start3A_158] : memref<10240x64xf32, #tpu.memory_space<vmem_shared>> -> memref<10240x64xf32, #tpu.memory_space<vmem_shared>>
        tpu.enqueue_indirect_dma source(%arg10 : memref<128x64xf32, #tpu.memory_space<vmem>>) target(%dma_start3A_159 : memref<10240x64xf32, #tpu.memory_space<vmem_shared>>) offsets(%dma_start3A_156 : memref<128xi32, #tpu.memory_space<vmem>>) semaphore(%run_scoped3A : memref<!tpu.dma_semaphore, #tpu.memory_space<semaphore_mem>>) {add = true}
        %dma_wait3A_160 = arith.constant 0 : i32
        %dma_wait3A_161 = tpu.memref_slice %arg8[%add3A_103, %dma_wait3A_160] : memref<160x128xi32, #tpu.memory_space<vmem>> -> memref<1x128xi32, #tpu.memory_space<vmem>>
        %dma_wait3A_162 = tpu.memref_squeeze %dma_wait3A_161 : memref<1x128xi32, #tpu.memory_space<vmem>> -> memref<128xi32, #tpu.memory_space<vmem>>
        %dma_wait3A_163 = arith.constant 0 : i32
        %dma_wait3A_164 = arith.constant 0 : i32
        %dma_wait3A_165 = tpu.memref_slice %arg15[%dma_wait3A_163, %dma_wait3A_164] : memref<10240x64xf32, #tpu.memory_space<vmem_shared>> -> memref<10240x64xf32, #tpu.memory_space<vmem_shared>>
        tpu.wait_indirect_dma semaphore(%run_scoped3A : memref<!tpu.dma_semaphore, #tpu.memory_space<semaphore_mem>>) src(%arg10 : memref<128x64xf32, #tpu.memory_space<vmem>>) dst(%dma_wait3A_165 : memref<10240x64xf32, #tpu.memory_space<vmem_shared>>)
        tpu.yield
      }) : () -> ()
      %lt3A_104 = arith.constant 160 : i32
      %lt3A_105 = arith.cmpi slt, %add3A_82, %lt3A_104 : i32
      %convert_element_type3A_106 = arith.extui %lt3A_105 : i1 to i32
      %cond3A_107 = arith.constant 0 : i32
      %cond3A_108 = arith.cmpi ne, %convert_element_type3A_106, %cond3A_107 : i32
      scf.if %cond3A_108 {
        %add3A_154 = arith.constant 1 : i32
        %add3A_155 = arith.addi %add3A_82, %add3A_154 : i32
        %min3A = arith.constant 159 : i32
        %min3A_156 = arith.minsi %add3A_155, %min3A : i32
        %dma_start3A_157 = arith.constant 0 : i32
        %dma_start3A_158 = tpu.memref_slice %arg7[%min3A_156, %dma_start3A_157] : memref<160x128xi32, #tpu.memory_space<vmem>> -> memref<1x128xi32, #tpu.memory_space<vmem>>
        %dma_start3A_159 = tpu.memref_squeeze %dma_start3A_158 : memref<1x128xi32, #tpu.memory_space<vmem>> -> memref<128xi32, #tpu.memory_space<vmem>>
        %dma_start3A_160 = arith.constant 0 : i32
        %dma_start3A_161 = arith.constant 0 : i32
        %dma_start3A_162 = tpu.memref_slice %arg2[%dma_start3A_160, %dma_start3A_161] : memref<20000x64xf32, #tpu.memory_space<hbm>> -> memref<20000x64xf32, #tpu.memory_space<hbm>>
        tpu.enqueue_indirect_dma source(%dma_start3A_162 : memref<20000x64xf32, #tpu.memory_space<hbm>>) target(%arg10 : memref<128x64xf32, #tpu.memory_space<vmem>>) offsets(%dma_start3A_159 : memref<128xi32, #tpu.memory_space<vmem>>) semaphore(%arg17 : memref<!tpu.dma_semaphore, #tpu.memory_space<semaphore_mem>>)
      } else {
      }
      %add3A_109 = arith.constant 2 : i32
      %add3A_110 = arith.addi %mul3A_80, %add3A_109 : i32
      %dma_wait3A_111 = arith.constant 0 : i32
      %dma_wait3A_112 = tpu.memref_slice %arg7[%add3A_110, %dma_wait3A_111] : memref<160x128xi32, #tpu.memory_space<vmem>> -> memref<1x128xi32, #tpu.memory_space<vmem>>
      %dma_wait3A_113 = tpu.memref_squeeze %dma_wait3A_112 : memref<1x128xi32, #tpu.memory_space<vmem>> -> memref<128xi32, #tpu.memory_space<vmem>>
      %dma_wait3A_114 = arith.constant 0 : i32
      %dma_wait3A_115 = arith.constant 0 : i32
      %dma_wait3A_116 = tpu.memref_slice %arg2[%dma_wait3A_114, %dma_wait3A_115] : memref<20000x64xf32, #tpu.memory_space<hbm>> -> memref<20000x64xf32, #tpu.memory_space<hbm>>
      tpu.wait_indirect_dma semaphore(%arg18 : memref<!tpu.dma_semaphore, #tpu.memory_space<semaphore_mem>>) src(%dma_wait3A_116 : memref<20000x64xf32, #tpu.memory_space<hbm>>) dst(%arg11 : memref<128x64xf32, #tpu.memory_space<vmem>>)
      %add3A_117 = arith.constant 2 : i32
      %add3A_118 = arith.addi %mul3A_80, %add3A_117 : i32
      "tpu.region"() ({
        %run_scoped3A = tpu.sem_alloc : memref<!tpu.dma_semaphore, #tpu.memory_space<semaphore_mem>>
        %dma_start3A_154 = arith.constant 0 : i32
        %dma_start3A_155 = tpu.memref_slice %arg8[%add3A_118, %dma_start3A_154] : memref<160x128xi32, #tpu.memory_space<vmem>> -> memref<1x128xi32, #tpu.memory_space<vmem>>
        %dma_start3A_156 = tpu.memref_squeeze %dma_start3A_155 : memref<1x128xi32, #tpu.memory_space<vmem>> -> memref<128xi32, #tpu.memory_space<vmem>>
        %dma_start3A_157 = arith.constant 0 : i32
        %dma_start3A_158 = arith.constant 0 : i32
        %dma_start3A_159 = tpu.memref_slice %arg15[%dma_start3A_157, %dma_start3A_158] : memref<10240x64xf32, #tpu.memory_space<vmem_shared>> -> memref<10240x64xf32, #tpu.memory_space<vmem_shared>>
        tpu.enqueue_indirect_dma source(%arg11 : memref<128x64xf32, #tpu.memory_space<vmem>>) target(%dma_start3A_159 : memref<10240x64xf32, #tpu.memory_space<vmem_shared>>) offsets(%dma_start3A_156 : memref<128xi32, #tpu.memory_space<vmem>>) semaphore(%run_scoped3A : memref<!tpu.dma_semaphore, #tpu.memory_space<semaphore_mem>>) {add = true}
        %dma_wait3A_160 = arith.constant 0 : i32
        %dma_wait3A_161 = tpu.memref_slice %arg8[%add3A_118, %dma_wait3A_160] : memref<160x128xi32, #tpu.memory_space<vmem>> -> memref<1x128xi32, #tpu.memory_space<vmem>>
        %dma_wait3A_162 = tpu.memref_squeeze %dma_wait3A_161 : memref<1x128xi32, #tpu.memory_space<vmem>> -> memref<128xi32, #tpu.memory_space<vmem>>
        %dma_wait3A_163 = arith.constant 0 : i32
        %dma_wait3A_164 = arith.constant 0 : i32
        %dma_wait3A_165 = tpu.memref_slice %arg15[%dma_wait3A_163, %dma_wait3A_164] : memref<10240x64xf32, #tpu.memory_space<vmem_shared>> -> memref<10240x64xf32, #tpu.memory_space<vmem_shared>>
        tpu.wait_indirect_dma semaphore(%run_scoped3A : memref<!tpu.dma_semaphore, #tpu.memory_space<semaphore_mem>>) src(%arg11 : memref<128x64xf32, #tpu.memory_space<vmem>>) dst(%dma_wait3A_165 : memref<10240x64xf32, #tpu.memory_space<vmem_shared>>)
        tpu.yield
      }) : () -> ()
      %lt3A_119 = arith.constant 160 : i32
      %lt3A_120 = arith.cmpi slt, %add3A_82, %lt3A_119 : i32
      %convert_element_type3A_121 = arith.extui %lt3A_120 : i1 to i32
      %cond3A_122 = arith.constant 0 : i32
      %cond3A_123 = arith.cmpi ne, %convert_element_type3A_121, %cond3A_122 : i32
      scf.if %cond3A_123 {
        %add3A_154 = arith.constant 2 : i32
        %add3A_155 = arith.addi %add3A_82, %add3A_154 : i32
        %min3A = arith.constant 159 : i32
        %min3A_156 = arith.minsi %add3A_155, %min3A : i32
        %dma_start3A_157 = arith.constant 0 : i32
        %dma_start3A_158 = tpu.memref_slice %arg7[%min3A_156, %dma_start3A_157] : memref<160x128xi32, #tpu.memory_space<vmem>> -> memref<1x128xi32, #tpu.memory_space<vmem>>
        %dma_start3A_159 = tpu.memref_squeeze %dma_start3A_158 : memref<1x128xi32, #tpu.memory_space<vmem>> -> memref<128xi32, #tpu.memory_space<vmem>>
        %dma_start3A_160 = arith.constant 0 : i32
        %dma_start3A_161 = arith.constant 0 : i32
        %dma_start3A_162 = tpu.memref_slice %arg2[%dma_start3A_160, %dma_start3A_161] : memref<20000x64xf32, #tpu.memory_space<hbm>> -> memref<20000x64xf32, #tpu.memory_space<hbm>>
        tpu.enqueue_indirect_dma source(%dma_start3A_162 : memref<20000x64xf32, #tpu.memory_space<hbm>>) target(%arg11 : memref<128x64xf32, #tpu.memory_space<vmem>>) offsets(%dma_start3A_159 : memref<128xi32, #tpu.memory_space<vmem>>) semaphore(%arg18 : memref<!tpu.dma_semaphore, #tpu.memory_space<semaphore_mem>>)
      } else {
      }
      %add3A_124 = arith.constant 3 : i32
      %add3A_125 = arith.addi %mul3A_80, %add3A_124 : i32
      %dma_wait3A_126 = arith.constant 0 : i32
      %dma_wait3A_127 = tpu.memref_slice %arg7[%add3A_125, %dma_wait3A_126] : memref<160x128xi32, #tpu.memory_space<vmem>> -> memref<1x128xi32, #tpu.memory_space<vmem>>
      %dma_wait3A_128 = tpu.memref_squeeze %dma_wait3A_127 : memref<1x128xi32, #tpu.memory_space<vmem>> -> memref<128xi32, #tpu.memory_space<vmem>>
      %dma_wait3A_129 = arith.constant 0 : i32
      %dma_wait3A_130 = arith.constant 0 : i32
      %dma_wait3A_131 = tpu.memref_slice %arg2[%dma_wait3A_129, %dma_wait3A_130] : memref<20000x64xf32, #tpu.memory_space<hbm>> -> memref<20000x64xf32, #tpu.memory_space<hbm>>
      tpu.wait_indirect_dma semaphore(%arg19 : memref<!tpu.dma_semaphore, #tpu.memory_space<semaphore_mem>>) src(%dma_wait3A_131 : memref<20000x64xf32, #tpu.memory_space<hbm>>) dst(%arg12 : memref<128x64xf32, #tpu.memory_space<vmem>>)
      %add3A_132 = arith.constant 3 : i32
      %add3A_133 = arith.addi %mul3A_80, %add3A_132 : i32
      "tpu.region"() ({
        %run_scoped3A = tpu.sem_alloc : memref<!tpu.dma_semaphore, #tpu.memory_space<semaphore_mem>>
        %dma_start3A_154 = arith.constant 0 : i32
        %dma_start3A_155 = tpu.memref_slice %arg8[%add3A_133, %dma_start3A_154] : memref<160x128xi32, #tpu.memory_space<vmem>> -> memref<1x128xi32, #tpu.memory_space<vmem>>
        %dma_start3A_156 = tpu.memref_squeeze %dma_start3A_155 : memref<1x128xi32, #tpu.memory_space<vmem>> -> memref<128xi32, #tpu.memory_space<vmem>>
        %dma_start3A_157 = arith.constant 0 : i32
        %dma_start3A_158 = arith.constant 0 : i32
        %dma_start3A_159 = tpu.memref_slice %arg15[%dma_start3A_157, %dma_start3A_158] : memref<10240x64xf32, #tpu.memory_space<vmem_shared>> -> memref<10240x64xf32, #tpu.memory_space<vmem_shared>>
        tpu.enqueue_indirect_dma source(%arg12 : memref<128x64xf32, #tpu.memory_space<vmem>>) target(%dma_start3A_159 : memref<10240x64xf32, #tpu.memory_space<vmem_shared>>) offsets(%dma_start3A_156 : memref<128xi32, #tpu.memory_space<vmem>>) semaphore(%run_scoped3A : memref<!tpu.dma_semaphore, #tpu.memory_space<semaphore_mem>>) {add = true}
        %dma_wait3A_160 = arith.constant 0 : i32
        %dma_wait3A_161 = tpu.memref_slice %arg8[%add3A_133, %dma_wait3A_160] : memref<160x128xi32, #tpu.memory_space<vmem>> -> memref<1x128xi32, #tpu.memory_space<vmem>>
        %dma_wait3A_162 = tpu.memref_squeeze %dma_wait3A_161 : memref<1x128xi32, #tpu.memory_space<vmem>> -> memref<128xi32, #tpu.memory_space<vmem>>
        %dma_wait3A_163 = arith.constant 0 : i32
        %dma_wait3A_164 = arith.constant 0 : i32
        %dma_wait3A_165 = tpu.memref_slice %arg15[%dma_wait3A_163, %dma_wait3A_164] : memref<10240x64xf32, #tpu.memory_space<vmem_shared>> -> memref<10240x64xf32, #tpu.memory_space<vmem_shared>>
        tpu.wait_indirect_dma semaphore(%run_scoped3A : memref<!tpu.dma_semaphore, #tpu.memory_space<semaphore_mem>>) src(%arg12 : memref<128x64xf32, #tpu.memory_space<vmem>>) dst(%dma_wait3A_165 : memref<10240x64xf32, #tpu.memory_space<vmem_shared>>)
        tpu.yield
      }) : () -> ()
      %lt3A_134 = arith.constant 160 : i32
      %lt3A_135 = arith.cmpi slt, %add3A_82, %lt3A_134 : i32
      %convert_element_type3A_136 = arith.extui %lt3A_135 : i1 to i32
      %cond3A_137 = arith.constant 0 : i32
      %cond3A_138 = arith.cmpi ne, %convert_element_type3A_136, %cond3A_137 : i32
      scf.if %cond3A_138 {
        %add3A_154 = arith.constant 3 : i32
        %add3A_155 = arith.addi %add3A_82, %add3A_154 : i32
        %min3A = arith.constant 159 : i32
        %min3A_156 = arith.minsi %add3A_155, %min3A : i32
        %dma_start3A_157 = arith.constant 0 : i32
        %dma_start3A_158 = tpu.memref_slice %arg7[%min3A_156, %dma_start3A_157] : memref<160x128xi32, #tpu.memory_space<vmem>> -> memref<1x128xi32, #tpu.memory_space<vmem>>
        %dma_start3A_159 = tpu.memref_squeeze %dma_start3A_158 : memref<1x128xi32, #tpu.memory_space<vmem>> -> memref<128xi32, #tpu.memory_space<vmem>>
        %dma_start3A_160 = arith.constant 0 : i32
        %dma_start3A_161 = arith.constant 0 : i32
        %dma_start3A_162 = tpu.memref_slice %arg2[%dma_start3A_160, %dma_start3A_161] : memref<20000x64xf32, #tpu.memory_space<hbm>> -> memref<20000x64xf32, #tpu.memory_space<hbm>>
        tpu.enqueue_indirect_dma source(%dma_start3A_162 : memref<20000x64xf32, #tpu.memory_space<hbm>>) target(%arg12 : memref<128x64xf32, #tpu.memory_space<vmem>>) offsets(%dma_start3A_159 : memref<128xi32, #tpu.memory_space<vmem>>) semaphore(%arg19 : memref<!tpu.dma_semaphore, #tpu.memory_space<semaphore_mem>>)
      } else {
      }
      %add3A_139 = arith.constant 4 : i32
      %add3A_140 = arith.addi %mul3A_80, %add3A_139 : i32
      %dma_wait3A_141 = arith.constant 0 : i32
      %dma_wait3A_142 = tpu.memref_slice %arg7[%add3A_140, %dma_wait3A_141] : memref<160x128xi32, #tpu.memory_space<vmem>> -> memref<1x128xi32, #tpu.memory_space<vmem>>
      %dma_wait3A_143 = tpu.memref_squeeze %dma_wait3A_142 : memref<1x128xi32, #tpu.memory_space<vmem>> -> memref<128xi32, #tpu.memory_space<vmem>>
      %dma_wait3A_144 = arith.constant 0 : i32
      %dma_wait3A_145 = arith.constant 0 : i32
      %dma_wait3A_146 = tpu.memref_slice %arg2[%dma_wait3A_144, %dma_wait3A_145] : memref<20000x64xf32, #tpu.memory_space<hbm>> -> memref<20000x64xf32, #tpu.memory_space<hbm>>
      tpu.wait_indirect_dma semaphore(%arg20 : memref<!tpu.dma_semaphore, #tpu.memory_space<semaphore_mem>>) src(%dma_wait3A_146 : memref<20000x64xf32, #tpu.memory_space<hbm>>) dst(%arg13 : memref<128x64xf32, #tpu.memory_space<vmem>>)
      %add3A_147 = arith.constant 4 : i32
      %add3A_148 = arith.addi %mul3A_80, %add3A_147 : i32
      "tpu.region"() ({
        %run_scoped3A = tpu.sem_alloc : memref<!tpu.dma_semaphore, #tpu.memory_space<semaphore_mem>>
        %dma_start3A_154 = arith.constant 0 : i32
        %dma_start3A_155 = tpu.memref_slice %arg8[%add3A_148, %dma_start3A_154] : memref<160x128xi32, #tpu.memory_space<vmem>> -> memref<1x128xi32, #tpu.memory_space<vmem>>
        %dma_start3A_156 = tpu.memref_squeeze %dma_start3A_155 : memref<1x128xi32, #tpu.memory_space<vmem>> -> memref<128xi32, #tpu.memory_space<vmem>>
        %dma_start3A_157 = arith.constant 0 : i32
        %dma_start3A_158 = arith.constant 0 : i32
        %dma_start3A_159 = tpu.memref_slice %arg15[%dma_start3A_157, %dma_start3A_158] : memref<10240x64xf32, #tpu.memory_space<vmem_shared>> -> memref<10240x64xf32, #tpu.memory_space<vmem_shared>>
        tpu.enqueue_indirect_dma source(%arg13 : memref<128x64xf32, #tpu.memory_space<vmem>>) target(%dma_start3A_159 : memref<10240x64xf32, #tpu.memory_space<vmem_shared>>) offsets(%dma_start3A_156 : memref<128xi32, #tpu.memory_space<vmem>>) semaphore(%run_scoped3A : memref<!tpu.dma_semaphore, #tpu.memory_space<semaphore_mem>>) {add = true}
        %dma_wait3A_160 = arith.constant 0 : i32
        %dma_wait3A_161 = tpu.memref_slice %arg8[%add3A_148, %dma_wait3A_160] : memref<160x128xi32, #tpu.memory_space<vmem>> -> memref<1x128xi32, #tpu.memory_space<vmem>>
        %dma_wait3A_162 = tpu.memref_squeeze %dma_wait3A_161 : memref<1x128xi32, #tpu.memory_space<vmem>> -> memref<128xi32, #tpu.memory_space<vmem>>
        %dma_wait3A_163 = arith.constant 0 : i32
        %dma_wait3A_164 = arith.constant 0 : i32
        %dma_wait3A_165 = tpu.memref_slice %arg15[%dma_wait3A_163, %dma_wait3A_164] : memref<10240x64xf32, #tpu.memory_space<vmem_shared>> -> memref<10240x64xf32, #tpu.memory_space<vmem_shared>>
        tpu.wait_indirect_dma semaphore(%run_scoped3A : memref<!tpu.dma_semaphore, #tpu.memory_space<semaphore_mem>>) src(%arg13 : memref<128x64xf32, #tpu.memory_space<vmem>>) dst(%dma_wait3A_165 : memref<10240x64xf32, #tpu.memory_space<vmem_shared>>)
        tpu.yield
      }) : () -> ()
      %lt3A_149 = arith.constant 160 : i32
      %lt3A_150 = arith.cmpi slt, %add3A_82, %lt3A_149 : i32
      %convert_element_type3A_151 = arith.extui %lt3A_150 : i1 to i32
      %cond3A_152 = arith.constant 0 : i32
      %cond3A_153 = arith.cmpi ne, %convert_element_type3A_151, %cond3A_152 : i32
      scf.if %cond3A_153 {
        %add3A_154 = arith.constant 4 : i32
        %add3A_155 = arith.addi %add3A_82, %add3A_154 : i32
        %min3A = arith.constant 159 : i32
        %min3A_156 = arith.minsi %add3A_155, %min3A : i32
        %dma_start3A_157 = arith.constant 0 : i32
        %dma_start3A_158 = tpu.memref_slice %arg7[%min3A_156, %dma_start3A_157] : memref<160x128xi32, #tpu.memory_space<vmem>> -> memref<1x128xi32, #tpu.memory_space<vmem>>
        %dma_start3A_159 = tpu.memref_squeeze %dma_start3A_158 : memref<1x128xi32, #tpu.memory_space<vmem>> -> memref<128xi32, #tpu.memory_space<vmem>>
        %dma_start3A_160 = arith.constant 0 : i32
        %dma_start3A_161 = arith.constant 0 : i32
        %dma_start3A_162 = tpu.memref_slice %arg2[%dma_start3A_160, %dma_start3A_161] : memref<20000x64xf32, #tpu.memory_space<hbm>> -> memref<20000x64xf32, #tpu.memory_space<hbm>>
        tpu.enqueue_indirect_dma source(%dma_start3A_162 : memref<20000x64xf32, #tpu.memory_space<hbm>>) target(%arg13 : memref<128x64xf32, #tpu.memory_space<vmem>>) offsets(%dma_start3A_159 : memref<128xi32, #tpu.memory_space<vmem>>) semaphore(%arg20 : memref<!tpu.dma_semaphore, #tpu.memory_space<semaphore_mem>>)
      } else {
      }
    }
    %scan3A_56 = arith.constant 32 : i32
    %barrier3A_57 = arith.constant 0 : index
    tpu.barrier barrier_id(%barrier3A_57)
    %mul3A_58 = arith.constant 640 : i32
    %mul3A_59 = arith.muli %arg1, %mul3A_58 : i32
    %add3A_60 = arith.constant 0 : i32
    %add3A_61 = arith.addi %mul3A_59, %add3A_60 : i32
    "tpu.region"() ({
      %run_scoped3A = tpu.sem_alloc : memref<!tpu.dma_semaphore, #tpu.memory_space<semaphore_mem>>
      %dma_start3A_78 = arith.constant 0 : i32
      %dma_start3A_79 = tpu.memref_slice %arg15[%add3A_61, %dma_start3A_78] : memref<10240x64xf32, #tpu.memory_space<vmem_shared>> -> memref<128x64xf32, #tpu.memory_space<vmem_shared>>
      %dma_start3A_80 = arith.constant 0 : i32
      %dma_start3A_81 = tpu.memref_slice %arg15[%add3A_61, %dma_start3A_80] : memref<10240x64xf32, #tpu.memory_space<vmem_shared>> -> memref<128x64xf32, #tpu.memory_space<vmem_shared>>
      tpu.enqueue_dma source(%dma_start3A_81 : memref<128x64xf32, #tpu.memory_space<vmem_shared>>) target(%arg14 : memref<128x64xf32, #tpu.memory_space<vmem>>) target_semaphore(%run_scoped3A : memref<!tpu.dma_semaphore, #tpu.memory_space<semaphore_mem>>)
      %dma_wait3A = arith.constant 0 : i32
      %dma_wait3A_82 = tpu.memref_slice %arg15[%add3A_61, %dma_wait3A] : memref<10240x64xf32, #tpu.memory_space<vmem_shared>> -> memref<128x64xf32, #tpu.memory_space<vmem_shared>>
      %dma_wait3A_83 = arith.constant 0 : i32
      %dma_wait3A_84 = tpu.memref_slice %arg15[%add3A_61, %dma_wait3A_83] : memref<10240x64xf32, #tpu.memory_space<vmem_shared>> -> memref<128x64xf32, #tpu.memory_space<vmem_shared>>
      tpu.wait_dma2 semaphore(%run_scoped3A : memref<!tpu.dma_semaphore, #tpu.memory_space<semaphore_mem>>) src(%dma_wait3A_84 : memref<128x64xf32, #tpu.memory_space<vmem_shared>>) dst(%arg14 : memref<128x64xf32, #tpu.memory_space<vmem>>)
      tpu.yield
    }) : () -> ()
    "tpu.region"() ({
      %run_scoped3A = tpu.sem_alloc : memref<!tpu.dma_semaphore, #tpu.memory_space<semaphore_mem>>
      %dma_start3A_78 = arith.constant 0 : i32
      %dma_start3A_79 = tpu.memref_slice %arg6[%arg0, %add3A_61, %dma_start3A_78] : memref<2x10240x64xf32, #tpu.memory_space<hbm>> -> memref<1x128x64xf32, #tpu.memory_space<hbm>>
      %dma_start3A_80 = tpu.memref_squeeze %dma_start3A_79 : memref<1x128x64xf32, #tpu.memory_space<hbm>> -> memref<128x64xf32, #tpu.memory_space<hbm>>
      %dma_start3A_81 = arith.constant 0 : i32
      %dma_start3A_82 = tpu.memref_slice %arg6[%arg0, %add3A_61, %dma_start3A_81] : memref<2x10240x64xf32, #tpu.memory_space<hbm>> -> memref<1x128x64xf32, #tpu.memory_space<hbm>>
      %dma_start3A_83 = tpu.memref_squeeze %dma_start3A_82 : memref<1x128x64xf32, #tpu.memory_space<hbm>> -> memref<128x64xf32, #tpu.memory_space<hbm>>
      tpu.enqueue_dma source(%arg14 : memref<128x64xf32, #tpu.memory_space<vmem>>) target(%dma_start3A_83 : memref<128x64xf32, #tpu.memory_space<hbm>>) target_semaphore(%run_scoped3A : memref<!tpu.dma_semaphore, #tpu.memory_space<semaphore_mem>>)
      %dma_wait3A = arith.constant 0 : i32
      %dma_wait3A_84 = tpu.memref_slice %arg6[%arg0, %add3A_61, %dma_wait3A] : memref<2x10240x64xf32, #tpu.memory_space<hbm>> -> memref<1x128x64xf32, #tpu.memory_space<hbm>>
      %dma_wait3A_85 = tpu.memref_squeeze %dma_wait3A_84 : memref<1x128x64xf32, #tpu.memory_space<hbm>> -> memref<128x64xf32, #tpu.memory_space<hbm>>
      %dma_wait3A_86 = arith.constant 0 : i32
      %dma_wait3A_87 = tpu.memref_slice %arg6[%arg0, %add3A_61, %dma_wait3A_86] : memref<2x10240x64xf32, #tpu.memory_space<hbm>> -> memref<1x128x64xf32, #tpu.memory_space<hbm>>
      %dma_wait3A_88 = tpu.memref_squeeze %dma_wait3A_87 : memref<1x128x64xf32, #tpu.memory_space<hbm>> -> memref<128x64xf32, #tpu.memory_space<hbm>>
      tpu.wait_dma2 semaphore(%run_scoped3A : memref<!tpu.dma_semaphore, #tpu.memory_space<semaphore_mem>>) src(%arg14 : memref<128x64xf32, #tpu.memory_space<vmem>>) dst(%dma_wait3A_88 : memref<128x64xf32, #tpu.memory_space<hbm>>)
      tpu.yield
    }) : () -> ()
    %mul3A_62 = arith.constant 640 : i32
    %mul3A_63 = arith.muli %arg1, %mul3A_62 : i32
    %add3A_64 = arith.constant 128 : i32
    %add3A_65 = arith.addi %mul3A_63, %add3A_64 : i32
    "tpu.region"() ({
      %run_scoped3A = tpu.sem_alloc : memref<!tpu.dma_semaphore, #tpu.memory_space<semaphore_mem>>
      %dma_start3A_78 = arith.constant 0 : i32
      %dma_start3A_79 = tpu.memref_slice %arg15[%add3A_65, %dma_start3A_78] : memref<10240x64xf32, #tpu.memory_space<vmem_shared>> -> memref<128x64xf32, #tpu.memory_space<vmem_shared>>
      %dma_start3A_80 = arith.constant 0 : i32
      %dma_start3A_81 = tpu.memref_slice %arg15[%add3A_65, %dma_start3A_80] : memref<10240x64xf32, #tpu.memory_space<vmem_shared>> -> memref<128x64xf32, #tpu.memory_space<vmem_shared>>
      tpu.enqueue_dma source(%dma_start3A_81 : memref<128x64xf32, #tpu.memory_space<vmem_shared>>) target(%arg14 : memref<128x64xf32, #tpu.memory_space<vmem>>) target_semaphore(%run_scoped3A : memref<!tpu.dma_semaphore, #tpu.memory_space<semaphore_mem>>)
      %dma_wait3A = arith.constant 0 : i32
      %dma_wait3A_82 = tpu.memref_slice %arg15[%add3A_65, %dma_wait3A] : memref<10240x64xf32, #tpu.memory_space<vmem_shared>> -> memref<128x64xf32, #tpu.memory_space<vmem_shared>>
      %dma_wait3A_83 = arith.constant 0 : i32
      %dma_wait3A_84 = tpu.memref_slice %arg15[%add3A_65, %dma_wait3A_83] : memref<10240x64xf32, #tpu.memory_space<vmem_shared>> -> memref<128x64xf32, #tpu.memory_space<vmem_shared>>
      tpu.wait_dma2 semaphore(%run_scoped3A : memref<!tpu.dma_semaphore, #tpu.memory_space<semaphore_mem>>) src(%dma_wait3A_84 : memref<128x64xf32, #tpu.memory_space<vmem_shared>>) dst(%arg14 : memref<128x64xf32, #tpu.memory_space<vmem>>)
      tpu.yield
    }) : () -> ()
    "tpu.region"() ({
      %run_scoped3A = tpu.sem_alloc : memref<!tpu.dma_semaphore, #tpu.memory_space<semaphore_mem>>
      %dma_start3A_78 = arith.constant 0 : i32
      %dma_start3A_79 = tpu.memref_slice %arg6[%arg0, %add3A_65, %dma_start3A_78] : memref<2x10240x64xf32, #tpu.memory_space<hbm>> -> memref<1x128x64xf32, #tpu.memory_space<hbm>>
      %dma_start3A_80 = tpu.memref_squeeze %dma_start3A_79 : memref<1x128x64xf32, #tpu.memory_space<hbm>> -> memref<128x64xf32, #tpu.memory_space<hbm>>
      %dma_start3A_81 = arith.constant 0 : i32
      %dma_start3A_82 = tpu.memref_slice %arg6[%arg0, %add3A_65, %dma_start3A_81] : memref<2x10240x64xf32, #tpu.memory_space<hbm>> -> memref<1x128x64xf32, #tpu.memory_space<hbm>>
      %dma_start3A_83 = tpu.memref_squeeze %dma_start3A_82 : memref<1x128x64xf32, #tpu.memory_space<hbm>> -> memref<128x64xf32, #tpu.memory_space<hbm>>
      tpu.enqueue_dma source(%arg14 : memref<128x64xf32, #tpu.memory_space<vmem>>) target(%dma_start3A_83 : memref<128x64xf32, #tpu.memory_space<hbm>>) target_semaphore(%run_scoped3A : memref<!tpu.dma_semaphore, #tpu.memory_space<semaphore_mem>>)
      %dma_wait3A = arith.constant 0 : i32
      %dma_wait3A_84 = tpu.memref_slice %arg6[%arg0, %add3A_65, %dma_wait3A] : memref<2x10240x64xf32, #tpu.memory_space<hbm>> -> memref<1x128x64xf32, #tpu.memory_space<hbm>>
      %dma_wait3A_85 = tpu.memref_squeeze %dma_wait3A_84 : memref<1x128x64xf32, #tpu.memory_space<hbm>> -> memref<128x64xf32, #tpu.memory_space<hbm>>
      %dma_wait3A_86 = arith.constant 0 : i32
      %dma_wait3A_87 = tpu.memref_slice %arg6[%arg0, %add3A_65, %dma_wait3A_86] : memref<2x10240x64xf32, #tpu.memory_space<hbm>> -> memref<1x128x64xf32, #tpu.memory_space<hbm>>
      %dma_wait3A_88 = tpu.memref_squeeze %dma_wait3A_87 : memref<1x128x64xf32, #tpu.memory_space<hbm>> -> memref<128x64xf32, #tpu.memory_space<hbm>>
      tpu.wait_dma2 semaphore(%run_scoped3A : memref<!tpu.dma_semaphore, #tpu.memory_space<semaphore_mem>>) src(%arg14 : memref<128x64xf32, #tpu.memory_space<vmem>>) dst(%dma_wait3A_88 : memref<128x64xf32, #tpu.memory_space<hbm>>)
      tpu.yield
    }) : () -> ()
    %mul3A_66 = arith.constant 640 : i32
    %mul3A_67 = arith.muli %arg1, %mul3A_66 : i32
    %add3A_68 = arith.constant 256 : i32
    %add3A_69 = arith.addi %mul3A_67, %add3A_68 : i32
    "tpu.region"() ({
      %run_scoped3A = tpu.sem_alloc : memref<!tpu.dma_semaphore, #tpu.memory_space<semaphore_mem>>
      %dma_start3A_78 = arith.constant 0 : i32
      %dma_start3A_79 = tpu.memref_slice %arg15[%add3A_69, %dma_start3A_78] : memref<10240x64xf32, #tpu.memory_space<vmem_shared>> -> memref<128x64xf32, #tpu.memory_space<vmem_shared>>
      %dma_start3A_80 = arith.constant 0 : i32
      %dma_start3A_81 = tpu.memref_slice %arg15[%add3A_69, %dma_start3A_80] : memref<10240x64xf32, #tpu.memory_space<vmem_shared>> -> memref<128x64xf32, #tpu.memory_space<vmem_shared>>
      tpu.enqueue_dma source(%dma_start3A_81 : memref<128x64xf32, #tpu.memory_space<vmem_shared>>) target(%arg14 : memref<128x64xf32, #tpu.memory_space<vmem>>) target_semaphore(%run_scoped3A : memref<!tpu.dma_semaphore, #tpu.memory_space<semaphore_mem>>)
      %dma_wait3A = arith.constant 0 : i32
      %dma_wait3A_82 = tpu.memref_slice %arg15[%add3A_69, %dma_wait3A] : memref<10240x64xf32, #tpu.memory_space<vmem_shared>> -> memref<128x64xf32, #tpu.memory_space<vmem_shared>>
      %dma_wait3A_83 = arith.constant 0 : i32
      %dma_wait3A_84 = tpu.memref_slice %arg15[%add3A_69, %dma_wait3A_83] : memref<10240x64xf32, #tpu.memory_space<vmem_shared>> -> memref<128x64xf32, #tpu.memory_space<vmem_shared>>
      tpu.wait_dma2 semaphore(%run_scoped3A : memref<!tpu.dma_semaphore, #tpu.memory_space<semaphore_mem>>) src(%dma_wait3A_84 : memref<128x64xf32, #tpu.memory_space<vmem_shared>>) dst(%arg14 : memref<128x64xf32, #tpu.memory_space<vmem>>)
      tpu.yield
    }) : () -> ()
    "tpu.region"() ({
      %run_scoped3A = tpu.sem_alloc : memref<!tpu.dma_semaphore, #tpu.memory_space<semaphore_mem>>
      %dma_start3A_78 = arith.constant 0 : i32
      %dma_start3A_79 = tpu.memref_slice %arg6[%arg0, %add3A_69, %dma_start3A_78] : memref<2x10240x64xf32, #tpu.memory_space<hbm>> -> memref<1x128x64xf32, #tpu.memory_space<hbm>>
      %dma_start3A_80 = tpu.memref_squeeze %dma_start3A_79 : memref<1x128x64xf32, #tpu.memory_space<hbm>> -> memref<128x64xf32, #tpu.memory_space<hbm>>
      %dma_start3A_81 = arith.constant 0 : i32
      %dma_start3A_82 = tpu.memref_slice %arg6[%arg0, %add3A_69, %dma_start3A_81] : memref<2x10240x64xf32, #tpu.memory_space<hbm>> -> memref<1x128x64xf32, #tpu.memory_space<hbm>>
      %dma_start3A_83 = tpu.memref_squeeze %dma_start3A_82 : memref<1x128x64xf32, #tpu.memory_space<hbm>> -> memref<128x64xf32, #tpu.memory_space<hbm>>
      tpu.enqueue_dma source(%arg14 : memref<128x64xf32, #tpu.memory_space<vmem>>) target(%dma_start3A_83 : memref<128x64xf32, #tpu.memory_space<hbm>>) target_semaphore(%run_scoped3A : memref<!tpu.dma_semaphore, #tpu.memory_space<semaphore_mem>>)
      %dma_wait3A = arith.constant 0 : i32
      %dma_wait3A_84 = tpu.memref_slice %arg6[%arg0, %add3A_69, %dma_wait3A] : memref<2x10240x64xf32, #tpu.memory_space<hbm>> -> memref<1x128x64xf32, #tpu.memory_space<hbm>>
      %dma_wait3A_85 = tpu.memref_squeeze %dma_wait3A_84 : memref<1x128x64xf32, #tpu.memory_space<hbm>> -> memref<128x64xf32, #tpu.memory_space<hbm>>
      %dma_wait3A_86 = arith.constant 0 : i32
      %dma_wait3A_87 = tpu.memref_slice %arg6[%arg0, %add3A_69, %dma_wait3A_86] : memref<2x10240x64xf32, #tpu.memory_space<hbm>> -> memref<1x128x64xf32, #tpu.memory_space<hbm>>
      %dma_wait3A_88 = tpu.memref_squeeze %dma_wait3A_87 : memref<1x128x64xf32, #tpu.memory_space<hbm>> -> memref<128x64xf32, #tpu.memory_space<hbm>>
      tpu.wait_dma2 semaphore(%run_scoped3A : memref<!tpu.dma_semaphore, #tpu.memory_space<semaphore_mem>>) src(%arg14 : memref<128x64xf32, #tpu.memory_space<vmem>>) dst(%dma_wait3A_88 : memref<128x64xf32, #tpu.memory_space<hbm>>)
      tpu.yield
    }) : () -> ()
    %mul3A_70 = arith.constant 640 : i32
    %mul3A_71 = arith.muli %arg1, %mul3A_70 : i32
    %add3A_72 = arith.constant 384 : i32
    %add3A_73 = arith.addi %mul3A_71, %add3A_72 : i32
    "tpu.region"() ({
      %run_scoped3A = tpu.sem_alloc : memref<!tpu.dma_semaphore, #tpu.memory_space<semaphore_mem>>
      %dma_start3A_78 = arith.constant 0 : i32
      %dma_start3A_79 = tpu.memref_slice %arg15[%add3A_73, %dma_start3A_78] : memref<10240x64xf32, #tpu.memory_space<vmem_shared>> -> memref<128x64xf32, #tpu.memory_space<vmem_shared>>
      %dma_start3A_80 = arith.constant 0 : i32
      %dma_start3A_81 = tpu.memref_slice %arg15[%add3A_73, %dma_start3A_80] : memref<10240x64xf32, #tpu.memory_space<vmem_shared>> -> memref<128x64xf32, #tpu.memory_space<vmem_shared>>
      tpu.enqueue_dma source(%dma_start3A_81 : memref<128x64xf32, #tpu.memory_space<vmem_shared>>) target(%arg14 : memref<128x64xf32, #tpu.memory_space<vmem>>) target_semaphore(%run_scoped3A : memref<!tpu.dma_semaphore, #tpu.memory_space<semaphore_mem>>)
      %dma_wait3A = arith.constant 0 : i32
      %dma_wait3A_82 = tpu.memref_slice %arg15[%add3A_73, %dma_wait3A] : memref<10240x64xf32, #tpu.memory_space<vmem_shared>> -> memref<128x64xf32, #tpu.memory_space<vmem_shared>>
      %dma_wait3A_83 = arith.constant 0 : i32
      %dma_wait3A_84 = tpu.memref_slice %arg15[%add3A_73, %dma_wait3A_83] : memref<10240x64xf32, #tpu.memory_space<vmem_shared>> -> memref<128x64xf32, #tpu.memory_space<vmem_shared>>
      tpu.wait_dma2 semaphore(%run_scoped3A : memref<!tpu.dma_semaphore, #tpu.memory_space<semaphore_mem>>) src(%dma_wait3A_84 : memref<128x64xf32, #tpu.memory_space<vmem_shared>>) dst(%arg14 : memref<128x64xf32, #tpu.memory_space<vmem>>)
      tpu.yield
    }) : () -> ()
    "tpu.region"() ({
      %run_scoped3A = tpu.sem_alloc : memref<!tpu.dma_semaphore, #tpu.memory_space<semaphore_mem>>
      %dma_start3A_78 = arith.constant 0 : i32
      %dma_start3A_79 = tpu.memref_slice %arg6[%arg0, %add3A_73, %dma_start3A_78] : memref<2x10240x64xf32, #tpu.memory_space<hbm>> -> memref<1x128x64xf32, #tpu.memory_space<hbm>>
      %dma_start3A_80 = tpu.memref_squeeze %dma_start3A_79 : memref<1x128x64xf32, #tpu.memory_space<hbm>> -> memref<128x64xf32, #tpu.memory_space<hbm>>
      %dma_start3A_81 = arith.constant 0 : i32
      %dma_start3A_82 = tpu.memref_slice %arg6[%arg0, %add3A_73, %dma_start3A_81] : memref<2x10240x64xf32, #tpu.memory_space<hbm>> -> memref<1x128x64xf32, #tpu.memory_space<hbm>>
      %dma_start3A_83 = tpu.memref_squeeze %dma_start3A_82 : memref<1x128x64xf32, #tpu.memory_space<hbm>> -> memref<128x64xf32, #tpu.memory_space<hbm>>
      tpu.enqueue_dma source(%arg14 : memref<128x64xf32, #tpu.memory_space<vmem>>) target(%dma_start3A_83 : memref<128x64xf32, #tpu.memory_space<hbm>>) target_semaphore(%run_scoped3A : memref<!tpu.dma_semaphore, #tpu.memory_space<semaphore_mem>>)
      %dma_wait3A = arith.constant 0 : i32
      %dma_wait3A_84 = tpu.memref_slice %arg6[%arg0, %add3A_73, %dma_wait3A] : memref<2x10240x64xf32, #tpu.memory_space<hbm>> -> memref<1x128x64xf32, #tpu.memory_space<hbm>>
      %dma_wait3A_85 = tpu.memref_squeeze %dma_wait3A_84 : memref<1x128x64xf32, #tpu.memory_space<hbm>> -> memref<128x64xf32, #tpu.memory_space<hbm>>
      %dma_wait3A_86 = arith.constant 0 : i32
      %dma_wait3A_87 = tpu.memref_slice %arg6[%arg0, %add3A_73, %dma_wait3A_86] : memref<2x10240x64xf32, #tpu.memory_space<hbm>> -> memref<1x128x64xf32, #tpu.memory_space<hbm>>
      %dma_wait3A_88 = tpu.memref_squeeze %dma_wait3A_87 : memref<1x128x64xf32, #tpu.memory_space<hbm>> -> memref<128x64xf32, #tpu.memory_space<hbm>>
      tpu.wait_dma2 semaphore(%run_scoped3A : memref<!tpu.dma_semaphore, #tpu.memory_space<semaphore_mem>>) src(%arg14 : memref<128x64xf32, #tpu.memory_space<vmem>>) dst(%dma_wait3A_88 : memref<128x64xf32, #tpu.memory_space<hbm>>)
      tpu.yield
    }) : () -> ()
    %mul3A_74 = arith.constant 640 : i32
    %mul3A_75 = arith.muli %arg1, %mul3A_74 : i32
    %add3A_76 = arith.constant 512 : i32
    %add3A_77 = arith.addi %mul3A_75, %add3A_76 : i32
    "tpu.region"() ({
      %run_scoped3A = tpu.sem_alloc : memref<!tpu.dma_semaphore, #tpu.memory_space<semaphore_mem>>
      %dma_start3A_78 = arith.constant 0 : i32
      %dma_start3A_79 = tpu.memref_slice %arg15[%add3A_77, %dma_start3A_78] : memref<10240x64xf32, #tpu.memory_space<vmem_shared>> -> memref<128x64xf32, #tpu.memory_space<vmem_shared>>
      %dma_start3A_80 = arith.constant 0 : i32
      %dma_start3A_81 = tpu.memref_slice %arg15[%add3A_77, %dma_start3A_80] : memref<10240x64xf32, #tpu.memory_space<vmem_shared>> -> memref<128x64xf32, #tpu.memory_space<vmem_shared>>
      tpu.enqueue_dma source(%dma_start3A_81 : memref<128x64xf32, #tpu.memory_space<vmem_shared>>) target(%arg14 : memref<128x64xf32, #tpu.memory_space<vmem>>) target_semaphore(%run_scoped3A : memref<!tpu.dma_semaphore, #tpu.memory_space<semaphore_mem>>)
      %dma_wait3A = arith.constant 0 : i32
      %dma_wait3A_82 = tpu.memref_slice %arg15[%add3A_77, %dma_wait3A] : memref<10240x64xf32, #tpu.memory_space<vmem_shared>> -> memref<128x64xf32, #tpu.memory_space<vmem_shared>>
      %dma_wait3A_83 = arith.constant 0 : i32
      %dma_wait3A_84 = tpu.memref_slice %arg15[%add3A_77, %dma_wait3A_83] : memref<10240x64xf32, #tpu.memory_space<vmem_shared>> -> memref<128x64xf32, #tpu.memory_space<vmem_shared>>
      tpu.wait_dma2 semaphore(%run_scoped3A : memref<!tpu.dma_semaphore, #tpu.memory_space<semaphore_mem>>) src(%dma_wait3A_84 : memref<128x64xf32, #tpu.memory_space<vmem_shared>>) dst(%arg14 : memref<128x64xf32, #tpu.memory_space<vmem>>)
      tpu.yield
    }) : () -> ()
    "tpu.region"() ({
      %run_scoped3A = tpu.sem_alloc : memref<!tpu.dma_semaphore, #tpu.memory_space<semaphore_mem>>
      %dma_start3A_78 = arith.constant 0 : i32
      %dma_start3A_79 = tpu.memref_slice %arg6[%arg0, %add3A_77, %dma_start3A_78] : memref<2x10240x64xf32, #tpu.memory_space<hbm>> -> memref<1x128x64xf32, #tpu.memory_space<hbm>>
      %dma_start3A_80 = tpu.memref_squeeze %dma_start3A_79 : memref<1x128x64xf32, #tpu.memory_space<hbm>> -> memref<128x64xf32, #tpu.memory_space<hbm>>
      %dma_start3A_81 = arith.constant 0 : i32
      %dma_start3A_82 = tpu.memref_slice %arg6[%arg0, %add3A_77, %dma_start3A_81] : memref<2x10240x64xf32, #tpu.memory_space<hbm>> -> memref<1x128x64xf32, #tpu.memory_space<hbm>>
      %dma_start3A_83 = tpu.memref_squeeze %dma_start3A_82 : memref<1x128x64xf32, #tpu.memory_space<hbm>> -> memref<128x64xf32, #tpu.memory_space<hbm>>
      tpu.enqueue_dma source(%arg14 : memref<128x64xf32, #tpu.memory_space<vmem>>) target(%dma_start3A_83 : memref<128x64xf32, #tpu.memory_space<hbm>>) target_semaphore(%run_scoped3A : memref<!tpu.dma_semaphore, #tpu.memory_space<semaphore_mem>>)
      %dma_wait3A = arith.constant 0 : i32
      %dma_wait3A_84 = tpu.memref_slice %arg6[%arg0, %add3A_77, %dma_wait3A] : memref<2x10240x64xf32, #tpu.memory_space<hbm>> -> memref<1x128x64xf32, #tpu.memory_space<hbm>>
      %dma_wait3A_85 = tpu.memref_squeeze %dma_wait3A_84 : memref<1x128x64xf32, #tpu.memory_space<hbm>> -> memref<128x64xf32, #tpu.memory_space<hbm>>
      %dma_wait3A_86 = arith.constant 0 : i32
      %dma_wait3A_87 = tpu.memref_slice %arg6[%arg0, %add3A_77, %dma_wait3A_86] : memref<2x10240x64xf32, #tpu.memory_space<hbm>> -> memref<1x128x64xf32, #tpu.memory_space<hbm>>
      %dma_wait3A_88 = tpu.memref_squeeze %dma_wait3A_87 : memref<1x128x64xf32, #tpu.memory_space<hbm>> -> memref<128x64xf32, #tpu.memory_space<hbm>>
      tpu.wait_dma2 semaphore(%run_scoped3A : memref<!tpu.dma_semaphore, #tpu.memory_space<semaphore_mem>>) src(%arg14 : memref<128x64xf32, #tpu.memory_space<vmem>>) dst(%dma_wait3A_88 : memref<128x64xf32, #tpu.memory_space<hbm>>)
      tpu.yield
    }) : () -> ()
    return
  }
}

#map = affine_map<(d0, d1) -> (0, 0)>
#map1 = affine_map<(d0, d1) -> (0, 0, 0, 0)>
#map2 = affine_map<(d0, d1) -> (0, 0, 0)>
module attributes {stable_mosaic.version = 14 : i64} {
  func.func @_sc_agg_body(%arg0: i32, %arg1: i32, %arg2: memref<20000x64xf32, #tpu.memory_space<hbm>>, %arg3: memref<2x16x160x128xi32, #tpu.memory_space<hbm>>, %arg4: memref<16x160x128xi32, #tpu.memory_space<hbm>>, %arg5: memref<128x64xf32, #tpu.memory_space<hbm>>, %arg6: memref<2x10240x64xf32, #tpu.memory_space<hbm>>, %arg7: memref<160x128xi32, #tpu.memory_space<vmem>>, %arg8: memref<160x128xi32, #tpu.memory_space<vmem>>, %arg9: memref<128x64xf32, #tpu.memory_space<vmem>>, %arg10: memref<128x64xf32, #tpu.memory_space<vmem>>, %arg11: memref<128x64xf32, #tpu.memory_space<vmem>>, %arg12: memref<128x64xf32, #tpu.memory_space<vmem>>, %arg13: memref<128x64xf32, #tpu.memory_space<vmem>>, %arg14: memref<128x64xf32, #tpu.memory_space<vmem>>, %arg15: memref<10240x64xf32, #tpu.memory_space<vmem_shared>>, %arg16: memref<!tpu.dma_semaphore, #tpu.memory_space<semaphore_mem>>, %arg17: memref<!tpu.dma_semaphore, #tpu.memory_space<semaphore_mem>>, %arg18: memref<!tpu.dma_semaphore, #tpu.memory_space<semaphore_mem>>, %arg19: memref<!tpu.dma_semaphore, #tpu.memory_space<semaphore_mem>>, %arg20: memref<!tpu.dma_semaphore, #tpu.memory_space<semaphore_mem>>) attributes {dimension_semantics = [#tpu.dimension_semantics<core_parallel>, #tpu.dimension_semantics<subcore_parallel>], iteration_bounds = array<i64: 2, 16>, scalar_prefetch = 0 : i64, scratch_operands = 14 : i64, tpu.core_type = #tpu.core_type<sc_vector_subcore>, window_params = [{transform_indices = #map}, {transform_indices = #map1}, {transform_indices = #map2}, {transform_indices = #map}, {transform_indices = #map2}]} {
    "tpu.region"() ({
      %run_scoped3A = tpu.sem_alloc : memref<!tpu.dma_semaphore, #tpu.memory_space<semaphore_mem>>
      %dma_start3A_78 = arith.constant 0 : i32
      %dma_start3A_79 = arith.constant 0 : i32
      %dma_start3A_80 = tpu.memref_slice %arg3[%arg0, %arg1, %dma_start3A_78, %dma_start3A_79] : memref<2x16x160x128xi32, #tpu.memory_space<hbm>> -> memref<1x1x160x128xi32, #tpu.memory_space<hbm>>
      %dma_start3A_81 = tpu.memref_squeeze %dma_start3A_80 : memref<1x1x160x128xi32, #tpu.memory_space<hbm>> -> memref<160x128xi32, #tpu.memory_space<hbm>>
      %dma_start3A_82 = arith.constant 0 : i32
      %dma_start3A_83 = arith.constant 0 : i32
      %dma_start3A_84 = tpu.memref_slice %arg3[%arg0, %arg1, %dma_start3A_82, %dma_start3A_83] : memref<2x16x160x128xi32, #tpu.memory_space<hbm>> -> memref<1x1x160x128xi32, #tpu.memory_space<hbm>>
      %dma_start3A_85 = tpu.memref_squeeze %dma_start3A_84 : memref<1x1x160x128xi32, #tpu.memory_space<hbm>> -> memref<160x128xi32, #tpu.memory_space<hbm>>
      tpu.enqueue_dma source(%dma_start3A_85 : memref<160x128xi32, #tpu.memory_space<hbm>>) target(%arg7 : memref<160x128xi32, #tpu.memory_space<vmem>>) target_semaphore(%run_scoped3A : memref<!tpu.dma_semaphore, #tpu.memory_space<semaphore_mem>>)
      %dma_wait3A = arith.constant 0 : i32
      %dma_wait3A_86 = arith.constant 0 : i32
      %dma_wait3A_87 = tpu.memref_slice %arg3[%arg0, %arg1, %dma_wait3A, %dma_wait3A_86] : memref<2x16x160x128xi32, #tpu.memory_space<hbm>> -> memref<1x1x160x128xi32, #tpu.memory_space<hbm>>
      %dma_wait3A_88 = tpu.memref_squeeze %dma_wait3A_87 : memref<1x1x160x128xi32, #tpu.memory_space<hbm>> -> memref<160x128xi32, #tpu.memory_space<hbm>>
      %dma_wait3A_89 = arith.constant 0 : i32
      %dma_wait3A_90 = arith.constant 0 : i32
      %dma_wait3A_91 = tpu.memref_slice %arg3[%arg0, %arg1, %dma_wait3A_89, %dma_wait3A_90] : memref<2x16x160x128xi32, #tpu.memory_space<hbm>> -> memref<1x1x160x128xi32, #tpu.memory_space<hbm>>
      %dma_wait3A_92 = tpu.memref_squeeze %dma_wait3A_91 : memref<1x1x160x128xi32, #tpu.memory_space<hbm>> -> memref<160x128xi32, #tpu.memory_space<hbm>>
      tpu.wait_dma2 semaphore(%run_scoped3A : memref<!tpu.dma_semaphore, #tpu.memory_space<semaphore_mem>>) src(%dma_wait3A_92 : memref<160x128xi32, #tpu.memory_space<hbm>>) dst(%arg7 : memref<160x128xi32, #tpu.memory_space<vmem>>)
      tpu.yield
    }) : () -> ()
    "tpu.region"() ({
      %run_scoped3A = tpu.sem_alloc : memref<!tpu.dma_semaphore, #tpu.memory_space<semaphore_mem>>
      %dma_start3A_78 = arith.constant 0 : i32
      %dma_start3A_79 = arith.constant 0 : i32
      %dma_start3A_80 = tpu.memref_slice %arg4[%arg1, %dma_start3A_78, %dma_start3A_79] : memref<16x160x128xi32, #tpu.memory_space<hbm>> -> memref<1x160x128xi32, #tpu.memory_space<hbm>>
      %dma_start3A_81 = tpu.memref_squeeze %dma_start3A_80 : memref<1x160x128xi32, #tpu.memory_space<hbm>> -> memref<160x128xi32, #tpu.memory_space<hbm>>
      %dma_start3A_82 = arith.constant 0 : i32
      %dma_start3A_83 = arith.constant 0 : i32
      %dma_start3A_84 = tpu.memref_slice %arg4[%arg1, %dma_start3A_82, %dma_start3A_83] : memref<16x160x128xi32, #tpu.memory_space<hbm>> -> memref<1x160x128xi32, #tpu.memory_space<hbm>>
      %dma_start3A_85 = tpu.memref_squeeze %dma_start3A_84 : memref<1x160x128xi32, #tpu.memory_space<hbm>> -> memref<160x128xi32, #tpu.memory_space<hbm>>
      tpu.enqueue_dma source(%dma_start3A_85 : memref<160x128xi32, #tpu.memory_space<hbm>>) target(%arg8 : memref<160x128xi32, #tpu.memory_space<vmem>>) target_semaphore(%run_scoped3A : memref<!tpu.dma_semaphore, #tpu.memory_space<semaphore_mem>>)
      %dma_wait3A = arith.constant 0 : i32
      %dma_wait3A_86 = arith.constant 0 : i32
      %dma_wait3A_87 = tpu.memref_slice %arg4[%arg1, %dma_wait3A, %dma_wait3A_86] : memref<16x160x128xi32, #tpu.memory_space<hbm>> -> memref<1x160x128xi32, #tpu.memory_space<hbm>>
      %dma_wait3A_88 = tpu.memref_squeeze %dma_wait3A_87 : memref<1x160x128xi32, #tpu.memory_space<hbm>> -> memref<160x128xi32, #tpu.memory_space<hbm>>
      %dma_wait3A_89 = arith.constant 0 : i32
      %dma_wait3A_90 = arith.constant 0 : i32
      %dma_wait3A_91 = tpu.memref_slice %arg4[%arg1, %dma_wait3A_89, %dma_wait3A_90] : memref<16x160x128xi32, #tpu.memory_space<hbm>> -> memref<1x160x128xi32, #tpu.memory_space<hbm>>
      %dma_wait3A_92 = tpu.memref_squeeze %dma_wait3A_91 : memref<1x160x128xi32, #tpu.memory_space<hbm>> -> memref<160x128xi32, #tpu.memory_space<hbm>>
      tpu.wait_dma2 semaphore(%run_scoped3A : memref<!tpu.dma_semaphore, #tpu.memory_space<semaphore_mem>>) src(%dma_wait3A_92 : memref<160x128xi32, #tpu.memory_space<hbm>>) dst(%arg8 : memref<160x128xi32, #tpu.memory_space<vmem>>)
      tpu.yield
    }) : () -> ()
    "tpu.region"() ({
      %run_scoped3A = tpu.sem_alloc : memref<!tpu.dma_semaphore, #tpu.memory_space<semaphore_mem>>
      tpu.enqueue_dma source(%arg5 : memref<128x64xf32, #tpu.memory_space<hbm>>) target(%arg14 : memref<128x64xf32, #tpu.memory_space<vmem>>) target_semaphore(%run_scoped3A : memref<!tpu.dma_semaphore, #tpu.memory_space<semaphore_mem>>)
      tpu.wait_dma2 semaphore(%run_scoped3A : memref<!tpu.dma_semaphore, #tpu.memory_space<semaphore_mem>>) src(%arg5 : memref<128x64xf32, #tpu.memory_space<hbm>>) dst(%arg14 : memref<128x64xf32, #tpu.memory_space<vmem>>)
      tpu.yield
    }) : () -> ()
    %mul3A = arith.constant 640 : i32
    %mul3A_0 = arith.muli %arg1, %mul3A : i32
    %add3A = arith.constant 0 : i32
    %add3A_1 = arith.addi %mul3A_0, %add3A : i32
    "tpu.region"() ({
      %run_scoped3A = tpu.sem_alloc : memref<!tpu.dma_semaphore, #tpu.memory_space<semaphore_mem>>
      %dma_start3A_78 = arith.constant 0 : i32
      %dma_start3A_79 = tpu.memref_slice %arg15[%add3A_1, %dma_start3A_78] : memref<10240x64xf32, #tpu.memory_space<vmem_shared>> -> memref<128x64xf32, #tpu.memory_space<vmem_shared>>
      %dma_start3A_80 = arith.constant 0 : i32
      %dma_start3A_81 = tpu.memref_slice %arg15[%add3A_1, %dma_start3A_80] : memref<10240x64xf32, #tpu.memory_space<vmem_shared>> -> memref<128x64xf32, #tpu.memory_space<vmem_shared>>
      tpu.enqueue_dma source(%arg14 : memref<128x64xf32, #tpu.memory_space<vmem>>) target(%dma_start3A_81 : memref<128x64xf32, #tpu.memory_space<vmem_shared>>) target_semaphore(%run_scoped3A : memref<!tpu.dma_semaphore, #tpu.memory_space<semaphore_mem>>)
      %dma_wait3A = arith.constant 0 : i32
      %dma_wait3A_82 = tpu.memref_slice %arg15[%add3A_1, %dma_wait3A] : memref<10240x64xf32, #tpu.memory_space<vmem_shared>> -> memref<128x64xf32, #tpu.memory_space<vmem_shared>>
      %dma_wait3A_83 = arith.constant 0 : i32
      %dma_wait3A_84 = tpu.memref_slice %arg15[%add3A_1, %dma_wait3A_83] : memref<10240x64xf32, #tpu.memory_space<vmem_shared>> -> memref<128x64xf32, #tpu.memory_space<vmem_shared>>
      tpu.wait_dma2 semaphore(%run_scoped3A : memref<!tpu.dma_semaphore, #tpu.memory_space<semaphore_mem>>) src(%arg14 : memref<128x64xf32, #tpu.memory_space<vmem>>) dst(%dma_wait3A_84 : memref<128x64xf32, #tpu.memory_space<vmem_shared>>)
      tpu.yield
    }) : () -> ()
    %mul3A_2 = arith.constant 640 : i32
    %mul3A_3 = arith.muli %arg1, %mul3A_2 : i32
    %add3A_4 = arith.constant 128 : i32
    %add3A_5 = arith.addi %mul3A_3, %add3A_4 : i32
    "tpu.region"() ({
      %run_scoped3A = tpu.sem_alloc : memref<!tpu.dma_semaphore, #tpu.memory_space<semaphore_mem>>
      %dma_start3A_78 = arith.constant 0 : i32
      %dma_start3A_79 = tpu.memref_slice %arg15[%add3A_5, %dma_start3A_78] : memref<10240x64xf32, #tpu.memory_space<vmem_shared>> -> memref<128x64xf32, #tpu.memory_space<vmem_shared>>
      %dma_start3A_80 = arith.constant 0 : i32
      %dma_start3A_81 = tpu.memref_slice %arg15[%add3A_5, %dma_start3A_80] : memref<10240x64xf32, #tpu.memory_space<vmem_shared>> -> memref<128x64xf32, #tpu.memory_space<vmem_shared>>
      tpu.enqueue_dma source(%arg14 : memref<128x64xf32, #tpu.memory_space<vmem>>) target(%dma_start3A_81 : memref<128x64xf32, #tpu.memory_space<vmem_shared>>) target_semaphore(%run_scoped3A : memref<!tpu.dma_semaphore, #tpu.memory_space<semaphore_mem>>)
      %dma_wait3A = arith.constant 0 : i32
      %dma_wait3A_82 = tpu.memref_slice %arg15[%add3A_5, %dma_wait3A] : memref<10240x64xf32, #tpu.memory_space<vmem_shared>> -> memref<128x64xf32, #tpu.memory_space<vmem_shared>>
      %dma_wait3A_83 = arith.constant 0 : i32
      %dma_wait3A_84 = tpu.memref_slice %arg15[%add3A_5, %dma_wait3A_83] : memref<10240x64xf32, #tpu.memory_space<vmem_shared>> -> memref<128x64xf32, #tpu.memory_space<vmem_shared>>
      tpu.wait_dma2 semaphore(%run_scoped3A : memref<!tpu.dma_semaphore, #tpu.memory_space<semaphore_mem>>) src(%arg14 : memref<128x64xf32, #tpu.memory_space<vmem>>) dst(%dma_wait3A_84 : memref<128x64xf32, #tpu.memory_space<vmem_shared>>)
      tpu.yield
    }) : () -> ()
    %mul3A_6 = arith.constant 640 : i32
    %mul3A_7 = arith.muli %arg1, %mul3A_6 : i32
    %add3A_8 = arith.constant 256 : i32
    %add3A_9 = arith.addi %mul3A_7, %add3A_8 : i32
    "tpu.region"() ({
      %run_scoped3A = tpu.sem_alloc : memref<!tpu.dma_semaphore, #tpu.memory_space<semaphore_mem>>
      %dma_start3A_78 = arith.constant 0 : i32
      %dma_start3A_79 = tpu.memref_slice %arg15[%add3A_9, %dma_start3A_78] : memref<10240x64xf32, #tpu.memory_space<vmem_shared>> -> memref<128x64xf32, #tpu.memory_space<vmem_shared>>
      %dma_start3A_80 = arith.constant 0 : i32
      %dma_start3A_81 = tpu.memref_slice %arg15[%add3A_9, %dma_start3A_80] : memref<10240x64xf32, #tpu.memory_space<vmem_shared>> -> memref<128x64xf32, #tpu.memory_space<vmem_shared>>
      tpu.enqueue_dma source(%arg14 : memref<128x64xf32, #tpu.memory_space<vmem>>) target(%dma_start3A_81 : memref<128x64xf32, #tpu.memory_space<vmem_shared>>) target_semaphore(%run_scoped3A : memref<!tpu.dma_semaphore, #tpu.memory_space<semaphore_mem>>)
      %dma_wait3A = arith.constant 0 : i32
      %dma_wait3A_82 = tpu.memref_slice %arg15[%add3A_9, %dma_wait3A] : memref<10240x64xf32, #tpu.memory_space<vmem_shared>> -> memref<128x64xf32, #tpu.memory_space<vmem_shared>>
      %dma_wait3A_83 = arith.constant 0 : i32
      %dma_wait3A_84 = tpu.memref_slice %arg15[%add3A_9, %dma_wait3A_83] : memref<10240x64xf32, #tpu.memory_space<vmem_shared>> -> memref<128x64xf32, #tpu.memory_space<vmem_shared>>
      tpu.wait_dma2 semaphore(%run_scoped3A : memref<!tpu.dma_semaphore, #tpu.memory_space<semaphore_mem>>) src(%arg14 : memref<128x64xf32, #tpu.memory_space<vmem>>) dst(%dma_wait3A_84 : memref<128x64xf32, #tpu.memory_space<vmem_shared>>)
      tpu.yield
    }) : () -> ()
    %mul3A_10 = arith.constant 640 : i32
    %mul3A_11 = arith.muli %arg1, %mul3A_10 : i32
    %add3A_12 = arith.constant 384 : i32
    %add3A_13 = arith.addi %mul3A_11, %add3A_12 : i32
    "tpu.region"() ({
      %run_scoped3A = tpu.sem_alloc : memref<!tpu.dma_semaphore, #tpu.memory_space<semaphore_mem>>
      %dma_start3A_78 = arith.constant 0 : i32
      %dma_start3A_79 = tpu.memref_slice %arg15[%add3A_13, %dma_start3A_78] : memref<10240x64xf32, #tpu.memory_space<vmem_shared>> -> memref<128x64xf32, #tpu.memory_space<vmem_shared>>
      %dma_start3A_80 = arith.constant 0 : i32
      %dma_start3A_81 = tpu.memref_slice %arg15[%add3A_13, %dma_start3A_80] : memref<10240x64xf32, #tpu.memory_space<vmem_shared>> -> memref<128x64xf32, #tpu.memory_space<vmem_shared>>
      tpu.enqueue_dma source(%arg14 : memref<128x64xf32, #tpu.memory_space<vmem>>) target(%dma_start3A_81 : memref<128x64xf32, #tpu.memory_space<vmem_shared>>) target_semaphore(%run_scoped3A : memref<!tpu.dma_semaphore, #tpu.memory_space<semaphore_mem>>)
      %dma_wait3A = arith.constant 0 : i32
      %dma_wait3A_82 = tpu.memref_slice %arg15[%add3A_13, %dma_wait3A] : memref<10240x64xf32, #tpu.memory_space<vmem_shared>> -> memref<128x64xf32, #tpu.memory_space<vmem_shared>>
      %dma_wait3A_83 = arith.constant 0 : i32
      %dma_wait3A_84 = tpu.memref_slice %arg15[%add3A_13, %dma_wait3A_83] : memref<10240x64xf32, #tpu.memory_space<vmem_shared>> -> memref<128x64xf32, #tpu.memory_space<vmem_shared>>
      tpu.wait_dma2 semaphore(%run_scoped3A : memref<!tpu.dma_semaphore, #tpu.memory_space<semaphore_mem>>) src(%arg14 : memref<128x64xf32, #tpu.memory_space<vmem>>) dst(%dma_wait3A_84 : memref<128x64xf32, #tpu.memory_space<vmem_shared>>)
      tpu.yield
    }) : () -> ()
    %mul3A_14 = arith.constant 640 : i32
    %mul3A_15 = arith.muli %arg1, %mul3A_14 : i32
    %add3A_16 = arith.constant 512 : i32
    %add3A_17 = arith.addi %mul3A_15, %add3A_16 : i32
    "tpu.region"() ({
      %run_scoped3A = tpu.sem_alloc : memref<!tpu.dma_semaphore, #tpu.memory_space<semaphore_mem>>
      %dma_start3A_78 = arith.constant 0 : i32
      %dma_start3A_79 = tpu.memref_slice %arg15[%add3A_17, %dma_start3A_78] : memref<10240x64xf32, #tpu.memory_space<vmem_shared>> -> memref<128x64xf32, #tpu.memory_space<vmem_shared>>
      %dma_start3A_80 = arith.constant 0 : i32
      %dma_start3A_81 = tpu.memref_slice %arg15[%add3A_17, %dma_start3A_80] : memref<10240x64xf32, #tpu.memory_space<vmem_shared>> -> memref<128x64xf32, #tpu.memory_space<vmem_shared>>
      tpu.enqueue_dma source(%arg14 : memref<128x64xf32, #tpu.memory_space<vmem>>) target(%dma_start3A_81 : memref<128x64xf32, #tpu.memory_space<vmem_shared>>) target_semaphore(%run_scoped3A : memref<!tpu.dma_semaphore, #tpu.memory_space<semaphore_mem>>)
      %dma_wait3A = arith.constant 0 : i32
      %dma_wait3A_82 = tpu.memref_slice %arg15[%add3A_17, %dma_wait3A] : memref<10240x64xf32, #tpu.memory_space<vmem_shared>> -> memref<128x64xf32, #tpu.memory_space<vmem_shared>>
      %dma_wait3A_83 = arith.constant 0 : i32
      %dma_wait3A_84 = tpu.memref_slice %arg15[%add3A_17, %dma_wait3A_83] : memref<10240x64xf32, #tpu.memory_space<vmem_shared>> -> memref<128x64xf32, #tpu.memory_space<vmem_shared>>
      tpu.wait_dma2 semaphore(%run_scoped3A : memref<!tpu.dma_semaphore, #tpu.memory_space<semaphore_mem>>) src(%arg14 : memref<128x64xf32, #tpu.memory_space<vmem>>) dst(%dma_wait3A_84 : memref<128x64xf32, #tpu.memory_space<vmem_shared>>)
      tpu.yield
    }) : () -> ()
    %barrier3A = arith.constant 0 : index
    tpu.barrier barrier_id(%barrier3A)
    %dma_start3A = arith.constant 0 : i32
    %dma_start3A_18 = arith.constant 0 : i32
    %dma_start3A_19 = tpu.memref_slice %arg7[%dma_start3A, %dma_start3A_18] : memref<160x128xi32, #tpu.memory_space<vmem>> -> memref<1x128xi32, #tpu.memory_space<vmem>>
    %dma_start3A_20 = tpu.memref_squeeze %dma_start3A_19 : memref<1x128xi32, #tpu.memory_space<vmem>> -> memref<128xi32, #tpu.memory_space<vmem>>
    %dma_start3A_21 = arith.constant 0 : i32
    %dma_start3A_22 = arith.constant 0 : i32
    %dma_start3A_23 = tpu.memref_slice %arg2[%dma_start3A_21, %dma_start3A_22] : memref<20000x64xf32, #tpu.memory_space<hbm>> -> memref<20000x64xf32, #tpu.memory_space<hbm>>
    tpu.enqueue_indirect_dma source(%dma_start3A_23 : memref<20000x64xf32, #tpu.memory_space<hbm>>) target(%arg9 : memref<128x64xf32, #tpu.memory_space<vmem>>) offsets(%dma_start3A_20 : memref<128xi32, #tpu.memory_space<vmem>>) semaphore(%arg16 : memref<!tpu.dma_semaphore, #tpu.memory_space<semaphore_mem>>)
    %dma_start3A_24 = arith.constant 1 : i32
    %dma_start3A_25 = arith.constant 0 : i32
    %dma_start3A_26 = tpu.memref_slice %arg7[%dma_start3A_24, %dma_start3A_25] : memref<160x128xi32, #tpu.memory_space<vmem>> -> memref<1x128xi32, #tpu.memory_space<vmem>>
    %dma_start3A_27 = tpu.memref_squeeze %dma_start3A_26 : memref<1x128xi32, #tpu.memory_space<vmem>> -> memref<128xi32, #tpu.memory_space<vmem>>
    %dma_start3A_28 = arith.constant 0 : i32
    %dma_start3A_29 = arith.constant 0 : i32
    %dma_start3A_30 = tpu.memref_slice %arg2[%dma_start3A_28, %dma_start3A_29] : memref<20000x64xf32, #tpu.memory_space<hbm>> -> memref<20000x64xf32, #tpu.memory_space<hbm>>
    tpu.enqueue_indirect_dma source(%dma_start3A_30 : memref<20000x64xf32, #tpu.memory_space<hbm>>) target(%arg10 : memref<128x64xf32, #tpu.memory_space<vmem>>) offsets(%dma_start3A_27 : memref<128xi32, #tpu.memory_space<vmem>>) semaphore(%arg17 : memref<!tpu.dma_semaphore, #tpu.memory_space<semaphore_mem>>)
    %dma_start3A_31 = arith.constant 2 : i32
    %dma_start3A_32 = arith.constant 0 : i32
    %dma_start3A_33 = tpu.memref_slice %arg7[%dma_start3A_31, %dma_start3A_32] : memref<160x128xi32, #tpu.memory_space<vmem>> -> memref<1x128xi32, #tpu.memory_space<vmem>>
    %dma_start3A_34 = tpu.memref_squeeze %dma_start3A_33 : memref<1x128xi32, #tpu.memory_space<vmem>> -> memref<128xi32, #tpu.memory_space<vmem>>
    %dma_start3A_35 = arith.constant 0 : i32
    %dma_start3A_36 = arith.constant 0 : i32
    %dma_start3A_37 = tpu.memref_slice %arg2[%dma_start3A_35, %dma_start3A_36] : memref<20000x64xf32, #tpu.memory_space<hbm>> -> memref<20000x64xf32, #tpu.memory_space<hbm>>
    tpu.enqueue_indirect_dma source(%dma_start3A_37 : memref<20000x64xf32, #tpu.memory_space<hbm>>) target(%arg11 : memref<128x64xf32, #tpu.memory_space<vmem>>) offsets(%dma_start3A_34 : memref<128xi32, #tpu.memory_space<vmem>>) semaphore(%arg18 : memref<!tpu.dma_semaphore, #tpu.memory_space<semaphore_mem>>)
    %dma_start3A_38 = arith.constant 3 : i32
    %dma_start3A_39 = arith.constant 0 : i32
    %dma_start3A_40 = tpu.memref_slice %arg7[%dma_start3A_38, %dma_start3A_39] : memref<160x128xi32, #tpu.memory_space<vmem>> -> memref<1x128xi32, #tpu.memory_space<vmem>>
    %dma_start3A_41 = tpu.memref_squeeze %dma_start3A_40 : memref<1x128xi32, #tpu.memory_space<vmem>> -> memref<128xi32, #tpu.memory_space<vmem>>
    %dma_start3A_42 = arith.constant 0 : i32
    %dma_start3A_43 = arith.constant 0 : i32
    %dma_start3A_44 = tpu.memref_slice %arg2[%dma_start3A_42, %dma_start3A_43] : memref<20000x64xf32, #tpu.memory_space<hbm>> -> memref<20000x64xf32, #tpu.memory_space<hbm>>
    tpu.enqueue_indirect_dma source(%dma_start3A_44 : memref<20000x64xf32, #tpu.memory_space<hbm>>) target(%arg12 : memref<128x64xf32, #tpu.memory_space<vmem>>) offsets(%dma_start3A_41 : memref<128xi32, #tpu.memory_space<vmem>>) semaphore(%arg19 : memref<!tpu.dma_semaphore, #tpu.memory_space<semaphore_mem>>)
    %dma_start3A_45 = arith.constant 4 : i32
    %dma_start3A_46 = arith.constant 0 : i32
    %dma_start3A_47 = tpu.memref_slice %arg7[%dma_start3A_45, %dma_start3A_46] : memref<160x128xi32, #tpu.memory_space<vmem>> -> memref<1x128xi32, #tpu.memory_space<vmem>>
    %dma_start3A_48 = tpu.memref_squeeze %dma_start3A_47 : memref<1x128xi32, #tpu.memory_space<vmem>> -> memref<128xi32, #tpu.memory_space<vmem>>
    %dma_start3A_49 = arith.constant 0 : i32
    %dma_start3A_50 = arith.constant 0 : i32
    %dma_start3A_51 = tpu.memref_slice %arg2[%dma_start3A_49, %dma_start3A_50] : memref<20000x64xf32, #tpu.memory_space<hbm>> -> memref<20000x64xf32, #tpu.memory_space<hbm>>
    tpu.enqueue_indirect_dma source(%dma_start3A_51 : memref<20000x64xf32, #tpu.memory_space<hbm>>) target(%arg13 : memref<128x64xf32, #tpu.memory_space<vmem>>) offsets(%dma_start3A_48 : memref<128xi32, #tpu.memory_space<vmem>>) semaphore(%arg20 : memref<!tpu.dma_semaphore, #tpu.memory_space<semaphore_mem>>)
    %scan3A = arith.constant 0 : i32
    %scan3A_52 = arith.constant 0 : i32
    %scan3A_53 = arith.constant 32 : i32
    %scan3A_54 = arith.addi %scan3A_52, %scan3A_53 : i32
    %scan3A_55 = arith.constant 1 : i32
    scf.for %scan3A_78 = %scan3A_52 to %scan3A_54 step %scan3A_55  : i32 {
      %mul3A_79 = arith.constant 5 : i32
      %mul3A_80 = arith.muli %scan3A_78, %mul3A_79 : i32
      %add3A_81 = arith.constant 5 : i32
      %add3A_82 = arith.addi %mul3A_80, %add3A_81 : i32
      %add3A_83 = arith.constant 0 : i32
      %add3A_84 = arith.addi %mul3A_80, %add3A_83 : i32
      %dma_wait3A = arith.constant 0 : i32
      %dma_wait3A_85 = tpu.memref_slice %arg7[%add3A_84, %dma_wait3A] : memref<160x128xi32, #tpu.memory_space<vmem>> -> memref<1x128xi32, #tpu.memory_space<vmem>>
      %dma_wait3A_86 = tpu.memref_squeeze %dma_wait3A_85 : memref<1x128xi32, #tpu.memory_space<vmem>> -> memref<128xi32, #tpu.memory_space<vmem>>
      %dma_wait3A_87 = arith.constant 0 : i32
      %dma_wait3A_88 = arith.constant 0 : i32
      %dma_wait3A_89 = tpu.memref_slice %arg2[%dma_wait3A_87, %dma_wait3A_88] : memref<20000x64xf32, #tpu.memory_space<hbm>> -> memref<20000x64xf32, #tpu.memory_space<hbm>>
      tpu.wait_indirect_dma semaphore(%arg16 : memref<!tpu.dma_semaphore, #tpu.memory_space<semaphore_mem>>) src(%dma_wait3A_89 : memref<20000x64xf32, #tpu.memory_space<hbm>>) dst(%arg9 : memref<128x64xf32, #tpu.memory_space<vmem>>)
      %add3A_90 = arith.constant 0 : i32
      %add3A_91 = arith.addi %mul3A_80, %add3A_90 : i32
      "tpu.region"() ({
        %run_scoped3A = tpu.sem_alloc : memref<!tpu.dma_semaphore, #tpu.memory_space<semaphore_mem>>
        %dma_start3A_154 = arith.constant 0 : i32
        %dma_start3A_155 = tpu.memref_slice %arg8[%add3A_91, %dma_start3A_154] : memref<160x128xi32, #tpu.memory_space<vmem>> -> memref<1x128xi32, #tpu.memory_space<vmem>>
        %dma_start3A_156 = tpu.memref_squeeze %dma_start3A_155 : memref<1x128xi32, #tpu.memory_space<vmem>> -> memref<128xi32, #tpu.memory_space<vmem>>
        %dma_start3A_157 = arith.constant 0 : i32
        %dma_start3A_158 = arith.constant 0 : i32
        %dma_start3A_159 = tpu.memref_slice %arg15[%dma_start3A_157, %dma_start3A_158] : memref<10240x64xf32, #tpu.memory_space<vmem_shared>> -> memref<10240x64xf32, #tpu.memory_space<vmem_shared>>
        tpu.enqueue_indirect_dma source(%arg9 : memref<128x64xf32, #tpu.memory_space<vmem>>) target(%dma_start3A_159 : memref<10240x64xf32, #tpu.memory_space<vmem_shared>>) offsets(%dma_start3A_156 : memref<128xi32, #tpu.memory_space<vmem>>) semaphore(%run_scoped3A : memref<!tpu.dma_semaphore, #tpu.memory_space<semaphore_mem>>) {add = true}
        %dma_wait3A_160 = arith.constant 0 : i32
        %dma_wait3A_161 = tpu.memref_slice %arg8[%add3A_91, %dma_wait3A_160] : memref<160x128xi32, #tpu.memory_space<vmem>> -> memref<1x128xi32, #tpu.memory_space<vmem>>
        %dma_wait3A_162 = tpu.memref_squeeze %dma_wait3A_161 : memref<1x128xi32, #tpu.memory_space<vmem>> -> memref<128xi32, #tpu.memory_space<vmem>>
        %dma_wait3A_163 = arith.constant 0 : i32
        %dma_wait3A_164 = arith.constant 0 : i32
        %dma_wait3A_165 = tpu.memref_slice %arg15[%dma_wait3A_163, %dma_wait3A_164] : memref<10240x64xf32, #tpu.memory_space<vmem_shared>> -> memref<10240x64xf32, #tpu.memory_space<vmem_shared>>
        tpu.wait_indirect_dma semaphore(%run_scoped3A : memref<!tpu.dma_semaphore, #tpu.memory_space<semaphore_mem>>) src(%arg9 : memref<128x64xf32, #tpu.memory_space<vmem>>) dst(%dma_wait3A_165 : memref<10240x64xf32, #tpu.memory_space<vmem_shared>>)
        tpu.yield
      }) : () -> ()
      %lt3A = arith.constant 160 : i32
      %lt3A_92 = arith.cmpi slt, %add3A_82, %lt3A : i32
      %convert_element_type3A = arith.extui %lt3A_92 : i1 to i32
      %cond3A = arith.constant 0 : i32
      %cond3A_93 = arith.cmpi ne, %convert_element_type3A, %cond3A : i32
      scf.if %cond3A_93 {
        %add3A_154 = arith.constant 0 : i32
        %add3A_155 = arith.addi %add3A_82, %add3A_154 : i32
        %min3A = arith.constant 159 : i32
        %min3A_156 = arith.minsi %add3A_155, %min3A : i32
        %dma_start3A_157 = arith.constant 0 : i32
        %dma_start3A_158 = tpu.memref_slice %arg7[%min3A_156, %dma_start3A_157] : memref<160x128xi32, #tpu.memory_space<vmem>> -> memref<1x128xi32, #tpu.memory_space<vmem>>
        %dma_start3A_159 = tpu.memref_squeeze %dma_start3A_158 : memref<1x128xi32, #tpu.memory_space<vmem>> -> memref<128xi32, #tpu.memory_space<vmem>>
        %dma_start3A_160 = arith.constant 0 : i32
        %dma_start3A_161 = arith.constant 0 : i32
        %dma_start3A_162 = tpu.memref_slice %arg2[%dma_start3A_160, %dma_start3A_161] : memref<20000x64xf32, #tpu.memory_space<hbm>> -> memref<20000x64xf32, #tpu.memory_space<hbm>>
        tpu.enqueue_indirect_dma source(%dma_start3A_162 : memref<20000x64xf32, #tpu.memory_space<hbm>>) target(%arg9 : memref<128x64xf32, #tpu.memory_space<vmem>>) offsets(%dma_start3A_159 : memref<128xi32, #tpu.memory_space<vmem>>) semaphore(%arg16 : memref<!tpu.dma_semaphore, #tpu.memory_space<semaphore_mem>>)
      } else {
      }
      %add3A_94 = arith.constant 1 : i32
      %add3A_95 = arith.addi %mul3A_80, %add3A_94 : i32
      %dma_wait3A_96 = arith.constant 0 : i32
      %dma_wait3A_97 = tpu.memref_slice %arg7[%add3A_95, %dma_wait3A_96] : memref<160x128xi32, #tpu.memory_space<vmem>> -> memref<1x128xi32, #tpu.memory_space<vmem>>
      %dma_wait3A_98 = tpu.memref_squeeze %dma_wait3A_97 : memref<1x128xi32, #tpu.memory_space<vmem>> -> memref<128xi32, #tpu.memory_space<vmem>>
      %dma_wait3A_99 = arith.constant 0 : i32
      %dma_wait3A_100 = arith.constant 0 : i32
      %dma_wait3A_101 = tpu.memref_slice %arg2[%dma_wait3A_99, %dma_wait3A_100] : memref<20000x64xf32, #tpu.memory_space<hbm>> -> memref<20000x64xf32, #tpu.memory_space<hbm>>
      tpu.wait_indirect_dma semaphore(%arg17 : memref<!tpu.dma_semaphore, #tpu.memory_space<semaphore_mem>>) src(%dma_wait3A_101 : memref<20000x64xf32, #tpu.memory_space<hbm>>) dst(%arg10 : memref<128x64xf32, #tpu.memory_space<vmem>>)
      %add3A_102 = arith.constant 1 : i32
      %add3A_103 = arith.addi %mul3A_80, %add3A_102 : i32
      "tpu.region"() ({
        %run_scoped3A = tpu.sem_alloc : memref<!tpu.dma_semaphore, #tpu.memory_space<semaphore_mem>>
        %dma_start3A_154 = arith.constant 0 : i32
        %dma_start3A_155 = tpu.memref_slice %arg8[%add3A_103, %dma_start3A_154] : memref<160x128xi32, #tpu.memory_space<vmem>> -> memref<1x128xi32, #tpu.memory_space<vmem>>
        %dma_start3A_156 = tpu.memref_squeeze %dma_start3A_155 : memref<1x128xi32, #tpu.memory_space<vmem>> -> memref<128xi32, #tpu.memory_space<vmem>>
        %dma_start3A_157 = arith.constant 0 : i32
        %dma_start3A_158 = arith.constant 0 : i32
        %dma_start3A_159 = tpu.memref_slice %arg15[%dma_start3A_157, %dma_start3A_158] : memref<10240x64xf32, #tpu.memory_space<vmem_shared>> -> memref<10240x64xf32, #tpu.memory_space<vmem_shared>>
        tpu.enqueue_indirect_dma source(%arg10 : memref<128x64xf32, #tpu.memory_space<vmem>>) target(%dma_start3A_159 : memref<10240x64xf32, #tpu.memory_space<vmem_shared>>) offsets(%dma_start3A_156 : memref<128xi32, #tpu.memory_space<vmem>>) semaphore(%run_scoped3A : memref<!tpu.dma_semaphore, #tpu.memory_space<semaphore_mem>>) {add = true}
        %dma_wait3A_160 = arith.constant 0 : i32
        %dma_wait3A_161 = tpu.memref_slice %arg8[%add3A_103, %dma_wait3A_160] : memref<160x128xi32, #tpu.memory_space<vmem>> -> memref<1x128xi32, #tpu.memory_space<vmem>>
        %dma_wait3A_162 = tpu.memref_squeeze %dma_wait3A_161 : memref<1x128xi32, #tpu.memory_space<vmem>> -> memref<128xi32, #tpu.memory_space<vmem>>
        %dma_wait3A_163 = arith.constant 0 : i32
        %dma_wait3A_164 = arith.constant 0 : i32
        %dma_wait3A_165 = tpu.memref_slice %arg15[%dma_wait3A_163, %dma_wait3A_164] : memref<10240x64xf32, #tpu.memory_space<vmem_shared>> -> memref<10240x64xf32, #tpu.memory_space<vmem_shared>>
        tpu.wait_indirect_dma semaphore(%run_scoped3A : memref<!tpu.dma_semaphore, #tpu.memory_space<semaphore_mem>>) src(%arg10 : memref<128x64xf32, #tpu.memory_space<vmem>>) dst(%dma_wait3A_165 : memref<10240x64xf32, #tpu.memory_space<vmem_shared>>)
        tpu.yield
      }) : () -> ()
      %lt3A_104 = arith.constant 160 : i32
      %lt3A_105 = arith.cmpi slt, %add3A_82, %lt3A_104 : i32
      %convert_element_type3A_106 = arith.extui %lt3A_105 : i1 to i32
      %cond3A_107 = arith.constant 0 : i32
      %cond3A_108 = arith.cmpi ne, %convert_element_type3A_106, %cond3A_107 : i32
      scf.if %cond3A_108 {
        %add3A_154 = arith.constant 1 : i32
        %add3A_155 = arith.addi %add3A_82, %add3A_154 : i32
        %min3A = arith.constant 159 : i32
        %min3A_156 = arith.minsi %add3A_155, %min3A : i32
        %dma_start3A_157 = arith.constant 0 : i32
        %dma_start3A_158 = tpu.memref_slice %arg7[%min3A_156, %dma_start3A_157] : memref<160x128xi32, #tpu.memory_space<vmem>> -> memref<1x128xi32, #tpu.memory_space<vmem>>
        %dma_start3A_159 = tpu.memref_squeeze %dma_start3A_158 : memref<1x128xi32, #tpu.memory_space<vmem>> -> memref<128xi32, #tpu.memory_space<vmem>>
        %dma_start3A_160 = arith.constant 0 : i32
        %dma_start3A_161 = arith.constant 0 : i32
        %dma_start3A_162 = tpu.memref_slice %arg2[%dma_start3A_160, %dma_start3A_161] : memref<20000x64xf32, #tpu.memory_space<hbm>> -> memref<20000x64xf32, #tpu.memory_space<hbm>>
        tpu.enqueue_indirect_dma source(%dma_start3A_162 : memref<20000x64xf32, #tpu.memory_space<hbm>>) target(%arg10 : memref<128x64xf32, #tpu.memory_space<vmem>>) offsets(%dma_start3A_159 : memref<128xi32, #tpu.memory_space<vmem>>) semaphore(%arg17 : memref<!tpu.dma_semaphore, #tpu.memory_space<semaphore_mem>>)
      } else {
      }
      %add3A_109 = arith.constant 2 : i32
      %add3A_110 = arith.addi %mul3A_80, %add3A_109 : i32
      %dma_wait3A_111 = arith.constant 0 : i32
      %dma_wait3A_112 = tpu.memref_slice %arg7[%add3A_110, %dma_wait3A_111] : memref<160x128xi32, #tpu.memory_space<vmem>> -> memref<1x128xi32, #tpu.memory_space<vmem>>
      %dma_wait3A_113 = tpu.memref_squeeze %dma_wait3A_112 : memref<1x128xi32, #tpu.memory_space<vmem>> -> memref<128xi32, #tpu.memory_space<vmem>>
      %dma_wait3A_114 = arith.constant 0 : i32
      %dma_wait3A_115 = arith.constant 0 : i32
      %dma_wait3A_116 = tpu.memref_slice %arg2[%dma_wait3A_114, %dma_wait3A_115] : memref<20000x64xf32, #tpu.memory_space<hbm>> -> memref<20000x64xf32, #tpu.memory_space<hbm>>
      tpu.wait_indirect_dma semaphore(%arg18 : memref<!tpu.dma_semaphore, #tpu.memory_space<semaphore_mem>>) src(%dma_wait3A_116 : memref<20000x64xf32, #tpu.memory_space<hbm>>) dst(%arg11 : memref<128x64xf32, #tpu.memory_space<vmem>>)
      %add3A_117 = arith.constant 2 : i32
      %add3A_118 = arith.addi %mul3A_80, %add3A_117 : i32
      "tpu.region"() ({
        %run_scoped3A = tpu.sem_alloc : memref<!tpu.dma_semaphore, #tpu.memory_space<semaphore_mem>>
        %dma_start3A_154 = arith.constant 0 : i32
        %dma_start3A_155 = tpu.memref_slice %arg8[%add3A_118, %dma_start3A_154] : memref<160x128xi32, #tpu.memory_space<vmem>> -> memref<1x128xi32, #tpu.memory_space<vmem>>
        %dma_start3A_156 = tpu.memref_squeeze %dma_start3A_155 : memref<1x128xi32, #tpu.memory_space<vmem>> -> memref<128xi32, #tpu.memory_space<vmem>>
        %dma_start3A_157 = arith.constant 0 : i32
        %dma_start3A_158 = arith.constant 0 : i32
        %dma_start3A_159 = tpu.memref_slice %arg15[%dma_start3A_157, %dma_start3A_158] : memref<10240x64xf32, #tpu.memory_space<vmem_shared>> -> memref<10240x64xf32, #tpu.memory_space<vmem_shared>>
        tpu.enqueue_indirect_dma source(%arg11 : memref<128x64xf32, #tpu.memory_space<vmem>>) target(%dma_start3A_159 : memref<10240x64xf32, #tpu.memory_space<vmem_shared>>) offsets(%dma_start3A_156 : memref<128xi32, #tpu.memory_space<vmem>>) semaphore(%run_scoped3A : memref<!tpu.dma_semaphore, #tpu.memory_space<semaphore_mem>>) {add = true}
        %dma_wait3A_160 = arith.constant 0 : i32
        %dma_wait3A_161 = tpu.memref_slice %arg8[%add3A_118, %dma_wait3A_160] : memref<160x128xi32, #tpu.memory_space<vmem>> -> memref<1x128xi32, #tpu.memory_space<vmem>>
        %dma_wait3A_162 = tpu.memref_squeeze %dma_wait3A_161 : memref<1x128xi32, #tpu.memory_space<vmem>> -> memref<128xi32, #tpu.memory_space<vmem>>
        %dma_wait3A_163 = arith.constant 0 : i32
        %dma_wait3A_164 = arith.constant 0 : i32
        %dma_wait3A_165 = tpu.memref_slice %arg15[%dma_wait3A_163, %dma_wait3A_164] : memref<10240x64xf32, #tpu.memory_space<vmem_shared>> -> memref<10240x64xf32, #tpu.memory_space<vmem_shared>>
        tpu.wait_indirect_dma semaphore(%run_scoped3A : memref<!tpu.dma_semaphore, #tpu.memory_space<semaphore_mem>>) src(%arg11 : memref<128x64xf32, #tpu.memory_space<vmem>>) dst(%dma_wait3A_165 : memref<10240x64xf32, #tpu.memory_space<vmem_shared>>)
        tpu.yield
      }) : () -> ()
      %lt3A_119 = arith.constant 160 : i32
      %lt3A_120 = arith.cmpi slt, %add3A_82, %lt3A_119 : i32
      %convert_element_type3A_121 = arith.extui %lt3A_120 : i1 to i32
      %cond3A_122 = arith.constant 0 : i32
      %cond3A_123 = arith.cmpi ne, %convert_element_type3A_121, %cond3A_122 : i32
      scf.if %cond3A_123 {
        %add3A_154 = arith.constant 2 : i32
        %add3A_155 = arith.addi %add3A_82, %add3A_154 : i32
        %min3A = arith.constant 159 : i32
        %min3A_156 = arith.minsi %add3A_155, %min3A : i32
        %dma_start3A_157 = arith.constant 0 : i32
        %dma_start3A_158 = tpu.memref_slice %arg7[%min3A_156, %dma_start3A_157] : memref<160x128xi32, #tpu.memory_space<vmem>> -> memref<1x128xi32, #tpu.memory_space<vmem>>
        %dma_start3A_159 = tpu.memref_squeeze %dma_start3A_158 : memref<1x128xi32, #tpu.memory_space<vmem>> -> memref<128xi32, #tpu.memory_space<vmem>>
        %dma_start3A_160 = arith.constant 0 : i32
        %dma_start3A_161 = arith.constant 0 : i32
        %dma_start3A_162 = tpu.memref_slice %arg2[%dma_start3A_160, %dma_start3A_161] : memref<20000x64xf32, #tpu.memory_space<hbm>> -> memref<20000x64xf32, #tpu.memory_space<hbm>>
        tpu.enqueue_indirect_dma source(%dma_start3A_162 : memref<20000x64xf32, #tpu.memory_space<hbm>>) target(%arg11 : memref<128x64xf32, #tpu.memory_space<vmem>>) offsets(%dma_start3A_159 : memref<128xi32, #tpu.memory_space<vmem>>) semaphore(%arg18 : memref<!tpu.dma_semaphore, #tpu.memory_space<semaphore_mem>>)
      } else {
      }
      %add3A_124 = arith.constant 3 : i32
      %add3A_125 = arith.addi %mul3A_80, %add3A_124 : i32
      %dma_wait3A_126 = arith.constant 0 : i32
      %dma_wait3A_127 = tpu.memref_slice %arg7[%add3A_125, %dma_wait3A_126] : memref<160x128xi32, #tpu.memory_space<vmem>> -> memref<1x128xi32, #tpu.memory_space<vmem>>
      %dma_wait3A_128 = tpu.memref_squeeze %dma_wait3A_127 : memref<1x128xi32, #tpu.memory_space<vmem>> -> memref<128xi32, #tpu.memory_space<vmem>>
      %dma_wait3A_129 = arith.constant 0 : i32
      %dma_wait3A_130 = arith.constant 0 : i32
      %dma_wait3A_131 = tpu.memref_slice %arg2[%dma_wait3A_129, %dma_wait3A_130] : memref<20000x64xf32, #tpu.memory_space<hbm>> -> memref<20000x64xf32, #tpu.memory_space<hbm>>
      tpu.wait_indirect_dma semaphore(%arg19 : memref<!tpu.dma_semaphore, #tpu.memory_space<semaphore_mem>>) src(%dma_wait3A_131 : memref<20000x64xf32, #tpu.memory_space<hbm>>) dst(%arg12 : memref<128x64xf32, #tpu.memory_space<vmem>>)
      %add3A_132 = arith.constant 3 : i32
      %add3A_133 = arith.addi %mul3A_80, %add3A_132 : i32
      "tpu.region"() ({
        %run_scoped3A = tpu.sem_alloc : memref<!tpu.dma_semaphore, #tpu.memory_space<semaphore_mem>>
        %dma_start3A_154 = arith.constant 0 : i32
        %dma_start3A_155 = tpu.memref_slice %arg8[%add3A_133, %dma_start3A_154] : memref<160x128xi32, #tpu.memory_space<vmem>> -> memref<1x128xi32, #tpu.memory_space<vmem>>
        %dma_start3A_156 = tpu.memref_squeeze %dma_start3A_155 : memref<1x128xi32, #tpu.memory_space<vmem>> -> memref<128xi32, #tpu.memory_space<vmem>>
        %dma_start3A_157 = arith.constant 0 : i32
        %dma_start3A_158 = arith.constant 0 : i32
        %dma_start3A_159 = tpu.memref_slice %arg15[%dma_start3A_157, %dma_start3A_158] : memref<10240x64xf32, #tpu.memory_space<vmem_shared>> -> memref<10240x64xf32, #tpu.memory_space<vmem_shared>>
        tpu.enqueue_indirect_dma source(%arg12 : memref<128x64xf32, #tpu.memory_space<vmem>>) target(%dma_start3A_159 : memref<10240x64xf32, #tpu.memory_space<vmem_shared>>) offsets(%dma_start3A_156 : memref<128xi32, #tpu.memory_space<vmem>>) semaphore(%run_scoped3A : memref<!tpu.dma_semaphore, #tpu.memory_space<semaphore_mem>>) {add = true}
        %dma_wait3A_160 = arith.constant 0 : i32
        %dma_wait3A_161 = tpu.memref_slice %arg8[%add3A_133, %dma_wait3A_160] : memref<160x128xi32, #tpu.memory_space<vmem>> -> memref<1x128xi32, #tpu.memory_space<vmem>>
        %dma_wait3A_162 = tpu.memref_squeeze %dma_wait3A_161 : memref<1x128xi32, #tpu.memory_space<vmem>> -> memref<128xi32, #tpu.memory_space<vmem>>
        %dma_wait3A_163 = arith.constant 0 : i32
        %dma_wait3A_164 = arith.constant 0 : i32
        %dma_wait3A_165 = tpu.memref_slice %arg15[%dma_wait3A_163, %dma_wait3A_164] : memref<10240x64xf32, #tpu.memory_space<vmem_shared>> -> memref<10240x64xf32, #tpu.memory_space<vmem_shared>>
        tpu.wait_indirect_dma semaphore(%run_scoped3A : memref<!tpu.dma_semaphore, #tpu.memory_space<semaphore_mem>>) src(%arg12 : memref<128x64xf32, #tpu.memory_space<vmem>>) dst(%dma_wait3A_165 : memref<10240x64xf32, #tpu.memory_space<vmem_shared>>)
        tpu.yield
      }) : () -> ()
      %lt3A_134 = arith.constant 160 : i32
      %lt3A_135 = arith.cmpi slt, %add3A_82, %lt3A_134 : i32
      %convert_element_type3A_136 = arith.extui %lt3A_135 : i1 to i32
      %cond3A_137 = arith.constant 0 : i32
      %cond3A_138 = arith.cmpi ne, %convert_element_type3A_136, %cond3A_137 : i32
      scf.if %cond3A_138 {
        %add3A_154 = arith.constant 3 : i32
        %add3A_155 = arith.addi %add3A_82, %add3A_154 : i32
        %min3A = arith.constant 159 : i32
        %min3A_156 = arith.minsi %add3A_155, %min3A : i32
        %dma_start3A_157 = arith.constant 0 : i32
        %dma_start3A_158 = tpu.memref_slice %arg7[%min3A_156, %dma_start3A_157] : memref<160x128xi32, #tpu.memory_space<vmem>> -> memref<1x128xi32, #tpu.memory_space<vmem>>
        %dma_start3A_159 = tpu.memref_squeeze %dma_start3A_158 : memref<1x128xi32, #tpu.memory_space<vmem>> -> memref<128xi32, #tpu.memory_space<vmem>>
        %dma_start3A_160 = arith.constant 0 : i32
        %dma_start3A_161 = arith.constant 0 : i32
        %dma_start3A_162 = tpu.memref_slice %arg2[%dma_start3A_160, %dma_start3A_161] : memref<20000x64xf32, #tpu.memory_space<hbm>> -> memref<20000x64xf32, #tpu.memory_space<hbm>>
        tpu.enqueue_indirect_dma source(%dma_start3A_162 : memref<20000x64xf32, #tpu.memory_space<hbm>>) target(%arg12 : memref<128x64xf32, #tpu.memory_space<vmem>>) offsets(%dma_start3A_159 : memref<128xi32, #tpu.memory_space<vmem>>) semaphore(%arg19 : memref<!tpu.dma_semaphore, #tpu.memory_space<semaphore_mem>>)
      } else {
      }
      %add3A_139 = arith.constant 4 : i32
      %add3A_140 = arith.addi %mul3A_80, %add3A_139 : i32
      %dma_wait3A_141 = arith.constant 0 : i32
      %dma_wait3A_142 = tpu.memref_slice %arg7[%add3A_140, %dma_wait3A_141] : memref<160x128xi32, #tpu.memory_space<vmem>> -> memref<1x128xi32, #tpu.memory_space<vmem>>
      %dma_wait3A_143 = tpu.memref_squeeze %dma_wait3A_142 : memref<1x128xi32, #tpu.memory_space<vmem>> -> memref<128xi32, #tpu.memory_space<vmem>>
      %dma_wait3A_144 = arith.constant 0 : i32
      %dma_wait3A_145 = arith.constant 0 : i32
      %dma_wait3A_146 = tpu.memref_slice %arg2[%dma_wait3A_144, %dma_wait3A_145] : memref<20000x64xf32, #tpu.memory_space<hbm>> -> memref<20000x64xf32, #tpu.memory_space<hbm>>
      tpu.wait_indirect_dma semaphore(%arg20 : memref<!tpu.dma_semaphore, #tpu.memory_space<semaphore_mem>>) src(%dma_wait3A_146 : memref<20000x64xf32, #tpu.memory_space<hbm>>) dst(%arg13 : memref<128x64xf32, #tpu.memory_space<vmem>>)
      %add3A_147 = arith.constant 4 : i32
      %add3A_148 = arith.addi %mul3A_80, %add3A_147 : i32
      "tpu.region"() ({
        %run_scoped3A = tpu.sem_alloc : memref<!tpu.dma_semaphore, #tpu.memory_space<semaphore_mem>>
        %dma_start3A_154 = arith.constant 0 : i32
        %dma_start3A_155 = tpu.memref_slice %arg8[%add3A_148, %dma_start3A_154] : memref<160x128xi32, #tpu.memory_space<vmem>> -> memref<1x128xi32, #tpu.memory_space<vmem>>
        %dma_start3A_156 = tpu.memref_squeeze %dma_start3A_155 : memref<1x128xi32, #tpu.memory_space<vmem>> -> memref<128xi32, #tpu.memory_space<vmem>>
        %dma_start3A_157 = arith.constant 0 : i32
        %dma_start3A_158 = arith.constant 0 : i32
        %dma_start3A_159 = tpu.memref_slice %arg15[%dma_start3A_157, %dma_start3A_158] : memref<10240x64xf32, #tpu.memory_space<vmem_shared>> -> memref<10240x64xf32, #tpu.memory_space<vmem_shared>>
        tpu.enqueue_indirect_dma source(%arg13 : memref<128x64xf32, #tpu.memory_space<vmem>>) target(%dma_start3A_159 : memref<10240x64xf32, #tpu.memory_space<vmem_shared>>) offsets(%dma_start3A_156 : memref<128xi32, #tpu.memory_space<vmem>>) semaphore(%run_scoped3A : memref<!tpu.dma_semaphore, #tpu.memory_space<semaphore_mem>>) {add = true}
        %dma_wait3A_160 = arith.constant 0 : i32
        %dma_wait3A_161 = tpu.memref_slice %arg8[%add3A_148, %dma_wait3A_160] : memref<160x128xi32, #tpu.memory_space<vmem>> -> memref<1x128xi32, #tpu.memory_space<vmem>>
        %dma_wait3A_162 = tpu.memref_squeeze %dma_wait3A_161 : memref<1x128xi32, #tpu.memory_space<vmem>> -> memref<128xi32, #tpu.memory_space<vmem>>
        %dma_wait3A_163 = arith.constant 0 : i32
        %dma_wait3A_164 = arith.constant 0 : i32
        %dma_wait3A_165 = tpu.memref_slice %arg15[%dma_wait3A_163, %dma_wait3A_164] : memref<10240x64xf32, #tpu.memory_space<vmem_shared>> -> memref<10240x64xf32, #tpu.memory_space<vmem_shared>>
        tpu.wait_indirect_dma semaphore(%run_scoped3A : memref<!tpu.dma_semaphore, #tpu.memory_space<semaphore_mem>>) src(%arg13 : memref<128x64xf32, #tpu.memory_space<vmem>>) dst(%dma_wait3A_165 : memref<10240x64xf32, #tpu.memory_space<vmem_shared>>)
        tpu.yield
      }) : () -> ()
      %lt3A_149 = arith.constant 160 : i32
      %lt3A_150 = arith.cmpi slt, %add3A_82, %lt3A_149 : i32
      %convert_element_type3A_151 = arith.extui %lt3A_150 : i1 to i32
      %cond3A_152 = arith.constant 0 : i32
      %cond3A_153 = arith.cmpi ne, %convert_element_type3A_151, %cond3A_152 : i32
      scf.if %cond3A_153 {
        %add3A_154 = arith.constant 4 : i32
        %add3A_155 = arith.addi %add3A_82, %add3A_154 : i32
        %min3A = arith.constant 159 : i32
        %min3A_156 = arith.minsi %add3A_155, %min3A : i32
        %dma_start3A_157 = arith.constant 0 : i32
        %dma_start3A_158 = tpu.memref_slice %arg7[%min3A_156, %dma_start3A_157] : memref<160x128xi32, #tpu.memory_space<vmem>> -> memref<1x128xi32, #tpu.memory_space<vmem>>
        %dma_start3A_159 = tpu.memref_squeeze %dma_start3A_158 : memref<1x128xi32, #tpu.memory_space<vmem>> -> memref<128xi32, #tpu.memory_space<vmem>>
        %dma_start3A_160 = arith.constant 0 : i32
        %dma_start3A_161 = arith.constant 0 : i32
        %dma_start3A_162 = tpu.memref_slice %arg2[%dma_start3A_160, %dma_start3A_161] : memref<20000x64xf32, #tpu.memory_space<hbm>> -> memref<20000x64xf32, #tpu.memory_space<hbm>>
        tpu.enqueue_indirect_dma source(%dma_start3A_162 : memref<20000x64xf32, #tpu.memory_space<hbm>>) target(%arg13 : memref<128x64xf32, #tpu.memory_space<vmem>>) offsets(%dma_start3A_159 : memref<128xi32, #tpu.memory_space<vmem>>) semaphore(%arg20 : memref<!tpu.dma_semaphore, #tpu.memory_space<semaphore_mem>>)
      } else {
      }
    }
    %scan3A_56 = arith.constant 32 : i32
    %barrier3A_57 = arith.constant 0 : index
    tpu.barrier barrier_id(%barrier3A_57)
    %mul3A_58 = arith.constant 640 : i32
    %mul3A_59 = arith.muli %arg1, %mul3A_58 : i32
    %add3A_60 = arith.constant 0 : i32
    %add3A_61 = arith.addi %mul3A_59, %add3A_60 : i32
    "tpu.region"() ({
      %run_scoped3A = tpu.sem_alloc : memref<!tpu.dma_semaphore, #tpu.memory_space<semaphore_mem>>
      %dma_start3A_78 = arith.constant 0 : i32
      %dma_start3A_79 = tpu.memref_slice %arg15[%add3A_61, %dma_start3A_78] : memref<10240x64xf32, #tpu.memory_space<vmem_shared>> -> memref<128x64xf32, #tpu.memory_space<vmem_shared>>
      %dma_start3A_80 = arith.constant 0 : i32
      %dma_start3A_81 = tpu.memref_slice %arg15[%add3A_61, %dma_start3A_80] : memref<10240x64xf32, #tpu.memory_space<vmem_shared>> -> memref<128x64xf32, #tpu.memory_space<vmem_shared>>
      tpu.enqueue_dma source(%dma_start3A_81 : memref<128x64xf32, #tpu.memory_space<vmem_shared>>) target(%arg14 : memref<128x64xf32, #tpu.memory_space<vmem>>) target_semaphore(%run_scoped3A : memref<!tpu.dma_semaphore, #tpu.memory_space<semaphore_mem>>)
      %dma_wait3A = arith.constant 0 : i32
      %dma_wait3A_82 = tpu.memref_slice %arg15[%add3A_61, %dma_wait3A] : memref<10240x64xf32, #tpu.memory_space<vmem_shared>> -> memref<128x64xf32, #tpu.memory_space<vmem_shared>>
      %dma_wait3A_83 = arith.constant 0 : i32
      %dma_wait3A_84 = tpu.memref_slice %arg15[%add3A_61, %dma_wait3A_83] : memref<10240x64xf32, #tpu.memory_space<vmem_shared>> -> memref<128x64xf32, #tpu.memory_space<vmem_shared>>
      tpu.wait_dma2 semaphore(%run_scoped3A : memref<!tpu.dma_semaphore, #tpu.memory_space<semaphore_mem>>) src(%dma_wait3A_84 : memref<128x64xf32, #tpu.memory_space<vmem_shared>>) dst(%arg14 : memref<128x64xf32, #tpu.memory_space<vmem>>)
      tpu.yield
    }) : () -> ()
    "tpu.region"() ({
      %run_scoped3A = tpu.sem_alloc : memref<!tpu.dma_semaphore, #tpu.memory_space<semaphore_mem>>
      %dma_start3A_78 = arith.constant 0 : i32
      %dma_start3A_79 = tpu.memref_slice %arg6[%arg0, %add3A_61, %dma_start3A_78] : memref<2x10240x64xf32, #tpu.memory_space<hbm>> -> memref<1x128x64xf32, #tpu.memory_space<hbm>>
      %dma_start3A_80 = tpu.memref_squeeze %dma_start3A_79 : memref<1x128x64xf32, #tpu.memory_space<hbm>> -> memref<128x64xf32, #tpu.memory_space<hbm>>
      %dma_start3A_81 = arith.constant 0 : i32
      %dma_start3A_82 = tpu.memref_slice %arg6[%arg0, %add3A_61, %dma_start3A_81] : memref<2x10240x64xf32, #tpu.memory_space<hbm>> -> memref<1x128x64xf32, #tpu.memory_space<hbm>>
      %dma_start3A_83 = tpu.memref_squeeze %dma_start3A_82 : memref<1x128x64xf32, #tpu.memory_space<hbm>> -> memref<128x64xf32, #tpu.memory_space<hbm>>
      tpu.enqueue_dma source(%arg14 : memref<128x64xf32, #tpu.memory_space<vmem>>) target(%dma_start3A_83 : memref<128x64xf32, #tpu.memory_space<hbm>>) target_semaphore(%run_scoped3A : memref<!tpu.dma_semaphore, #tpu.memory_space<semaphore_mem>>)
      %dma_wait3A = arith.constant 0 : i32
      %dma_wait3A_84 = tpu.memref_slice %arg6[%arg0, %add3A_61, %dma_wait3A] : memref<2x10240x64xf32, #tpu.memory_space<hbm>> -> memref<1x128x64xf32, #tpu.memory_space<hbm>>
      %dma_wait3A_85 = tpu.memref_squeeze %dma_wait3A_84 : memref<1x128x64xf32, #tpu.memory_space<hbm>> -> memref<128x64xf32, #tpu.memory_space<hbm>>
      %dma_wait3A_86 = arith.constant 0 : i32
      %dma_wait3A_87 = tpu.memref_slice %arg6[%arg0, %add3A_61, %dma_wait3A_86] : memref<2x10240x64xf32, #tpu.memory_space<hbm>> -> memref<1x128x64xf32, #tpu.memory_space<hbm>>
      %dma_wait3A_88 = tpu.memref_squeeze %dma_wait3A_87 : memref<1x128x64xf32, #tpu.memory_space<hbm>> -> memref<128x64xf32, #tpu.memory_space<hbm>>
      tpu.wait_dma2 semaphore(%run_scoped3A : memref<!tpu.dma_semaphore, #tpu.memory_space<semaphore_mem>>) src(%arg14 : memref<128x64xf32, #tpu.memory_space<vmem>>) dst(%dma_wait3A_88 : memref<128x64xf32, #tpu.memory_space<hbm>>)
      tpu.yield
    }) : () -> ()
    %mul3A_62 = arith.constant 640 : i32
    %mul3A_63 = arith.muli %arg1, %mul3A_62 : i32
    %add3A_64 = arith.constant 128 : i32
    %add3A_65 = arith.addi %mul3A_63, %add3A_64 : i32
    "tpu.region"() ({
      %run_scoped3A = tpu.sem_alloc : memref<!tpu.dma_semaphore, #tpu.memory_space<semaphore_mem>>
      %dma_start3A_78 = arith.constant 0 : i32
      %dma_start3A_79 = tpu.memref_slice %arg15[%add3A_65, %dma_start3A_78] : memref<10240x64xf32, #tpu.memory_space<vmem_shared>> -> memref<128x64xf32, #tpu.memory_space<vmem_shared>>
      %dma_start3A_80 = arith.constant 0 : i32
      %dma_start3A_81 = tpu.memref_slice %arg15[%add3A_65, %dma_start3A_80] : memref<10240x64xf32, #tpu.memory_space<vmem_shared>> -> memref<128x64xf32, #tpu.memory_space<vmem_shared>>
      tpu.enqueue_dma source(%dma_start3A_81 : memref<128x64xf32, #tpu.memory_space<vmem_shared>>) target(%arg14 : memref<128x64xf32, #tpu.memory_space<vmem>>) target_semaphore(%run_scoped3A : memref<!tpu.dma_semaphore, #tpu.memory_space<semaphore_mem>>)
      %dma_wait3A = arith.constant 0 : i32
      %dma_wait3A_82 = tpu.memref_slice %arg15[%add3A_65, %dma_wait3A] : memref<10240x64xf32, #tpu.memory_space<vmem_shared>> -> memref<128x64xf32, #tpu.memory_space<vmem_shared>>
      %dma_wait3A_83 = arith.constant 0 : i32
      %dma_wait3A_84 = tpu.memref_slice %arg15[%add3A_65, %dma_wait3A_83] : memref<10240x64xf32, #tpu.memory_space<vmem_shared>> -> memref<128x64xf32, #tpu.memory_space<vmem_shared>>
      tpu.wait_dma2 semaphore(%run_scoped3A : memref<!tpu.dma_semaphore, #tpu.memory_space<semaphore_mem>>) src(%dma_wait3A_84 : memref<128x64xf32, #tpu.memory_space<vmem_shared>>) dst(%arg14 : memref<128x64xf32, #tpu.memory_space<vmem>>)
      tpu.yield
    }) : () -> ()
    "tpu.region"() ({
      %run_scoped3A = tpu.sem_alloc : memref<!tpu.dma_semaphore, #tpu.memory_space<semaphore_mem>>
      %dma_start3A_78 = arith.constant 0 : i32
      %dma_start3A_79 = tpu.memref_slice %arg6[%arg0, %add3A_65, %dma_start3A_78] : memref<2x10240x64xf32, #tpu.memory_space<hbm>> -> memref<1x128x64xf32, #tpu.memory_space<hbm>>
      %dma_start3A_80 = tpu.memref_squeeze %dma_start3A_79 : memref<1x128x64xf32, #tpu.memory_space<hbm>> -> memref<128x64xf32, #tpu.memory_space<hbm>>
      %dma_start3A_81 = arith.constant 0 : i32
      %dma_start3A_82 = tpu.memref_slice %arg6[%arg0, %add3A_65, %dma_start3A_81] : memref<2x10240x64xf32, #tpu.memory_space<hbm>> -> memref<1x128x64xf32, #tpu.memory_space<hbm>>
      %dma_start3A_83 = tpu.memref_squeeze %dma_start3A_82 : memref<1x128x64xf32, #tpu.memory_space<hbm>> -> memref<128x64xf32, #tpu.memory_space<hbm>>
      tpu.enqueue_dma source(%arg14 : memref<128x64xf32, #tpu.memory_space<vmem>>) target(%dma_start3A_83 : memref<128x64xf32, #tpu.memory_space<hbm>>) target_semaphore(%run_scoped3A : memref<!tpu.dma_semaphore, #tpu.memory_space<semaphore_mem>>)
      %dma_wait3A = arith.constant 0 : i32
      %dma_wait3A_84 = tpu.memref_slice %arg6[%arg0, %add3A_65, %dma_wait3A] : memref<2x10240x64xf32, #tpu.memory_space<hbm>> -> memref<1x128x64xf32, #tpu.memory_space<hbm>>
      %dma_wait3A_85 = tpu.memref_squeeze %dma_wait3A_84 : memref<1x128x64xf32, #tpu.memory_space<hbm>> -> memref<128x64xf32, #tpu.memory_space<hbm>>
      %dma_wait3A_86 = arith.constant 0 : i32
      %dma_wait3A_87 = tpu.memref_slice %arg6[%arg0, %add3A_65, %dma_wait3A_86] : memref<2x10240x64xf32, #tpu.memory_space<hbm>> -> memref<1x128x64xf32, #tpu.memory_space<hbm>>
      %dma_wait3A_88 = tpu.memref_squeeze %dma_wait3A_87 : memref<1x128x64xf32, #tpu.memory_space<hbm>> -> memref<128x64xf32, #tpu.memory_space<hbm>>
      tpu.wait_dma2 semaphore(%run_scoped3A : memref<!tpu.dma_semaphore, #tpu.memory_space<semaphore_mem>>) src(%arg14 : memref<128x64xf32, #tpu.memory_space<vmem>>) dst(%dma_wait3A_88 : memref<128x64xf32, #tpu.memory_space<hbm>>)
      tpu.yield
    }) : () -> ()
    %mul3A_66 = arith.constant 640 : i32
    %mul3A_67 = arith.muli %arg1, %mul3A_66 : i32
    %add3A_68 = arith.constant 256 : i32
    %add3A_69 = arith.addi %mul3A_67, %add3A_68 : i32
    "tpu.region"() ({
      %run_scoped3A = tpu.sem_alloc : memref<!tpu.dma_semaphore, #tpu.memory_space<semaphore_mem>>
      %dma_start3A_78 = arith.constant 0 : i32
      %dma_start3A_79 = tpu.memref_slice %arg15[%add3A_69, %dma_start3A_78] : memref<10240x64xf32, #tpu.memory_space<vmem_shared>> -> memref<128x64xf32, #tpu.memory_space<vmem_shared>>
      %dma_start3A_80 = arith.constant 0 : i32
      %dma_start3A_81 = tpu.memref_slice %arg15[%add3A_69, %dma_start3A_80] : memref<10240x64xf32, #tpu.memory_space<vmem_shared>> -> memref<128x64xf32, #tpu.memory_space<vmem_shared>>
      tpu.enqueue_dma source(%dma_start3A_81 : memref<128x64xf32, #tpu.memory_space<vmem_shared>>) target(%arg14 : memref<128x64xf32, #tpu.memory_space<vmem>>) target_semaphore(%run_scoped3A : memref<!tpu.dma_semaphore, #tpu.memory_space<semaphore_mem>>)
      %dma_wait3A = arith.constant 0 : i32
      %dma_wait3A_82 = tpu.memref_slice %arg15[%add3A_69, %dma_wait3A] : memref<10240x64xf32, #tpu.memory_space<vmem_shared>> -> memref<128x64xf32, #tpu.memory_space<vmem_shared>>
      %dma_wait3A_83 = arith.constant 0 : i32
      %dma_wait3A_84 = tpu.memref_slice %arg15[%add3A_69, %dma_wait3A_83] : memref<10240x64xf32, #tpu.memory_space<vmem_shared>> -> memref<128x64xf32, #tpu.memory_space<vmem_shared>>
      tpu.wait_dma2 semaphore(%run_scoped3A : memref<!tpu.dma_semaphore, #tpu.memory_space<semaphore_mem>>) src(%dma_wait3A_84 : memref<128x64xf32, #tpu.memory_space<vmem_shared>>) dst(%arg14 : memref<128x64xf32, #tpu.memory_space<vmem>>)
      tpu.yield
    }) : () -> ()
    "tpu.region"() ({
      %run_scoped3A = tpu.sem_alloc : memref<!tpu.dma_semaphore, #tpu.memory_space<semaphore_mem>>
      %dma_start3A_78 = arith.constant 0 : i32
      %dma_start3A_79 = tpu.memref_slice %arg6[%arg0, %add3A_69, %dma_start3A_78] : memref<2x10240x64xf32, #tpu.memory_space<hbm>> -> memref<1x128x64xf32, #tpu.memory_space<hbm>>
      %dma_start3A_80 = tpu.memref_squeeze %dma_start3A_79 : memref<1x128x64xf32, #tpu.memory_space<hbm>> -> memref<128x64xf32, #tpu.memory_space<hbm>>
      %dma_start3A_81 = arith.constant 0 : i32
      %dma_start3A_82 = tpu.memref_slice %arg6[%arg0, %add3A_69, %dma_start3A_81] : memref<2x10240x64xf32, #tpu.memory_space<hbm>> -> memref<1x128x64xf32, #tpu.memory_space<hbm>>
      %dma_start3A_83 = tpu.memref_squeeze %dma_start3A_82 : memref<1x128x64xf32, #tpu.memory_space<hbm>> -> memref<128x64xf32, #tpu.memory_space<hbm>>
      tpu.enqueue_dma source(%arg14 : memref<128x64xf32, #tpu.memory_space<vmem>>) target(%dma_start3A_83 : memref<128x64xf32, #tpu.memory_space<hbm>>) target_semaphore(%run_scoped3A : memref<!tpu.dma_semaphore, #tpu.memory_space<semaphore_mem>>)
      %dma_wait3A = arith.constant 0 : i32
      %dma_wait3A_84 = tpu.memref_slice %arg6[%arg0, %add3A_69, %dma_wait3A] : memref<2x10240x64xf32, #tpu.memory_space<hbm>> -> memref<1x128x64xf32, #tpu.memory_space<hbm>>
      %dma_wait3A_85 = tpu.memref_squeeze %dma_wait3A_84 : memref<1x128x64xf32, #tpu.memory_space<hbm>> -> memref<128x64xf32, #tpu.memory_space<hbm>>
      %dma_wait3A_86 = arith.constant 0 : i32
      %dma_wait3A_87 = tpu.memref_slice %arg6[%arg0, %add3A_69, %dma_wait3A_86] : memref<2x10240x64xf32, #tpu.memory_space<hbm>> -> memref<1x128x64xf32, #tpu.memory_space<hbm>>
      %dma_wait3A_88 = tpu.memref_squeeze %dma_wait3A_87 : memref<1x128x64xf32, #tpu.memory_space<hbm>> -> memref<128x64xf32, #tpu.memory_space<hbm>>
      tpu.wait_dma2 semaphore(%run_scoped3A : memref<!tpu.dma_semaphore, #tpu.memory_space<semaphore_mem>>) src(%arg14 : memref<128x64xf32, #tpu.memory_space<vmem>>) dst(%dma_wait3A_88 : memref<128x64xf32, #tpu.memory_space<hbm>>)
      tpu.yield
    }) : () -> ()
    %mul3A_70 = arith.constant 640 : i32
    %mul3A_71 = arith.muli %arg1, %mul3A_70 : i32
    %add3A_72 = arith.constant 384 : i32
    %add3A_73 = arith.addi %mul3A_71, %add3A_72 : i32
    "tpu.region"() ({
      %run_scoped3A = tpu.sem_alloc : memref<!tpu.dma_semaphore, #tpu.memory_space<semaphore_mem>>
      %dma_start3A_78 = arith.constant 0 : i32
      %dma_start3A_79 = tpu.memref_slice %arg15[%add3A_73, %dma_start3A_78] : memref<10240x64xf32, #tpu.memory_space<vmem_shared>> -> memref<128x64xf32, #tpu.memory_space<vmem_shared>>
      %dma_start3A_80 = arith.constant 0 : i32
      %dma_start3A_81 = tpu.memref_slice %arg15[%add3A_73, %dma_start3A_80] : memref<10240x64xf32, #tpu.memory_space<vmem_shared>> -> memref<128x64xf32, #tpu.memory_space<vmem_shared>>
      tpu.enqueue_dma source(%dma_start3A_81 : memref<128x64xf32, #tpu.memory_space<vmem_shared>>) target(%arg14 : memref<128x64xf32, #tpu.memory_space<vmem>>) target_semaphore(%run_scoped3A : memref<!tpu.dma_semaphore, #tpu.memory_space<semaphore_mem>>)
      %dma_wait3A = arith.constant 0 : i32
      %dma_wait3A_82 = tpu.memref_slice %arg15[%add3A_73, %dma_wait3A] : memref<10240x64xf32, #tpu.memory_space<vmem_shared>> -> memref<128x64xf32, #tpu.memory_space<vmem_shared>>
      %dma_wait3A_83 = arith.constant 0 : i32
      %dma_wait3A_84 = tpu.memref_slice %arg15[%add3A_73, %dma_wait3A_83] : memref<10240x64xf32, #tpu.memory_space<vmem_shared>> -> memref<128x64xf32, #tpu.memory_space<vmem_shared>>
      tpu.wait_dma2 semaphore(%run_scoped3A : memref<!tpu.dma_semaphore, #tpu.memory_space<semaphore_mem>>) src(%dma_wait3A_84 : memref<128x64xf32, #tpu.memory_space<vmem_shared>>) dst(%arg14 : memref<128x64xf32, #tpu.memory_space<vmem>>)
      tpu.yield
    }) : () -> ()
    "tpu.region"() ({
      %run_scoped3A = tpu.sem_alloc : memref<!tpu.dma_semaphore, #tpu.memory_space<semaphore_mem>>
      %dma_start3A_78 = arith.constant 0 : i32
      %dma_start3A_79 = tpu.memref_slice %arg6[%arg0, %add3A_73, %dma_start3A_78] : memref<2x10240x64xf32, #tpu.memory_space<hbm>> -> memref<1x128x64xf32, #tpu.memory_space<hbm>>
      %dma_start3A_80 = tpu.memref_squeeze %dma_start3A_79 : memref<1x128x64xf32, #tpu.memory_space<hbm>> -> memref<128x64xf32, #tpu.memory_space<hbm>>
      %dma_start3A_81 = arith.constant 0 : i32
      %dma_start3A_82 = tpu.memref_slice %arg6[%arg0, %add3A_73, %dma_start3A_81] : memref<2x10240x64xf32, #tpu.memory_space<hbm>> -> memref<1x128x64xf32, #tpu.memory_space<hbm>>
      %dma_start3A_83 = tpu.memref_squeeze %dma_start3A_82 : memref<1x128x64xf32, #tpu.memory_space<hbm>> -> memref<128x64xf32, #tpu.memory_space<hbm>>
      tpu.enqueue_dma source(%arg14 : memref<128x64xf32, #tpu.memory_space<vmem>>) target(%dma_start3A_83 : memref<128x64xf32, #tpu.memory_space<hbm>>) target_semaphore(%run_scoped3A : memref<!tpu.dma_semaphore, #tpu.memory_space<semaphore_mem>>)
      %dma_wait3A = arith.constant 0 : i32
      %dma_wait3A_84 = tpu.memref_slice %arg6[%arg0, %add3A_73, %dma_wait3A] : memref<2x10240x64xf32, #tpu.memory_space<hbm>> -> memref<1x128x64xf32, #tpu.memory_space<hbm>>
      %dma_wait3A_85 = tpu.memref_squeeze %dma_wait3A_84 : memref<1x128x64xf32, #tpu.memory_space<hbm>> -> memref<128x64xf32, #tpu.memory_space<hbm>>
      %dma_wait3A_86 = arith.constant 0 : i32
      %dma_wait3A_87 = tpu.memref_slice %arg6[%arg0, %add3A_73, %dma_wait3A_86] : memref<2x10240x64xf32, #tpu.memory_space<hbm>> -> memref<1x128x64xf32, #tpu.memory_space<hbm>>
      %dma_wait3A_88 = tpu.memref_squeeze %dma_wait3A_87 : memref<1x128x64xf32, #tpu.memory_space<hbm>> -> memref<128x64xf32, #tpu.memory_space<hbm>>
      tpu.wait_dma2 semaphore(%run_scoped3A : memref<!tpu.dma_semaphore, #tpu.memory_space<semaphore_mem>>) src(%arg14 : memref<128x64xf32, #tpu.memory_space<vmem>>) dst(%dma_wait3A_88 : memref<128x64xf32, #tpu.memory_space<hbm>>)
      tpu.yield
    }) : () -> ()
    %mul3A_74 = arith.constant 640 : i32
    %mul3A_75 = arith.muli %arg1, %mul3A_74 : i32
    %add3A_76 = arith.constant 512 : i32
    %add3A_77 = arith.addi %mul3A_75, %add3A_76 : i32
    "tpu.region"() ({
      %run_scoped3A = tpu.sem_alloc : memref<!tpu.dma_semaphore, #tpu.memory_space<semaphore_mem>>
      %dma_start3A_78 = arith.constant 0 : i32
      %dma_start3A_79 = tpu.memref_slice %arg15[%add3A_77, %dma_start3A_78] : memref<10240x64xf32, #tpu.memory_space<vmem_shared>> -> memref<128x64xf32, #tpu.memory_space<vmem_shared>>
      %dma_start3A_80 = arith.constant 0 : i32
      %dma_start3A_81 = tpu.memref_slice %arg15[%add3A_77, %dma_start3A_80] : memref<10240x64xf32, #tpu.memory_space<vmem_shared>> -> memref<128x64xf32, #tpu.memory_space<vmem_shared>>
      tpu.enqueue_dma source(%dma_start3A_81 : memref<128x64xf32, #tpu.memory_space<vmem_shared>>) target(%arg14 : memref<128x64xf32, #tpu.memory_space<vmem>>) target_semaphore(%run_scoped3A : memref<!tpu.dma_semaphore, #tpu.memory_space<semaphore_mem>>)
      %dma_wait3A = arith.constant 0 : i32
      %dma_wait3A_82 = tpu.memref_slice %arg15[%add3A_77, %dma_wait3A] : memref<10240x64xf32, #tpu.memory_space<vmem_shared>> -> memref<128x64xf32, #tpu.memory_space<vmem_shared>>
      %dma_wait3A_83 = arith.constant 0 : i32
      %dma_wait3A_84 = tpu.memref_slice %arg15[%add3A_77, %dma_wait3A_83] : memref<10240x64xf32, #tpu.memory_space<vmem_shared>> -> memref<128x64xf32, #tpu.memory_space<vmem_shared>>
      tpu.wait_dma2 semaphore(%run_scoped3A : memref<!tpu.dma_semaphore, #tpu.memory_space<semaphore_mem>>) src(%dma_wait3A_84 : memref<128x64xf32, #tpu.memory_space<vmem_shared>>) dst(%arg14 : memref<128x64xf32, #tpu.memory_space<vmem>>)
      tpu.yield
    }) : () -> ()
    "tpu.region"() ({
      %run_scoped3A = tpu.sem_alloc : memref<!tpu.dma_semaphore, #tpu.memory_space<semaphore_mem>>
      %dma_start3A_78 = arith.constant 0 : i32
      %dma_start3A_79 = tpu.memref_slice %arg6[%arg0, %add3A_77, %dma_start3A_78] : memref<2x10240x64xf32, #tpu.memory_space<hbm>> -> memref<1x128x64xf32, #tpu.memory_space<hbm>>
      %dma_start3A_80 = tpu.memref_squeeze %dma_start3A_79 : memref<1x128x64xf32, #tpu.memory_space<hbm>> -> memref<128x64xf32, #tpu.memory_space<hbm>>
      %dma_start3A_81 = arith.constant 0 : i32
      %dma_start3A_82 = tpu.memref_slice %arg6[%arg0, %add3A_77, %dma_start3A_81] : memref<2x10240x64xf32, #tpu.memory_space<hbm>> -> memref<1x128x64xf32, #tpu.memory_space<hbm>>
      %dma_start3A_83 = tpu.memref_squeeze %dma_start3A_82 : memref<1x128x64xf32, #tpu.memory_space<hbm>> -> memref<128x64xf32, #tpu.memory_space<hbm>>
      tpu.enqueue_dma source(%arg14 : memref<128x64xf32, #tpu.memory_space<vmem>>) target(%dma_start3A_83 : memref<128x64xf32, #tpu.memory_space<hbm>>) target_semaphore(%run_scoped3A : memref<!tpu.dma_semaphore, #tpu.memory_space<semaphore_mem>>)
      %dma_wait3A = arith.constant 0 : i32
      %dma_wait3A_84 = tpu.memref_slice %arg6[%arg0, %add3A_77, %dma_wait3A] : memref<2x10240x64xf32, #tpu.memory_space<hbm>> -> memref<1x128x64xf32, #tpu.memory_space<hbm>>
      %dma_wait3A_85 = tpu.memref_squeeze %dma_wait3A_84 : memref<1x128x64xf32, #tpu.memory_space<hbm>> -> memref<128x64xf32, #tpu.memory_space<hbm>>
      %dma_wait3A_86 = arith.constant 0 : i32
      %dma_wait3A_87 = tpu.memref_slice %arg6[%arg0, %add3A_77, %dma_wait3A_86] : memref<2x10240x64xf32, #tpu.memory_space<hbm>> -> memref<1x128x64xf32, #tpu.memory_space<hbm>>
      %dma_wait3A_88 = tpu.memref_squeeze %dma_wait3A_87 : memref<1x128x64xf32, #tpu.memory_space<hbm>> -> memref<128x64xf32, #tpu.memory_space<hbm>>
      tpu.wait_dma2 semaphore(%run_scoped3A : memref<!tpu.dma_semaphore, #tpu.memory_space<semaphore_mem>>) src(%arg14 : memref<128x64xf32, #tpu.memory_space<vmem>>) dst(%dma_wait3A_88 : memref<128x64xf32, #tpu.memory_space<hbm>>)
      tpu.yield
    }) : () -> ()
    return
  }
}

module attributes {stable_mosaic.version = 14 : i64} {
  func.func @_t_first_body(%arg0: i32, %arg1: memref<2000x128xf32, #tpu.memory_space<vmem>>, %arg2: memref<128x128xf32, #tpu.memory_space<vmem>>, %arg3: memref<2x2000x16xf32, #tpu.memory_space<vmem>>, %arg4: memref<2x2000x64xf32, #tpu.memory_space<vmem>>) attributes {dimension_semantics = [#tpu.dimension_semantics<arbitrary>], iteration_bounds = array<i64: 5>, scalar_prefetch = 0 : i64, scratch_operands = 0 : i64, tpu.core_type = #tpu.core_type<tc>, window_params = [{transform_indices = @transform_0, window_bounds = array<i64: 2000, 128>}, {pipeline_mode = #tpu.pipeline_mode<synchronous>, transform_indices = @transform_1, window_bounds = array<i64: 128, 128>}, {transform_indices = @transform_2, window_bounds = array<i64: 2, 2000, 16>}, {transform_indices = @transform_3, window_bounds = array<i64: 2, 2000, 64>}]} {
    %get3A = arith.constant 0 : index
    %get3A_0 = arith.constant 0 : index
    %get3A_1 = vector.load %arg1[%get3A, %get3A_0] : memref<2000x128xf32, #tpu.memory_space<vmem>>, vector<2000x128xf32>
    %get3A_2 = arith.constant 0 : index
    %get3A_3 = arith.constant 0 : index
    %get3A_4 = vector.load %arg2[%get3A_2, %get3A_3] : memref<128x128xf32, #tpu.memory_space<vmem>>, vector<128x128xf32>
    %dot_general3A = arith.constant dense<0.000000e+00> : vector<2000x128xf32>
    %dot_general3A_5 = tpu.matmul %get3A_1, %get3A_4, %dot_general3A {dimension_numbers = #tpu.dot_dimension_numbers<[1], [0], [0], [1], [0, 0, 1, 1], [], []>, transpose_lhs_hint = false} : vector<2000x128xf32>, vector<128x128xf32>, vector<2000x128xf32> -> vector<2000x128xf32>
    %get3A_6 = arith.constant 0 : index
    %get3A_7 = arith.constant 0 : index
    %get3A_8 = arith.constant 0 : index
    %get3A_9 = vector.load %arg3[%get3A_6, %get3A_7, %get3A_8] : memref<2x2000x16xf32, #tpu.memory_space<vmem>>, vector<2x2000x16xf32>
    %slice3A = vector.extract_strided_slice %get3A_9 {offsets = [0, 0, 0], sizes = [1, 2000, 1], strides = [1, 1, 1]} : vector<2x2000x16xf32> to vector<1x2000x1xf32>
    %squeeze3A = vector.shape_cast %slice3A : vector<1x2000x1xf32> to vector<2000xf32>
    %slice3A_10 = vector.extract_strided_slice %get3A_9 {offsets = [1, 0, 0], sizes = [1, 2000, 1], strides = [1, 1, 1]} : vector<2x2000x16xf32> to vector<1x2000x1xf32>
    %squeeze3A_11 = vector.shape_cast %slice3A_10 : vector<1x2000x1xf32> to vector<2000xf32>
    %add3A = arith.addf %squeeze3A, %squeeze3A_11 : vector<2000xf32>
    %add3A_12 = arith.constant 2.000000e+00 : f32
    %add3A_13 = vector.broadcast %add3A_12 : f32 to vector<2000xf32>
    %add3A_14 = arith.addf %add3A, %add3A_13 : vector<2000xf32>
    %rsqrt3A = math.rsqrt %add3A_14 : vector<2000xf32>
    %broadcast_in_dim3A = vector.shape_cast %rsqrt3A : vector<2000xf32> to vector<2000x1xf32>
    %mul3A = vector.broadcast %broadcast_in_dim3A : vector<2000x1xf32> to vector<2000x128xf32>
    %mul3A_15 = arith.mulf %dot_general3A_5, %mul3A : vector<2000x128xf32>
    %slice3A_16 = vector.extract_strided_slice %mul3A_15 {offsets = [0, 0], sizes = [2000, 64], strides = [1, 1]} : vector<2000x128xf32> to vector<2000x64xf32>
    %swap3A = arith.constant 0 : index
    %swap3A_17 = arith.constant 0 : index
    %swap3A_18 = arith.constant 0 : index
    %swap3A_19 = vector.load %arg4[%swap3A, %swap3A_17, %swap3A_18] : memref<2x2000x64xf32, #tpu.memory_space<vmem>>, vector<1x2000x64xf32>
    %swap3A_20 = vector.shape_cast %swap3A_19 : vector<1x2000x64xf32> to vector<2000x64xf32>
    %swap3A_21 = vector.shape_cast %slice3A_16 : vector<2000x64xf32> to vector<1x2000x64xf32>
    tpu.vector_store %arg4[%swap3A, %swap3A_17, %swap3A_18], %swap3A_21 {strides = array<i32>} : memref<2x2000x64xf32, #tpu.memory_space<vmem>>, vector<1x2000x64xf32>,
    %slice3A_22 = vector.extract_strided_slice %mul3A_15 {offsets = [0, 64], sizes = [2000, 64], strides = [1, 1]} : vector<2000x128xf32> to vector<2000x64xf32>
    %swap3A_23 = arith.constant 1 : index
    %swap3A_24 = arith.constant 0 : index
    %swap3A_25 = arith.constant 0 : index
    %swap3A_26 = vector.load %arg4[%swap3A_23, %swap3A_24, %swap3A_25] : memref<2x2000x64xf32, #tpu.memory_space<vmem>>, vector<1x2000x64xf32>
    %swap3A_27 = vector.shape_cast %swap3A_26 : vector<1x2000x64xf32> to vector<2000x64xf32>
    %swap3A_28 = vector.shape_cast %slice3A_22 : vector<2000x64xf32> to vector<1x2000x64xf32>
    tpu.vector_store %arg4[%swap3A_23, %swap3A_24, %swap3A_25], %swap3A_28 {strides = array<i32>} : memref<2x2000x64xf32, #tpu.memory_space<vmem>>, vector<1x2000x64xf32>,
    return
  }
  func.func @transform_0(%arg0: i32) -> (i32, i32) {
    %c0_i32 = arith.constant 0 : i32
    %c0_i32_0 = arith.constant 0 : i32
    return %arg0, %c0_i32 : i32, i32
  }
  func.func @transform_1(%arg0: i32) -> (i32, i32) {
    %c0_i32 = arith.constant 0 : i32
    %c0_i32_0 = arith.constant 0 : i32
    %c0_i32_1 = arith.constant 0 : i32
    return %c0_i32, %c0_i32_0 : i32, i32
  }
  func.func @transform_2(%arg0: i32) -> (i32, i32, i32) {
    %c0_i32 = arith.constant 0 : i32
    %c0_i32_0 = arith.constant 0 : i32
    %c0_i32_1 = arith.constant 0 : i32
    return %c0_i32, %arg0, %c0_i32_0 : i32, i32, i32
  }
  func.func @transform_3(%arg0: i32) -> (i32, i32, i32) {
    %c0_i32 = arith.constant 0 : i32
    %c0_i32_0 = arith.constant 0 : i32
    %c0_i32_1 = arith.constant 0 : i32
    return %c0_i32, %arg0, %c0_i32_0 : i32, i32, i32
  }
}

module attributes {stable_mosaic.version = 14 : i64} {
  func.func @_t_mid_body(%arg0: i32, %arg1: memref<2x2000x64xf32, #tpu.memory_space<vmem>>, %arg2: memref<2x2000x64xf32, #tpu.memory_space<vmem>>, %arg3: memref<2x2000x16xf32, #tpu.memory_space<vmem>>, %arg4: memref<128xf32, #tpu.memory_space<vmem>>, %arg5: memref<128x128xf32, #tpu.memory_space<vmem>>, %arg6: memref<2x2000x64xf32, #tpu.memory_space<vmem>>) attributes {dimension_semantics = [#tpu.dimension_semantics<arbitrary>], iteration_bounds = array<i64: 5>, scalar_prefetch = 0 : i64, scratch_operands = 0 : i64, tpu.core_type = #tpu.core_type<tc>, window_params = [{transform_indices = @transform_0, window_bounds = array<i64: 2, 2000, 64>}, {transform_indices = @transform_1, window_bounds = array<i64: 2, 2000, 64>}, {transform_indices = @transform_2, window_bounds = array<i64: 2, 2000, 16>}, {pipeline_mode = #tpu.pipeline_mode<synchronous>, transform_indices = @transform_3, window_bounds = array<i64: 128>}, {pipeline_mode = #tpu.pipeline_mode<synchronous>, transform_indices = @transform_4, window_bounds = array<i64: 128, 128>}, {transform_indices = @transform_5, window_bounds = array<i64: 2, 2000, 64>}]} {
    %get3A = arith.constant 0 : index
    %get3A_0 = arith.constant 0 : index
    %get3A_1 = arith.constant 0 : index
    %get3A_2 = vector.load %arg3[%get3A, %get3A_0, %get3A_1] : memref<2x2000x16xf32, #tpu.memory_space<vmem>>, vector<2x2000x16xf32>
    %slice3A = vector.extract_strided_slice %get3A_2 {offsets = [0, 0, 0], sizes = [1, 2000, 1], strides = [1, 1, 1]} : vector<2x2000x16xf32> to vector<1x2000x1xf32>
    %squeeze3A = vector.shape_cast %slice3A : vector<1x2000x1xf32> to vector<2000xf32>
    %slice3A_3 = vector.extract_strided_slice %get3A_2 {offsets = [1, 0, 0], sizes = [1, 2000, 1], strides = [1, 1, 1]} : vector<2x2000x16xf32> to vector<1x2000x1xf32>
    %squeeze3A_4 = vector.shape_cast %slice3A_3 : vector<1x2000x1xf32> to vector<2000xf32>
    %add3A = arith.addf %squeeze3A, %squeeze3A_4 : vector<2000xf32>
    %add3A_5 = arith.constant 2.000000e+00 : f32
    %add3A_6 = vector.broadcast %add3A_5 : f32 to vector<2000xf32>
    %add3A_7 = arith.addf %add3A, %add3A_6 : vector<2000xf32>
    %rsqrt3A = math.rsqrt %add3A_7 : vector<2000xf32>
    %broadcast_in_dim3A = vector.shape_cast %rsqrt3A : vector<2000xf32> to vector<2000x1xf32>
    %get3A_8 = arith.constant 0 : index
    %get3A_9 = arith.constant 0 : index
    %get3A_10 = arith.constant 0 : index
    %get3A_11 = vector.load %arg1[%get3A_8, %get3A_9, %get3A_10] : memref<2x2000x64xf32, #tpu.memory_space<vmem>>, vector<1x2000x64xf32>
    %get3A_12 = vector.shape_cast %get3A_11 : vector<1x2000x64xf32> to vector<2000x64xf32>
    %get3A_13 = arith.constant 1 : index
    %get3A_14 = arith.constant 0 : index
    %get3A_15 = arith.constant 0 : index
    %get3A_16 = vector.load %arg1[%get3A_13, %get3A_14, %get3A_15] : memref<2x2000x64xf32, #tpu.memory_space<vmem>>, vector<1x2000x64xf32>
    %get3A_17 = vector.shape_cast %get3A_16 : vector<1x2000x64xf32> to vector<2000x64xf32>
    %concatenate3A = tpu.concatenate %get3A_12, %get3A_17 in 1 : vector<2000x64xf32>, vector<2000x64xf32> -> vector<2000x128xf32>
    %get3A_18 = arith.constant 0 : index
    %get3A_19 = arith.constant 0 : index
    %get3A_20 = arith.constant 0 : index
    %get3A_21 = vector.load %arg2[%get3A_18, %get3A_19, %get3A_20] : memref<2x2000x64xf32, #tpu.memory_space<vmem>>, vector<1x2000x64xf32>
    %get3A_22 = vector.shape_cast %get3A_21 : vector<1x2000x64xf32> to vector<2000x64xf32>
    %get3A_23 = arith.constant 1 : index
    %get3A_24 = arith.constant 0 : index
    %get3A_25 = arith.constant 0 : index
    %get3A_26 = vector.load %arg2[%get3A_23, %get3A_24, %get3A_25] : memref<2x2000x64xf32, #tpu.memory_space<vmem>>, vector<1x2000x64xf32>
    %get3A_27 = vector.shape_cast %get3A_26 : vector<1x2000x64xf32> to vector<2000x64xf32>
    %concatenate3A_28 = tpu.concatenate %get3A_22, %get3A_27 in 1 : vector<2000x64xf32>, vector<2000x64xf32> -> vector<2000x128xf32>
    %mul3A = arith.constant 2.000000e+00 : f32
    %mul3A_29 = vector.broadcast %mul3A : f32 to vector<2000x128xf32>
    %mul3A_30 = arith.mulf %mul3A_29, %concatenate3A_28 : vector<2000x128xf32>
    %add3A_31 = arith.addf %concatenate3A, %mul3A_30 : vector<2000x128xf32>
    %mul3A_32 = vector.broadcast %broadcast_in_dim3A : vector<2000x1xf32> to vector<2000x128xf32>
    %mul3A_33 = arith.mulf %add3A_31, %mul3A_32 : vector<2000x128xf32>
    %get3A_34 = arith.constant 0 : index
    %get3A_35 = vector.load %arg4[%get3A_34] : memref<128xf32, #tpu.memory_space<vmem>>, vector<128xf32>
    %broadcast_in_dim3A_36 = vector.shape_cast %get3A_35 : vector<128xf32> to vector<1x128xf32>
    %add3A_37 = vector.broadcast %broadcast_in_dim3A_36 : vector<1x128xf32> to vector<2000x128xf32>
    %add3A_38 = arith.addf %mul3A_33, %add3A_37 : vector<2000x128xf32>
    %max3A = arith.constant 0.000000e+00 : f32
    %max3A_39 = vector.broadcast %max3A : f32 to vector<2000x128xf32>
    %max3A_40 = arith.maximumf %add3A_38, %max3A_39 : vector<2000x128xf32>
    %get3A_41 = arith.constant 0 : index
    %get3A_42 = arith.constant 0 : index
    %get3A_43 = vector.load %arg5[%get3A_41, %get3A_42] : memref<128x128xf32, #tpu.memory_space<vmem>>, vector<128x128xf32>
    %dot_general3A = arith.constant dense<0.000000e+00> : vector<2000x128xf32>
    %dot_general3A_44 = tpu.matmul %max3A_40, %get3A_43, %dot_general3A {dimension_numbers = #tpu.dot_dimension_numbers<[1], [0], [0], [1], [0, 0, 1, 1], [], []>, transpose_lhs_hint = false} : vector<2000x128xf32>, vector<128x128xf32>, vector<2000x128xf32> -> vector<2000x128xf32>
    %get3A_45 = arith.constant 0 : index
    %get3A_46 = arith.constant 0 : index
    %get3A_47 = arith.constant 0 : index
    %get3A_48 = vector.load %arg3[%get3A_45, %get3A_46, %get3A_47] : memref<2x2000x16xf32, #tpu.memory_space<vmem>>, vector<2x2000x16xf32>
    %slice3A_49 = vector.extract_strided_slice %get3A_48 {offsets = [0, 0, 0], sizes = [1, 2000, 1], strides = [1, 1, 1]} : vector<2x2000x16xf32> to vector<1x2000x1xf32>
    %squeeze3A_50 = vector.shape_cast %slice3A_49 : vector<1x2000x1xf32> to vector<2000xf32>
    %slice3A_51 = vector.extract_strided_slice %get3A_48 {offsets = [1, 0, 0], sizes = [1, 2000, 1], strides = [1, 1, 1]} : vector<2x2000x16xf32> to vector<1x2000x1xf32>
    %squeeze3A_52 = vector.shape_cast %slice3A_51 : vector<1x2000x1xf32> to vector<2000xf32>
    %add3A_53 = arith.addf %squeeze3A_50, %squeeze3A_52 : vector<2000xf32>
    %add3A_54 = arith.constant 2.000000e+00 : f32
    %add3A_55 = vector.broadcast %add3A_54 : f32 to vector<2000xf32>
    %add3A_56 = arith.addf %add3A_53, %add3A_55 : vector<2000xf32>
    %rsqrt3A_57 = math.rsqrt %add3A_56 : vector<2000xf32>
    %broadcast_in_dim3A_58 = vector.shape_cast %rsqrt3A_57 : vector<2000xf32> to vector<2000x1xf32>
    %mul3A_59 = vector.broadcast %broadcast_in_dim3A_58 : vector<2000x1xf32> to vector<2000x128xf32>
    %mul3A_60 = arith.mulf %dot_general3A_44, %mul3A_59 : vector<2000x128xf32>
    %slice3A_61 = vector.extract_strided_slice %mul3A_60 {offsets = [0, 0], sizes = [2000, 64], strides = [1, 1]} : vector<2000x128xf32> to vector<2000x64xf32>
    %swap3A = arith.constant 0 : index
    %swap3A_62 = arith.constant 0 : index
    %swap3A_63 = arith.constant 0 : index
    %swap3A_64 = vector.load %arg6[%swap3A, %swap3A_62, %swap3A_63] : memref<2x2000x64xf32, #tpu.memory_space<vmem>>, vector<1x2000x64xf32>
    %swap3A_65 = vector.shape_cast %swap3A_64 : vector<1x2000x64xf32> to vector<2000x64xf32>
    %swap3A_66 = vector.shape_cast %slice3A_61 : vector<2000x64xf32> to vector<1x2000x64xf32>
    tpu.vector_store %arg6[%swap3A, %swap3A_62, %swap3A_63], %swap3A_66 {strides = array<i32>} : memref<2x2000x64xf32, #tpu.memory_space<vmem>>, vector<1x2000x64xf32>,
    %slice3A_67 = vector.extract_strided_slice %mul3A_60 {offsets = [0, 64], sizes = [2000, 64], strides = [1, 1]} : vector<2000x128xf32> to vector<2000x64xf32>
    %swap3A_68 = arith.constant 1 : index
    %swap3A_69 = arith.constant 0 : index
    %swap3A_70 = arith.constant 0 : index
    %swap3A_71 = vector.load %arg6[%swap3A_68, %swap3A_69, %swap3A_70] : memref<2x2000x64xf32, #tpu.memory_space<vmem>>, vector<1x2000x64xf32>
    %swap3A_72 = vector.shape_cast %swap3A_71 : vector<1x2000x64xf32> to vector<2000x64xf32>
    %swap3A_73 = vector.shape_cast %slice3A_67 : vector<2000x64xf32> to vector<1x2000x64xf32>
    tpu.vector_store %arg6[%swap3A_68, %swap3A_69, %swap3A_70], %swap3A_73 {strides = array<i32>} : memref<2x2000x64xf32, #tpu.memory_space<vmem>>, vector<1x2000x64xf32>,
    return
  }
  func.func @transform_0(%arg0: i32) -> (i32, i32, i32) {
    %c0_i32 = arith.constant 0 : i32
    %c0_i32_0 = arith.constant 0 : i32
    %c0_i32_1 = arith.constant 0 : i32
    return %c0_i32, %arg0, %c0_i32_0 : i32, i32, i32
  }
  func.func @transform_1(%arg0: i32) -> (i32, i32, i32) {
    %c0_i32 = arith.constant 0 : i32
    %c0_i32_0 = arith.constant 0 : i32
    %c0_i32_1 = arith.constant 0 : i32
    return %c0_i32, %arg0, %c0_i32_0 : i32, i32, i32
  }
  func.func @transform_2(%arg0: i32) -> (i32, i32, i32) {
    %c0_i32 = arith.constant 0 : i32
    %c0_i32_0 = arith.constant 0 : i32
    %c0_i32_1 = arith.constant 0 : i32
    return %c0_i32, %arg0, %c0_i32_0 : i32, i32, i32
  }
  func.func @transform_3(%arg0: i32) -> i32 {
    %c0_i32 = arith.constant 0 : i32
    %c0_i32_0 = arith.constant 0 : i32
    return %c0_i32 : i32
  }
  func.func @transform_4(%arg0: i32) -> (i32, i32) {
    %c0_i32 = arith.constant 0 : i32
    %c0_i32_0 = arith.constant 0 : i32
    %c0_i32_1 = arith.constant 0 : i32
    return %c0_i32, %c0_i32_0 : i32, i32
  }
  func.func @transform_5(%arg0: i32) -> (i32, i32, i32) {
    %c0_i32 = arith.constant 0 : i32
    %c0_i32_0 = arith.constant 0 : i32
    %c0_i32_1 = arith.constant 0 : i32
    return %c0_i32, %arg0, %c0_i32_0 : i32, i32, i32
  }
}

module attributes {stable_mosaic.version = 14 : i64} {
  func.func @_t_final_body(%arg0: i32, %arg1: memref<2x2000x64xf32, #tpu.memory_space<vmem>>, %arg2: memref<2x2000x64xf32, #tpu.memory_space<vmem>>, %arg3: memref<2x2000x16xf32, #tpu.memory_space<vmem>>, %arg4: memref<128xf32, #tpu.memory_space<vmem>>, %arg5: memref<256x256xf32, #tpu.memory_space<vmem>>, %arg6: memref<256xf32, #tpu.memory_space<vmem>>, %arg7: memref<256x1024xf32, #tpu.memory_space<vmem>>, %arg8: memref<1024xf32, #tpu.memory_space<vmem>>, %arg9: memref<1x1024xf32, #tpu.memory_space<vmem>>, %arg10: memref<8x128xf32, #tpu.memory_space<vmem>>, %arg11: memref<8x128xf32, #tpu.memory_space<vmem>>) attributes {dimension_semantics = [#tpu.dimension_semantics<arbitrary>], iteration_bounds = array<i64: 5>, scalar_prefetch = 0 : i64, scratch_operands = 2 : i64, tpu.core_type = #tpu.core_type<tc>, window_params = [{transform_indices = @transform_0, window_bounds = array<i64: 2, 2000, 64>}, {transform_indices = @transform_1, window_bounds = array<i64: 2, 2000, 64>}, {transform_indices = @transform_2, window_bounds = array<i64: 2, 2000, 16>}, {pipeline_mode = #tpu.pipeline_mode<synchronous>, transform_indices = @transform_3, window_bounds = array<i64: 128>}, {pipeline_mode = #tpu.pipeline_mode<synchronous>, transform_indices = @transform_4, window_bounds = array<i64: 256, 256>}, {pipeline_mode = #tpu.pipeline_mode<synchronous>, transform_indices = @transform_5, window_bounds = array<i64: 256>}, {pipeline_mode = #tpu.pipeline_mode<synchronous>, transform_indices = @transform_6, window_bounds = array<i64: 256, 1024>}, {pipeline_mode = #tpu.pipeline_mode<synchronous>, transform_indices = @transform_7, window_bounds = array<i64: 1024>}, {pipeline_mode = #tpu.pipeline_mode<synchronous>, transform_indices = @transform_8, window_bounds = array<i64: 1, 1024>}]} {
    %eq3A = arith.constant 0 : i32
    %eq3A_0 = arith.cmpi eq, %arg0, %eq3A : i32
    %convert_element_type3A = arith.extui %eq3A_0 : i1 to i32
    %cond3A = arith.constant 0 : i32
    %cond3A_1 = arith.cmpi ne, %convert_element_type3A, %cond3A : i32
    scf.if %cond3A_1 {
      %broadcast_in_dim3A_65 = arith.constant 0.000000e+00 : f32
      %broadcast_in_dim3A_66 = vector.broadcast %broadcast_in_dim3A_65 : f32 to vector<8x128xf32>
      %swap3A_67 = arith.constant 0 : index
      %swap3A_68 = arith.constant 0 : index
      %swap3A_69 = vector.load %arg10[%swap3A_67, %swap3A_68] : memref<8x128xf32, #tpu.memory_space<vmem>>, vector<8x128xf32>
      tpu.vector_store %arg10[%swap3A_67, %swap3A_68], %broadcast_in_dim3A_66 {strides = array<i32>} : memref<8x128xf32, #tpu.memory_space<vmem>>, vector<8x128xf32>,
      %broadcast_in_dim3A_70 = arith.constant 0.000000e+00 : f32
      %broadcast_in_dim3A_71 = vector.broadcast %broadcast_in_dim3A_70 : f32 to vector<8x128xf32>
      %swap3A_72 = arith.constant 0 : index
      %swap3A_73 = arith.constant 0 : index
      %swap3A_74 = vector.load %arg11[%swap3A_72, %swap3A_73] : memref<8x128xf32, #tpu.memory_space<vmem>>, vector<8x128xf32>
      tpu.vector_store %arg11[%swap3A_72, %swap3A_73], %broadcast_in_dim3A_71 {strides = array<i32>} : memref<8x128xf32, #tpu.memory_space<vmem>>, vector<8x128xf32>,
    } else {
    }
    %get3A = arith.constant 0 : index
    %get3A_2 = arith.constant 0 : index
    %get3A_3 = arith.constant 0 : index
    %get3A_4 = vector.load %arg3[%get3A, %get3A_2, %get3A_3] : memref<2x2000x16xf32, #tpu.memory_space<vmem>>, vector<2x2000x16xf32>
    %slice3A = vector.extract_strided_slice %get3A_4 {offsets = [0, 0, 0], sizes = [1, 2000, 1], strides = [1, 1, 1]} : vector<2x2000x16xf32> to vector<1x2000x1xf32>
    %squeeze3A = vector.shape_cast %slice3A : vector<1x2000x1xf32> to vector<2000xf32>
    %slice3A_5 = vector.extract_strided_slice %get3A_4 {offsets = [1, 0, 0], sizes = [1, 2000, 1], strides = [1, 1, 1]} : vector<2x2000x16xf32> to vector<1x2000x1xf32>
    %squeeze3A_6 = vector.shape_cast %slice3A_5 : vector<1x2000x1xf32> to vector<2000xf32>
    %add3A = arith.addf %squeeze3A, %squeeze3A_6 : vector<2000xf32>
    %add3A_7 = arith.constant 2.000000e+00 : f32
    %add3A_8 = vector.broadcast %add3A_7 : f32 to vector<2000xf32>
    %add3A_9 = arith.addf %add3A, %add3A_8 : vector<2000xf32>
    %rsqrt3A = math.rsqrt %add3A_9 : vector<2000xf32>
    %broadcast_in_dim3A = vector.shape_cast %rsqrt3A : vector<2000xf32> to vector<2000x1xf32>
    %get3A_10 = arith.constant 0 : index
    %get3A_11 = arith.constant 0 : index
    %get3A_12 = arith.constant 0 : index
    %get3A_13 = vector.load %arg1[%get3A_10, %get3A_11, %get3A_12] : memref<2x2000x64xf32, #tpu.memory_space<vmem>>, vector<1x2000x64xf32>
    %get3A_14 = vector.shape_cast %get3A_13 : vector<1x2000x64xf32> to vector<2000x64xf32>
    %get3A_15 = arith.constant 1 : index
    %get3A_16 = arith.constant 0 : index
    %get3A_17 = arith.constant 0 : index
    %get3A_18 = vector.load %arg1[%get3A_15, %get3A_16, %get3A_17] : memref<2x2000x64xf32, #tpu.memory_space<vmem>>, vector<1x2000x64xf32>
    %get3A_19 = vector.shape_cast %get3A_18 : vector<1x2000x64xf32> to vector<2000x64xf32>
    %concatenate3A = tpu.concatenate %get3A_14, %get3A_19 in 1 : vector<2000x64xf32>, vector<2000x64xf32> -> vector<2000x128xf32>
    %get3A_20 = arith.constant 0 : index
    %get3A_21 = arith.constant 0 : index
    %get3A_22 = arith.constant 0 : index
    %get3A_23 = vector.load %arg2[%get3A_20, %get3A_21, %get3A_22] : memref<2x2000x64xf32, #tpu.memory_space<vmem>>, vector<1x2000x64xf32>
    %get3A_24 = vector.shape_cast %get3A_23 : vector<1x2000x64xf32> to vector<2000x64xf32>
    %get3A_25 = arith.constant 1 : index
    %get3A_26 = arith.constant 0 : index
    %get3A_27 = arith.constant 0 : index
    %get3A_28 = vector.load %arg2[%get3A_25, %get3A_26, %get3A_27] : memref<2x2000x64xf32, #tpu.memory_space<vmem>>, vector<1x2000x64xf32>
    %get3A_29 = vector.shape_cast %get3A_28 : vector<1x2000x64xf32> to vector<2000x64xf32>
    %concatenate3A_30 = tpu.concatenate %get3A_24, %get3A_29 in 1 : vector<2000x64xf32>, vector<2000x64xf32> -> vector<2000x128xf32>
    %mul3A = arith.constant 2.000000e+00 : f32
    %mul3A_31 = vector.broadcast %mul3A : f32 to vector<2000x128xf32>
    %mul3A_32 = arith.mulf %mul3A_31, %concatenate3A_30 : vector<2000x128xf32>
    %add3A_33 = arith.addf %concatenate3A, %mul3A_32 : vector<2000x128xf32>
    %mul3A_34 = vector.broadcast %broadcast_in_dim3A : vector<2000x1xf32> to vector<2000x128xf32>
    %mul3A_35 = arith.mulf %add3A_33, %mul3A_34 : vector<2000x128xf32>
    %get3A_36 = arith.constant 0 : index
    %get3A_37 = vector.load %arg4[%get3A_36] : memref<128xf32, #tpu.memory_space<vmem>>, vector<128xf32>
    %broadcast_in_dim3A_38 = vector.shape_cast %get3A_37 : vector<128xf32> to vector<1x128xf32>
    %add3A_39 = vector.broadcast %broadcast_in_dim3A_38 : vector<1x128xf32> to vector<2000x128xf32>
    %add3A_40 = arith.addf %mul3A_35, %add3A_39 : vector<2000x128xf32>
    %max3A = arith.constant 0.000000e+00 : f32
    %max3A_41 = vector.broadcast %max3A : f32 to vector<2000x128xf32>
    %max3A_42 = arith.maximumf %add3A_40, %max3A_41 : vector<2000x128xf32>
    %get3A_43 = arith.constant 0 : index
    %get3A_44 = arith.constant 0 : index
    %get3A_45 = vector.load %arg10[%get3A_43, %get3A_44] : memref<8x128xf32, #tpu.memory_space<vmem>>, vector<1x128xf32>
    %reduce_sum3A = arith.constant dense<0.000000e+00> : vector<128xf32>
    %reduce_sum3A_46 = vector.multi_reduction <add>, %max3A_42, %reduce_sum3A [0] : vector<2000x128xf32> to vector<128xf32>
    %broadcast_in_dim3A_47 = vector.shape_cast %reduce_sum3A_46 : vector<128xf32> to vector<1x128xf32>
    %add3A_48 = arith.addf %get3A_45, %broadcast_in_dim3A_47 : vector<1x128xf32>
    %swap3A = arith.constant 0 : index
    %swap3A_49 = arith.constant 0 : index
    %swap3A_50 = vector.load %arg10[%swap3A, %swap3A_49] : memref<8x128xf32, #tpu.memory_space<vmem>>, vector<1x128xf32>
    tpu.vector_store %arg10[%swap3A, %swap3A_49], %add3A_48 {strides = array<i32>} : memref<8x128xf32, #tpu.memory_space<vmem>>, vector<1x128xf32>,
    %get3A_51 = arith.constant 0 : index
    %get3A_52 = arith.constant 0 : index
    %get3A_53 = vector.load %arg11[%get3A_51, %get3A_52] : memref<8x128xf32, #tpu.memory_space<vmem>>, vector<1x128xf32>
    %reduce_max3A = arith.constant dense<0xFF800000> : vector<128xf32>
    %reduce_max3A_54 = vector.multi_reduction <maximumf>, %max3A_42, %reduce_max3A [0] : vector<2000x128xf32> to vector<128xf32>
    %broadcast_in_dim3A_55 = vector.shape_cast %reduce_max3A_54 : vector<128xf32> to vector<1x128xf32>
    %max3A_56 = arith.maximumf %get3A_53, %broadcast_in_dim3A_55 : vector<1x128xf32>
    %swap3A_57 = arith.constant 0 : index
    %swap3A_58 = arith.constant 0 : index
    %swap3A_59 = vector.load %arg11[%swap3A_57, %swap3A_58] : memref<8x128xf32, #tpu.memory_space<vmem>>, vector<1x128xf32>
    tpu.vector_store %arg11[%swap3A_57, %swap3A_58], %max3A_56 {strides = array<i32>} : memref<8x128xf32, #tpu.memory_space<vmem>>, vector<1x128xf32>,
    %eq3A_60 = arith.constant 4 : i32
    %eq3A_61 = arith.cmpi eq, %arg0, %eq3A_60 : i32
    %convert_element_type3A_62 = arith.extui %eq3A_61 : i1 to i32
    %cond3A_63 = arith.constant 0 : i32
    %cond3A_64 = arith.cmpi ne, %convert_element_type3A_62, %cond3A_63 : i32
    scf.if %cond3A_64 {
      %get3A_65 = arith.constant 0 : index
      %get3A_66 = arith.constant 0 : index
      %get3A_67 = vector.load %arg10[%get3A_65, %get3A_66] : memref<8x128xf32, #tpu.memory_space<vmem>>, vector<1x128xf32>
      %mul3A_68 = arith.constant 9.99999974E-5 : f32
      %mul3A_69 = vector.broadcast %mul3A_68 : f32 to vector<1x128xf32>
      %mul3A_70 = arith.mulf %get3A_67, %mul3A_69 : vector<1x128xf32>
      %get3A_71 = arith.constant 0 : index
      %get3A_72 = arith.constant 0 : index
      %get3A_73 = vector.load %arg11[%get3A_71, %get3A_72] : memref<8x128xf32, #tpu.memory_space<vmem>>, vector<1x128xf32>
      %get3A_74 = arith.constant 0 : index
      %get3A_75 = arith.constant 0 : index
      %get3A_76 = vector.load %arg5[%get3A_74, %get3A_75] : memref<256x256xf32, #tpu.memory_space<vmem>>, vector<128x256xf32>
      %dot_general3A = arith.constant dense<0.000000e+00> : vector<1x256xf32>
      %dot_general3A_77 = tpu.matmul %mul3A_70, %get3A_76, %dot_general3A {dimension_numbers = #tpu.dot_dimension_numbers<[1], [0], [0], [1], [0, 0, 1, 1], [], []>, transpose_lhs_hint = false} : vector<1x128xf32>, vector<128x256xf32>, vector<1x256xf32> -> vector<1x256xf32>
      %get3A_78 = arith.constant 128 : index
      %get3A_79 = arith.constant 0 : index
      %get3A_80 = vector.load %arg5[%get3A_78, %get3A_79] : memref<256x256xf32, #tpu.memory_space<vmem>>, vector<128x256xf32>
      %dot_general3A_81 = arith.constant dense<0.000000e+00> : vector<1x256xf32>
      %dot_general3A_82 = tpu.matmul %get3A_73, %get3A_80, %dot_general3A_81 {dimension_numbers = #tpu.dot_dimension_numbers<[1], [0], [0], [1], [0, 0, 1, 1], [], []>, transpose_lhs_hint = false} : vector<1x128xf32>, vector<128x256xf32>, vector<1x256xf32> -> vector<1x256xf32>
      %add3A_83 = arith.addf %dot_general3A_77, %dot_general3A_82 : vector<1x256xf32>
      %get3A_84 = arith.constant 0 : index
      %get3A_85 = vector.load %arg6[%get3A_84] : memref<256xf32, #tpu.memory_space<vmem>>, vector<256xf32>
      %broadcast_in_dim3A_86 = vector.shape_cast %get3A_85 : vector<256xf32> to vector<1x256xf32>
      %add3A_87 = arith.addf %add3A_83, %broadcast_in_dim3A_86 : vector<1x256xf32>
      %max3A_88 = arith.constant 0.000000e+00 : f32
      %max3A_89 = vector.broadcast %max3A_88 : f32 to vector<1x256xf32>
      %max3A_90 = arith.maximumf %add3A_87, %max3A_89 : vector<1x256xf32>
      %get3A_91 = arith.constant 0 : index
      %get3A_92 = arith.constant 0 : index
      %get3A_93 = vector.load %arg7[%get3A_91, %get3A_92] : memref<256x1024xf32, #tpu.memory_space<vmem>>, vector<256x1024xf32>
      %dot_general3A_94 = arith.constant dense<0.000000e+00> : vector<1x1024xf32>
      %dot_general3A_95 = tpu.matmul %max3A_90, %get3A_93, %dot_general3A_94 {dimension_numbers = #tpu.dot_dimension_numbers<[1], [0], [0], [1], [0, 0, 1, 1], [], []>, transpose_lhs_hint = false} : vector<1x256xf32>, vector<256x1024xf32>, vector<1x1024xf32> -> vector<1x1024xf32>
      %get3A_96 = arith.constant 0 : index
      %get3A_97 = vector.load %arg8[%get3A_96] : memref<1024xf32, #tpu.memory_space<vmem>>, vector<1024xf32>
      %broadcast_in_dim3A_98 = vector.shape_cast %get3A_97 : vector<1024xf32> to vector<1x1024xf32>
      %add3A_99 = arith.addf %dot_general3A_95, %broadcast_in_dim3A_98 : vector<1x1024xf32>
      %tanh3A = math.tanh %add3A_99 : vector<1x1024xf32>
      %swap3A_100 = arith.constant 0 : index
      %swap3A_101 = arith.constant 0 : index
      %swap3A_102 = vector.load %arg9[%swap3A_100, %swap3A_101] : memref<1x1024xf32, #tpu.memory_space<vmem>>, vector<1x1024xf32>
      tpu.vector_store %arg9[%swap3A_100, %swap3A_101], %tanh3A {strides = array<i32>} : memref<1x1024xf32, #tpu.memory_space<vmem>>, vector<1x1024xf32>,
    } else {
    }
    return
  }
  func.func @transform_0(%arg0: i32) -> (i32, i32, i32) {
    %c0_i32 = arith.constant 0 : i32
    %c0_i32_0 = arith.constant 0 : i32
    %c0_i32_1 = arith.constant 0 : i32
    return %c0_i32, %arg0, %c0_i32_0 : i32, i32, i32
  }
  func.func @transform_1(%arg0: i32) -> (i32, i32, i32) {
    %c0_i32 = arith.constant 0 : i32
    %c0_i32_0 = arith.constant 0 : i32
    %c0_i32_1 = arith.constant 0 : i32
    return %c0_i32, %arg0, %c0_i32_0 : i32, i32, i32
  }
  func.func @transform_2(%arg0: i32) -> (i32, i32, i32) {
    %c0_i32 = arith.constant 0 : i32
    %c0_i32_0 = arith.constant 0 : i32
    %c0_i32_1 = arith.constant 0 : i32
    return %c0_i32, %arg0, %c0_i32_0 : i32, i32, i32
  }
  func.func @transform_3(%arg0: i32) -> i32 {
    %c0_i32 = arith.constant 0 : i32
    %c0_i32_0 = arith.constant 0 : i32
    return %c0_i32 : i32
  }
  func.func @transform_4(%arg0: i32) -> (i32, i32) {
    %c0_i32 = arith.constant 0 : i32
    %c0_i32_0 = arith.constant 0 : i32
    %c0_i32_1 = arith.constant 0 : i32
    return %c0_i32, %c0_i32_0 : i32, i32
  }
  func.func @transform_5(%arg0: i32) -> i32 {
    %c0_i32 = arith.constant 0 : i32
    %c0_i32_0 = arith.constant 0 : i32
    return %c0_i32 : i32
  }
  func.func @transform_6(%arg0: i32) -> (i32, i32) {
    %c0_i32 = arith.constant 0 : i32
    %c0_i32_0 = arith.constant 0 : i32
    %c0_i32_1 = arith.constant 0 : i32
    return %c0_i32, %c0_i32_0 : i32, i32
  }
  func.func @transform_7(%arg0: i32) -> i32 {
    %c0_i32 = arith.constant 0 : i32
    %c0_i32_0 = arith.constant 0 : i32
    return %c0_i32 : i32
  }
  func.func @transform_8(%arg0: i32) -> (i32, i32) {
    %c0_i32 = arith.constant 0 : i32
    %c0_i32_0 = arith.constant 0 : i32
    %c0_i32_1 = arith.constant 0 : i32
    return %c0_i32, %c0_i32_0 : i32, i32
  }
}

</mosaic_0001>

<sc_bundles>
// kernel: kernel.10.cloned.1.call-start
scs
__scs_entry_jumppad:
0x0: {  	(pc) =	sbr.rel $0x88, $3  }
0x1: {  	(tag) =	ssettag $0x0;
	lr =	simm.s32 $0x1  }
0x2: {  	[smem:$0x3F95] =	sst lr;
	_ =	strace $0xD0000000  }
0x3: {  	_ = 	snop  }
0x4: {  	_ = 	snop  }
0x5: {  	_ = 	snop  }
0x6: {  	_ = 	snop  }
0x7: {  	_ = 	snop  }
__scs_overlays_trampoline_lowered:
0x8: {  	[smem:$0x3FA4] =	sst s0  }
0x9: {  	[smem:$0x3FA5] =	sst s1  }
0xa: {  	[smem:$0x3FA6] =	sst s2  }
0xb: {  	[smem:$0x3FA7] =	sst s3  }
0xc: {  	[smem:$0x3FA8] =	sst s4  }
0xd: {  	[smem:$0x3FA9] =	sst s5  }
0xe: {  	[smem:$0x3FAA] =	sst s6  }
0xf: {  	[smem:$0x3FAB] =	sst s7  }
0x10: {  	[smem:$0x3FAC] =	sst s8  }
0x11: {  	[smem:$0x3FAD] =	sst s9;
	s0 =	simm.s32 @!p0 $0x0  }
0x12: {  	s1 =	sld [smem:$0x3F93];
	s0 =	simm.s32 @p0 $0x1  }
0x13: {  	[smem:$0x3FAE] =	sst s0;
	s0 =	simm.s32 @!p1 $0x0  }
0x14: {  	s2 =	sld [smem:$0x3F92];
	s0 =	simm.s32 @p1 $0x1  }
0x15: {  	[smem:$0x3FAF] =	sst s0;
	s0 =	simm.s32 @!p2 $0x0  }
0x16: {  	s3 =	sld [smem:$0x3FDB];
	s0 =	simm.s32 @p2 $0x1  }
0x17: {  	s4 =	simm.s32 $0x1BF5;
	[smem:$0x3FB1] =	sst s0  }
0x18: {  	s0 =	sld [smem:$0x3F94];
	_ =	swait.ge [sflag:s4], $0x0  }
0x19: {  	s7 =	sld [smem:$0x3F95]  }
0x1a: {  	s8 =	sadd.s32 $0xFFFFE003, lr  }
0x1b: {  	s9 =	sadd.s32 $0xFFFFFEF7, lr;
	s5 =	simm.s32 $0xFFFFFFFF;
	p2 =	slt.u32 s8, $0xFFFFF086  }
0x1c: {  	p1 =	slt.u32 s9, $0xF7A;
	s5 =	simm.s32 @!p2 $0x0  }
0x1d: {  	s5 =	simm.s32 @p1 $0x1;
	p0 =	seq.s32 s7, s2  }
0x1e: {  	s7 =	smul.u32 @!p0 $0xF7A, s2;
	p2 =	seq.s32 @!p0 s5, $0x0  }
0x1f: {  	s9 =	smul.u32 $0xF7A, s1;
	s8 =	simm.s32 @!p0 $0x1BF5;
	p2 =	por !p2, p0  }
0x20: {  	[sflag:s8] =	ssyncset.s32 @!p0 $0xFFFFF086;
	s6 =	sadd.s32 @!p0 s3, s7;
	s7 =	simm.s32 @!p0 $0x108  }
0x21: {  	s3 =	sadd.s32 s3, s9;
	s6 =	sadd.s32 @!p0 $0x88, s6;
	s7 =	simm.s32 @p2 $0x1082  }
0x22: {  	[simem:s7], [sflag:s8] =	dma.local @!p0 [hbm:s6], $0xF7A  }
0x23: {  	s9 =	sor.u32 $0xD0000000, s2;
	s6 =	simm.s32 $0x108;
	_ =	swait.ge @!p0 [sflag:s8], $0x0  }
0x24: {  	s3 =	sadd.s32 $0x88, s3;
	s6 =	simm.s32 @!p1 $0x1082;
	[sflag:s4] =	ssyncset.s32 $0xFFFFF086  }
0x25: {  	[simem:s6], [sflag:s4] =	dma.local [hbm:s3], $0xF7A  }
0x26: {  	[smem:$0x3F95] =	sst s1;
	(tag) =	ssettag s2;
	_ =	strace s9  }
0x27: {  	s1 =	sld [smem:$0x3FA5]  }
0x28: {  	s2 =	sld [smem:$0x3FA6]  }
0x29: {  	s4 =	sld [smem:$0x3FA8]  }
0x2a: {  	p0 =	seq.s32 s5, $0x0;
	s5 =	sld [smem:$0x3FA9]  }
0x2b: {  	s6 =	sld [smem:$0x3FAA]  }
0x2c: {  	s7 =	sld [smem:$0x3FAB]  }
0x2d: {  	s3 =	simm.s32 $0x108;
	s8 =	sld [smem:$0x3FAC]  }
0x2e: {  	s3 =	simm.s32 @!p0 $0x1082;
	s9 =	sld [smem:$0x3FAD]  }
0x2f: {  	lr =	sadd.s32 s0, s3;
	s0 =	sld [smem:$0x3FA4]  }
0x30: {  	s3 =	sld [smem:$0x3FA7]  }
0x31: {  	[smem:$0x3FB0] =	sst s10  }
0x32: {  	s10 =	sld [smem:$0x3FAE];
	_ =	sdelay $0x3  }
0x33: {  	p0 =	seq.s32 s10, $0x1;
	s10 =	sld [smem:$0x3FB0];
	_ =	sdelay $0x3  }
0x34: {  	[smem:$0x3FB0] =	sst s10  }
0x35: {  	s10 =	sld [smem:$0x3FAF];
	_ =	sdelay $0x3  }
0x36: {  	p1 =	seq.s32 s10, $0x1;
	s10 =	sld [smem:$0x3FB0];
	_ =	sdelay $0x3  }
0x37: {  	[smem:$0x3FB0] =	sst s10  }
0x38: {  	s10 =	sld [smem:$0x3FB1]  }
0x39: {  	_ = 	snop;
	(pc) =	sbr.ind lr, $3  }
0x3a: {  	_ = 	snop  }
0x3b: {  	_ = 	snop  }
0x3c: {  	p2 =	seq.s32 s10, $0x1;
	s10 =	sld [smem:$0x3FB0]  }
0x3d: {  	_ =	shalt  }
0x3e: {  	_ =	shalt  }
0x3f: {  	_ =	shalt  }
0x40: {  	_ =	shalt  }
0x41: {  	_ =	shalt  }
0x42: {  	_ =	shalt  }
0x43: {  	_ =	shalt  }
0x44: {  	_ =	shalt  }
0x45: {  	_ =	shalt  }
0x46: {  	_ =	shalt  }
0x47: {  	_ =	shalt  }
0x48: {  	_ =	shalt  }
0x49: {  	_ =	shalt  }
0x4a: {  	_ =	shalt  }
0x4b: {  	_ =	shalt  }
0x4c: {  	_ =	shalt  }
0x4d: {  	_ =	shalt  }
0x4e: {  	_ =	shalt  }
0x4f: {  	_ =	shalt  }
0x50: {  	_ =	shalt  }
0x51: {  	_ =	shalt  }
0x52: {  	_ =	shalt  }
0x53: {  	_ =	shalt  }
0x54: {  	_ =	shalt  }
0x55: {  	_ =	shalt  }
0x56: {  	_ =	shalt  }
0x57: {  	_ =	shalt  }
0x58: {  	_ =	shalt  }
0x59: {  	_ =	shalt  }
0x5a: {  	_ =	shalt  }
0x5b: {  	_ =	shalt  }
0x5c: {  	_ =	shalt  }
0x5d: {  	_ =	shalt  }
0x5e: {  	_ =	shalt  }
0x5f: {  	_ =	shalt  }
0x60: {  	_ =	shalt  }
0x61: {  	_ =	shalt  }
0x62: {  	_ =	shalt  }
0x63: {  	_ =	shalt  }
0x64: {  	_ =	shalt  }
0x65: {  	_ =	shalt  }
0x66: {  	_ =	shalt  }
0x67: {  	_ =	shalt  }
0x68: {  	_ =	shalt  }
0x69: {  	_ =	shalt  }
0x6a: {  	_ =	shalt  }
0x6b: {  	_ =	shalt  }
0x6c: {  	_ =	shalt  }
0x6d: {  	_ =	shalt  }
0x6e: {  	_ =	shalt  }
0x6f: {  	_ =	shalt  }
0x70: {  	_ =	shalt  }
0x71: {  	_ =	shalt  }
0x72: {  	_ =	shalt  }
0x73: {  	_ =	shalt  }
0x74: {  	_ =	shalt  }
0x75: {  	_ =	shalt  }
0x76: {  	_ =	shalt  }
0x77: {  	_ =	shalt  }
0x78: {  	_ =	shalt  }
0x79: {  	_ =	shalt  }
0x7a: {  	_ =	shalt  }
0x7b: {  	_ =	shalt  }
0x7c: {  	_ =	shalt  }
0x7d: {  	_ =	shalt  }
0x7e: {  	_ =	shalt  }
0x7f: {  	_ =	shalt  }
0x80: {  	_ =	shalt  }
0x81: {  	_ =	shalt  }
0x82: {  	_ =	shalt  }
0x83: {  	_ =	shalt  }
0x84: {  	_ =	shalt  }
0x85: {  	_ =	shalt  }
0x86: {  	_ =	shalt  }
0x87: {  	_ =	shalt  }
.Lfunc_end0:
.L_simem_size_0:
called_computation_lowered:
.L_overlay_start_0:
0x88: {  	s2 =	sld [smem:$0x3FD9]  }
0x89: {  	s3 =	sld [smem:$0x3FFE];
	_ =	sdelay $0x1  }
0x8a: {  	s1 =	srdreg.scid  }
0x8b: {  	s0 =	sand.u32 $0x1, s1  }
0x8c: {  	s16 =	sshll.u32 s0, $0xA;
	s2 =	sadd.s32 s3, s2  }
0x8d: {  	s2 =	sadd.s32 s2, s16  }
0x8e: {  	[smem:$0x3FBC] =	sst s2  }
0x8f: {  	_ = 	snop  }
0x90: {  	(tm) =	ssettm $0x1  }
0x91: {  	s17 =	sld [smem:$0x3FFB];
	_ =	sdelay $0x3  }
0x92: {  	_ =	strace s17  }
0x93: {  	s2 =	sld [smem:$0x3FFC];
	_ =	sdelay $0x3  }
0x94: {  	_ =	strace s2  }
0x95: {  	s2 =	sld [smem:$0x3FFD];
	_ =	sdelay $0x3  }
0x96: {  	_ =	strace s2  }
0x97: {  	_ =	strace $0x8FFFFFFF  }
0x98: {  	s18 =	sld [smem:$0x3FDB];
	_ =	sdelay $0x1  }
0x99: {  	s19 =	simm.s32 $_scs_section_size  }
0x9a: {  	s4 =	simm.s32 $_size__tile_overlayer_lowered;
	s5 =	simm.s32 $_tile_overlayer_lowered  }
0x9b: {  	s22 =	simm.s32 $0x1BFF;
	s21 =	sshll.u32 s5, $0x1;
	s2 =	sadd.s32 s19, s18  }
0x9c: {  	s6 =	simm.s32 $0x0;
	s20 =	sshll.u32 s4, $0x1;
	s4 =	sadd.s32 s21, s2  }
0x9d: {  	[timem:s6], [sflag:s22] =	dma.local [hbm:s4], s20  }
0x9e: {  	_ =	swait.ge [sflag:s22], s20  }
0x9f: {  	s3 =	ssub.s32 $0x0, s20;
	[sflag:s22] =	ssyncset.done $0x0  }
0xa0: {  	[sflag:s22] =	ssyncadd.s32 s3;
	_ =	sdelay $0x1  }
0xa1: {  	s23 =	simm.s32 $0x1B8B  }
0xa2: {  	_ =	swait.ge [sflag:s23], $0x1  }
0xa3: {  	[sflag:s23] =	ssyncset.done $0x0  }
0xa4: {  	s25 =	simm.s32 $0x1B8E;
	s24 =	sld [smem:$0x3FFE];
	[sflag:s23] =	ssyncadd.s32 $0xFFFFFFFF  }
0xa5: {  	s26 =	simm.s32 $execute0_lowered;
	[smem:$0x3FD2] =	sst s25  }
0xa6: {  	s4 =	sshll.u32 s26, $0x1;
	_ =	strace $0x80000046;
	[dreg:$0x1] =	wrdreg $0xFFFFFFFF  }
0xa7: {  	s28 =	simm.s32 $_size_execute0_lowered;
	s2 =	sadd.s32 s2, s4;
	[dreg:$0x0] =	wrdreg $0x0  }
0xa8: {  	s4 =	sshll.u32 s28, $0x1;
	[dreg:$0x2] =	wrdreg s2  }
0xa9: {  	[dreg:$0x3] =	wrdreg s4  }
0xaa: {  	[dreg:$0x4] =	wrdreg $0xC0  }
0xab: {  	_ =	task [dreg:s6], $0x5FFFF  }
0xac: {  	[dreg:$0x1] =	wrdreg $0xFFFFFFFF  }
0xad: {  	[dreg:$0x0] =	wrdreg $0x60  }
0xae: {  	[dreg:$0x2] =	wrdreg s24  }
0xaf: {  	[dreg:$0x3] =	wrdreg $0x60000  }
0xb0: {  	[dreg:$0x4] =	wrdreg $0x9  }
0xb1: {  	_ =	task.clear_ibuf [dreg:s6], $0x5FFFF;
	_ =	strace $0x90000046  }
0xb2: {  	s29 =	simm.s32 $0x9;
	_ =	strace $0x80000048  }
0xb3: {  	_ =	swait.ge [sflag:s29], $0x1  }
0xb4: {  	[sflag:s29] =	ssyncadd.s32 $0xFFFFFFFF  }
0xb5: {  	_ =	strace $0x90000048  }
0xb6: {  	_ =	sfence  }
0xb7: {  	s30 =	sld [smem:$0x0];
	_ =	sdelay $0x2  }
0xb8: {  	s31 =	sshll.u32 s1, $0xD;
	s1 =	sshrl.u32 s1, $0x2  }
0xb9: {  	s3 =	sand.u32 $0x4000, s31;
	s1 =	sadd.s32 s1, s30  }
0xba: {  	s0 =	sor.u32 s3, s0;
	s1 =	sshll.u32 s1, $0x11  }
0xbb: {  	s0 =	sor.u32 s1, s0  }
0xbc: {  	s0 =	sadd.s32 $0x8F2B, s0  }
0xbd: {  	[sflag:s0] =	ssyncadd.remote.s32 $0x1  }
0xbe: {  	_ =	sfence.sel $0xFFFF  }
0xbf: {  	[dreg:$0x0] =	wrdreg $0xFFFFFFFF;
	(pc) =	sbr.abs _section_cstart, $3  }
0xc0: {  	[dreg:$0x1] =	wrdreg $0xFFFFFFFF  }
0xc1: {  	_ =	task.clear_ibuf [dreg:s6], $0x2FFFF;
	_ =	strace $0x9FFFFFFF  }
0xc2: {  	(tm) =	ssettm $0x7FFFFFFF  }
0xc3: {  	_ =	shalt  }
tec
execute0_lowered:
.L_overlay_start_1:
0x0: {  	(tag) =	ssettag $0x1  }
0x1: {  	s6 =	rddreg [dreg:$0x0]  }
0x2: {  	s2 =	rddreg [dreg:$0x1]  }
0x3: {  	s0 =	rddreg [dreg:$0x2];
	s3 =	simm.s32 $0x0  }
0x4: {  	s1 =	stileid.u32;
	s5 =	srdreg.scid;
	s21 =	simm.s32 $0x5800  }
0x5: {  	s22 =	simm.s32 $0x80;
	s23 =	simm.s32 $0x0;
	s4 =	smul.u32 $0xA00, s1  }
0x6: {  	[smem:$0x7FF] =	sst s3;
	s15 =	sand.u32 $0x1, s5;
	s12 =	smul.u32 $0x2800, s1  }
0x7: {  	s5 =	sadd.s32 $0xC600, s6;
	s16 =	sadd.s32 $0xC800, s6;
	s19 =	smul.u32 $0x28000, s15  }
0x8: {  	_ =	strace $0x80000047;
	s8 =	ssub.s32 $0x2, s15;
	s31 =	smul.u32 $0xA000, s15  }
0x9: {  	s7 =	sadd.s32 s4, s6;
	s4 =	sadd.s32 $0xC400, s6;
	s9 =	sshrl.u32 s8, $0x1  }
0xa: {  	s13 =	sadd.s32 $0x800, s12;
	s14 =	sadd.s32 $0x1000, s12;
	s18 =	sadd.s32 $0x1800, s12  }
0xb: {  	s20 =	sadd.s32 $0x2000, s12;
	s17 =	ssub.s32 s8, s9;
	s6 =	sadd.s32 $0x2400, s7  }
0xc: {  	s7 =	sadd.s32 s12, s2;
	s8 =	sadd.s32 s13, s2;
	s9 =	sadd.s32 s14, s2  }
0xd: {  	s10 =	sadd.s32 s18, s2;
	s11 =	sadd.s32 s20, s2;
	s12 =	sadd.s32 s12, s19  }
0xe: {  	s13 =	sadd.s32 s19, s13;
	s14 =	sadd.s32 s19, s14;
	s18 =	sadd.s32 s19, s18  }
0xf: {  	s19 =	sadd.s32 s19, s20;
	s20 =	simm.s32 $0x5000;
	s12 =	sshrl.u32 s12, $0x3  }
0x10: {  	s13 =	sshrl.u32 s13, $0x3;
	s14 =	sshrl.u32 s14, $0x3;
	s18 =	sshrl.u32 s18, $0x3  }
0x11: {  	s19 =	sshrl.u32 s19, $0x3;
	s17 =	smax.u32 s17, $0x1;
	s12 =	sadd.s32 s16, s12  }
0x12: {  	s13 =	sadd.s32 s16, s13;
	s14 =	sadd.s32 s16, s14;
	s15 =	sadd.s32 s16, s18  }
0x13: {  	s16 =	sadd.s32 s16, s19;
	s18 =	sshrl.u32 s31, $0x2;
	s19 =	simm.s32 $0x1  }
.LBB2_1:
0x14: {  	[tilespmem:s3], [sflag:$0x1] =	stream.linear.gather [hbm4b:s6+s3], $0x5000, $0x38;
	[tilespmem:$0x8800] =	vst v63  }
0x15: {  	_ =	swait.ge [sflag:s19], $0x5000  }
0x16: {  	[sflag:s19] =	ssyncset.done $0x0  }
0x17: {  	[sflag:s19] =	ssyncadd.s32 $0xFFFFB000  }
0x18: {  	[tilespmem:s20], [sflag:$0x1] =	stream.linear.gather [hbm4b:s4+s3], $0x800, $0x38;
	[tilespmem:$0x8800] =	vst v63  }
0x19: {  	_ =	swait.ge [sflag:s19], $0x800  }
0x1a: {  	[sflag:s19] =	ssyncset.done $0x0  }
0x1b: {  	[sflag:s19] =	ssyncadd.s32 $0xFFFFF800  }
0x1c: {  	[tilespmem:s21], [sflag:$0x1] =	stream.linear.gather [hbm4b:s5+s3], $0x800, $0x38;
	[tilespmem:$0x8800] =	vst v63  }
0x1d: {  	_ =	swait.ge [sflag:s19], $0x800  }
0x1e: {  	[sflag:s19] =	ssyncset.done $0x0  }
0x1f: {  	[sflag:s19] =	ssyncadd.s32 $0xFFFFF800  }
0x20: {  	[spmem:s7] =	stream.linear.scatter [tilespmem:s21], [sflag:$0x1], $0x800, $0x38;
	[tilespmem:$0x8800] =	vst v63  }
0x21: {  	_ =	swait.ge [sflag:s19], $0x800  }
0x22: {  	[sflag:s19] =	ssyncset.done $0x0  }
0x23: {  	[sflag:s19] =	ssyncadd.s32 $0xFFFFF800  }
0x24: {  	[spmem:s8] =	stream.linear.scatter [tilespmem:s21], [sflag:$0x1], $0x800, $0x38;
	[tilespmem:$0x8800] =	vst v63  }
0x25: {  	_ =	swait.ge [sflag:s19], $0x800  }
0x26: {  	[sflag:s19] =	ssyncset.done $0x0  }
0x27: {  	[sflag:s19] =	ssyncadd.s32 $0xFFFFF800  }
0x28: {  	[spmem:s9] =	stream.linear.scatter [tilespmem:s21], [sflag:$0x1], $0x800, $0x38;
	[tilespmem:$0x8800] =	vst v63  }
0x29: {  	_ =	swait.ge [sflag:s19], $0x800  }
0x2a: {  	[sflag:s19] =	ssyncset.done $0x0  }
0x2b: {  	[sflag:s19] =	ssyncadd.s32 $0xFFFFF800  }
0x2c: {  	[spmem:s10] =	stream.linear.scatter [tilespmem:s21], [sflag:$0x1], $0x800, $0x38;
	[tilespmem:$0x8800] =	vst v63  }
0x2d: {  	_ =	swait.ge [sflag:s19], $0x800  }
0x2e: {  	[sflag:s19] =	ssyncset.done $0x0  }
0x2f: {  	[sflag:s19] =	ssyncadd.s32 $0xFFFFF800  }
0x30: {  	[spmem:s11] =	stream.linear.scatter [tilespmem:s21], [sflag:$0x1], $0x800, $0x38;
	[tilespmem:$0x8800] =	vst v63  }
0x31: {  	_ =	swait.ge [sflag:s19], $0x800  }
0x32: {  	[sflag:s19] =	ssyncset.done $0x0  }
0x33: {  	[sflag:s19] =	ssyncadd.s32 $0xFFFFF800  }
0x34: {  	s24 =	sadd.s32 $0x0, s18;
	[bflag:$0x0] =	sbarrier.arrive $0xFFFF  }
0x35: {  	[spmem:s2] =	stream.indirect.scatter.add.f32 [tilespmem:s20], [sflag:$0x1], $0x10, s24, s22, $0xb8;
	[tilespmem:$0x8800] =	vst v63  }
0x36: {  	s24 =	simm.s32 $0x200;
	_ =	swait.ge [sflag:s19], $0x800  }
.LBB2_2:
0x37: {  	s25 =	sshra.s32 s24, $0x2;
	[sflag:s19] =	ssyncset.done $0x0;
	p0 =	sne.s32 s24, $0x9E00  }
.Ltmp0:
0x38: {  	s25 =	sadd.s32 s25, s18;
	[sflag:s19] =	ssyncadd.s32 $0xFFFFF800;
	(pc) =	sbr.rel @p0 .LBB2_2-.Ltmp0, $3  }
0x39: {  	[spmem:s2] =	stream.indirect.scatter.add.f32 [tilespmem:s20], [sflag:$0x1], $0x10, s25, s22, $0xb8;
	[tilespmem:$0x8800] =	vst v63  }
0x3a: {  	s24 =	sadd.s32 $0x200, s24;
	_ =	sdelay $0x1  }
0x3b: {  	_ =	swait.ge [sflag:s19], $0x800  }
0x3c: {  	[sflag:s19] =	ssyncset.done $0x0  }
0x3d: {  	[sflag:s19] =	ssyncadd.s32 $0xFFFFF800  }
0x3e: {  	[bflag:$0x0] =	sbarrier.arrive $0xFFFF  }
0x3f: {  	[tilespmem:s21], [sflag:$0x1] =	stream.linear.gather [spmem:s7], $0x800, $0x38;
	[tilespmem:$0x8800] =	vst v63  }
0x40: {  	_ =	swait.ge [sflag:s19], $0x800  }
0x41: {  	[sflag:s19] =	ssyncset.done $0x0  }
0x42: {  	[sflag:s19] =	ssyncadd.s32 $0xFFFFF800  }
0x43: {  	[hbm4b:s12+s3] =	stream.linear.scatter [tilespmem:s21], [sflag:$0x1], $0x800, $0x38;
	[tilespmem:$0x8800] =	vst v63  }
0x44: {  	_ =	swait.ge [sflag:s19], $0x800  }
0x45: {  	[sflag:s19] =	ssyncset.done $0x0  }
0x46: {  	[sflag:s19] =	ssyncadd.s32 $0xFFFFF800  }
0x47: {  	[tilespmem:s21], [sflag:$0x1] =	stream.linear.gather [spmem:s8], $0x800, $0x38;
	[tilespmem:$0x8800] =	vst v63  }
0x48: {  	_ =	swait.ge [sflag:s19], $0x800  }
0x49: {  	[sflag:s19] =	ssyncset.done $0x0  }
0x4a: {  	[sflag:s19] =	ssyncadd.s32 $0xFFFFF800  }
0x4b: {  	[hbm4b:s13+s3] =	stream.linear.scatter [tilespmem:s21], [sflag:$0x1], $0x800, $0x38;
	[tilespmem:$0x8800] =	vst v63  }
0x4c: {  	_ =	swait.ge [sflag:s19], $0x800  }
0x4d: {  	[sflag:s19] =	ssyncset.done $0x0  }
0x4e: {  	[sflag:s19] =	ssyncadd.s32 $0xFFFFF800  }
0x4f: {  	[tilespmem:s21], [sflag:$0x1] =	stream.linear.gather [spmem:s9], $0x800, $0x38;
	[tilespmem:$0x8800] =	vst v63  }
0x50: {  	_ =	swait.ge [sflag:s19], $0x800  }
0x51: {  	[sflag:s19] =	ssyncset.done $0x0  }
0x52: {  	[sflag:s19] =	ssyncadd.s32 $0xFFFFF800  }
0x53: {  	[hbm4b:s14+s3] =	stream.linear.scatter [tilespmem:s21], [sflag:$0x1], $0x800, $0x38;
	[tilespmem:$0x8800] =	vst v63  }
0x54: {  	_ =	swait.ge [sflag:s19], $0x800  }
0x55: {  	[sflag:s19] =	ssyncset.done $0x0  }
0x56: {  	[sflag:s19] =	ssyncadd.s32 $0xFFFFF800  }
0x57: {  	[tilespmem:s21], [sflag:$0x1] =	stream.linear.gather [spmem:s10], $0x800, $0x38;
	[tilespmem:$0x8800] =	vst v63  }
0x58: {  	_ =	swait.ge [sflag:s19], $0x800  }
0x59: {  	[sflag:s19] =	ssyncset.done $0x0  }
0x5a: {  	[sflag:s19] =	ssyncadd.s32 $0xFFFFF800  }
0x5b: {  	[hbm4b:s15+s3] =	stream.linear.scatter [tilespmem:s21], [sflag:$0x1], $0x800, $0x38;
	[tilespmem:$0x8800] =	vst v63  }
0x5c: {  	_ =	swait.ge [sflag:s19], $0x800  }
0x5d: {  	[sflag:s19] =	ssyncset.done $0x0  }
0x5e: {  	[sflag:s19] =	ssyncadd.s32 $0xFFFFF800  }
0x5f: {  	[tilespmem:s21], [sflag:$0x1] =	stream.linear.gather [spmem:s11], $0x800, $0x38;
	[tilespmem:$0x8800] =	vst v63  }
0x60: {  	s23 =	sadd.s32 $0x1, s23;
	_ =	swait.ge [sflag:s19], $0x800  }
0x61: {  	p0 =	sne.s32 s23, s17;
	[sflag:s19] =	ssyncset.done $0x0  }
.Ltmp1:
0x62: {  	[sflag:s19] =	ssyncadd.s32 $0xFFFFF800;
	(pc) =	sbr.rel @p0 .LBB2_1-.Ltmp1, $4  }
0x63: {  	[hbm4b:s16+s3] =	stream.linear.scatter [tilespmem:s21], [sflag:$0x1], $0x800, $0x38;
	[tilespmem:$0x8800] =	vst v63  }
0x64: {  	_ =	swait.ge [sflag:s19], $0x800  }
0x65: {  	[sflag:s19] =	ssyncset.done $0x0  }
0x66: {  	[sflag:s19] =	ssyncadd.s32 $0xFFFFF800  }
0x67: {  	_ =	sfence.sel $0x180000  }
0x68: {  	[bflag:$0x0] =	sbarrier.arrive $0xFFFF  }
0x69: {  	p0 =	sne.s32 s1, $0x0;
	_ =	strace $0x90000047  }
0x6a: {  	s0 =	sadd.s32 @!p0 $0x100000, s0;
	[bflag:$0x2] =	sbarrier.arrive $0xFFFF  }
0x6b: {  	[sflag:s0] =	ssyncadd.tile.s32 @!p0 $0x1;
	_ =	shalt  }
.Lfunc_end2:
_tile_overlayer_lowered:
.L_overlay_start_2:
0x6c: {  	(tag) =	ssettag $0x2  }
0x6d: {  	s0 =	rddreg [dreg:$0x0];
	s2 =	stileid.u32  }
0x6e: {  	s1 =	rddreg [dreg:$0x1];
	p0 =	sne.s32 s2, $0x0  }
0x6f: {  	s3 =	rddreg [dreg:$0x2];
	[bflag:$0x3] =	sbarrier.arrive $0xFFFF;
	s2 =	simm.s32 @!p0 $0x1C01  }
0x70: {  	[timem:s3], [sflag:s2] =	dma.local @!p0 [hbm:s0], s1  }
0x71: {  	s0 =	simm.s32 @!p0 $0x1  }
0x72: {  	_ =	swait.ge @!p0 [sflag:s0], s1  }
0x73: {  	s1 =	ssub.s32 @!p0 $0x0, s1;
	[sflag:s0] =	ssyncset.done @!p0 $0x0  }
0x74: {  	[sflag:s0] =	ssyncadd.s32 @!p0 s1  }
0x75: {  	[bflag:$0x3] =	sbarrier.arrive $0xFFFF  }
0x76: {  	_ =	shalt  }

// kernel: kernel.13.cloned.1.call-start
scs
__scs_entry_jumppad:
0x0: {  	(pc) =	sbr.rel $0x88, $3  }
0x1: {  	(tag) =	ssettag $0x0;
	lr =	simm.s32 $0x1  }
0x2: {  	[smem:$0x3F95] =	sst lr;
	_ =	strace $0xD0000000  }
0x3: {  	_ = 	snop  }
0x4: {  	_ = 	snop  }
0x5: {  	_ = 	snop  }
0x6: {  	_ = 	snop  }
0x7: {  	_ = 	snop  }
__scs_overlays_trampoline_lowered:
0x8: {  	[smem:$0x3FA4] =	sst s0  }
0x9: {  	[smem:$0x3FA5] =	sst s1  }
0xa: {  	[smem:$0x3FA6] =	sst s2  }
0xb: {  	[smem:$0x3FA7] =	sst s3  }
0xc: {  	[smem:$0x3FA8] =	sst s4  }
0xd: {  	[smem:$0x3FA9] =	sst s5  }
0xe: {  	[smem:$0x3FAA] =	sst s6  }
0xf: {  	[smem:$0x3FAB] =	sst s7  }
0x10: {  	[smem:$0x3FAC] =	sst s8  }
0x11: {  	[smem:$0x3FAD] =	sst s9;
	s0 =	simm.s32 @!p0 $0x0  }
0x12: {  	s1 =	sld [smem:$0x3F93];
	s0 =	simm.s32 @p0 $0x1  }
0x13: {  	[smem:$0x3FAE] =	sst s0;
	s0 =	simm.s32 @!p1 $0x0  }
0x14: {  	s2 =	sld [smem:$0x3F92];
	s0 =	simm.s32 @p1 $0x1  }
0x15: {  	[smem:$0x3FAF] =	sst s0;
	s0 =	simm.s32 @!p2 $0x0  }
0x16: {  	s3 =	sld [smem:$0x3FDB];
	s0 =	simm.s32 @p2 $0x1  }
0x17: {  	s4 =	simm.s32 $0x1BF5;
	[smem:$0x3FB1] =	sst s0  }
0x18: {  	s0 =	sld [smem:$0x3F94];
	_ =	swait.ge [sflag:s4], $0x0  }
0x19: {  	s7 =	sld [smem:$0x3F95]  }
0x1a: {  	s8 =	sadd.s32 $0xFFFFE003, lr  }
0x1b: {  	s9 =	sadd.s32 $0xFFFFFEF7, lr;
	s5 =	simm.s32 $0xFFFFFFFF;
	p2 =	slt.u32 s8, $0xFFFFF086  }
0x1c: {  	p1 =	slt.u32 s9, $0xF7A;
	s5 =	simm.s32 @!p2 $0x0  }
0x1d: {  	s5 =	simm.s32 @p1 $0x1;
	p0 =	seq.s32 s7, s2  }
0x1e: {  	s7 =	smul.u32 @!p0 $0xF7A, s2;
	p2 =	seq.s32 @!p0 s5, $0x0  }
0x1f: {  	s9 =	smul.u32 $0xF7A, s1;
	s8 =	simm.s32 @!p0 $0x1BF5;
	p2 =	por !p2, p0  }
0x20: {  	[sflag:s8] =	ssyncset.s32 @!p0 $0xFFFFF086;
	s6 =	sadd.s32 @!p0 s3, s7;
	s7 =	simm.s32 @!p0 $0x108  }
0x21: {  	s3 =	sadd.s32 s3, s9;
	s6 =	sadd.s32 @!p0 $0x88, s6;
	s7 =	simm.s32 @p2 $0x1082  }
0x22: {  	[simem:s7], [sflag:s8] =	dma.local @!p0 [hbm:s6], $0xF7A  }
0x23: {  	s9 =	sor.u32 $0xD0000000, s2;
	s6 =	simm.s32 $0x108;
	_ =	swait.ge @!p0 [sflag:s8], $0x0  }
0x24: {  	s3 =	sadd.s32 $0x88, s3;
	s6 =	simm.s32 @!p1 $0x1082;
	[sflag:s4] =	ssyncset.s32 $0xFFFFF086  }
0x25: {  	[simem:s6], [sflag:s4] =	dma.local [hbm:s3], $0xF7A  }
0x26: {  	[smem:$0x3F95] =	sst s1;
	(tag) =	ssettag s2;
	_ =	strace s9  }
0x27: {  	s1 =	sld [smem:$0x3FA5]  }
0x28: {  	s2 =	sld [smem:$0x3FA6]  }
0x29: {  	s4 =	sld [smem:$0x3FA8]  }
0x2a: {  	p0 =	seq.s32 s5, $0x0;
	s5 =	sld [smem:$0x3FA9]  }
0x2b: {  	s6 =	sld [smem:$0x3FAA]  }
0x2c: {  	s7 =	sld [smem:$0x3FAB]  }
0x2d: {  	s3 =	simm.s32 $0x108;
	s8 =	sld [smem:$0x3FAC]  }
0x2e: {  	s3 =	simm.s32 @!p0 $0x1082;
	s9 =	sld [smem:$0x3FAD]  }
0x2f: {  	lr =	sadd.s32 s0, s3;
	s0 =	sld [smem:$0x3FA4]  }
0x30: {  	s3 =	sld [smem:$0x3FA7]  }
0x31: {  	[smem:$0x3FB0] =	sst s10  }
0x32: {  	s10 =	sld [smem:$0x3FAE];
	_ =	sdelay $0x3  }
0x33: {  	p0 =	seq.s32 s10, $0x1;
	s10 =	sld [smem:$0x3FB0];
	_ =	sdelay $0x3  }
0x34: {  	[smem:$0x3FB0] =	sst s10  }
0x35: {  	s10 =	sld [smem:$0x3FAF];
	_ =	sdelay $0x3  }
0x36: {  	p1 =	seq.s32 s10, $0x1;
	s10 =	sld [smem:$0x3FB0];
	_ =	sdelay $0x3  }
0x37: {  	[smem:$0x3FB0] =	sst s10  }
0x38: {  	s10 =	sld [smem:$0x3FB1]  }
0x39: {  	_ = 	snop;
	(pc) =	sbr.ind lr, $3  }
0x3a: {  	_ = 	snop  }
0x3b: {  	_ = 	snop  }
0x3c: {  	p2 =	seq.s32 s10, $0x1;
	s10 =	sld [smem:$0x3FB0]  }
0x3d: {  	_ =	shalt  }
0x3e: {  	_ =	shalt  }
0x3f: {  	_ =	shalt  }
0x40: {  	_ =	shalt  }
0x41: {  	_ =	shalt  }
0x42: {  	_ =	shalt  }
0x43: {  	_ =	shalt  }
0x44: {  	_ =	shalt  }
0x45: {  	_ =	shalt  }
0x46: {  	_ =	shalt  }
0x47: {  	_ =	shalt  }
0x48: {  	_ =	shalt  }
0x49: {  	_ =	shalt  }
0x4a: {  	_ =	shalt  }
0x4b: {  	_ =	shalt  }
0x4c: {  	_ =	shalt  }
0x4d: {  	_ =	shalt  }
0x4e: {  	_ =	shalt  }
0x4f: {  	_ =	shalt  }
0x50: {  	_ =	shalt  }
0x51: {  	_ =	shalt  }
0x52: {  	_ =	shalt  }
0x53: {  	_ =	shalt  }
0x54: {  	_ =	shalt  }
0x55: {  	_ =	shalt  }
0x56: {  	_ =	shalt  }
0x57: {  	_ =	shalt  }
0x58: {  	_ =	shalt  }
0x59: {  	_ =	shalt  }
0x5a: {  	_ =	shalt  }
0x5b: {  	_ =	shalt  }
0x5c: {  	_ =	shalt  }
0x5d: {  	_ =	shalt  }
0x5e: {  	_ =	shalt  }
0x5f: {  	_ =	shalt  }
0x60: {  	_ =	shalt  }
0x61: {  	_ =	shalt  }
0x62: {  	_ =	shalt  }
0x63: {  	_ =	shalt  }
0x64: {  	_ =	shalt  }
0x65: {  	_ =	shalt  }
0x66: {  	_ =	shalt  }
0x67: {  	_ =	shalt  }
0x68: {  	_ =	shalt  }
0x69: {  	_ =	shalt  }
0x6a: {  	_ =	shalt  }
0x6b: {  	_ =	shalt  }
0x6c: {  	_ =	shalt  }
0x6d: {  	_ =	shalt  }
0x6e: {  	_ =	shalt  }
0x6f: {  	_ =	shalt  }
0x70: {  	_ =	shalt  }
0x71: {  	_ =	shalt  }
0x72: {  	_ =	shalt  }
0x73: {  	_ =	shalt  }
0x74: {  	_ =	shalt  }
0x75: {  	_ =	shalt  }
0x76: {  	_ =	shalt  }
0x77: {  	_ =	shalt  }
0x78: {  	_ =	shalt  }
0x79: {  	_ =	shalt  }
0x7a: {  	_ =	shalt  }
0x7b: {  	_ =	shalt  }
0x7c: {  	_ =	shalt  }
0x7d: {  	_ =	shalt  }
0x7e: {  	_ =	shalt  }
0x7f: {  	_ =	shalt  }
0x80: {  	_ =	shalt  }
0x81: {  	_ =	shalt  }
0x82: {  	_ =	shalt  }
0x83: {  	_ =	shalt  }
0x84: {  	_ =	shalt  }
0x85: {  	_ =	shalt  }
0x86: {  	_ =	shalt  }
0x87: {  	_ =	shalt  }
.Lfunc_end0:
.L_simem_size_0:
called_computation.1_lowered:
.L_overlay_start_0:
0x88: {  	s2 =	sld [smem:$0x3FD9]  }
0x89: {  	s3 =	sld [smem:$0x3FFE];
	_ =	sdelay $0x1  }
0x8a: {  	s1 =	srdreg.scid  }
0x8b: {  	s0 =	sand.u32 $0x1, s1  }
0x8c: {  	s16 =	sshll.u32 s0, $0xA;
	s2 =	sadd.s32 s3, s2  }
0x8d: {  	s2 =	sadd.s32 s2, s16  }
0x8e: {  	[smem:$0x3FBC] =	sst s2  }
0x8f: {  	_ = 	snop  }
0x90: {  	(tm) =	ssettm $0x1  }
0x91: {  	s17 =	sld [smem:$0x3FFB];
	_ =	sdelay $0x3  }
0x92: {  	_ =	strace s17  }
0x93: {  	s2 =	sld [smem:$0x3FFC];
	_ =	sdelay $0x3  }
0x94: {  	_ =	strace s2  }
0x95: {  	s2 =	sld [smem:$0x3FFD];
	_ =	sdelay $0x3  }
0x96: {  	_ =	strace s2  }
0x97: {  	_ =	strace $0x8FFFFFFF  }
0x98: {  	s18 =	sld [smem:$0x3FDB];
	_ =	sdelay $0x1  }
0x99: {  	s19 =	simm.s32 $_scs_section_size  }
0x9a: {  	s4 =	simm.s32 $_size__tile_overlayer_lowered;
	s5 =	simm.s32 $_tile_overlayer_lowered  }
0x9b: {  	s22 =	simm.s32 $0x1BFF;
	s21 =	sshll.u32 s5, $0x1;
	s2 =	sadd.s32 s19, s18  }
0x9c: {  	s6 =	simm.s32 $0x0;
	s20 =	sshll.u32 s4, $0x1;
	s4 =	sadd.s32 s21, s2  }
0x9d: {  	[timem:s6], [sflag:s22] =	dma.local [hbm:s4], s20  }
0x9e: {  	_ =	swait.ge [sflag:s22], s20  }
0x9f: {  	s3 =	ssub.s32 $0x0, s20;
	[sflag:s22] =	ssyncset.done $0x0  }
0xa0: {  	[sflag:s22] =	ssyncadd.s32 s3;
	_ =	sdelay $0x1  }
0xa1: {  	s23 =	simm.s32 $0x1B8B  }
0xa2: {  	_ =	swait.ge [sflag:s23], $0x1  }
0xa3: {  	[sflag:s23] =	ssyncset.done $0x0  }
0xa4: {  	s25 =	simm.s32 $0x1B8E;
	s24 =	sld [smem:$0x3FFE];
	[sflag:s23] =	ssyncadd.s32 $0xFFFFFFFF  }
0xa5: {  	s26 =	simm.s32 $execute0_lowered;
	[smem:$0x3FD2] =	sst s25  }
0xa6: {  	s4 =	sshll.u32 s26, $0x1;
	_ =	strace $0x80000049;
	[dreg:$0x1] =	wrdreg $0xFFFFFFFF  }
0xa7: {  	s28 =	simm.s32 $_size_execute0_lowered;
	s2 =	sadd.s32 s2, s4;
	[dreg:$0x0] =	wrdreg $0x0  }
0xa8: {  	s4 =	sshll.u32 s28, $0x1;
	[dreg:$0x2] =	wrdreg s2  }
0xa9: {  	[dreg:$0x3] =	wrdreg s4  }
0xaa: {  	[dreg:$0x4] =	wrdreg $0xC0  }
0xab: {  	_ =	task [dreg:s6], $0x5FFFF  }
0xac: {  	[dreg:$0x1] =	wrdreg $0xFFFFFFFF  }
0xad: {  	[dreg:$0x0] =	wrdreg $0x60  }
0xae: {  	[dreg:$0x2] =	wrdreg s24  }
0xaf: {  	[dreg:$0x3] =	wrdreg $0x160000  }
0xb0: {  	[dreg:$0x4] =	wrdreg $0x9  }
0xb1: {  	_ =	task.clear_ibuf [dreg:s6], $0x5FFFF;
	_ =	strace $0x90000049  }
0xb2: {  	s29 =	simm.s32 $0x9;
	_ =	strace $0x8000004B  }
0xb3: {  	_ =	swait.ge [sflag:s29], $0x1  }
0xb4: {  	[sflag:s29] =	ssyncadd.s32 $0xFFFFFFFF  }
0xb5: {  	_ =	strace $0x9000004B  }
0xb6: {  	_ =	sfence  }
0xb7: {  	s30 =	sld [smem:$0x0];
	_ =	sdelay $0x2  }
0xb8: {  	s31 =	sshll.u32 s1, $0xD;
	s1 =	sshrl.u32 s1, $0x2  }
0xb9: {  	s3 =	sand.u32 $0x4000, s31;
	s1 =	sadd.s32 s1, s30  }
0xba: {  	s0 =	sor.u32 s3, s0;
	s1 =	sshll.u32 s1, $0x11  }
0xbb: {  	s0 =	sor.u32 s1, s0  }
0xbc: {  	s0 =	sadd.s32 $0x8F2B, s0  }
0xbd: {  	[sflag:s0] =	ssyncadd.remote.s32 $0x1  }
0xbe: {  	_ =	sfence.sel $0xFFFF  }
0xbf: {  	[dreg:$0x0] =	wrdreg $0xFFFFFFFF;
	(pc) =	sbr.abs _section_cstart, $3  }
0xc0: {  	[dreg:$0x1] =	wrdreg $0xFFFFFFFF  }
0xc1: {  	_ =	task.clear_ibuf [dreg:s6], $0x2FFFF;
	_ =	strace $0x9FFFFFFF  }
0xc2: {  	(tm) =	ssettm $0x7FFFFFFF  }
0xc3: {  	_ =	shalt  }
tec
execute0_lowered:
.L_overlay_start_1:
0x0: {  	(tag) =	ssettag $0x1  }
0x1: {  	s0 =	srdreg.scid;
	s1 =	rddreg [dreg:$0x0]  }
0x2: {  	s10 =	stileid.u32;
	s2 =	rddreg [dreg:$0x1];
	s3 =	simm.s32 $0x0  }
0x3: {  	s21 =	simm.s32 $0x14000;
	s31 =	simm.s32 $0x12000;
	s5 =	smul.u32 $0x5000, s10  }
0x4: {  	s20 =	simm.s32 $0x5;
	s0 =	sand.u32 $0x1, s0;
	s12 =	smul.u32 $0xA000, s10  }
0x5: {  	[smem:$0x7FF] =	sst s3;
	s22 =	sadd.s32 $0xC400, s1;
	s4 =	smul.u32 $0x50000, s0  }
0x6: {  	_ =	strace $0x8000004A;
	[dreg:$0x3] =	wrdreg s22;
	s8 =	ssub.s32 $0x2, s0  }
0x7: {  	s0 =	smul.u32 $0xA0000, s0;
	s22 =	simm.s32 $0x80;
	s9 =	sshrl.u32 s8, $0x1  }
0x8: {  	s13 =	sadd.s32 $0x2000, s12;
	s15 =	sadd.s32 $0x4000, s12;
	s16 =	sadd.s32 $0x6000, s12  }
0x9: {  	s17 =	sadd.s32 $0x8000, s12;
	s4 =	sadd.s32 s5, s4;
	s5 =	sshrl.u32 s5, $0x3  }
0xa: {  	s18 =	ssub.s32 s8, s9;
	s8 =	sadd.s32 s12, s2;
	s9 =	sadd.s32 s13, s2  }
0xb: {  	s10 =	sadd.s32 s15, s2;
	s11 =	sadd.s32 s16, s2;
	s14 =	sadd.s32 s12, s0  }
0xc: {  	s19 =	sadd.s32 s0, s13;
	s12 =	sadd.s32 s17, s2;
	s15 =	sadd.s32 s0, s15  }
0xd: {  	s16 =	sadd.s32 s0, s16;
	s0 =	sadd.s32 s0, s17;
	s6 =	sshrl.u32 s4, $0x3  }
0xe: {  	s4 =	sadd.s32 $0x7A800, s1;
	s7 =	sadd.s32 s5, s1;
	s14 =	sshrl.u32 s14, $0x3  }
0xf: {  	s26 =	sshrl.u32 s19, $0x3;
	s15 =	sshrl.u32 s15, $0x3;
	s16 =	sshrl.u32 s16, $0x3  }
0x10: {  	s0 =	sshrl.u32 s0, $0x3;
	s18 =	smax.u32 s18, $0x1;
	s19 =	simm.s32 $0x6  }
0x11: {  	s6 =	sadd.s32 s6, s1;
	s1 =	sadd.s32 $0xA1A00, s1;
	s24 =	sadd.s32 $0x2400, s7  }
0x12: {  	s23 =	sadd.s32 $0x16800, s6;
	[dreg:$0x5] =	wrdreg s24;
	s25 =	sadd.s32 s1, s14  }
.Ltmp0:
0x13: {  	s28 =	sadd.s32 s1, s26;
	[dreg:$0x4] =	wrdreg s23;
	(pc) =	sbr.rel .LBB2_1-.Ltmp0, $4  }
0x14: {  	s29 =	sadd.s32 s1, s15;
	s30 =	sadd.s32 s1, s16;
	[dreg:$0x6] =	wrdreg s25  }
0x15: {  	s17 =	sadd.s32 s1, s0;
	s26 =	simm.s32 $0xE000;
	[dreg:$0x7] =	wrdreg s28  }
0x16: {  	s1 =	simm.s32 $0x1;
	s0 =	simm.s32 $0x3;
	[dreg:$0x8] =	wrdreg s29  }
0x17: {  	s24 =	simm.s32 $0x0;
	[dreg:$0x9] =	wrdreg s30;
	s23 =	simm.s32 $0xA000  }
.LBB2_4:
0x18: {  	[bflag:$0x0] =	sbarrier.arrive $0xFFFF  }
0x19: {  	[tilespmem:s21], [sflag:$0x6] =	stream.linear.gather [spmem:s8], $0x2000, $0x38;
	v63 =	vld [tilespmem:$0x0]  }
0x1a: {  	_ =	swait.ge [sflag:s19], $0x2000  }
0x1b: {  	[sflag:s19] =	ssyncset.done $0x0  }
0x1c: {  	s5 =	rddreg [dreg:$0x6];
	[sflag:s19] =	ssyncadd.s32 $0xFFFFE000  }
0x1d: {  	[hbm4b:s5+s3] =	stream.linear.scatter [tilespmem:s21], [sflag:$0x6], $0x2000, $0x38;
	v63 =	vld [tilespmem:$0x0]  }
0x1e: {  	_ =	swait.ge [sflag:s19], $0x2000  }
0x1f: {  	[sflag:s19] =	ssyncset.done $0x0  }
0x20: {  	[sflag:s19] =	ssyncadd.s32 $0xFFFFE000  }
0x21: {  	[tilespmem:s21], [sflag:$0x6] =	stream.linear.gather [spmem:s9], $0x2000, $0x38;
	v63 =	vld [tilespmem:$0x0]  }
0x22: {  	_ =	swait.ge [sflag:s19], $0x2000  }
0x23: {  	[sflag:s19] =	ssyncset.done $0x0  }
0x24: {  	s28 =	rddreg [dreg:$0x7];
	[sflag:s19] =	ssyncadd.s32 $0xFFFFE000  }
0x25: {  	[hbm4b:s28+s3] =	stream.linear.scatter [tilespmem:s21], [sflag:$0x6], $0x2000, $0x38;
	v63 =	vld [tilespmem:$0x0]  }
0x26: {  	_ =	swait.ge [sflag:s19], $0x2000  }
0x27: {  	[sflag:s19] =	ssyncset.done $0x0  }
0x28: {  	[sflag:s19] =	ssyncadd.s32 $0xFFFFE000  }
0x29: {  	[tilespmem:s21], [sflag:$0x6] =	stream.linear.gather [spmem:s10], $0x2000, $0x38;
	v63 =	vld [tilespmem:$0x0]  }
0x2a: {  	_ =	swait.ge [sflag:s19], $0x2000  }
0x2b: {  	[sflag:s19] =	ssyncset.done $0x0  }
0x2c: {  	s29 =	rddreg [dreg:$0x8];
	[sflag:s19] =	ssyncadd.s32 $0xFFFFE000  }
0x2d: {  	[hbm4b:s29+s3] =	stream.linear.scatter [tilespmem:s21], [sflag:$0x6], $0x2000, $0x38;
	v63 =	vld [tilespmem:$0x0]  }
0x2e: {  	_ =	swait.ge [sflag:s19], $0x2000  }
0x2f: {  	[sflag:s19] =	ssyncset.done $0x0  }
0x30: {  	[sflag:s19] =	ssyncadd.s32 $0xFFFFE000  }
0x31: {  	[tilespmem:s21], [sflag:$0x6] =	stream.linear.gather [spmem:s11], $0x2000, $0x38;
	v63 =	vld [tilespmem:$0x0]  }
0x32: {  	_ =	swait.ge [sflag:s19], $0x2000  }
0x33: {  	[sflag:s19] =	ssyncset.done $0x0  }
0x34: {  	s30 =	rddreg [dreg:$0x9];
	[sflag:s19] =	ssyncadd.s32 $0xFFFFE000  }
0x35: {  	[hbm4b:s30+s3] =	stream.linear.scatter [tilespmem:s21], [sflag:$0x6], $0x2000, $0x38;
	v63 =	vld [tilespmem:$0x0]  }
0x36: {  	_ =	swait.ge [sflag:s19], $0x2000  }
0x37: {  	[sflag:s19] =	ssyncset.done $0x0  }
0x38: {  	[sflag:s19] =	ssyncadd.s32 $0xFFFFE000  }
0x39: {  	[tilespmem:s21], [sflag:$0x6] =	stream.linear.gather [spmem:s12], $0x2000, $0x38;
	v63 =	vld [tilespmem:$0x0]  }
0x3a: {  	s24 =	sadd.s32 $0x1, s24;
	_ =	swait.ge [sflag:s19], $0x2000  }
0x3b: {  	p0 =	sne.s32 s24, s18;
	[sflag:s19] =	ssyncset.done $0x0  }
.Ltmp1:
0x3c: {  	[sflag:s19] =	ssyncadd.s32 $0xFFFFE000;
	(pc) =	sbr.rel @!p0 .LBB2_5-.Ltmp1, $4  }
0x3d: {  	[hbm4b:s17+s3] =	stream.linear.scatter [tilespmem:s21], [sflag:$0x6], $0x2000, $0x38;
	v63 =	vld [tilespmem:$0x0]  }
0x3e: {  	_ =	swait.ge [sflag:s19], $0x2000  }
0x3f: {  	[sflag:s19] =	ssyncset.done $0x0  }
0x40: {  	[sflag:s19] =	ssyncadd.s32 $0xFFFFE000  }
.LBB2_1:
0x41: {  	s5 =	rddreg [dreg:$0x4]  }
0x42: {  	[tilespmem:s3], [sflag:$0x6] =	stream.linear.gather [hbm4b:s5+s3], $0x5000, $0x38;
	v63 =	vld [tilespmem:$0x0]  }
0x43: {  	_ =	swait.ge [sflag:s19], $0x5000  }
0x44: {  	[sflag:s19] =	ssyncset.done $0x0  }
0x45: {  	s6 =	simm.s32 $0x5000;
	s13 =	rddreg [dreg:$0x5];
	[sflag:s19] =	ssyncadd.s32 $0xFFFFB000  }
0x46: {  	[tilespmem:s6], [sflag:$0x6] =	stream.linear.gather [hbm4b:s13+s3], $0x5000, $0x38;
	v63 =	vld [tilespmem:$0x0]  }
0x47: {  	_ =	swait.ge [sflag:s19], $0x5000  }
0x48: {  	[sflag:s19] =	ssyncset.done $0x0  }
0x49: {  	s14 =	rddreg [dreg:$0x3];
	[sflag:s19] =	ssyncadd.s32 $0xFFFFB000  }
0x4a: {  	[tilespmem:s21], [sflag:$0x6] =	stream.linear.gather [hbm4b:s14+s3], $0x2000, $0x38;
	v63 =	vld [tilespmem:$0x0]  }
0x4b: {  	_ =	swait.ge [sflag:s19], $0x2000  }
0x4c: {  	[sflag:s19] =	ssyncset.done $0x0  }
0x4d: {  	[sflag:s19] =	ssyncadd.s32 $0xFFFFE000  }
0x4e: {  	[spmem:s8] =	stream.linear.scatter [tilespmem:s21], [sflag:$0x6], $0x2000, $0x38;
	v63 =	vld [tilespmem:$0x0]  }
0x4f: {  	_ =	swait.ge [sflag:s19], $0x2000  }
0x50: {  	[sflag:s19] =	ssyncset.done $0x0  }
0x51: {  	[sflag:s19] =	ssyncadd.s32 $0xFFFFE000  }
0x52: {  	[spmem:s9] =	stream.linear.scatter [tilespmem:s21], [sflag:$0x6], $0x2000, $0x38;
	v63 =	vld [tilespmem:$0x0]  }
0x53: {  	_ =	swait.ge [sflag:s19], $0x2000  }
0x54: {  	[sflag:s19] =	ssyncset.done $0x0  }
0x55: {  	[sflag:s19] =	ssyncadd.s32 $0xFFFFE000  }
0x56: {  	[spmem:s10] =	stream.linear.scatter [tilespmem:s21], [sflag:$0x6], $0x2000, $0x38;
	v63 =	vld [tilespmem:$0x0]  }
0x57: {  	_ =	swait.ge [sflag:s19], $0x2000  }
0x58: {  	[sflag:s19] =	ssyncset.done $0x0  }
0x59: {  	[sflag:s19] =	ssyncadd.s32 $0xFFFFE000  }
0x5a: {  	[spmem:s11] =	stream.linear.scatter [tilespmem:s21], [sflag:$0x6], $0x2000, $0x38;
	v63 =	vld [tilespmem:$0x0]  }
0x5b: {  	_ =	swait.ge [sflag:s19], $0x2000  }
0x5c: {  	[sflag:s19] =	ssyncset.done $0x0  }
0x5d: {  	[sflag:s19] =	ssyncadd.s32 $0xFFFFE000  }
0x5e: {  	[spmem:s12] =	stream.linear.scatter [tilespmem:s21], [sflag:$0x6], $0x2000, $0x38;
	v63 =	vld [tilespmem:$0x0]  }
0x5f: {  	_ =	swait.ge [sflag:s19], $0x2000  }
0x60: {  	[sflag:s19] =	ssyncset.done $0x0  }
0x61: {  	[sflag:s19] =	ssyncadd.s32 $0xFFFFE000  }
0x62: {  	[bflag:$0x0] =	sbarrier.arrive $0xFFFF  }
0x63: {  	[tilespmem:s23], [sflag:$0x1] =	stream.indirect.gather [hbm4b:s4+s22], $0x40, s3, s22, $0xb8;
	v63 =	vld [tilespmem:$0x0]  }
0x64: {  	s15 =	simm.s32 $0xC000  }
0x65: {  	[tilespmem:s15], [sflag:$0x2] =	stream.indirect.gather [hbm4b:s4+s22], $0x40, s22, s22, $0xb8;
	v63 =	vld [tilespmem:$0x0]  }
0x66: {  	s16 =	simm.s32 $0x100  }
0x67: {  	[tilespmem:s26], [sflag:$0x3] =	stream.indirect.gather [hbm4b:s4+s22], $0x40, s16, s22, $0xb8;
	v63 =	vld [tilespmem:$0x0]  }
0x68: {  	s25 =	simm.s32 $0x180;
	s29 =	simm.s32 $0x10000  }
0x69: {  	[tilespmem:s29], [sflag:$0x4] =	stream.indirect.gather [hbm4b:s4+s22], $0x40, s25, s22, $0xb8;
	v63 =	vld [tilespmem:$0x0]  }
0x6a: {  	s30 =	simm.s32 $0x200;
	s28 =	simm.s32 $0x0;
	s25 =	simm.s32 $0x0  }
0x6b: {  	[tilespmem:s31], [sflag:$0x5] =	stream.indirect.gather [hbm4b:s4+s22], $0x40, s30, s22, $0xb8;
	v63 =	vld [tilespmem:$0x0]  }
.LBB2_2:
0x6c: {  	_ =	swait.ge [sflag:s1], $0x2000  }
0x6d: {  	s29 =	sshra.s32 s28, $0x2;
	[sflag:s1] =	ssyncset.done $0x0  }
0x6e: {  	s30 =	sadd.s32 $0x5000, s29;
	[sflag:s1] =	ssyncadd.s32 $0xFFFFE000  }
0x6f: {  	[spmem:s2] =	stream.indirect.scatter.add.f32 [tilespmem:s23], [sflag:$0x6], $0x40, s30, s22, $0xb8;
	v63 =	vld [tilespmem:$0x0]  }
0x70: {  	_ =	swait.ge [sflag:s19], $0x2000  }
0x71: {  	p0 =	seq.s32 s28, $0x13600;
	[sflag:s19] =	ssyncset.done $0x0  }
0x72: {  	s30 =	simm.s32 @p0 $0x2;
	[sflag:s19] =	ssyncadd.s32 $0xFFFFE000  }
0x73: {  	_ =	swait.ge @p0 [sflag:s30], $0x2000  }
0x74: {  	[sflag:s30] =	ssyncset.done @p0 $0x0  }
0x75: {  	[sflag:s30] =	ssyncadd.s32 @p0 $0xFFFFE000;
	s30 =	sshra.s32 @p0 s28, $0x2  }
0x76: {  	s6 =	simm.s32 @p0 $0x80;
	s7 =	simm.s32 @p0 $0xC000;
	s5 =	sadd.s32 @p0 $0x5080, s30  }
0x77: {  	[spmem:s2] =	stream.indirect.scatter.add.f32 @p0 [tilespmem:s7], [sflag:$0x6], $0x40, s5, s6, $0xb8;
	v63 =	vld [tilespmem:$0x0]  }
0x78: {  	s5 =	simm.s32 @p0 $0x6  }
0x79: {  	_ =	swait.ge @p0 [sflag:s5], $0x2000  }
0x7a: {  	s14 =	simm.s32 @!p0 $0x80;
	s7 =	sshra.s32 @!p0 s28, $0x2;
	[sflag:s5] =	ssyncset.done @p0 $0x0  }
0x7b: {  	s15 =	simm.s32 @!p0 $0xA000;
	s13 =	sadd.s32 @!p0 $0x280, s7;
	[sflag:s5] =	ssyncadd.s32 @p0 $0xFFFFE000  }
0x7c: {  	[tilespmem:s15], [sflag:$0x1] =	stream.indirect.gather @!p0 [hbm4b:s4+s14], $0x40, s13, s14, $0xb8;
	v63 =	vld [tilespmem:$0x0]  }
0x7d: {  	s13 =	simm.s32 @!p0 $0x2  }
0x7e: {  	_ =	swait.ge @!p0 [sflag:s13], $0x2000  }
0x7f: {  	[sflag:s13] =	ssyncset.done @!p0 $0x0  }
0x80: {  	s15 =	simm.s32 @!p0 $0xC000;
	[sflag:s13] =	ssyncadd.s32 @!p0 $0xFFFFE000;
	s13 =	sadd.s32 @!p0 $0x5080, s7  }
0x81: {  	[spmem:s2] =	stream.indirect.scatter.add.f32 @!p0 [tilespmem:s15], [sflag:$0x6], $0x40, s13, s14, $0xb8;
	v63 =	vld [tilespmem:$0x0]  }
0x82: {  	s13 =	simm.s32 @!p0 $0x6  }
0x83: {  	s16 =	smin.u32 @!p0 s25, $0x99;
	_ =	swait.ge @!p0 [sflag:s13], $0x2000  }
0x84: {  	s16 =	sshll.u32 @!p0 s16, $0x7;
	[sflag:s13] =	ssyncset.done @!p0 $0x0  }
0x85: {  	s16 =	sadd.s32 @!p0 $0x300, s16;
	[sflag:s13] =	ssyncadd.s32 @!p0 $0xFFFFE000  }
0x86: {  	[tilespmem:s15], [sflag:$0x2] =	stream.indirect.gather @!p0 [hbm4b:s4+s14], $0x40, s16, s14, $0xb8;
	v63 =	vld [tilespmem:$0x0]  }
0x87: {  	_ =	swait.ge [sflag:s0], $0x2000  }
0x88: {  	[sflag:s0] =	ssyncset.done $0x0  }
0x89: {  	s16 =	sadd.s32 $0x5100, s29;
	[sflag:s0] =	ssyncadd.s32 $0xFFFFE000  }
0x8a: {  	[spmem:s2] =	stream.indirect.scatter.add.f32 [tilespmem:s26], [sflag:$0x6], $0x40, s16, s22, $0xb8;
	v63 =	vld [tilespmem:$0x0]  }
0x8b: {  	_ =	swait.ge [sflag:s19], $0x2000  }
0x8c: {  	[sflag:s19] =	ssyncset.done $0x0  }
0x8d: {  	s15 =	simm.s32 @p0 $0x4;
	[sflag:s19] =	ssyncadd.s32 $0xFFFFE000  }
0x8e: {  	_ =	swait.ge @p0 [sflag:s15], $0x2000  }
0x8f: {  	[sflag:s15] =	ssyncset.done @p0 $0x0  }
0x90: {  	s16 =	simm.s32 @p0 $0x10000;
	[sflag:s15] =	ssyncadd.s32 @p0 $0xFFFFE000;
	s15 =	sadd.s32 @p0 $0x5180, s30  }
0x91: {  	[spmem:s2] =	stream.indirect.scatter.add.f32 @p0 [tilespmem:s16], [sflag:$0x6], $0x40, s15, s6, $0xb8;
	v63 =	vld [tilespmem:$0x0]  }
0x92: {  	s6 =	smin.u32 @!p0 s25, $0x98;
	_ =	swait.ge @p0 [sflag:s5], $0x2000  }
0x93: {  	s6 =	sshll.u32 @!p0 s6, $0x7;
	[sflag:s5] =	ssyncset.done @p0 $0x0  }
0x94: {  	[sflag:s5] =	ssyncadd.s32 @p0 $0xFFFFE000;
	s5 =	sadd.s32 @!p0 $0x380, s6;
	s6 =	simm.s32 @!p0 $0xE000  }
0x95: {  	[tilespmem:s6], [sflag:$0x3] =	stream.indirect.gather @!p0 [hbm4b:s4+s14], $0x40, s5, s14, $0xb8;
	v63 =	vld [tilespmem:$0x0]  }
0x96: {  	s5 =	simm.s32 @!p0 $0x4  }
0x97: {  	_ =	swait.ge @!p0 [sflag:s5], $0x2000  }
0x98: {  	[sflag:s5] =	ssyncset.done @!p0 $0x0  }
0x99: {  	s6 =	simm.s32 @!p0 $0x10000;
	[sflag:s5] =	ssyncadd.s32 @!p0 $0xFFFFE000;
	s5 =	sadd.s32 @!p0 $0x5180, s7  }
0x9a: {  	[spmem:s2] =	stream.indirect.scatter.add.f32 @!p0 [tilespmem:s6], [sflag:$0x6], $0x40, s5, s14, $0xb8;
	v63 =	vld [tilespmem:$0x0]  }
0x9b: {  	s5 =	smin.u32 @!p0 s25, $0x97;
	_ =	swait.ge @!p0 [sflag:s13], $0x2000  }
0x9c: {  	s5 =	sshll.u32 @!p0 s5, $0x7;
	[sflag:s13] =	ssyncset.done @!p0 $0x0  }
0x9d: {  	s5 =	sadd.s32 @!p0 $0x400, s5;
	[sflag:s13] =	ssyncadd.s32 @!p0 $0xFFFFE000  }
0x9e: {  	[tilespmem:s6], [sflag:$0x4] =	stream.indirect.gather @!p0 [hbm4b:s4+s14], $0x40, s5, s14, $0xb8;
	v63 =	vld [tilespmem:$0x0]  }
0x9f: {  	_ =	swait.ge [sflag:s20], $0x2000  }
0xa0: {  	[sflag:s20] =	ssyncset.done $0x0  }
.Ltmp2:
0xa1: {  	s30 =	sadd.s32 $0x5200, s29;
	[sflag:s20] =	ssyncadd.s32 $0xFFFFE000;
	(pc) =	sbr.rel @p0 .LBB2_4-.Ltmp2, $4  }
0xa2: {  	[spmem:s2] =	stream.indirect.scatter.add.f32 [tilespmem:s31], [sflag:$0x6], $0x40, s30, s22, $0xb8;
	v63 =	vld [tilespmem:$0x0]  }
0xa3: {  	_ =	swait.ge [sflag:s19], $0x2000  }
0xa4: {  	[sflag:s19] =	ssyncset.done $0x0  }
0xa5: {  	[sflag:s19] =	ssyncadd.s32 $0xFFFFE000  }
.Ltmp3:
0xa6: {  	(pc) =	sbr.rel .LBB2_2-.Ltmp3, $4  }
0xa7: {  	s5 =	smin.u32 s25, $0x96  }
0xa8: {  	s5 =	sshll.u32 s5, $0x7  }
0xa9: {  	s28 =	sadd.s32 $0xA00, s28;
	s25 =	sadd.s32 $0x5, s25;
	s5 =	sadd.s32 $0x480, s5  }
0xaa: {  	[tilespmem:s31], [sflag:$0x5] =	stream.indirect.gather [hbm4b:s4+s22], $0x40, s5, s22, $0xb8;
	v63 =	vld [tilespmem:$0x0]  }
.LBB2_5:
0xab: {  	_ =	sfence.sel $0x180000  }
0xac: {  	[bflag:$0x0] =	sbarrier.arrive $0xFFFF  }
0xad: {  	_ =	strace $0x9000004A  }
0xae: {  	s0 =	stileid.u32;
	[bflag:$0x2] =	sbarrier.arrive $0xFFFF  }
0xaf: {  	p0 =	sne.s32 s0, $0x0;
	s0 =	rddreg [dreg:$0x2]  }
0xb0: {  	s0 =	sadd.s32 @!p0 $0x100000, s0  }
0xb1: {  	[sflag:s0] =	ssyncadd.tile.s32 @!p0 $0x1;
	_ =	shalt  }
.Lfunc_end2:
_tile_overlayer_lowered:
.L_overlay_start_2:
0xb2: {  	(tag) =	ssettag $0x2  }
0xb3: {  	s0 =	rddreg [dreg:$0x0];
	s2 =	stileid.u32  }
0xb4: {  	s1 =	rddreg [dreg:$0x1];
	p0 =	sne.s32 s2, $0x0  }
0xb5: {  	s3 =	rddreg [dreg:$0x2];
	[bflag:$0x3] =	sbarrier.arrive $0xFFFF;
	s2 =	simm.s32 @!p0 $0x1C06  }
0xb6: {  	[timem:s3], [sflag:s2] =	dma.local @!p0 [hbm:s0], s1  }
0xb7: {  	s0 =	simm.s32 @!p0 $0x6  }
0xb8: {  	_ =	swait.ge @!p0 [sflag:s0], s1  }
0xb9: {  	s1 =	ssub.s32 @!p0 $0x0, s1;
	[sflag:s0] =	ssyncset.done @!p0 $0x0  }
0xba: {  	[sflag:s0] =	ssyncadd.s32 @!p0 s1  }
0xbb: {  	[bflag:$0x3] =	sbarrier.arrive $0xFFFF  }
0xbc: {  	_ =	shalt  }

// kernel: kernel.16.cloned.1.call-start
scs
__scs_entry_jumppad:
0x0: {  	(pc) =	sbr.rel $0x88, $3  }
0x1: {  	(tag) =	ssettag $0x0;
	lr =	simm.s32 $0x1  }
0x2: {  	[smem:$0x3F95] =	sst lr;
	_ =	strace $0xD0000000  }
0x3: {  	_ = 	snop  }
0x4: {  	_ = 	snop  }
0x5: {  	_ = 	snop  }
0x6: {  	_ = 	snop  }
0x7: {  	_ = 	snop  }
__scs_overlays_trampoline_lowered:
0x8: {  	[smem:$0x3FA4] =	sst s0  }
0x9: {  	[smem:$0x3FA5] =	sst s1  }
0xa: {  	[smem:$0x3FA6] =	sst s2  }
0xb: {  	[smem:$0x3FA7] =	sst s3  }
0xc: {  	[smem:$0x3FA8] =	sst s4  }
0xd: {  	[smem:$0x3FA9] =	sst s5  }
0xe: {  	[smem:$0x3FAA] =	sst s6  }
0xf: {  	[smem:$0x3FAB] =	sst s7  }
0x10: {  	[smem:$0x3FAC] =	sst s8  }
0x11: {  	[smem:$0x3FAD] =	sst s9;
	s0 =	simm.s32 @!p0 $0x0  }
0x12: {  	s1 =	sld [smem:$0x3F93];
	s0 =	simm.s32 @p0 $0x1  }
0x13: {  	[smem:$0x3FAE] =	sst s0;
	s0 =	simm.s32 @!p1 $0x0  }
0x14: {  	s2 =	sld [smem:$0x3F92];
	s0 =	simm.s32 @p1 $0x1  }
0x15: {  	[smem:$0x3FAF] =	sst s0;
	s0 =	simm.s32 @!p2 $0x0  }
0x16: {  	s3 =	sld [smem:$0x3FDB];
	s0 =	simm.s32 @p2 $0x1  }
0x17: {  	s4 =	simm.s32 $0x1BF5;
	[smem:$0x3FB1] =	sst s0  }
0x18: {  	s0 =	sld [smem:$0x3F94];
	_ =	swait.ge [sflag:s4], $0x0  }
0x19: {  	s7 =	sld [smem:$0x3F95]  }
0x1a: {  	s8 =	sadd.s32 $0xFFFFE003, lr  }
0x1b: {  	s9 =	sadd.s32 $0xFFFFFEF7, lr;
	s5 =	simm.s32 $0xFFFFFFFF;
	p2 =	slt.u32 s8, $0xFFFFF086  }
0x1c: {  	p1 =	slt.u32 s9, $0xF7A;
	s5 =	simm.s32 @!p2 $0x0  }
0x1d: {  	s5 =	simm.s32 @p1 $0x1;
	p0 =	seq.s32 s7, s2  }
0x1e: {  	s7 =	smul.u32 @!p0 $0xF7A, s2;
	p2 =	seq.s32 @!p0 s5, $0x0  }
0x1f: {  	s9 =	smul.u32 $0xF7A, s1;
	s8 =	simm.s32 @!p0 $0x1BF5;
	p2 =	por !p2, p0  }
0x20: {  	[sflag:s8] =	ssyncset.s32 @!p0 $0xFFFFF086;
	s6 =	sadd.s32 @!p0 s3, s7;
	s7 =	simm.s32 @!p0 $0x108  }
0x21: {  	s3 =	sadd.s32 s3, s9;
	s6 =	sadd.s32 @!p0 $0x88, s6;
	s7 =	simm.s32 @p2 $0x1082  }
0x22: {  	[simem:s7], [sflag:s8] =	dma.local @!p0 [hbm:s6], $0xF7A  }
0x23: {  	s9 =	sor.u32 $0xD0000000, s2;
	s6 =	simm.s32 $0x108;
	_ =	swait.ge @!p0 [sflag:s8], $0x0  }
0x24: {  	s3 =	sadd.s32 $0x88, s3;
	s6 =	simm.s32 @!p1 $0x1082;
	[sflag:s4] =	ssyncset.s32 $0xFFFFF086  }
0x25: {  	[simem:s6], [sflag:s4] =	dma.local [hbm:s3], $0xF7A  }
0x26: {  	[smem:$0x3F95] =	sst s1;
	(tag) =	ssettag s2;
	_ =	strace s9  }
0x27: {  	s1 =	sld [smem:$0x3FA5]  }
0x28: {  	s2 =	sld [smem:$0x3FA6]  }
0x29: {  	s4 =	sld [smem:$0x3FA8]  }
0x2a: {  	p0 =	seq.s32 s5, $0x0;
	s5 =	sld [smem:$0x3FA9]  }
0x2b: {  	s6 =	sld [smem:$0x3FAA]  }
0x2c: {  	s7 =	sld [smem:$0x3FAB]  }
0x2d: {  	s3 =	simm.s32 $0x108;
	s8 =	sld [smem:$0x3FAC]  }
0x2e: {  	s3 =	simm.s32 @!p0 $0x1082;
	s9 =	sld [smem:$0x3FAD]  }
0x2f: {  	lr =	sadd.s32 s0, s3;
	s0 =	sld [smem:$0x3FA4]  }
0x30: {  	s3 =	sld [smem:$0x3FA7]  }
0x31: {  	[smem:$0x3FB0] =	sst s10  }
0x32: {  	s10 =	sld [smem:$0x3FAE];
	_ =	sdelay $0x3  }
0x33: {  	p0 =	seq.s32 s10, $0x1;
	s10 =	sld [smem:$0x3FB0];
	_ =	sdelay $0x3  }
0x34: {  	[smem:$0x3FB0] =	sst s10  }
0x35: {  	s10 =	sld [smem:$0x3FAF];
	_ =	sdelay $0x3  }
0x36: {  	p1 =	seq.s32 s10, $0x1;
	s10 =	sld [smem:$0x3FB0];
	_ =	sdelay $0x3  }
0x37: {  	[smem:$0x3FB0] =	sst s10  }
0x38: {  	s10 =	sld [smem:$0x3FB1]  }
0x39: {  	_ = 	snop;
	(pc) =	sbr.ind lr, $3  }
0x3a: {  	_ = 	snop  }
0x3b: {  	_ = 	snop  }
0x3c: {  	p2 =	seq.s32 s10, $0x1;
	s10 =	sld [smem:$0x3FB0]  }
0x3d: {  	_ =	shalt  }
0x3e: {  	_ =	shalt  }
0x3f: {  	_ =	shalt  }
0x40: {  	_ =	shalt  }
0x41: {  	_ =	shalt  }
0x42: {  	_ =	shalt  }
0x43: {  	_ =	shalt  }
0x44: {  	_ =	shalt  }
0x45: {  	_ =	shalt  }
0x46: {  	_ =	shalt  }
0x47: {  	_ =	shalt  }
0x48: {  	_ =	shalt  }
0x49: {  	_ =	shalt  }
0x4a: {  	_ =	shalt  }
0x4b: {  	_ =	shalt  }
0x4c: {  	_ =	shalt  }
0x4d: {  	_ =	shalt  }
0x4e: {  	_ =	shalt  }
0x4f: {  	_ =	shalt  }
0x50: {  	_ =	shalt  }
0x51: {  	_ =	shalt  }
0x52: {  	_ =	shalt  }
0x53: {  	_ =	shalt  }
0x54: {  	_ =	shalt  }
0x55: {  	_ =	shalt  }
0x56: {  	_ =	shalt  }
0x57: {  	_ =	shalt  }
0x58: {  	_ =	shalt  }
0x59: {  	_ =	shalt  }
0x5a: {  	_ =	shalt  }
0x5b: {  	_ =	shalt  }
0x5c: {  	_ =	shalt  }
0x5d: {  	_ =	shalt  }
0x5e: {  	_ =	shalt  }
0x5f: {  	_ =	shalt  }
0x60: {  	_ =	shalt  }
0x61: {  	_ =	shalt  }
0x62: {  	_ =	shalt  }
0x63: {  	_ =	shalt  }
0x64: {  	_ =	shalt  }
0x65: {  	_ =	shalt  }
0x66: {  	_ =	shalt  }
0x67: {  	_ =	shalt  }
0x68: {  	_ =	shalt  }
0x69: {  	_ =	shalt  }
0x6a: {  	_ =	shalt  }
0x6b: {  	_ =	shalt  }
0x6c: {  	_ =	shalt  }
0x6d: {  	_ =	shalt  }
0x6e: {  	_ =	shalt  }
0x6f: {  	_ =	shalt  }
0x70: {  	_ =	shalt  }
0x71: {  	_ =	shalt  }
0x72: {  	_ =	shalt  }
0x73: {  	_ =	shalt  }
0x74: {  	_ =	shalt  }
0x75: {  	_ =	shalt  }
0x76: {  	_ =	shalt  }
0x77: {  	_ =	shalt  }
0x78: {  	_ =	shalt  }
0x79: {  	_ =	shalt  }
0x7a: {  	_ =	shalt  }
0x7b: {  	_ =	shalt  }
0x7c: {  	_ =	shalt  }
0x7d: {  	_ =	shalt  }
0x7e: {  	_ =	shalt  }
0x7f: {  	_ =	shalt  }
0x80: {  	_ =	shalt  }
0x81: {  	_ =	shalt  }
0x82: {  	_ =	shalt  }
0x83: {  	_ =	shalt  }
0x84: {  	_ =	shalt  }
0x85: {  	_ =	shalt  }
0x86: {  	_ =	shalt  }
0x87: {  	_ =	shalt  }
.Lfunc_end0:
.L_simem_size_0:
called_computation.2_lowered:
.L_overlay_start_0:
0x88: {  	s2 =	sld [smem:$0x3FD9]  }
0x89: {  	s3 =	sld [smem:$0x3FFE];
	_ =	sdelay $0x1  }
0x8a: {  	s1 =	srdreg.scid  }
0x8b: {  	s0 =	sand.u32 $0x1, s1  }
0x8c: {  	s16 =	sshll.u32 s0, $0xA;
	s2 =	sadd.s32 s3, s2  }
0x8d: {  	s2 =	sadd.s32 s2, s16  }
0x8e: {  	[smem:$0x3FBC] =	sst s2  }
0x8f: {  	_ = 	snop  }
0x90: {  	(tm) =	ssettm $0x1  }
0x91: {  	s17 =	sld [smem:$0x3FFB];
	_ =	sdelay $0x3  }
0x92: {  	_ =	strace s17  }
0x93: {  	s2 =	sld [smem:$0x3FFC];
	_ =	sdelay $0x3  }
0x94: {  	_ =	strace s2  }
0x95: {  	s2 =	sld [smem:$0x3FFD];
	_ =	sdelay $0x3  }
0x96: {  	_ =	strace s2  }
0x97: {  	_ =	strace $0x8FFFFFFF  }
0x98: {  	s18 =	sld [smem:$0x3FDB];
	_ =	sdelay $0x1  }
0x99: {  	s19 =	simm.s32 $_scs_section_size  }
0x9a: {  	s4 =	simm.s32 $_size__tile_overlayer_lowered;
	s5 =	simm.s32 $_tile_overlayer_lowered  }
0x9b: {  	s22 =	simm.s32 $0x1BFF;
	s21 =	sshll.u32 s5, $0x1;
	s2 =	sadd.s32 s19, s18  }
0x9c: {  	s6 =	simm.s32 $0x0;
	s20 =	sshll.u32 s4, $0x1;
	s4 =	sadd.s32 s21, s2  }
0x9d: {  	[timem:s6], [sflag:s22] =	dma.local [hbm:s4], s20  }
0x9e: {  	_ =	swait.ge [sflag:s22], s20  }
0x9f: {  	s3 =	ssub.s32 $0x0, s20;
	[sflag:s22] =	ssyncset.done $0x0  }
0xa0: {  	[sflag:s22] =	ssyncadd.s32 s3;
	_ =	sdelay $0x1  }
0xa1: {  	s23 =	simm.s32 $0x1B8B  }
0xa2: {  	_ =	swait.ge [sflag:s23], $0x1  }
0xa3: {  	[sflag:s23] =	ssyncset.done $0x0  }
0xa4: {  	s25 =	simm.s32 $0x1B8E;
	s24 =	sld [smem:$0x3FFE];
	[sflag:s23] =	ssyncadd.s32 $0xFFFFFFFF  }
0xa5: {  	s26 =	simm.s32 $execute0_lowered;
	[smem:$0x3FD2] =	sst s25  }
0xa6: {  	s4 =	sshll.u32 s26, $0x1;
	_ =	strace $0x8000004C;
	[dreg:$0x1] =	wrdreg $0xFFFFFFFF  }
0xa7: {  	s28 =	simm.s32 $_size_execute0_lowered;
	s2 =	sadd.s32 s2, s4;
	[dreg:$0x0] =	wrdreg $0x0  }
0xa8: {  	s4 =	sshll.u32 s28, $0x1;
	[dreg:$0x2] =	wrdreg s2  }
0xa9: {  	[dreg:$0x3] =	wrdreg s4  }
0xaa: {  	[dreg:$0x4] =	wrdreg $0xC0  }
0xab: {  	_ =	task [dreg:s6], $0x5FFFF  }
0xac: {  	[dreg:$0x1] =	wrdreg $0xFFFFFFFF  }
0xad: {  	[dreg:$0x0] =	wrdreg $0x60  }
0xae: {  	[dreg:$0x2] =	wrdreg s24  }
0xaf: {  	[dreg:$0x3] =	wrdreg $0x160000  }
0xb0: {  	[dreg:$0x4] =	wrdreg $0x9  }
0xb1: {  	_ =	task.clear_ibuf [dreg:s6], $0x5FFFF;
	_ =	strace $0x9000004C  }
0xb2: {  	s29 =	simm.s32 $0x9;
	_ =	strace $0x8000004E  }
0xb3: {  	_ =	swait.ge [sflag:s29], $0x1  }
0xb4: {  	[sflag:s29] =	ssyncadd.s32 $0xFFFFFFFF  }
0xb5: {  	_ =	strace $0x9000004E  }
0xb6: {  	_ =	sfence  }
0xb7: {  	s30 =	sld [smem:$0x0];
	_ =	sdelay $0x2  }
0xb8: {  	s31 =	sshll.u32 s1, $0xD;
	s1 =	sshrl.u32 s1, $0x2  }
0xb9: {  	s3 =	sand.u32 $0x4000, s31;
	s1 =	sadd.s32 s1, s30  }
0xba: {  	s0 =	sor.u32 s3, s0;
	s1 =	sshll.u32 s1, $0x11  }
0xbb: {  	s0 =	sor.u32 s1, s0  }
0xbc: {  	s0 =	sadd.s32 $0x8F2B, s0  }
0xbd: {  	[sflag:s0] =	ssyncadd.remote.s32 $0x1  }
0xbe: {  	_ =	sfence.sel $0xFFFF  }
0xbf: {  	[dreg:$0x0] =	wrdreg $0xFFFFFFFF;
	(pc) =	sbr.abs _section_cstart, $3  }
0xc0: {  	[dreg:$0x1] =	wrdreg $0xFFFFFFFF  }
0xc1: {  	_ =	task.clear_ibuf [dreg:s6], $0x2FFFF;
	_ =	strace $0x9FFFFFFF  }
0xc2: {  	(tm) =	ssettm $0x7FFFFFFF  }
0xc3: {  	_ =	shalt  }
tec
execute0_lowered:
.L_overlay_start_1:
0x0: {  	(tag) =	ssettag $0x1  }
0x1: {  	s0 =	srdreg.scid;
	s1 =	rddreg [dreg:$0x0]  }
0x2: {  	s10 =	stileid.u32;
	s2 =	rddreg [dreg:$0x1];
	s3 =	simm.s32 $0x0  }
0x3: {  	s21 =	simm.s32 $0x14000;
	s31 =	simm.s32 $0x12000;
	s5 =	smul.u32 $0x5000, s10  }
0x4: {  	s20 =	simm.s32 $0x5;
	s0 =	sand.u32 $0x1, s0;
	s12 =	smul.u32 $0xA000, s10  }
0x5: {  	[smem:$0x7FF] =	sst s3;
	s22 =	sadd.s32 $0xC400, s1;
	s4 =	smul.u32 $0x50000, s0  }
0x6: {  	_ =	strace $0x8000004D;
	[dreg:$0x3] =	wrdreg s22;
	s8 =	ssub.s32 $0x2, s0  }
0x7: {  	s0 =	smul.u32 $0xA0000, s0;
	s22 =	simm.s32 $0x80;
	s9 =	sshrl.u32 s8, $0x1  }
0x8: {  	s13 =	sadd.s32 $0x2000, s12;
	s15 =	sadd.s32 $0x4000, s12;
	s16 =	sadd.s32 $0x6000, s12  }
0x9: {  	s17 =	sadd.s32 $0x8000, s12;
	s4 =	sadd.s32 s5, s4;
	s5 =	sshrl.u32 s5, $0x3  }
0xa: {  	s18 =	ssub.s32 s8, s9;
	s8 =	sadd.s32 s12, s2;
	s9 =	sadd.s32 s13, s2  }
0xb: {  	s10 =	sadd.s32 s15, s2;
	s11 =	sadd.s32 s16, s2;
	s14 =	sadd.s32 s12, s0  }
0xc: {  	s19 =	sadd.s32 s0, s13;
	s12 =	sadd.s32 s17, s2;
	s15 =	sadd.s32 s0, s15  }
0xd: {  	s16 =	sadd.s32 s0, s16;
	s0 =	sadd.s32 s0, s17;
	s6 =	sshrl.u32 s4, $0x3  }
0xe: {  	s4 =	sadd.s32 $0x7A800, s1;
	s7 =	sadd.s32 s5, s1;
	s14 =	sshrl.u32 s14, $0x3  }
0xf: {  	s26 =	sshrl.u32 s19, $0x3;
	s15 =	sshrl.u32 s15, $0x3;
	s16 =	sshrl.u32 s16, $0x3  }
0x10: {  	s0 =	sshrl.u32 s0, $0x3;
	s18 =	smax.u32 s18, $0x1;
	s19 =	simm.s32 $0x6  }
0x11: {  	s6 =	sadd.s32 s6, s1;
	s1 =	sadd.s32 $0xA1A00, s1;
	s24 =	sadd.s32 $0x2400, s7  }
0x12: {  	s23 =	sadd.s32 $0x16800, s6;
	[dreg:$0x5] =	wrdreg s24;
	s25 =	sadd.s32 s1, s14  }
.Ltmp0:
0x13: {  	s28 =	sadd.s32 s1, s26;
	[dreg:$0x4] =	wrdreg s23;
	(pc) =	sbr.rel .LBB2_1-.Ltmp0, $4  }
0x14: {  	s29 =	sadd.s32 s1, s15;
	s30 =	sadd.s32 s1, s16;
	[dreg:$0x6] =	wrdreg s25  }
0x15: {  	s17 =	sadd.s32 s1, s0;
	s26 =	simm.s32 $0xE000;
	[dreg:$0x7] =	wrdreg s28  }
0x16: {  	s1 =	simm.s32 $0x1;
	s0 =	simm.s32 $0x3;
	[dreg:$0x8] =	wrdreg s29  }
0x17: {  	s24 =	simm.s32 $0x0;
	[dreg:$0x9] =	wrdreg s30;
	s23 =	simm.s32 $0xA000  }
.LBB2_4:
0x18: {  	[bflag:$0x0] =	sbarrier.arrive $0xFFFF  }
0x19: {  	[tilespmem:s21], [sflag:$0x6] =	stream.linear.gather [spmem:s8], $0x2000, $0x38;
	v63 =	vld [tilespmem:$0x0]  }
0x1a: {  	_ =	swait.ge [sflag:s19], $0x2000  }
0x1b: {  	[sflag:s19] =	ssyncset.done $0x0  }
0x1c: {  	s5 =	rddreg [dreg:$0x6];
	[sflag:s19] =	ssyncadd.s32 $0xFFFFE000  }
0x1d: {  	[hbm4b:s5+s3] =	stream.linear.scatter [tilespmem:s21], [sflag:$0x6], $0x2000, $0x38;
	v63 =	vld [tilespmem:$0x0]  }
0x1e: {  	_ =	swait.ge [sflag:s19], $0x2000  }
0x1f: {  	[sflag:s19] =	ssyncset.done $0x0  }
0x20: {  	[sflag:s19] =	ssyncadd.s32 $0xFFFFE000  }
0x21: {  	[tilespmem:s21], [sflag:$0x6] =	stream.linear.gather [spmem:s9], $0x2000, $0x38;
	v63 =	vld [tilespmem:$0x0]  }
0x22: {  	_ =	swait.ge [sflag:s19], $0x2000  }
0x23: {  	[sflag:s19] =	ssyncset.done $0x0  }
0x24: {  	s28 =	rddreg [dreg:$0x7];
	[sflag:s19] =	ssyncadd.s32 $0xFFFFE000  }
0x25: {  	[hbm4b:s28+s3] =	stream.linear.scatter [tilespmem:s21], [sflag:$0x6], $0x2000, $0x38;
	v63 =	vld [tilespmem:$0x0]  }
0x26: {  	_ =	swait.ge [sflag:s19], $0x2000  }
0x27: {  	[sflag:s19] =	ssyncset.done $0x0  }
0x28: {  	[sflag:s19] =	ssyncadd.s32 $0xFFFFE000  }
0x29: {  	[tilespmem:s21], [sflag:$0x6] =	stream.linear.gather [spmem:s10], $0x2000, $0x38;
	v63 =	vld [tilespmem:$0x0]  }
0x2a: {  	_ =	swait.ge [sflag:s19], $0x2000  }
0x2b: {  	[sflag:s19] =	ssyncset.done $0x0  }
0x2c: {  	s29 =	rddreg [dreg:$0x8];
	[sflag:s19] =	ssyncadd.s32 $0xFFFFE000  }
0x2d: {  	[hbm4b:s29+s3] =	stream.linear.scatter [tilespmem:s21], [sflag:$0x6], $0x2000, $0x38;
	v63 =	vld [tilespmem:$0x0]  }
0x2e: {  	_ =	swait.ge [sflag:s19], $0x2000  }
0x2f: {  	[sflag:s19] =	ssyncset.done $0x0  }
0x30: {  	[sflag:s19] =	ssyncadd.s32 $0xFFFFE000  }
0x31: {  	[tilespmem:s21], [sflag:$0x6] =	stream.linear.gather [spmem:s11], $0x2000, $0x38;
	v63 =	vld [tilespmem:$0x0]  }
0x32: {  	_ =	swait.ge [sflag:s19], $0x2000  }
0x33: {  	[sflag:s19] =	ssyncset.done $0x0  }
0x34: {  	s30 =	rddreg [dreg:$0x9];
	[sflag:s19] =	ssyncadd.s32 $0xFFFFE000  }
0x35: {  	[hbm4b:s30+s3] =	stream.linear.scatter [tilespmem:s21], [sflag:$0x6], $0x2000, $0x38;
	v63 =	vld [tilespmem:$0x0]  }
0x36: {  	_ =	swait.ge [sflag:s19], $0x2000  }
0x37: {  	[sflag:s19] =	ssyncset.done $0x0  }
0x38: {  	[sflag:s19] =	ssyncadd.s32 $0xFFFFE000  }
0x39: {  	[tilespmem:s21], [sflag:$0x6] =	stream.linear.gather [spmem:s12], $0x2000, $0x38;
	v63 =	vld [tilespmem:$0x0]  }
0x3a: {  	s24 =	sadd.s32 $0x1, s24;
	_ =	swait.ge [sflag:s19], $0x2000  }
0x3b: {  	p0 =	sne.s32 s24, s18;
	[sflag:s19] =	ssyncset.done $0x0  }
.Ltmp1:
0x3c: {  	[sflag:s19] =	ssyncadd.s32 $0xFFFFE000;
	(pc) =	sbr.rel @!p0 .LBB2_5-.Ltmp1, $4  }
0x3d: {  	[hbm4b:s17+s3] =	stream.linear.scatter [tilespmem:s21], [sflag:$0x6], $0x2000, $0x38;
	v63 =	vld [tilespmem:$0x0]  }
0x3e: {  	_ =	swait.ge [sflag:s19], $0x2000  }
0x3f: {  	[sflag:s19] =	ssyncset.done $0x0  }
0x40: {  	[sflag:s19] =	ssyncadd.s32 $0xFFFFE000  }
.LBB2_1:
0x41: {  	s5 =	rddreg [dreg:$0x4]  }
0x42: {  	[tilespmem:s3], [sflag:$0x6] =	stream.linear.gather [hbm4b:s5+s3], $0x5000, $0x38;
	v63 =	vld [tilespmem:$0x0]  }
0x43: {  	_ =	swait.ge [sflag:s19], $0x5000  }
0x44: {  	[sflag:s19] =	ssyncset.done $0x0  }
0x45: {  	s6 =	simm.s32 $0x5000;
	s13 =	rddreg [dreg:$0x5];
	[sflag:s19] =	ssyncadd.s32 $0xFFFFB000  }
0x46: {  	[tilespmem:s6], [sflag:$0x6] =	stream.linear.gather [hbm4b:s13+s3], $0x5000, $0x38;
	v63 =	vld [tilespmem:$0x0]  }
0x47: {  	_ =	swait.ge [sflag:s19], $0x5000  }
0x48: {  	[sflag:s19] =	ssyncset.done $0x0  }
0x49: {  	s14 =	rddreg [dreg:$0x3];
	[sflag:s19] =	ssyncadd.s32 $0xFFFFB000  }
0x4a: {  	[tilespmem:s21], [sflag:$0x6] =	stream.linear.gather [hbm4b:s14+s3], $0x2000, $0x38;
	v63 =	vld [tilespmem:$0x0]  }
0x4b: {  	_ =	swait.ge [sflag:s19], $0x2000  }
0x4c: {  	[sflag:s19] =	ssyncset.done $0x0  }
0x4d: {  	[sflag:s19] =	ssyncadd.s32 $0xFFFFE000  }
0x4e: {  	[spmem:s8] =	stream.linear.scatter [tilespmem:s21], [sflag:$0x6], $0x2000, $0x38;
	v63 =	vld [tilespmem:$0x0]  }
0x4f: {  	_ =	swait.ge [sflag:s19], $0x2000  }
0x50: {  	[sflag:s19] =	ssyncset.done $0x0  }
0x51: {  	[sflag:s19] =	ssyncadd.s32 $0xFFFFE000  }
0x52: {  	[spmem:s9] =	stream.linear.scatter [tilespmem:s21], [sflag:$0x6], $0x2000, $0x38;
	v63 =	vld [tilespmem:$0x0]  }
0x53: {  	_ =	swait.ge [sflag:s19], $0x2000  }
0x54: {  	[sflag:s19] =	ssyncset.done $0x0  }
0x55: {  	[sflag:s19] =	ssyncadd.s32 $0xFFFFE000  }
0x56: {  	[spmem:s10] =	stream.linear.scatter [tilespmem:s21], [sflag:$0x6], $0x2000, $0x38;
	v63 =	vld [tilespmem:$0x0]  }
0x57: {  	_ =	swait.ge [sflag:s19], $0x2000  }
0x58: {  	[sflag:s19] =	ssyncset.done $0x0  }
0x59: {  	[sflag:s19] =	ssyncadd.s32 $0xFFFFE000  }
0x5a: {  	[spmem:s11] =	stream.linear.scatter [tilespmem:s21], [sflag:$0x6], $0x2000, $0x38;
	v63 =	vld [tilespmem:$0x0]  }
0x5b: {  	_ =	swait.ge [sflag:s19], $0x2000  }
0x5c: {  	[sflag:s19] =	ssyncset.done $0x0  }
0x5d: {  	[sflag:s19] =	ssyncadd.s32 $0xFFFFE000  }
0x5e: {  	[spmem:s12] =	stream.linear.scatter [tilespmem:s21], [sflag:$0x6], $0x2000, $0x38;
	v63 =	vld [tilespmem:$0x0]  }
0x5f: {  	_ =	swait.ge [sflag:s19], $0x2000  }
0x60: {  	[sflag:s19] =	ssyncset.done $0x0  }
0x61: {  	[sflag:s19] =	ssyncadd.s32 $0xFFFFE000  }
0x62: {  	[bflag:$0x0] =	sbarrier.arrive $0xFFFF  }
0x63: {  	[tilespmem:s23], [sflag:$0x1] =	stream.indirect.gather [hbm4b:s4+s22], $0x40, s3, s22, $0xb8;
	v63 =	vld [tilespmem:$0x0]  }
0x64: {  	s15 =	simm.s32 $0xC000  }
0x65: {  	[tilespmem:s15], [sflag:$0x2] =	stream.indirect.gather [hbm4b:s4+s22], $0x40, s22, s22, $0xb8;
	v63 =	vld [tilespmem:$0x0]  }
0x66: {  	s16 =	simm.s32 $0x100  }
0x67: {  	[tilespmem:s26], [sflag:$0x3] =	stream.indirect.gather [hbm4b:s4+s22], $0x40, s16, s22, $0xb8;
	v63 =	vld [tilespmem:$0x0]  }
0x68: {  	s25 =	simm.s32 $0x180;
	s29 =	simm.s32 $0x10000  }
0x69: {  	[tilespmem:s29], [sflag:$0x4] =	stream.indirect.gather [hbm4b:s4+s22], $0x40, s25, s22, $0xb8;
	v63 =	vld [tilespmem:$0x0]  }
0x6a: {  	s30 =	simm.s32 $0x200;
	s28 =	simm.s32 $0x0;
	s25 =	simm.s32 $0x0  }
0x6b: {  	[tilespmem:s31], [sflag:$0x5] =	stream.indirect.gather [hbm4b:s4+s22], $0x40, s30, s22, $0xb8;
	v63 =	vld [tilespmem:$0x0]  }
.LBB2_2:
0x6c: {  	_ =	swait.ge [sflag:s1], $0x2000  }
0x6d: {  	s29 =	sshra.s32 s28, $0x2;
	[sflag:s1] =	ssyncset.done $0x0  }
0x6e: {  	s30 =	sadd.s32 $0x5000, s29;
	[sflag:s1] =	ssyncadd.s32 $0xFFFFE000  }
0x6f: {  	[spmem:s2] =	stream.indirect.scatter.add.f32 [tilespmem:s23], [sflag:$0x6], $0x40, s30, s22, $0xb8;
	v63 =	vld [tilespmem:$0x0]  }
0x70: {  	_ =	swait.ge [sflag:s19], $0x2000  }
0x71: {  	p0 =	seq.s32 s28, $0x13600;
	[sflag:s19] =	ssyncset.done $0x0  }
0x72: {  	s30 =	simm.s32 @p0 $0x2;
	[sflag:s19] =	ssyncadd.s32 $0xFFFFE000  }
0x73: {  	_ =	swait.ge @p0 [sflag:s30], $0x2000  }
0x74: {  	[sflag:s30] =	ssyncset.done @p0 $0x0  }
0x75: {  	[sflag:s30] =	ssyncadd.s32 @p0 $0xFFFFE000;
	s30 =	sshra.s32 @p0 s28, $0x2  }
0x76: {  	s6 =	simm.s32 @p0 $0x80;
	s7 =	simm.s32 @p0 $0xC000;
	s5 =	sadd.s32 @p0 $0x5080, s30  }
0x77: {  	[spmem:s2] =	stream.indirect.scatter.add.f32 @p0 [tilespmem:s7], [sflag:$0x6], $0x40, s5, s6, $0xb8;
	v63 =	vld [tilespmem:$0x0]  }
0x78: {  	s5 =	simm.s32 @p0 $0x6  }
0x79: {  	_ =	swait.ge @p0 [sflag:s5], $0x2000  }
0x7a: {  	s14 =	simm.s32 @!p0 $0x80;
	s7 =	sshra.s32 @!p0 s28, $0x2;
	[sflag:s5] =	ssyncset.done @p0 $0x0  }
0x7b: {  	s15 =	simm.s32 @!p0 $0xA000;
	s13 =	sadd.s32 @!p0 $0x280, s7;
	[sflag:s5] =	ssyncadd.s32 @p0 $0xFFFFE000  }
0x7c: {  	[tilespmem:s15], [sflag:$0x1] =	stream.indirect.gather @!p0 [hbm4b:s4+s14], $0x40, s13, s14, $0xb8;
	v63 =	vld [tilespmem:$0x0]  }
0x7d: {  	s13 =	simm.s32 @!p0 $0x2  }
0x7e: {  	_ =	swait.ge @!p0 [sflag:s13], $0x2000  }
0x7f: {  	[sflag:s13] =	ssyncset.done @!p0 $0x0  }
0x80: {  	s15 =	simm.s32 @!p0 $0xC000;
	[sflag:s13] =	ssyncadd.s32 @!p0 $0xFFFFE000;
	s13 =	sadd.s32 @!p0 $0x5080, s7  }
0x81: {  	[spmem:s2] =	stream.indirect.scatter.add.f32 @!p0 [tilespmem:s15], [sflag:$0x6], $0x40, s13, s14, $0xb8;
	v63 =	vld [tilespmem:$0x0]  }
0x82: {  	s13 =	simm.s32 @!p0 $0x6  }
0x83: {  	s16 =	smin.u32 @!p0 s25, $0x99;
	_ =	swait.ge @!p0 [sflag:s13], $0x2000  }
0x84: {  	s16 =	sshll.u32 @!p0 s16, $0x7;
	[sflag:s13] =	ssyncset.done @!p0 $0x0  }
0x85: {  	s16 =	sadd.s32 @!p0 $0x300, s16;
	[sflag:s13] =	ssyncadd.s32 @!p0 $0xFFFFE000  }
0x86: {  	[tilespmem:s15], [sflag:$0x2] =	stream.indirect.gather @!p0 [hbm4b:s4+s14], $0x40, s16, s14, $0xb8;
	v63 =	vld [tilespmem:$0x0]  }
0x87: {  	_ =	swait.ge [sflag:s0], $0x2000  }
0x88: {  	[sflag:s0] =	ssyncset.done $0x0  }
0x89: {  	s16 =	sadd.s32 $0x5100, s29;
	[sflag:s0] =	ssyncadd.s32 $0xFFFFE000  }
0x8a: {  	[spmem:s2] =	stream.indirect.scatter.add.f32 [tilespmem:s26], [sflag:$0x6], $0x40, s16, s22, $0xb8;
	v63 =	vld [tilespmem:$0x0]  }
0x8b: {  	_ =	swait.ge [sflag:s19], $0x2000  }
0x8c: {  	[sflag:s19] =	ssyncset.done $0x0  }
0x8d: {  	s15 =	simm.s32 @p0 $0x4;
	[sflag:s19] =	ssyncadd.s32 $0xFFFFE000  }
0x8e: {  	_ =	swait.ge @p0 [sflag:s15], $0x2000  }
0x8f: {  	[sflag:s15] =	ssyncset.done @p0 $0x0  }
0x90: {  	s16 =	simm.s32 @p0 $0x10000;
	[sflag:s15] =	ssyncadd.s32 @p0 $0xFFFFE000;
	s15 =	sadd.s32 @p0 $0x5180, s30  }
0x91: {  	[spmem:s2] =	stream.indirect.scatter.add.f32 @p0 [tilespmem:s16], [sflag:$0x6], $0x40, s15, s6, $0xb8;
	v63 =	vld [tilespmem:$0x0]  }
0x92: {  	s6 =	smin.u32 @!p0 s25, $0x98;
	_ =	swait.ge @p0 [sflag:s5], $0x2000  }
0x93: {  	s6 =	sshll.u32 @!p0 s6, $0x7;
	[sflag:s5] =	ssyncset.done @p0 $0x0  }
0x94: {  	[sflag:s5] =	ssyncadd.s32 @p0 $0xFFFFE000;
	s5 =	sadd.s32 @!p0 $0x380, s6;
	s6 =	simm.s32 @!p0 $0xE000  }
0x95: {  	[tilespmem:s6], [sflag:$0x3] =	stream.indirect.gather @!p0 [hbm4b:s4+s14], $0x40, s5, s14, $0xb8;
	v63 =	vld [tilespmem:$0x0]  }
0x96: {  	s5 =	simm.s32 @!p0 $0x4  }
0x97: {  	_ =	swait.ge @!p0 [sflag:s5], $0x2000  }
0x98: {  	[sflag:s5] =	ssyncset.done @!p0 $0x0  }
0x99: {  	s6 =	simm.s32 @!p0 $0x10000;
	[sflag:s5] =	ssyncadd.s32 @!p0 $0xFFFFE000;
	s5 =	sadd.s32 @!p0 $0x5180, s7  }
0x9a: {  	[spmem:s2] =	stream.indirect.scatter.add.f32 @!p0 [tilespmem:s6], [sflag:$0x6], $0x40, s5, s14, $0xb8;
	v63 =	vld [tilespmem:$0x0]  }
0x9b: {  	s5 =	smin.u32 @!p0 s25, $0x97;
	_ =	swait.ge @!p0 [sflag:s13], $0x2000  }
0x9c: {  	s5 =	sshll.u32 @!p0 s5, $0x7;
	[sflag:s13] =	ssyncset.done @!p0 $0x0  }
0x9d: {  	s5 =	sadd.s32 @!p0 $0x400, s5;
	[sflag:s13] =	ssyncadd.s32 @!p0 $0xFFFFE000  }
0x9e: {  	[tilespmem:s6], [sflag:$0x4] =	stream.indirect.gather @!p0 [hbm4b:s4+s14], $0x40, s5, s14, $0xb8;
	v63 =	vld [tilespmem:$0x0]  }
0x9f: {  	_ =	swait.ge [sflag:s20], $0x2000  }
0xa0: {  	[sflag:s20] =	ssyncset.done $0x0  }
.Ltmp2:
0xa1: {  	s30 =	sadd.s32 $0x5200, s29;
	[sflag:s20] =	ssyncadd.s32 $0xFFFFE000;
	(pc) =	sbr.rel @p0 .LBB2_4-.Ltmp2, $4  }
0xa2: {  	[spmem:s2] =	stream.indirect.scatter.add.f32 [tilespmem:s31], [sflag:$0x6], $0x40, s30, s22, $0xb8;
	v63 =	vld [tilespmem:$0x0]  }
0xa3: {  	_ =	swait.ge [sflag:s19], $0x2000  }
0xa4: {  	[sflag:s19] =	ssyncset.done $0x0  }
0xa5: {  	[sflag:s19] =	ssyncadd.s32 $0xFFFFE000  }
.Ltmp3:
0xa6: {  	(pc) =	sbr.rel .LBB2_2-.Ltmp3, $4  }
0xa7: {  	s5 =	smin.u32 s25, $0x96  }
0xa8: {  	s5 =	sshll.u32 s5, $0x7  }
0xa9: {  	s28 =	sadd.s32 $0xA00, s28;
	s25 =	sadd.s32 $0x5, s25;
	s5 =	sadd.s32 $0x480, s5  }
0xaa: {  	[tilespmem:s31], [sflag:$0x5] =	stream.indirect.gather [hbm4b:s4+s22], $0x40, s5, s22, $0xb8;
	v63 =	vld [tilespmem:$0x0]  }
.LBB2_5:
0xab: {  	_ =	sfence.sel $0x180000  }
0xac: {  	[bflag:$0x0] =	sbarrier.arrive $0xFFFF  }
0xad: {  	_ =	strace $0x9000004D  }
0xae: {  	s0 =	stileid.u32;
	[bflag:$0x2] =	sbarrier.arrive $0xFFFF  }
0xaf: {  	p0 =	sne.s32 s0, $0x0;
	s0 =	rddreg [dreg:$0x2]  }
0xb0: {  	s0 =	sadd.s32 @!p0 $0x100000, s0  }
0xb1: {  	[sflag:s0] =	ssyncadd.tile.s32 @!p0 $0x1;
	_ =	shalt  }
.Lfunc_end2:
_tile_overlayer_lowered:
.L_overlay_start_2:
0xb2: {  	(tag) =	ssettag $0x2  }
0xb3: {  	s0 =	rddreg [dreg:$0x0];
	s2 =	stileid.u32  }
0xb4: {  	s1 =	rddreg [dreg:$0x1];
	p0 =	sne.s32 s2, $0x0  }
0xb5: {  	s3 =	rddreg [dreg:$0x2];
	[bflag:$0x3] =	sbarrier.arrive $0xFFFF;
	s2 =	simm.s32 @!p0 $0x1C06  }
0xb6: {  	[timem:s3], [sflag:s2] =	dma.local @!p0 [hbm:s0], s1  }
0xb7: {  	s0 =	simm.s32 @!p0 $0x6  }
0xb8: {  	_ =	swait.ge @!p0 [sflag:s0], s1  }
0xb9: {  	s1 =	ssub.s32 @!p0 $0x0, s1;
	[sflag:s0] =	ssyncset.done @!p0 $0x0  }
0xba: {  	[sflag:s0] =	ssyncadd.s32 @!p0 s1  }
0xbb: {  	[bflag:$0x3] =	sbarrier.arrive $0xFFFF  }
0xbc: {  	_ =	shalt  }

// kernel: kernel.19.cloned.1.call-start
scs
__scs_entry_jumppad:
0x0: {  	(pc) =	sbr.rel $0x88, $3  }
0x1: {  	(tag) =	ssettag $0x0;
	lr =	simm.s32 $0x1  }
0x2: {  	[smem:$0x3F95] =	sst lr;
	_ =	strace $0xD0000000  }
0x3: {  	_ = 	snop  }
0x4: {  	_ = 	snop  }
0x5: {  	_ = 	snop  }
0x6: {  	_ = 	snop  }
0x7: {  	_ = 	snop  }
__scs_overlays_trampoline_lowered:
0x8: {  	[smem:$0x3FA4] =	sst s0  }
0x9: {  	[smem:$0x3FA5] =	sst s1  }
0xa: {  	[smem:$0x3FA6] =	sst s2  }
0xb: {  	[smem:$0x3FA7] =	sst s3  }
0xc: {  	[smem:$0x3FA8] =	sst s4  }
0xd: {  	[smem:$0x3FA9] =	sst s5  }
0xe: {  	[smem:$0x3FAA] =	sst s6  }
0xf: {  	[smem:$0x3FAB] =	sst s7  }
0x10: {  	[smem:$0x3FAC] =	sst s8  }
0x11: {  	[smem:$0x3FAD] =	sst s9;
	s0 =	simm.s32 @!p0 $0x0  }
0x12: {  	s1 =	sld [smem:$0x3F93];
	s0 =	simm.s32 @p0 $0x1  }
0x13: {  	[smem:$0x3FAE] =	sst s0;
	s0 =	simm.s32 @!p1 $0x0  }
0x14: {  	s2 =	sld [smem:$0x3F92];
	s0 =	simm.s32 @p1 $0x1  }
0x15: {  	[smem:$0x3FAF] =	sst s0;
	s0 =	simm.s32 @!p2 $0x0  }
0x16: {  	s3 =	sld [smem:$0x3FDB];
	s0 =	simm.s32 @p2 $0x1  }
0x17: {  	s4 =	simm.s32 $0x1BF5;
	[smem:$0x3FB1] =	sst s0  }
0x18: {  	s0 =	sld [smem:$0x3F94];
	_ =	swait.ge [sflag:s4], $0x0  }
0x19: {  	s7 =	sld [smem:$0x3F95]  }
0x1a: {  	s8 =	sadd.s32 $0xFFFFE003, lr  }
0x1b: {  	s9 =	sadd.s32 $0xFFFFFEF7, lr;
	s5 =	simm.s32 $0xFFFFFFFF;
	p2 =	slt.u32 s8, $0xFFFFF086  }
0x1c: {  	p1 =	slt.u32 s9, $0xF7A;
	s5 =	simm.s32 @!p2 $0x0  }
0x1d: {  	s5 =	simm.s32 @p1 $0x1;
	p0 =	seq.s32 s7, s2  }
0x1e: {  	s7 =	smul.u32 @!p0 $0xF7A, s2;
	p2 =	seq.s32 @!p0 s5, $0x0  }
0x1f: {  	s9 =	smul.u32 $0xF7A, s1;
	s8 =	simm.s32 @!p0 $0x1BF5;
	p2 =	por !p2, p0  }
0x20: {  	[sflag:s8] =	ssyncset.s32 @!p0 $0xFFFFF086;
	s6 =	sadd.s32 @!p0 s3, s7;
	s7 =	simm.s32 @!p0 $0x108  }
0x21: {  	s3 =	sadd.s32 s3, s9;
	s6 =	sadd.s32 @!p0 $0x88, s6;
	s7 =	simm.s32 @p2 $0x1082  }
0x22: {  	[simem:s7], [sflag:s8] =	dma.local @!p0 [hbm:s6], $0xF7A  }
0x23: {  	s9 =	sor.u32 $0xD0000000, s2;
	s6 =	simm.s32 $0x108;
	_ =	swait.ge @!p0 [sflag:s8], $0x0  }
0x24: {  	s3 =	sadd.s32 $0x88, s3;
	s6 =	simm.s32 @!p1 $0x1082;
	[sflag:s4] =	ssyncset.s32 $0xFFFFF086  }
0x25: {  	[simem:s6], [sflag:s4] =	dma.local [hbm:s3], $0xF7A  }
0x26: {  	[smem:$0x3F95] =	sst s1;
	(tag) =	ssettag s2;
	_ =	strace s9  }
0x27: {  	s1 =	sld [smem:$0x3FA5]  }
0x28: {  	s2 =	sld [smem:$0x3FA6]  }
0x29: {  	s4 =	sld [smem:$0x3FA8]  }
0x2a: {  	p0 =	seq.s32 s5, $0x0;
	s5 =	sld [smem:$0x3FA9]  }
0x2b: {  	s6 =	sld [smem:$0x3FAA]  }
0x2c: {  	s7 =	sld [smem:$0x3FAB]  }
0x2d: {  	s3 =	simm.s32 $0x108;
	s8 =	sld [smem:$0x3FAC]  }
0x2e: {  	s3 =	simm.s32 @!p0 $0x1082;
	s9 =	sld [smem:$0x3FAD]  }
0x2f: {  	lr =	sadd.s32 s0, s3;
	s0 =	sld [smem:$0x3FA4]  }
0x30: {  	s3 =	sld [smem:$0x3FA7]  }
0x31: {  	[smem:$0x3FB0] =	sst s10  }
0x32: {  	s10 =	sld [smem:$0x3FAE];
	_ =	sdelay $0x3  }
0x33: {  	p0 =	seq.s32 s10, $0x1;
	s10 =	sld [smem:$0x3FB0];
	_ =	sdelay $0x3  }
0x34: {  	[smem:$0x3FB0] =	sst s10  }
0x35: {  	s10 =	sld [smem:$0x3FAF];
	_ =	sdelay $0x3  }
0x36: {  	p1 =	seq.s32 s10, $0x1;
	s10 =	sld [smem:$0x3FB0];
	_ =	sdelay $0x3  }
0x37: {  	[smem:$0x3FB0] =	sst s10  }
0x38: {  	s10 =	sld [smem:$0x3FB1]  }
0x39: {  	_ = 	snop;
	(pc) =	sbr.ind lr, $3  }
0x3a: {  	_ = 	snop  }
0x3b: {  	_ = 	snop  }
0x3c: {  	p2 =	seq.s32 s10, $0x1;
	s10 =	sld [smem:$0x3FB0]  }
0x3d: {  	_ =	shalt  }
0x3e: {  	_ =	shalt  }
0x3f: {  	_ =	shalt  }
0x40: {  	_ =	shalt  }
0x41: {  	_ =	shalt  }
0x42: {  	_ =	shalt  }
0x43: {  	_ =	shalt  }
0x44: {  	_ =	shalt  }
0x45: {  	_ =	shalt  }
0x46: {  	_ =	shalt  }
0x47: {  	_ =	shalt  }
0x48: {  	_ =	shalt  }
0x49: {  	_ =	shalt  }
0x4a: {  	_ =	shalt  }
0x4b: {  	_ =	shalt  }
0x4c: {  	_ =	shalt  }
0x4d: {  	_ =	shalt  }
0x4e: {  	_ =	shalt  }
0x4f: {  	_ =	shalt  }
0x50: {  	_ =	shalt  }
0x51: {  	_ =	shalt  }
0x52: {  	_ =	shalt  }
0x53: {  	_ =	shalt  }
0x54: {  	_ =	shalt  }
0x55: {  	_ =	shalt  }
0x56: {  	_ =	shalt  }
0x57: {  	_ =	shalt  }
0x58: {  	_ =	shalt  }
0x59: {  	_ =	shalt  }
0x5a: {  	_ =	shalt  }
0x5b: {  	_ =	shalt  }
0x5c: {  	_ =	shalt  }
0x5d: {  	_ =	shalt  }
0x5e: {  	_ =	shalt  }
0x5f: {  	_ =	shalt  }
0x60: {  	_ =	shalt  }
0x61: {  	_ =	shalt  }
0x62: {  	_ =	shalt  }
0x63: {  	_ =	shalt  }
0x64: {  	_ =	shalt  }
0x65: {  	_ =	shalt  }
0x66: {  	_ =	shalt  }
0x67: {  	_ =	shalt  }
0x68: {  	_ =	shalt  }
0x69: {  	_ =	shalt  }
0x6a: {  	_ =	shalt  }
0x6b: {  	_ =	shalt  }
0x6c: {  	_ =	shalt  }
0x6d: {  	_ =	shalt  }
0x6e: {  	_ =	shalt  }
0x6f: {  	_ =	shalt  }
0x70: {  	_ =	shalt  }
0x71: {  	_ =	shalt  }
0x72: {  	_ =	shalt  }
0x73: {  	_ =	shalt  }
0x74: {  	_ =	shalt  }
0x75: {  	_ =	shalt  }
0x76: {  	_ =	shalt  }
0x77: {  	_ =	shalt  }
0x78: {  	_ =	shalt  }
0x79: {  	_ =	shalt  }
0x7a: {  	_ =	shalt  }
0x7b: {  	_ =	shalt  }
0x7c: {  	_ =	shalt  }
0x7d: {  	_ =	shalt  }
0x7e: {  	_ =	shalt  }
0x7f: {  	_ =	shalt  }
0x80: {  	_ =	shalt  }
0x81: {  	_ =	shalt  }
0x82: {  	_ =	shalt  }
0x83: {  	_ =	shalt  }
0x84: {  	_ =	shalt  }
0x85: {  	_ =	shalt  }
0x86: {  	_ =	shalt  }
0x87: {  	_ =	shalt  }
.Lfunc_end0:
.L_simem_size_0:
called_computation.3_lowered:
.L_overlay_start_0:
0x88: {  	s2 =	sld [smem:$0x3FD9]  }
0x89: {  	s3 =	sld [smem:$0x3FFE];
	_ =	sdelay $0x1  }
0x8a: {  	s1 =	srdreg.scid  }
0x8b: {  	s0 =	sand.u32 $0x1, s1  }
0x8c: {  	s16 =	sshll.u32 s0, $0xA;
	s2 =	sadd.s32 s3, s2  }
0x8d: {  	s2 =	sadd.s32 s2, s16  }
0x8e: {  	[smem:$0x3FBC] =	sst s2  }
0x8f: {  	_ = 	snop  }
0x90: {  	(tm) =	ssettm $0x1  }
0x91: {  	s17 =	sld [smem:$0x3FFB];
	_ =	sdelay $0x3  }
0x92: {  	_ =	strace s17  }
0x93: {  	s2 =	sld [smem:$0x3FFC];
	_ =	sdelay $0x3  }
0x94: {  	_ =	strace s2  }
0x95: {  	s2 =	sld [smem:$0x3FFD];
	_ =	sdelay $0x3  }
0x96: {  	_ =	strace s2  }
0x97: {  	_ =	strace $0x8FFFFFFF  }
0x98: {  	s18 =	sld [smem:$0x3FDB];
	_ =	sdelay $0x1  }
0x99: {  	s19 =	simm.s32 $_scs_section_size  }
0x9a: {  	s4 =	simm.s32 $_size__tile_overlayer_lowered;
	s5 =	simm.s32 $_tile_overlayer_lowered  }
0x9b: {  	s22 =	simm.s32 $0x1BFF;
	s21 =	sshll.u32 s5, $0x1;
	s2 =	sadd.s32 s19, s18  }
0x9c: {  	s6 =	simm.s32 $0x0;
	s20 =	sshll.u32 s4, $0x1;
	s4 =	sadd.s32 s21, s2  }
0x9d: {  	[timem:s6], [sflag:s22] =	dma.local [hbm:s4], s20  }
0x9e: {  	_ =	swait.ge [sflag:s22], s20  }
0x9f: {  	s3 =	ssub.s32 $0x0, s20;
	[sflag:s22] =	ssyncset.done $0x0  }
0xa0: {  	[sflag:s22] =	ssyncadd.s32 s3;
	_ =	sdelay $0x1  }
0xa1: {  	s23 =	simm.s32 $0x1B8B  }
0xa2: {  	_ =	swait.ge [sflag:s23], $0x1  }
0xa3: {  	[sflag:s23] =	ssyncset.done $0x0  }
0xa4: {  	s25 =	simm.s32 $0x1B8E;
	s24 =	sld [smem:$0x3FFE];
	[sflag:s23] =	ssyncadd.s32 $0xFFFFFFFF  }
0xa5: {  	s26 =	simm.s32 $execute0_lowered;
	[smem:$0x3FD2] =	sst s25  }
0xa6: {  	s4 =	sshll.u32 s26, $0x1;
	_ =	strace $0x8000004F;
	[dreg:$0x1] =	wrdreg $0xFFFFFFFF  }
0xa7: {  	s28 =	simm.s32 $_size_execute0_lowered;
	s2 =	sadd.s32 s2, s4;
	[dreg:$0x0] =	wrdreg $0x0  }
0xa8: {  	s4 =	sshll.u32 s28, $0x1;
	[dreg:$0x2] =	wrdreg s2  }
0xa9: {  	[dreg:$0x3] =	wrdreg s4  }
0xaa: {  	[dreg:$0x4] =	wrdreg $0xC0  }
0xab: {  	_ =	task [dreg:s6], $0x5FFFF  }
0xac: {  	[dreg:$0x1] =	wrdreg $0xFFFFFFFF  }
0xad: {  	[dreg:$0x0] =	wrdreg $0x60  }
0xae: {  	[dreg:$0x2] =	wrdreg s24  }
0xaf: {  	[dreg:$0x3] =	wrdreg $0x160000  }
0xb0: {  	[dreg:$0x4] =	wrdreg $0x9  }
0xb1: {  	_ =	task.clear_ibuf [dreg:s6], $0x5FFFF;
	_ =	strace $0x9000004F  }
0xb2: {  	s29 =	simm.s32 $0x9;
	_ =	strace $0x80000051  }
0xb3: {  	_ =	swait.ge [sflag:s29], $0x1  }
0xb4: {  	[sflag:s29] =	ssyncadd.s32 $0xFFFFFFFF  }
0xb5: {  	_ =	strace $0x90000051  }
0xb6: {  	_ =	sfence  }
0xb7: {  	s30 =	sld [smem:$0x0];
	_ =	sdelay $0x2  }
0xb8: {  	s31 =	sshll.u32 s1, $0xD;
	s1 =	sshrl.u32 s1, $0x2  }
0xb9: {  	s3 =	sand.u32 $0x4000, s31;
	s1 =	sadd.s32 s1, s30  }
0xba: {  	s0 =	sor.u32 s3, s0;
	s1 =	sshll.u32 s1, $0x11  }
0xbb: {  	s0 =	sor.u32 s1, s0  }
0xbc: {  	s0 =	sadd.s32 $0x8F2B, s0  }
0xbd: {  	[sflag:s0] =	ssyncadd.remote.s32 $0x1  }
0xbe: {  	_ =	sfence.sel $0xFFFF  }
0xbf: {  	[dreg:$0x0] =	wrdreg $0xFFFFFFFF;
	(pc) =	sbr.abs _section_cstart, $3  }
0xc0: {  	[dreg:$0x1] =	wrdreg $0xFFFFFFFF  }
0xc1: {  	_ =	task.clear_ibuf [dreg:s6], $0x2FFFF;
	_ =	strace $0x9FFFFFFF  }
0xc2: {  	(tm) =	ssettm $0x7FFFFFFF  }
0xc3: {  	_ =	shalt  }
tec
execute0_lowered:
.L_overlay_start_1:
0x0: {  	(tag) =	ssettag $0x1  }
0x1: {  	s0 =	srdreg.scid;
	s1 =	rddreg [dreg:$0x0]  }
0x2: {  	s10 =	stileid.u32;
	s2 =	rddreg [dreg:$0x1];
	s3 =	simm.s32 $0x0  }
0x3: {  	s21 =	simm.s32 $0x14000;
	s31 =	simm.s32 $0x12000;
	s5 =	smul.u32 $0x5000, s10  }
0x4: {  	s20 =	simm.s32 $0x5;
	s0 =	sand.u32 $0x1, s0;
	s12 =	smul.u32 $0xA000, s10  }
0x5: {  	[smem:$0x7FF] =	sst s3;
	s22 =	sadd.s32 $0xC400, s1;
	s4 =	smul.u32 $0x50000, s0  }
0x6: {  	_ =	strace $0x80000050;
	[dreg:$0x3] =	wrdreg s22;
	s8 =	ssub.s32 $0x2, s0  }
0x7: {  	s0 =	smul.u32 $0xA0000, s0;
	s22 =	simm.s32 $0x80;
	s9 =	sshrl.u32 s8, $0x1  }
0x8: {  	s13 =	sadd.s32 $0x2000, s12;
	s15 =	sadd.s32 $0x4000, s12;
	s16 =	sadd.s32 $0x6000, s12  }
0x9: {  	s17 =	sadd.s32 $0x8000, s12;
	s4 =	sadd.s32 s5, s4;
	s5 =	sshrl.u32 s5, $0x3  }
0xa: {  	s18 =	ssub.s32 s8, s9;
	s8 =	sadd.s32 s12, s2;
	s9 =	sadd.s32 s13, s2  }
0xb: {  	s10 =	sadd.s32 s15, s2;
	s11 =	sadd.s32 s16, s2;
	s14 =	sadd.s32 s12, s0  }
0xc: {  	s19 =	sadd.s32 s0, s13;
	s12 =	sadd.s32 s17, s2;
	s15 =	sadd.s32 s0, s15  }
0xd: {  	s16 =	sadd.s32 s0, s16;
	s0 =	sadd.s32 s0, s17;
	s6 =	sshrl.u32 s4, $0x3  }
0xe: {  	s4 =	sadd.s32 $0x7A800, s1;
	s7 =	sadd.s32 s5, s1;
	s14 =	sshrl.u32 s14, $0x3  }
0xf: {  	s26 =	sshrl.u32 s19, $0x3;
	s15 =	sshrl.u32 s15, $0x3;
	s16 =	sshrl.u32 s16, $0x3  }
0x10: {  	s0 =	sshrl.u32 s0, $0x3;
	s18 =	smax.u32 s18, $0x1;
	s19 =	simm.s32 $0x6  }
0x11: {  	s6 =	sadd.s32 s6, s1;
	s1 =	sadd.s32 $0xA1A00, s1;
	s24 =	sadd.s32 $0x2400, s7  }
0x12: {  	s23 =	sadd.s32 $0x16800, s6;
	[dreg:$0x5] =	wrdreg s24;
	s25 =	sadd.s32 s1, s14  }
.Ltmp0:
0x13: {  	s28 =	sadd.s32 s1, s26;
	[dreg:$0x4] =	wrdreg s23;
	(pc) =	sbr.rel .LBB2_1-.Ltmp0, $4  }
0x14: {  	s29 =	sadd.s32 s1, s15;
	s30 =	sadd.s32 s1, s16;
	[dreg:$0x6] =	wrdreg s25  }
0x15: {  	s17 =	sadd.s32 s1, s0;
	s26 =	simm.s32 $0xE000;
	[dreg:$0x7] =	wrdreg s28  }
0x16: {  	s1 =	simm.s32 $0x1;
	s0 =	simm.s32 $0x3;
	[dreg:$0x8] =	wrdreg s29  }
0x17: {  	s24 =	simm.s32 $0x0;
	[dreg:$0x9] =	wrdreg s30;
	s23 =	simm.s32 $0xA000  }
.LBB2_4:
0x18: {  	[bflag:$0x0] =	sbarrier.arrive $0xFFFF  }
0x19: {  	[tilespmem:s21], [sflag:$0x6] =	stream.linear.gather [spmem:s8], $0x2000, $0x38;
	v63 =	vld [tilespmem:$0x0]  }
0x1a: {  	_ =	swait.ge [sflag:s19], $0x2000  }
0x1b: {  	[sflag:s19] =	ssyncset.done $0x0  }
0x1c: {  	s5 =	rddreg [dreg:$0x6];
	[sflag:s19] =	ssyncadd.s32 $0xFFFFE000  }
0x1d: {  	[hbm4b:s5+s3] =	stream.linear.scatter [tilespmem:s21], [sflag:$0x6], $0x2000, $0x38;
	v63 =	vld [tilespmem:$0x0]  }
0x1e: {  	_ =	swait.ge [sflag:s19], $0x2000  }
0x1f: {  	[sflag:s19] =	ssyncset.done $0x0  }
0x20: {  	[sflag:s19] =	ssyncadd.s32 $0xFFFFE000  }
0x21: {  	[tilespmem:s21], [sflag:$0x6] =	stream.linear.gather [spmem:s9], $0x2000, $0x38;
	v63 =	vld [tilespmem:$0x0]  }
0x22: {  	_ =	swait.ge [sflag:s19], $0x2000  }
0x23: {  	[sflag:s19] =	ssyncset.done $0x0  }
0x24: {  	s28 =	rddreg [dreg:$0x7];
	[sflag:s19] =	ssyncadd.s32 $0xFFFFE000  }
0x25: {  	[hbm4b:s28+s3] =	stream.linear.scatter [tilespmem:s21], [sflag:$0x6], $0x2000, $0x38;
	v63 =	vld [tilespmem:$0x0]  }
0x26: {  	_ =	swait.ge [sflag:s19], $0x2000  }
0x27: {  	[sflag:s19] =	ssyncset.done $0x0  }
0x28: {  	[sflag:s19] =	ssyncadd.s32 $0xFFFFE000  }
0x29: {  	[tilespmem:s21], [sflag:$0x6] =	stream.linear.gather [spmem:s10], $0x2000, $0x38;
	v63 =	vld [tilespmem:$0x0]  }
0x2a: {  	_ =	swait.ge [sflag:s19], $0x2000  }
0x2b: {  	[sflag:s19] =	ssyncset.done $0x0  }
0x2c: {  	s29 =	rddreg [dreg:$0x8];
	[sflag:s19] =	ssyncadd.s32 $0xFFFFE000  }
0x2d: {  	[hbm4b:s29+s3] =	stream.linear.scatter [tilespmem:s21], [sflag:$0x6], $0x2000, $0x38;
	v63 =	vld [tilespmem:$0x0]  }
0x2e: {  	_ =	swait.ge [sflag:s19], $0x2000  }
0x2f: {  	[sflag:s19] =	ssyncset.done $0x0  }
0x30: {  	[sflag:s19] =	ssyncadd.s32 $0xFFFFE000  }
0x31: {  	[tilespmem:s21], [sflag:$0x6] =	stream.linear.gather [spmem:s11], $0x2000, $0x38;
	v63 =	vld [tilespmem:$0x0]  }
0x32: {  	_ =	swait.ge [sflag:s19], $0x2000  }
0x33: {  	[sflag:s19] =	ssyncset.done $0x0  }
0x34: {  	s30 =	rddreg [dreg:$0x9];
	[sflag:s19] =	ssyncadd.s32 $0xFFFFE000  }
0x35: {  	[hbm4b:s30+s3] =	stream.linear.scatter [tilespmem:s21], [sflag:$0x6], $0x2000, $0x38;
	v63 =	vld [tilespmem:$0x0]  }
0x36: {  	_ =	swait.ge [sflag:s19], $0x2000  }
0x37: {  	[sflag:s19] =	ssyncset.done $0x0  }
0x38: {  	[sflag:s19] =	ssyncadd.s32 $0xFFFFE000  }
0x39: {  	[tilespmem:s21], [sflag:$0x6] =	stream.linear.gather [spmem:s12], $0x2000, $0x38;
	v63 =	vld [tilespmem:$0x0]  }
0x3a: {  	s24 =	sadd.s32 $0x1, s24;
	_ =	swait.ge [sflag:s19], $0x2000  }
0x3b: {  	p0 =	sne.s32 s24, s18;
	[sflag:s19] =	ssyncset.done $0x0  }
.Ltmp1:
0x3c: {  	[sflag:s19] =	ssyncadd.s32 $0xFFFFE000;
	(pc) =	sbr.rel @!p0 .LBB2_5-.Ltmp1, $4  }
0x3d: {  	[hbm4b:s17+s3] =	stream.linear.scatter [tilespmem:s21], [sflag:$0x6], $0x2000, $0x38;
	v63 =	vld [tilespmem:$0x0]  }
0x3e: {  	_ =	swait.ge [sflag:s19], $0x2000  }
0x3f: {  	[sflag:s19] =	ssyncset.done $0x0  }
0x40: {  	[sflag:s19] =	ssyncadd.s32 $0xFFFFE000  }
.LBB2_1:
0x41: {  	s5 =	rddreg [dreg:$0x4]  }
0x42: {  	[tilespmem:s3], [sflag:$0x6] =	stream.linear.gather [hbm4b:s5+s3], $0x5000, $0x38;
	v63 =	vld [tilespmem:$0x0]  }
0x43: {  	_ =	swait.ge [sflag:s19], $0x5000  }
0x44: {  	[sflag:s19] =	ssyncset.done $0x0  }
0x45: {  	s6 =	simm.s32 $0x5000;
	s13 =	rddreg [dreg:$0x5];
	[sflag:s19] =	ssyncadd.s32 $0xFFFFB000  }
0x46: {  	[tilespmem:s6], [sflag:$0x6] =	stream.linear.gather [hbm4b:s13+s3], $0x5000, $0x38;
	v63 =	vld [tilespmem:$0x0]  }
0x47: {  	_ =	swait.ge [sflag:s19], $0x5000  }
0x48: {  	[sflag:s19] =	ssyncset.done $0x0  }
0x49: {  	s14 =	rddreg [dreg:$0x3];
	[sflag:s19] =	ssyncadd.s32 $0xFFFFB000  }
0x4a: {  	[tilespmem:s21], [sflag:$0x6] =	stream.linear.gather [hbm4b:s14+s3], $0x2000, $0x38;
	v63 =	vld [tilespmem:$0x0]  }
0x4b: {  	_ =	swait.ge [sflag:s19], $0x2000  }
0x4c: {  	[sflag:s19] =	ssyncset.done $0x0  }
0x4d: {  	[sflag:s19] =	ssyncadd.s32 $0xFFFFE000  }
0x4e: {  	[spmem:s8] =	stream.linear.scatter [tilespmem:s21], [sflag:$0x6], $0x2000, $0x38;
	v63 =	vld [tilespmem:$0x0]  }
0x4f: {  	_ =	swait.ge [sflag:s19], $0x2000  }
0x50: {  	[sflag:s19] =	ssyncset.done $0x0  }
0x51: {  	[sflag:s19] =	ssyncadd.s32 $0xFFFFE000  }
0x52: {  	[spmem:s9] =	stream.linear.scatter [tilespmem:s21], [sflag:$0x6], $0x2000, $0x38;
	v63 =	vld [tilespmem:$0x0]  }
0x53: {  	_ =	swait.ge [sflag:s19], $0x2000  }
0x54: {  	[sflag:s19] =	ssyncset.done $0x0  }
0x55: {  	[sflag:s19] =	ssyncadd.s32 $0xFFFFE000  }
0x56: {  	[spmem:s10] =	stream.linear.scatter [tilespmem:s21], [sflag:$0x6], $0x2000, $0x38;
	v63 =	vld [tilespmem:$0x0]  }
0x57: {  	_ =	swait.ge [sflag:s19], $0x2000  }
0x58: {  	[sflag:s19] =	ssyncset.done $0x0  }
0x59: {  	[sflag:s19] =	ssyncadd.s32 $0xFFFFE000  }
0x5a: {  	[spmem:s11] =	stream.linear.scatter [tilespmem:s21], [sflag:$0x6], $0x2000, $0x38;
	v63 =	vld [tilespmem:$0x0]  }
0x5b: {  	_ =	swait.ge [sflag:s19], $0x2000  }
0x5c: {  	[sflag:s19] =	ssyncset.done $0x0  }
0x5d: {  	[sflag:s19] =	ssyncadd.s32 $0xFFFFE000  }
0x5e: {  	[spmem:s12] =	stream.linear.scatter [tilespmem:s21], [sflag:$0x6], $0x2000, $0x38;
	v63 =	vld [tilespmem:$0x0]  }
0x5f: {  	_ =	swait.ge [sflag:s19], $0x2000  }
0x60: {  	[sflag:s19] =	ssyncset.done $0x0  }
0x61: {  	[sflag:s19] =	ssyncadd.s32 $0xFFFFE000  }
0x62: {  	[bflag:$0x0] =	sbarrier.arrive $0xFFFF  }
0x63: {  	[tilespmem:s23], [sflag:$0x1] =	stream.indirect.gather [hbm4b:s4+s22], $0x40, s3, s22, $0xb8;
	v63 =	vld [tilespmem:$0x0]  }
0x64: {  	s15 =	simm.s32 $0xC000  }
0x65: {  	[tilespmem:s15], [sflag:$0x2] =	stream.indirect.gather [hbm4b:s4+s22], $0x40, s22, s22, $0xb8;
	v63 =	vld [tilespmem:$0x0]  }
0x66: {  	s16 =	simm.s32 $0x100  }
0x67: {  	[tilespmem:s26], [sflag:$0x3] =	stream.indirect.gather [hbm4b:s4+s22], $0x40, s16, s22, $0xb8;
	v63 =	vld [tilespmem:$0x0]  }
0x68: {  	s25 =	simm.s32 $0x180;
	s29 =	simm.s32 $0x10000  }
0x69: {  	[tilespmem:s29], [sflag:$0x4] =	stream.indirect.gather [hbm4b:s4+s22], $0x40, s25, s22, $0xb8;
	v63 =	vld [tilespmem:$0x0]  }
0x6a: {  	s30 =	simm.s32 $0x200;
	s28 =	simm.s32 $0x0;
	s25 =	simm.s32 $0x0  }
0x6b: {  	[tilespmem:s31], [sflag:$0x5] =	stream.indirect.gather [hbm4b:s4+s22], $0x40, s30, s22, $0xb8;
	v63 =	vld [tilespmem:$0x0]  }
.LBB2_2:
0x6c: {  	_ =	swait.ge [sflag:s1], $0x2000  }
0x6d: {  	s29 =	sshra.s32 s28, $0x2;
	[sflag:s1] =	ssyncset.done $0x0  }
0x6e: {  	s30 =	sadd.s32 $0x5000, s29;
	[sflag:s1] =	ssyncadd.s32 $0xFFFFE000  }
0x6f: {  	[spmem:s2] =	stream.indirect.scatter.add.f32 [tilespmem:s23], [sflag:$0x6], $0x40, s30, s22, $0xb8;
	v63 =	vld [tilespmem:$0x0]  }
0x70: {  	_ =	swait.ge [sflag:s19], $0x2000  }
0x71: {  	p0 =	seq.s32 s28, $0x13600;
	[sflag:s19] =	ssyncset.done $0x0  }
0x72: {  	s30 =	simm.s32 @p0 $0x2;
	[sflag:s19] =	ssyncadd.s32 $0xFFFFE000  }
0x73: {  	_ =	swait.ge @p0 [sflag:s30], $0x2000  }
0x74: {  	[sflag:s30] =	ssyncset.done @p0 $0x0  }
0x75: {  	[sflag:s30] =	ssyncadd.s32 @p0 $0xFFFFE000;
	s30 =	sshra.s32 @p0 s28, $0x2  }
0x76: {  	s6 =	simm.s32 @p0 $0x80;
	s7 =	simm.s32 @p0 $0xC000;
	s5 =	sadd.s32 @p0 $0x5080, s30  }
0x77: {  	[spmem:s2] =	stream.indirect.scatter.add.f32 @p0 [tilespmem:s7], [sflag:$0x6], $0x40, s5, s6, $0xb8;
	v63 =	vld [tilespmem:$0x0]  }
0x78: {  	s5 =	simm.s32 @p0 $0x6  }
0x79: {  	_ =	swait.ge @p0 [sflag:s5], $0x2000  }
0x7a: {  	s14 =	simm.s32 @!p0 $0x80;
	s7 =	sshra.s32 @!p0 s28, $0x2;
	[sflag:s5] =	ssyncset.done @p0 $0x0  }
0x7b: {  	s15 =	simm.s32 @!p0 $0xA000;
	s13 =	sadd.s32 @!p0 $0x280, s7;
	[sflag:s5] =	ssyncadd.s32 @p0 $0xFFFFE000  }
0x7c: {  	[tilespmem:s15], [sflag:$0x1] =	stream.indirect.gather @!p0 [hbm4b:s4+s14], $0x40, s13, s14, $0xb8;
	v63 =	vld [tilespmem:$0x0]  }
0x7d: {  	s13 =	simm.s32 @!p0 $0x2  }
0x7e: {  	_ =	swait.ge @!p0 [sflag:s13], $0x2000  }
0x7f: {  	[sflag:s13] =	ssyncset.done @!p0 $0x0  }
0x80: {  	s15 =	simm.s32 @!p0 $0xC000;
	[sflag:s13] =	ssyncadd.s32 @!p0 $0xFFFFE000;
	s13 =	sadd.s32 @!p0 $0x5080, s7  }
0x81: {  	[spmem:s2] =	stream.indirect.scatter.add.f32 @!p0 [tilespmem:s15], [sflag:$0x6], $0x40, s13, s14, $0xb8;
	v63 =	vld [tilespmem:$0x0]  }
0x82: {  	s13 =	simm.s32 @!p0 $0x6  }
0x83: {  	s16 =	smin.u32 @!p0 s25, $0x99;
	_ =	swait.ge @!p0 [sflag:s13], $0x2000  }
0x84: {  	s16 =	sshll.u32 @!p0 s16, $0x7;
	[sflag:s13] =	ssyncset.done @!p0 $0x0  }
0x85: {  	s16 =	sadd.s32 @!p0 $0x300, s16;
	[sflag:s13] =	ssyncadd.s32 @!p0 $0xFFFFE000  }
0x86: {  	[tilespmem:s15], [sflag:$0x2] =	stream.indirect.gather @!p0 [hbm4b:s4+s14], $0x40, s16, s14, $0xb8;
	v63 =	vld [tilespmem:$0x0]  }
0x87: {  	_ =	swait.ge [sflag:s0], $0x2000  }
0x88: {  	[sflag:s0] =	ssyncset.done $0x0  }
0x89: {  	s16 =	sadd.s32 $0x5100, s29;
	[sflag:s0] =	ssyncadd.s32 $0xFFFFE000  }
0x8a: {  	[spmem:s2] =	stream.indirect.scatter.add.f32 [tilespmem:s26], [sflag:$0x6], $0x40, s16, s22, $0xb8;
	v63 =	vld [tilespmem:$0x0]  }
0x8b: {  	_ =	swait.ge [sflag:s19], $0x2000  }
0x8c: {  	[sflag:s19] =	ssyncset.done $0x0  }
0x8d: {  	s15 =	simm.s32 @p0 $0x4;
	[sflag:s19] =	ssyncadd.s32 $0xFFFFE000  }
0x8e: {  	_ =	swait.ge @p0 [sflag:s15], $0x2000  }
0x8f: {  	[sflag:s15] =	ssyncset.done @p0 $0x0  }
0x90: {  	s16 =	simm.s32 @p0 $0x10000;
	[sflag:s15] =	ssyncadd.s32 @p0 $0xFFFFE000;
	s15 =	sadd.s32 @p0 $0x5180, s30  }
0x91: {  	[spmem:s2] =	stream.indirect.scatter.add.f32 @p0 [tilespmem:s16], [sflag:$0x6], $0x40, s15, s6, $0xb8;
	v63 =	vld [tilespmem:$0x0]  }
0x92: {  	s6 =	smin.u32 @!p0 s25, $0x98;
	_ =	swait.ge @p0 [sflag:s5], $0x2000  }
0x93: {  	s6 =	sshll.u32 @!p0 s6, $0x7;
	[sflag:s5] =	ssyncset.done @p0 $0x0  }
0x94: {  	[sflag:s5] =	ssyncadd.s32 @p0 $0xFFFFE000;
	s5 =	sadd.s32 @!p0 $0x380, s6;
	s6 =	simm.s32 @!p0 $0xE000  }
0x95: {  	[tilespmem:s6], [sflag:$0x3] =	stream.indirect.gather @!p0 [hbm4b:s4+s14], $0x40, s5, s14, $0xb8;
	v63 =	vld [tilespmem:$0x0]  }
0x96: {  	s5 =	simm.s32 @!p0 $0x4  }
0x97: {  	_ =	swait.ge @!p0 [sflag:s5], $0x2000  }
0x98: {  	[sflag:s5] =	ssyncset.done @!p0 $0x0  }
0x99: {  	s6 =	simm.s32 @!p0 $0x10000;
	[sflag:s5] =	ssyncadd.s32 @!p0 $0xFFFFE000;
	s5 =	sadd.s32 @!p0 $0x5180, s7  }
0x9a: {  	[spmem:s2] =	stream.indirect.scatter.add.f32 @!p0 [tilespmem:s6], [sflag:$0x6], $0x40, s5, s14, $0xb8;
	v63 =	vld [tilespmem:$0x0]  }
0x9b: {  	s5 =	smin.u32 @!p0 s25, $0x97;
	_ =	swait.ge @!p0 [sflag:s13], $0x2000  }
0x9c: {  	s5 =	sshll.u32 @!p0 s5, $0x7;
	[sflag:s13] =	ssyncset.done @!p0 $0x0  }
0x9d: {  	s5 =	sadd.s32 @!p0 $0x400, s5;
	[sflag:s13] =	ssyncadd.s32 @!p0 $0xFFFFE000  }
0x9e: {  	[tilespmem:s6], [sflag:$0x4] =	stream.indirect.gather @!p0 [hbm4b:s4+s14], $0x40, s5, s14, $0xb8;
	v63 =	vld [tilespmem:$0x0]  }
0x9f: {  	_ =	swait.ge [sflag:s20], $0x2000  }
0xa0: {  	[sflag:s20] =	ssyncset.done $0x0  }
.Ltmp2:
0xa1: {  	s30 =	sadd.s32 $0x5200, s29;
	[sflag:s20] =	ssyncadd.s32 $0xFFFFE000;
	(pc) =	sbr.rel @p0 .LBB2_4-.Ltmp2, $4  }
0xa2: {  	[spmem:s2] =	stream.indirect.scatter.add.f32 [tilespmem:s31], [sflag:$0x6], $0x40, s30, s22, $0xb8;
	v63 =	vld [tilespmem:$0x0]  }
0xa3: {  	_ =	swait.ge [sflag:s19], $0x2000  }
0xa4: {  	[sflag:s19] =	ssyncset.done $0x0  }
0xa5: {  	[sflag:s19] =	ssyncadd.s32 $0xFFFFE000  }
.Ltmp3:
0xa6: {  	(pc) =	sbr.rel .LBB2_2-.Ltmp3, $4  }
0xa7: {  	s5 =	smin.u32 s25, $0x96  }
0xa8: {  	s5 =	sshll.u32 s5, $0x7  }
0xa9: {  	s28 =	sadd.s32 $0xA00, s28;
	s25 =	sadd.s32 $0x5, s25;
	s5 =	sadd.s32 $0x480, s5  }
0xaa: {  	[tilespmem:s31], [sflag:$0x5] =	stream.indirect.gather [hbm4b:s4+s22], $0x40, s5, s22, $0xb8;
	v63 =	vld [tilespmem:$0x0]  }
.LBB2_5:
0xab: {  	_ =	sfence.sel $0x180000  }
0xac: {  	[bflag:$0x0] =	sbarrier.arrive $0xFFFF  }
0xad: {  	_ =	strace $0x90000050  }
0xae: {  	s0 =	stileid.u32;
	[bflag:$0x2] =	sbarrier.arrive $0xFFFF  }
0xaf: {  	p0 =	sne.s32 s0, $0x0;
	s0 =	rddreg [dreg:$0x2]  }
0xb0: {  	s0 =	sadd.s32 @!p0 $0x100000, s0  }
0xb1: {  	[sflag:s0] =	ssyncadd.tile.s32 @!p0 $0x1;
	_ =	shalt  }
.Lfunc_end2:
_tile_overlayer_lowered:
.L_overlay_start_2:
0xb2: {  	(tag) =	ssettag $0x2  }
0xb3: {  	s0 =	rddreg [dreg:$0x0];
	s2 =	stileid.u32  }
0xb4: {  	s1 =	rddreg [dreg:$0x1];
	p0 =	sne.s32 s2, $0x0  }
0xb5: {  	s3 =	rddreg [dreg:$0x2];
	[bflag:$0x3] =	sbarrier.arrive $0xFFFF;
	s2 =	simm.s32 @!p0 $0x1C06  }
0xb6: {  	[timem:s3], [sflag:s2] =	dma.local @!p0 [hbm:s0], s1  }
0xb7: {  	s0 =	simm.s32 @!p0 $0x6  }
0xb8: {  	_ =	swait.ge @!p0 [sflag:s0], s1  }
0xb9: {  	s1 =	ssub.s32 @!p0 $0x0, s1;
	[sflag:s0] =	ssyncset.done @!p0 $0x0  }
0xba: {  	[sflag:s0] =	ssyncadd.s32 @!p0 s1  }
0xbb: {  	[bflag:$0x3] =	sbarrier.arrive $0xFFFF  }
0xbc: {  	_ =	shalt  }

</sc_bundles>
